<compile_context>
chip_gen: v7x
topology: tpu7x:2x2x1
jax: 0.10.2.dev20260603
libtpu: 0.0.44.dev20260713+nightly
codegen_flags: <defaults>
</compile_context>

<pallas_src>
import functools

import jax
import jax.numpy as jnp
from jax import lax
from jax.experimental import pallas as pl
from jax.experimental.pallas import tpu as pltpu
from jax.experimental.pallas import tpu_sc as plsc

N = 10000
E = 320000
F_IN = 128
HID = 256
NCLS = 64

NC = 2
NS = 16
C = 100
KB = 5
EROWS = E // (KB * C)
OUTER = EROWS // NS
NP = 10240
RPT = NP // NS

BLK = 2000

_MESH = plsc.VectorSubcoreMesh(core_axis_name="c", subcore_axis_name="s")


def _make_sc_agg(width, with_cnt, edge_split=False):
    out_type = [jax.ShapeDtypeStruct((NC, NP, width), jnp.float32)]
    scratch = [
        pltpu.VMEM((2, KB, C), jnp.int32),
        pltpu.VMEM((2, KB, C), jnp.int32),
        pltpu.VMEM((2, KB, C, width), jnp.float32),
        pltpu.VMEM_SHARED((NP, width), jnp.float32),
        pltpu.SemaphoreType.DMA,
        pltpu.SemaphoreType.DMA,
        pltpu.SemaphoreType.DMA,
        pltpu.SemaphoreType.DMA,
    ]
    if with_cnt:
        out_type.append(jax.ShapeDtypeStruct((NC, NP, 8), jnp.float32))
        scratch.append(pltpu.VMEM((KB, C, 8), jnp.float32))
        scratch.append(pltpu.VMEM_SHARED((NP, 8), jnp.float32))
        scratch.append(pltpu.SemaphoreType.DMA)

    def body(*refs):
        if with_cnt:
            (t0_hbm, t1_hbm, src_hbm, dst_hbm, za_hbm, dz_hbm, zc_hbm,
             ones_hbm, acc_out, cnt_out, sidx, didx, rows, acc_sh,
             gsem0, gsem1, asem0, asem1, ones_v, cnt_sh, csem) = refs
        elif edge_split:
            (t0_hbm, src_hbm, dst_hbm, za_hbm, dz_hbm,
             acc_out, sidx, didx, rows, acc_sh,
             gsem0, gsem1, asem0, asem1) = refs
        else:
            (t0_hbm, t1_hbm, src_hbm, dst_hbm, za_hbm, dz_hbm,
             acc_out, sidx, didx, rows, acc_sh,
             gsem0, gsem1, asem0, asem1) = refs
        gsem = (gsem0, gsem1)
        asem = (asem0, asem1)
        ci = lax.axis_index("c")
        si = lax.axis_index("s")
        r0 = si * RPT
        if edge_split:
            n_steps = EROWS // (NC * NS)
            base = (ci * NS + si) * n_steps
        else:
            n_steps = OUTER
            base = si * OUTER
        pltpu.sync_copy(za_hbm.at[pl.ds(r0, RPT)], acc_sh.at[pl.ds(r0, RPT)])
        if with_cnt:
            pltpu.sync_copy(zc_hbm.at[pl.ds(r0, RPT)], cnt_sh.at[pl.ds(r0, RPT)])
            pltpu.sync_copy(ones_hbm, ones_v)
        plsc.subcore_barrier()

        def drain(sem, dst_ref, src_ref):
            pltpu.make_async_copy(src_ref, dst_ref, sem).wait()

        def run(tab_hbm):
            def fire_gathers(g, s):
                for j in range(KB):
                    pltpu.async_copy(tab_hbm.at[sidx.at[s, j]],
                                     rows.at[s, j], gsem[s])

            def fire_adds(s):
                for j in range(KB):
                    pltpu.async_copy(rows.at[s, j], acc_sh.at[didx.at[s, j]],
                                     asem[s], add=True)
                if with_cnt:
                    for j in range(KB):
                        pltpu.async_copy(ones_v.at[j],
                                         cnt_sh.at[didx.at[s, j]], csem,
                                         add=True)

            def sub(g, cur, drain_guard, next_guard):
                nxt = 1 - cur

                def start_next():
                    pltpu.sync_copy(src_hbm.at[base + g + 1], sidx.at[nxt])
                    pltpu.sync_copy(dst_hbm.at[base + g + 1], didx.at[nxt])
                    fire_gathers(g + 1, nxt)

                def drain_prev():
                    drain(asem[nxt], rows.at[nxt], dz_hbm)

                if drain_guard is None:
                    drain_prev()
                else:
                    pl.when(drain_guard)(drain_prev)
                if next_guard is None:
                    start_next()
                else:
                    pl.when(next_guard)(start_next)
                drain(gsem[cur], rows.at[cur], dz_hbm)
                fire_adds(cur)

            pltpu.sync_copy(src_hbm.at[base], sidx.at[0])
            pltpu.sync_copy(dst_hbm.at[base], didx.at[0])
            fire_gathers(0, 0)

            def fbody(b, carry):
                sub(2 * b, 0, drain_guard=b > 0, next_guard=None)
                sub(2 * b + 1, 1, drain_guard=None,
                    next_guard=b < n_steps // 2 - 1)
                return carry

            lax.fori_loop(0, n_steps // 2, fbody, 0)
            drain(asem[1], rows.at[1], dz_hbm)

        if edge_split:
            run(t0_hbm)
        else:
            @pl.when(ci == 0)
            def _():
                run(t0_hbm)

            @pl.when(ci == 1)
            def _():
                run(t1_hbm)

        if with_cnt:
            def cdrain(o, carry):
                drain(csem, ones_v, ones_hbm)
                return carry
            lax.fori_loop(0, n_steps, cdrain, 0)

        plsc.subcore_barrier()
        pltpu.sync_copy(acc_sh.at[pl.ds(r0, RPT)],
                        acc_out.at[ci, pl.ds(r0, RPT)])
        if with_cnt:
            pltpu.sync_copy(cnt_sh.at[pl.ds(r0, RPT)],
                            cnt_out.at[ci, pl.ds(r0, RPT)])

    return functools.partial(
        pl.kernel, out_type=out_type, mesh=_MESH, scratch_types=scratch,
        compiler_params=pltpu.CompilerParams(use_tc_tiling_on_sc=False))(body)


_sc_agg1 = _make_sc_agg(F_IN // 2, True)
_sc_agg2 = _make_sc_agg(NCLS, False, edge_split=True)


def _dense1_body(a0_ref, a1_ref, c0_ref, c1_ref, x_ref, w1l_ref, w1r_ref,
                 b1_ref, w2_ref, b2_ref, p_ref, q_ref, inv_ref):
    cnt = (c0_ref[0, :, 0:1] + c1_ref[0, :, 0:1]) * 0.5
    inv = 1.0 / jnp.maximum(cnt, 1.0)
    agg = jnp.concatenate([a0_ref[0], a1_ref[0]], axis=1)
    mean = agg * inv
    h = jnp.maximum(
        jnp.dot(mean, w1l_ref[...], preferred_element_type=jnp.float32)
        + jnp.dot(x_ref[...], w1r_ref[...], preferred_element_type=jnp.float32)
        + b1_ref[...], 0.0)
    pq = jnp.dot(h, w2_ref[...], preferred_element_type=jnp.float32)
    p_ref[...] = pq[:, :NCLS]
    q_ref[...] = pq[:, NCLS:] + b2_ref[...]
    inv_ref[...] = jnp.broadcast_to(inv, (BLK, 8))


def _dense1(acc_parts, cnt_parts, x, W1_l, W1_r, b1, W2cat, b2):
    grid = (N // BLK,)
    return pl.pallas_call(
        _dense1_body,
        grid=grid,
        in_specs=[
            pl.BlockSpec((1, BLK, F_IN // 2), lambda i: (0, i, 0)),
            pl.BlockSpec((1, BLK, F_IN // 2), lambda i: (1, i, 0)),
            pl.BlockSpec((1, BLK, 8), lambda i: (0, i, 0)),
            pl.BlockSpec((1, BLK, 8), lambda i: (1, i, 0)),
            pl.BlockSpec((BLK, F_IN), lambda i: (i, 0)),
            pl.BlockSpec((F_IN, HID), lambda i: (0, 0)),
            pl.BlockSpec((F_IN, HID), lambda i: (0, 0)),
            pl.BlockSpec((1, HID), lambda i: (0, 0)),
            pl.BlockSpec((HID, 2 * NCLS), lambda i: (0, 0)),
            pl.BlockSpec((1, NCLS), lambda i: (0, 0)),
        ],
        out_specs=[
            pl.BlockSpec((BLK, NCLS), lambda i: (i, 0)),
            pl.BlockSpec((BLK, NCLS), lambda i: (i, 0)),
            pl.BlockSpec((BLK, 8), lambda i: (i, 0)),
        ],
        out_shape=[
            jax.ShapeDtypeStruct((N, NCLS), jnp.float32),
            jax.ShapeDtypeStruct((N, NCLS), jnp.float32),
            jax.ShapeDtypeStruct((N, 8), jnp.float32),
        ],
    )(acc_parts, acc_parts, cnt_parts, cnt_parts, x, W1_l, W1_r, b1, W2cat, b2)


def _dense2_body(a0_ref, a1_ref, inv_ref, q_ref, out_ref):
    agg = a0_ref[0] + a1_ref[0]
    z = agg * inv_ref[:, 0:1] + q_ref[...]
    m = jnp.max(z, axis=1, keepdims=True)
    s = jnp.sum(jnp.exp(z - m), axis=1, keepdims=True)
    out_ref[...] = z - m - jnp.log(s)


def _dense2(agg2_parts, inv, q):
    grid = (N // BLK,)
    return pl.pallas_call(
        _dense2_body,
        grid=grid,
        in_specs=[
            pl.BlockSpec((1, BLK, NCLS), lambda i: (0, i, 0)),
            pl.BlockSpec((1, BLK, NCLS), lambda i: (1, i, 0)),
            pl.BlockSpec((BLK, 8), lambda i: (i, 0)),
            pl.BlockSpec((BLK, NCLS), lambda i: (i, 0)),
        ],
        out_specs=pl.BlockSpec((BLK, NCLS), lambda i: (i, 0)),
        out_shape=jax.ShapeDtypeStruct((N, NCLS), jnp.float32),
    )(agg2_parts, agg2_parts, inv, q)


def kernel(x, edge_index, W1_l, W1_r, b1, W2_l, W2_r, b2):
    src = edge_index[0].reshape(EROWS, KB, C)
    dst = edge_index[1].reshape(EROWS, KB, C)

    x0 = x[:, :F_IN // 2]
    x1 = x[:, F_IN // 2:]

    za = jnp.zeros((NP, F_IN // 2), jnp.float32)
    dza = jnp.zeros((KB, C, F_IN // 2), jnp.float32)
    zc = jnp.zeros((NP, 8), jnp.float32)
    zp = jnp.zeros((NP, NCLS), jnp.float32)
    dzp = jnp.zeros((KB, C, NCLS), jnp.float32)
    ones = jnp.ones((KB, C, 8), jnp.float32)

    acc_parts, cnt_parts = jax.tree.leaves(
        _sc_agg1(x0, x1, src, dst, za, dza, zc, ones))

    W2cat = jnp.concatenate([W2_l, W2_r], axis=1)
    p, q, inv = _dense1(acc_parts, cnt_parts, x, W1_l, W1_r, b1[None, :],
                        W2cat, b2[None, :])

    agg2_parts, = jax.tree.leaves(_sc_agg2(p, src, dst, zp, dzp))

    return _dense2(agg2_parts, inv, q)

# --- scband reference (transcript-rebuilt; emitter-appended) ---
"""Pipeline reference for scband-sage-net-71940702208088 (READ-ONLY COPY).

The authoritative reference and input builder live on the scoring server;
editing this copy changes nothing except your own understanding.
"""

import jax, jax.numpy as jnp
import numpy as np

N = 10000
E = 320000
F_IN = 128
HID = 256
NCLS = 64


def setup_inputs(seed: int = 0) -> dict:
    key = jax.random.key(seed)
    ks = jax.random.split(key, 9)
    x = jax.random.normal(ks[0], (N, F_IN), dtype=jnp.float32)
    edge_index = jax.random.randint(ks[1], (2, E), 0, N, dtype=jnp.int32)
    # SAGEConv params: lin_l applied to aggregated neighbors, lin_r to root, plus bias
    W1_l = jax.random.normal(ks[2], (F_IN, HID), dtype=jnp.float32) * (1.0 / np.sqrt(F_IN))
    W1_r = jax.random.normal(ks[3], (F_IN, HID), dtype=jnp.float32) * (1.0 / np.sqrt(F_IN))
    b1 = jnp.zeros((HID,), dtype=jnp.float32)
    W2_l = jax.random.normal(ks[4], (HID, NCLS), dtype=jnp.float32) * (1.0 / np.sqrt(HID))
    W2_r = jax.random.normal(ks[5], (HID, NCLS), dtype=jnp.float32) * (1.0 / np.sqrt(HID))
    b2 = jnp.zeros((NCLS,), dtype=jnp.float32)
    return {"x": x, "edge_index": edge_index, "W1_l": W1_l, "W1_r": W1_r, "b1": b1,
            "W2_l": W2_l, "W2_r": W2_r, "b2": b2}


def _sage_conv(h, edge_index, Wl, Wr, b):
    src = edge_index[0]
    dst = edge_index[1]
    msg = h[src]  # gather source node features [E, d]
    agg = jax.ops.segment_sum(msg, dst, num_segments=N)  # scatter-add to dst
    cnt = jax.ops.segment_sum(jnp.ones((msg.shape[0], 1), h.dtype), dst, num_segments=N)
    mean = agg / jnp.maximum(cnt, 1.0)  # mean aggregation (SAGEConv default)
    return mean @ Wl + h @ Wr + b


def reference(x, edge_index, W1_l, W1_r, b1, W2_l, W2_r, b2):
    h = jax.nn.relu(_sage_conv(x, edge_index, W1_l, W1_r, b1))
    # F.dropout with training=False (eval mode) is identity
    out = _sage_conv(h, edge_index, W2_l, W2_r, b2)
    return jax.nn.log_softmax(out, axis=1)

if __name__ == "__main__":
    import jax
    _d = setup_inputs()
    print(jax.jit(kernel)(*tuple(_d.values())))

</pallas_src>

<mosaic_0001>
#map = affine_map<(d0, d1) -> (0, 0)>
#map1 = affine_map<(d0, d1) -> (0, 0, 0)>
module attributes {stable_mosaic.version = 14 : i64} {
  func.func @body(%arg0: i32, %arg1: i32, %arg2: memref<10000x64xf32, #tpu.memory_space<hbm>>, %arg3: memref<640x5x100xi32, #tpu.memory_space<hbm>>, %arg4: memref<640x5x100xi32, #tpu.memory_space<hbm>>, %arg5: memref<10240x64xf32, #tpu.memory_space<hbm>>, %arg6: memref<5x100x64xf32, #tpu.memory_space<hbm>>, %arg7: memref<2x10240x64xf32, #tpu.memory_space<hbm>>, %arg8: memref<2x5x100xi32, #tpu.memory_space<vmem>>, %arg9: memref<2x5x100xi32, #tpu.memory_space<vmem>>, %arg10: memref<2x5x100x64xf32, #tpu.memory_space<vmem>>, %arg11: memref<10240x64xf32, #tpu.memory_space<vmem_shared>>, %arg12: memref<!tpu.dma_semaphore, #tpu.memory_space<semaphore_mem>>, %arg13: memref<!tpu.dma_semaphore, #tpu.memory_space<semaphore_mem>>, %arg14: memref<!tpu.dma_semaphore, #tpu.memory_space<semaphore_mem>>, %arg15: memref<!tpu.dma_semaphore, #tpu.memory_space<semaphore_mem>>) attributes {dimension_semantics = [#tpu.dimension_semantics<core_parallel>, #tpu.dimension_semantics<subcore_parallel>], iteration_bounds = array<i64: 2, 16>, scalar_prefetch = 0 : i64, scratch_operands = 8 : i64, tpu.core_type = #tpu.core_type<sc_vector_subcore>, window_params = [{transform_indices = #map}, {transform_indices = #map1}, {transform_indices = #map1}, {transform_indices = #map}, {transform_indices = #map1}, {transform_indices = #map1}]} {
    %mul3A = arith.constant 640 : i32
    %mul3A_0 = arith.muli %arg1, %mul3A : i32
    %mul3A_1 = arith.constant 16 : i32
    %mul3A_2 = arith.muli %arg0, %mul3A_1 : i32
    %add3A = arith.addi %mul3A_2, %arg1 : i32
    %mul3A_3 = arith.constant 20 : i32
    %mul3A_4 = arith.muli %add3A, %mul3A_3 : i32
    "tpu.region"() ({
      %run_scoped3A_91 = tpu.sem_alloc : memref<!tpu.dma_semaphore, #tpu.memory_space<semaphore_mem>>
      %dma_start3A_92 = arith.constant 0 : i32
      %dma_start3A_93 = tpu.memref_slice %arg11[%mul3A_0, %dma_start3A_92] : memref<10240x64xf32, #tpu.memory_space<vmem_shared>> -> memref<640x64xf32, #tpu.memory_space<vmem_shared>>
      %dma_start3A_94 = arith.constant 0 : i32
      %dma_start3A_95 = tpu.memref_slice %arg5[%mul3A_0, %dma_start3A_94] : memref<10240x64xf32, #tpu.memory_space<hbm>> -> memref<640x64xf32, #tpu.memory_space<hbm>>
      tpu.enqueue_dma source(%dma_start3A_95 : memref<640x64xf32, #tpu.memory_space<hbm>>) target(%dma_start3A_93 : memref<640x64xf32, #tpu.memory_space<vmem_shared>>) target_semaphore(%run_scoped3A_91 : memref<!tpu.dma_semaphore, #tpu.memory_space<semaphore_mem>>)
      %dma_wait3A_96 = arith.constant 0 : i32
      %dma_wait3A_97 = tpu.memref_slice %arg11[%mul3A_0, %dma_wait3A_96] : memref<10240x64xf32, #tpu.memory_space<vmem_shared>> -> memref<640x64xf32, #tpu.memory_space<vmem_shared>>
      %dma_wait3A_98 = arith.constant 0 : i32
      %dma_wait3A_99 = tpu.memref_slice %arg5[%mul3A_0, %dma_wait3A_98] : memref<10240x64xf32, #tpu.memory_space<hbm>> -> memref<640x64xf32, #tpu.memory_space<hbm>>
      tpu.wait_dma2 semaphore(%run_scoped3A_91 : memref<!tpu.dma_semaphore, #tpu.memory_space<semaphore_mem>>) src(%dma_wait3A_99 : memref<640x64xf32, #tpu.memory_space<hbm>>) dst(%dma_wait3A_97 : memref<640x64xf32, #tpu.memory_space<vmem_shared>>)
      tpu.yield
    }) : () -> ()
    %barrier3A = arith.constant 0 : index
    tpu.barrier barrier_id(%barrier3A)
    %run_scoped3A = arith.constant 0 : i32
    "tpu.region"() ({
      %run_scoped3A_91 = tpu.sem_alloc : memref<!tpu.dma_semaphore, #tpu.memory_space<semaphore_mem>>
      %dma_start3A_92 = arith.constant 0 : i32
      %dma_start3A_93 = arith.constant 0 : i32
      %dma_start3A_94 = tpu.memref_slice %arg8[%run_scoped3A, %dma_start3A_92, %dma_start3A_93] : memref<2x5x100xi32, #tpu.memory_space<vmem>> -> memref<1x5x100xi32, #tpu.memory_space<vmem>>
      %dma_start3A_95 = tpu.memref_squeeze %dma_start3A_94 : memref<1x5x100xi32, #tpu.memory_space<vmem>> -> memref<5x100xi32, #tpu.memory_space<vmem>>
      %dma_start3A_96 = arith.constant 0 : i32
      %dma_start3A_97 = arith.constant 0 : i32
      %dma_start3A_98 = tpu.memref_slice %arg3[%mul3A_4, %dma_start3A_96, %dma_start3A_97] : memref<640x5x100xi32, #tpu.memory_space<hbm>> -> memref<1x5x100xi32, #tpu.memory_space<hbm>>
      %dma_start3A_99 = tpu.memref_squeeze %dma_start3A_98 : memref<1x5x100xi32, #tpu.memory_space<hbm>> -> memref<5x100xi32, #tpu.memory_space<hbm>>
      %dma_start3A_100 = arith.constant 0 : i32
      %dma_start3A_101 = arith.constant 0 : i32
      %dma_start3A_102 = tpu.memref_slice %arg8[%run_scoped3A, %dma_start3A_100, %dma_start3A_101] : memref<2x5x100xi32, #tpu.memory_space<vmem>> -> memref<1x5x100xi32, #tpu.memory_space<vmem>>
      %dma_start3A_103 = tpu.memref_squeeze %dma_start3A_102 : memref<1x5x100xi32, #tpu.memory_space<vmem>> -> memref<5x100xi32, #tpu.memory_space<vmem>>
      %dma_start3A_104 = arith.constant 0 : i32
      %dma_start3A_105 = arith.constant 0 : i32
      %dma_start3A_106 = tpu.memref_slice %arg3[%mul3A_4, %dma_start3A_104, %dma_start3A_105] : memref<640x5x100xi32, #tpu.memory_space<hbm>> -> memref<1x5x100xi32, #tpu.memory_space<hbm>>
      %dma_start3A_107 = tpu.memref_squeeze %dma_start3A_106 : memref<1x5x100xi32, #tpu.memory_space<hbm>> -> memref<5x100xi32, #tpu.memory_space<hbm>>
      tpu.enqueue_dma source(%dma_start3A_107 : memref<5x100xi32, #tpu.memory_space<hbm>>) target(%dma_start3A_103 : memref<5x100xi32, #tpu.memory_space<vmem>>) target_semaphore(%run_scoped3A_91 : memref<!tpu.dma_semaphore, #tpu.memory_space<semaphore_mem>>)
      %dma_wait3A_108 = arith.constant 0 : i32
      %dma_wait3A_109 = arith.constant 0 : i32
      %dma_wait3A_110 = tpu.memref_slice %arg8[%run_scoped3A, %dma_wait3A_108, %dma_wait3A_109] : memref<2x5x100xi32, #tpu.memory_space<vmem>> -> memref<1x5x100xi32, #tpu.memory_space<vmem>>
      %dma_wait3A_111 = tpu.memref_squeeze %dma_wait3A_110 : memref<1x5x100xi32, #tpu.memory_space<vmem>> -> memref<5x100xi32, #tpu.memory_space<vmem>>
      %dma_wait3A_112 = arith.constant 0 : i32
      %dma_wait3A_113 = arith.constant 0 : i32
      %dma_wait3A_114 = tpu.memref_slice %arg3[%mul3A_4, %dma_wait3A_112, %dma_wait3A_113] : memref<640x5x100xi32, #tpu.memory_space<hbm>> -> memref<1x5x100xi32, #tpu.memory_space<hbm>>
      %dma_wait3A_115 = tpu.memref_squeeze %dma_wait3A_114 : memref<1x5x100xi32, #tpu.memory_space<hbm>> -> memref<5x100xi32, #tpu.memory_space<hbm>>
      %dma_wait3A_116 = arith.constant 0 : i32
      %dma_wait3A_117 = arith.constant 0 : i32
      %dma_wait3A_118 = tpu.memref_slice %arg8[%run_scoped3A, %dma_wait3A_116, %dma_wait3A_117] : memref<2x5x100xi32, #tpu.memory_space<vmem>> -> memref<1x5x100xi32, #tpu.memory_space<vmem>>
      %dma_wait3A_119 = tpu.memref_squeeze %dma_wait3A_118 : memref<1x5x100xi32, #tpu.memory_space<vmem>> -> memref<5x100xi32, #tpu.memory_space<vmem>>
      %dma_wait3A_120 = arith.constant 0 : i32
      %dma_wait3A_121 = arith.constant 0 : i32
      %dma_wait3A_122 = tpu.memref_slice %arg3[%mul3A_4, %dma_wait3A_120, %dma_wait3A_121] : memref<640x5x100xi32, #tpu.memory_space<hbm>> -> memref<1x5x100xi32, #tpu.memory_space<hbm>>
      %dma_wait3A_123 = tpu.memref_squeeze %dma_wait3A_122 : memref<1x5x100xi32, #tpu.memory_space<hbm>> -> memref<5x100xi32, #tpu.memory_space<hbm>>
      tpu.wait_dma2 semaphore(%run_scoped3A_91 : memref<!tpu.dma_semaphore, #tpu.memory_space<semaphore_mem>>) src(%dma_wait3A_123 : memref<5x100xi32, #tpu.memory_space<hbm>>) dst(%dma_wait3A_119 : memref<5x100xi32, #tpu.memory_space<vmem>>)
      tpu.yield
    }) : () -> ()
    %run_scoped3A_5 = arith.constant 0 : i32
    "tpu.region"() ({
      %run_scoped3A_91 = tpu.sem_alloc : memref<!tpu.dma_semaphore, #tpu.memory_space<semaphore_mem>>
      %dma_start3A_92 = arith.constant 0 : i32
      %dma_start3A_93 = arith.constant 0 : i32
      %dma_start3A_94 = tpu.memref_slice %arg9[%run_scoped3A_5, %dma_start3A_92, %dma_start3A_93] : memref<2x5x100xi32, #tpu.memory_space<vmem>> -> memref<1x5x100xi32, #tpu.memory_space<vmem>>
      %dma_start3A_95 = tpu.memref_squeeze %dma_start3A_94 : memref<1x5x100xi32, #tpu.memory_space<vmem>> -> memref<5x100xi32, #tpu.memory_space<vmem>>
      %dma_start3A_96 = arith.constant 0 : i32
      %dma_start3A_97 = arith.constant 0 : i32
      %dma_start3A_98 = tpu.memref_slice %arg4[%mul3A_4, %dma_start3A_96, %dma_start3A_97] : memref<640x5x100xi32, #tpu.memory_space<hbm>> -> memref<1x5x100xi32, #tpu.memory_space<hbm>>
      %dma_start3A_99 = tpu.memref_squeeze %dma_start3A_98 : memref<1x5x100xi32, #tpu.memory_space<hbm>> -> memref<5x100xi32, #tpu.memory_space<hbm>>
      %dma_start3A_100 = arith.constant 0 : i32
      %dma_start3A_101 = arith.constant 0 : i32
      %dma_start3A_102 = tpu.memref_slice %arg9[%run_scoped3A_5, %dma_start3A_100, %dma_start3A_101] : memref<2x5x100xi32, #tpu.memory_space<vmem>> -> memref<1x5x100xi32, #tpu.memory_space<vmem>>
      %dma_start3A_103 = tpu.memref_squeeze %dma_start3A_102 : memref<1x5x100xi32, #tpu.memory_space<vmem>> -> memref<5x100xi32, #tpu.memory_space<vmem>>
      %dma_start3A_104 = arith.constant 0 : i32
      %dma_start3A_105 = arith.constant 0 : i32
      %dma_start3A_106 = tpu.memref_slice %arg4[%mul3A_4, %dma_start3A_104, %dma_start3A_105] : memref<640x5x100xi32, #tpu.memory_space<hbm>> -> memref<1x5x100xi32, #tpu.memory_space<hbm>>
      %dma_start3A_107 = tpu.memref_squeeze %dma_start3A_106 : memref<1x5x100xi32, #tpu.memory_space<hbm>> -> memref<5x100xi32, #tpu.memory_space<hbm>>
      tpu.enqueue_dma source(%dma_start3A_107 : memref<5x100xi32, #tpu.memory_space<hbm>>) target(%dma_start3A_103 : memref<5x100xi32, #tpu.memory_space<vmem>>) target_semaphore(%run_scoped3A_91 : memref<!tpu.dma_semaphore, #tpu.memory_space<semaphore_mem>>)
      %dma_wait3A_108 = arith.constant 0 : i32
      %dma_wait3A_109 = arith.constant 0 : i32
      %dma_wait3A_110 = tpu.memref_slice %arg9[%run_scoped3A_5, %dma_wait3A_108, %dma_wait3A_109] : memref<2x5x100xi32, #tpu.memory_space<vmem>> -> memref<1x5x100xi32, #tpu.memory_space<vmem>>
      %dma_wait3A_111 = tpu.memref_squeeze %dma_wait3A_110 : memref<1x5x100xi32, #tpu.memory_space<vmem>> -> memref<5x100xi32, #tpu.memory_space<vmem>>
      %dma_wait3A_112 = arith.constant 0 : i32
      %dma_wait3A_113 = arith.constant 0 : i32
      %dma_wait3A_114 = tpu.memref_slice %arg4[%mul3A_4, %dma_wait3A_112, %dma_wait3A_113] : memref<640x5x100xi32, #tpu.memory_space<hbm>> -> memref<1x5x100xi32, #tpu.memory_space<hbm>>
      %dma_wait3A_115 = tpu.memref_squeeze %dma_wait3A_114 : memref<1x5x100xi32, #tpu.memory_space<hbm>> -> memref<5x100xi32, #tpu.memory_space<hbm>>
      %dma_wait3A_116 = arith.constant 0 : i32
      %dma_wait3A_117 = arith.constant 0 : i32
      %dma_wait3A_118 = tpu.memref_slice %arg9[%run_scoped3A_5, %dma_wait3A_116, %dma_wait3A_117] : memref<2x5x100xi32, #tpu.memory_space<vmem>> -> memref<1x5x100xi32, #tpu.memory_space<vmem>>
      %dma_wait3A_119 = tpu.memref_squeeze %dma_wait3A_118 : memref<1x5x100xi32, #tpu.memory_space<vmem>> -> memref<5x100xi32, #tpu.memory_space<vmem>>
      %dma_wait3A_120 = arith.constant 0 : i32
      %dma_wait3A_121 = arith.constant 0 : i32
      %dma_wait3A_122 = tpu.memref_slice %arg4[%mul3A_4, %dma_wait3A_120, %dma_wait3A_121] : memref<640x5x100xi32, #tpu.memory_space<hbm>> -> memref<1x5x100xi32, #tpu.memory_space<hbm>>
      %dma_wait3A_123 = tpu.memref_squeeze %dma_wait3A_122 : memref<1x5x100xi32, #tpu.memory_space<hbm>> -> memref<5x100xi32, #tpu.memory_space<hbm>>
      tpu.wait_dma2 semaphore(%run_scoped3A_91 : memref<!tpu.dma_semaphore, #tpu.memory_space<semaphore_mem>>) src(%dma_wait3A_123 : memref<5x100xi32, #tpu.memory_space<hbm>>) dst(%dma_wait3A_119 : memref<5x100xi32, #tpu.memory_space<vmem>>)
      tpu.yield
    }) : () -> ()
    %dma_start3A = arith.constant 0 : i32
    %dma_start3A_6 = arith.constant 0 : i32
    %dma_start3A_7 = arith.constant 0 : i32
    %dma_start3A_8 = arith.constant 0 : i32
    %dma_start3A_9 = arith.constant 0 : i32
    %dma_start3A_10 = arith.constant 0 : i32
    %dma_start3A_11 = tpu.memref_slice %arg10[%dma_start3A_7, %dma_start3A_8, %dma_start3A_9, %dma_start3A_10] : memref<2x5x100x64xf32, #tpu.memory_space<vmem>> -> memref<1x1x100x64xf32, #tpu.memory_space<vmem>>
    %dma_start3A_12 = tpu.memref_squeeze %dma_start3A_11 : memref<1x1x100x64xf32, #tpu.memory_space<vmem>> -> memref<100x64xf32, #tpu.memory_space<vmem>>
    %dma_start3A_13 = arith.constant 0 : i32
    %dma_start3A_14 = tpu.memref_slice %arg8[%dma_start3A, %dma_start3A_6, %dma_start3A_13] : memref<2x5x100xi32, #tpu.memory_space<vmem>> -> memref<1x1x100xi32, #tpu.memory_space<vmem>>
    %dma_start3A_15 = tpu.memref_squeeze %dma_start3A_14 : memref<1x1x100xi32, #tpu.memory_space<vmem>> -> memref<100xi32, #tpu.memory_space<vmem>>
    %dma_start3A_16 = arith.constant 0 : i32
    %dma_start3A_17 = arith.constant 0 : i32
    %dma_start3A_18 = tpu.memref_slice %arg2[%dma_start3A_16, %dma_start3A_17] : memref<10000x64xf32, #tpu.memory_space<hbm>> -> memref<10000x64xf32, #tpu.memory_space<hbm>>
    tpu.enqueue_indirect_dma source(%dma_start3A_18 : memref<10000x64xf32, #tpu.memory_space<hbm>>) target(%dma_start3A_12 : memref<100x64xf32, #tpu.memory_space<vmem>>) offsets(%dma_start3A_15 : memref<100xi32, #tpu.memory_space<vmem>>) semaphore(%arg12 : memref<!tpu.dma_semaphore, #tpu.memory_space<semaphore_mem>>)
    %dma_start3A_19 = arith.constant 0 : i32
    %dma_start3A_20 = arith.constant 1 : i32
    %dma_start3A_21 = arith.constant 0 : i32
    %dma_start3A_22 = arith.constant 1 : i32
    %dma_start3A_23 = arith.constant 0 : i32
    %dma_start3A_24 = arith.constant 0 : i32
    %dma_start3A_25 = tpu.memref_slice %arg10[%dma_start3A_21, %dma_start3A_22, %dma_start3A_23, %dma_start3A_24] : memref<2x5x100x64xf32, #tpu.memory_space<vmem>> -> memref<1x1x100x64xf32, #tpu.memory_space<vmem>>
    %dma_start3A_26 = tpu.memref_squeeze %dma_start3A_25 : memref<1x1x100x64xf32, #tpu.memory_space<vmem>> -> memref<100x64xf32, #tpu.memory_space<vmem>>
    %dma_start3A_27 = arith.constant 0 : i32
    %dma_start3A_28 = tpu.memref_slice %arg8[%dma_start3A_19, %dma_start3A_20, %dma_start3A_27] : memref<2x5x100xi32, #tpu.memory_space<vmem>> -> memref<1x1x100xi32, #tpu.memory_space<vmem>>
    %dma_start3A_29 = tpu.memref_squeeze %dma_start3A_28 : memref<1x1x100xi32, #tpu.memory_space<vmem>> -> memref<100xi32, #tpu.memory_space<vmem>>
    %dma_start3A_30 = arith.constant 0 : i32
    %dma_start3A_31 = arith.constant 0 : i32
    %dma_start3A_32 = tpu.memref_slice %arg2[%dma_start3A_30, %dma_start3A_31] : memref<10000x64xf32, #tpu.memory_space<hbm>> -> memref<10000x64xf32, #tpu.memory_space<hbm>>
    tpu.enqueue_indirect_dma source(%dma_start3A_32 : memref<10000x64xf32, #tpu.memory_space<hbm>>) target(%dma_start3A_26 : memref<100x64xf32, #tpu.memory_space<vmem>>) offsets(%dma_start3A_29 : memref<100xi32, #tpu.memory_space<vmem>>) semaphore(%arg12 : memref<!tpu.dma_semaphore, #tpu.memory_space<semaphore_mem>>)
    %dma_start3A_33 = arith.constant 0 : i32
    %dma_start3A_34 = arith.constant 2 : i32
    %dma_start3A_35 = arith.constant 0 : i32
    %dma_start3A_36 = arith.constant 2 : i32
    %dma_start3A_37 = arith.constant 0 : i32
    %dma_start3A_38 = arith.constant 0 : i32
    %dma_start3A_39 = tpu.memref_slice %arg10[%dma_start3A_35, %dma_start3A_36, %dma_start3A_37, %dma_start3A_38] : memref<2x5x100x64xf32, #tpu.memory_space<vmem>> -> memref<1x1x100x64xf32, #tpu.memory_space<vmem>>
    %dma_start3A_40 = tpu.memref_squeeze %dma_start3A_39 : memref<1x1x100x64xf32, #tpu.memory_space<vmem>> -> memref<100x64xf32, #tpu.memory_space<vmem>>
    %dma_start3A_41 = arith.constant 0 : i32
    %dma_start3A_42 = tpu.memref_slice %arg8[%dma_start3A_33, %dma_start3A_34, %dma_start3A_41] : memref<2x5x100xi32, #tpu.memory_space<vmem>> -> memref<1x1x100xi32, #tpu.memory_space<vmem>>
    %dma_start3A_43 = tpu.memref_squeeze %dma_start3A_42 : memref<1x1x100xi32, #tpu.memory_space<vmem>> -> memref<100xi32, #tpu.memory_space<vmem>>
    %dma_start3A_44 = arith.constant 0 : i32
    %dma_start3A_45 = arith.constant 0 : i32
    %dma_start3A_46 = tpu.memref_slice %arg2[%dma_start3A_44, %dma_start3A_45] : memref<10000x64xf32, #tpu.memory_space<hbm>> -> memref<10000x64xf32, #tpu.memory_space<hbm>>
    tpu.enqueue_indirect_dma source(%dma_start3A_46 : memref<10000x64xf32, #tpu.memory_space<hbm>>) target(%dma_start3A_40 : memref<100x64xf32, #tpu.memory_space<vmem>>) offsets(%dma_start3A_43 : memref<100xi32, #tpu.memory_space<vmem>>) semaphore(%arg12 : memref<!tpu.dma_semaphore, #tpu.memory_space<semaphore_mem>>)
    %dma_start3A_47 = arith.constant 0 : i32
    %dma_start3A_48 = arith.constant 3 : i32
    %dma_start3A_49 = arith.constant 0 : i32
    %dma_start3A_50 = arith.constant 3 : i32
    %dma_start3A_51 = arith.constant 0 : i32
    %dma_start3A_52 = arith.constant 0 : i32
    %dma_start3A_53 = tpu.memref_slice %arg10[%dma_start3A_49, %dma_start3A_50, %dma_start3A_51, %dma_start3A_52] : memref<2x5x100x64xf32, #tpu.memory_space<vmem>> -> memref<1x1x100x64xf32, #tpu.memory_space<vmem>>
    %dma_start3A_54 = tpu.memref_squeeze %dma_start3A_53 : memref<1x1x100x64xf32, #tpu.memory_space<vmem>> -> memref<100x64xf32, #tpu.memory_space<vmem>>
    %dma_start3A_55 = arith.constant 0 : i32
    %dma_start3A_56 = tpu.memref_slice %arg8[%dma_start3A_47, %dma_start3A_48, %dma_start3A_55] : memref<2x5x100xi32, #tpu.memory_space<vmem>> -> memref<1x1x100xi32, #tpu.memory_space<vmem>>
    %dma_start3A_57 = tpu.memref_squeeze %dma_start3A_56 : memref<1x1x100xi32, #tpu.memory_space<vmem>> -> memref<100xi32, #tpu.memory_space<vmem>>
    %dma_start3A_58 = arith.constant 0 : i32
    %dma_start3A_59 = arith.constant 0 : i32
    %dma_start3A_60 = tpu.memref_slice %arg2[%dma_start3A_58, %dma_start3A_59] : memref<10000x64xf32, #tpu.memory_space<hbm>> -> memref<10000x64xf32, #tpu.memory_space<hbm>>
    tpu.enqueue_indirect_dma source(%dma_start3A_60 : memref<10000x64xf32, #tpu.memory_space<hbm>>) target(%dma_start3A_54 : memref<100x64xf32, #tpu.memory_space<vmem>>) offsets(%dma_start3A_57 : memref<100xi32, #tpu.memory_space<vmem>>) semaphore(%arg12 : memref<!tpu.dma_semaphore, #tpu.memory_space<semaphore_mem>>)
    %dma_start3A_61 = arith.constant 0 : i32
    %dma_start3A_62 = arith.constant 4 : i32
    %dma_start3A_63 = arith.constant 0 : i32
    %dma_start3A_64 = arith.constant 4 : i32
    %dma_start3A_65 = arith.constant 0 : i32
    %dma_start3A_66 = arith.constant 0 : i32
    %dma_start3A_67 = tpu.memref_slice %arg10[%dma_start3A_63, %dma_start3A_64, %dma_start3A_65, %dma_start3A_66] : memref<2x5x100x64xf32, #tpu.memory_space<vmem>> -> memref<1x1x100x64xf32, #tpu.memory_space<vmem>>
    %dma_start3A_68 = tpu.memref_squeeze %dma_start3A_67 : memref<1x1x100x64xf32, #tpu.memory_space<vmem>> -> memref<100x64xf32, #tpu.memory_space<vmem>>
    %dma_start3A_69 = arith.constant 0 : i32
    %dma_start3A_70 = tpu.memref_slice %arg8[%dma_start3A_61, %dma_start3A_62, %dma_start3A_69] : memref<2x5x100xi32, #tpu.memory_space<vmem>> -> memref<1x1x100xi32, #tpu.memory_space<vmem>>
    %dma_start3A_71 = tpu.memref_squeeze %dma_start3A_70 : memref<1x1x100xi32, #tpu.memory_space<vmem>> -> memref<100xi32, #tpu.memory_space<vmem>>
    %dma_start3A_72 = arith.constant 0 : i32
    %dma_start3A_73 = arith.constant 0 : i32
    %dma_start3A_74 = tpu.memref_slice %arg2[%dma_start3A_72, %dma_start3A_73] : memref<10000x64xf32, #tpu.memory_space<hbm>> -> memref<10000x64xf32, #tpu.memory_space<hbm>>
    tpu.enqueue_indirect_dma source(%dma_start3A_74 : memref<10000x64xf32, #tpu.memory_space<hbm>>) target(%dma_start3A_68 : memref<100x64xf32, #tpu.memory_space<vmem>>) offsets(%dma_start3A_71 : memref<100xi32, #tpu.memory_space<vmem>>) semaphore(%arg12 : memref<!tpu.dma_semaphore, #tpu.memory_space<semaphore_mem>>)
    %scan3A = arith.constant 0 : i32
    %scan3A_75 = arith.constant 0 : i32
    %scan3A_76 = arith.constant 10 : i32
    %scan3A_77 = arith.addi %scan3A_75, %scan3A_76 : i32
    %scan3A_78 = arith.constant 1 : i32
    scf.for %scan3A_91 = %scan3A_75 to %scan3A_77 step %scan3A_78  : i32 {
      %mul3A_92 = arith.constant 2 : i32
      %mul3A_93 = arith.muli %mul3A_92, %scan3A_91 : i32
      %gt3A = arith.constant 0 : i32
      %gt3A_94 = arith.cmpi sgt, %scan3A_91, %gt3A : i32
      %convert_element_type3A = arith.extui %gt3A_94 : i1 to i32
      %cond3A = arith.constant 0 : i32
      %cond3A_95 = arith.cmpi ne, %convert_element_type3A, %cond3A : i32
      scf.if %cond3A_95 {
        %dma_wait3A_357 = arith.constant 1 : i32
        %dma_wait3A_358 = arith.constant 0 : i32
        %dma_wait3A_359 = arith.constant 0 : i32
        %dma_wait3A_360 = arith.constant 0 : i32
        %dma_wait3A_361 = tpu.memref_slice %arg10[%dma_wait3A_357, %dma_wait3A_358, %dma_wait3A_359, %dma_wait3A_360] : memref<2x5x100x64xf32, #tpu.memory_space<vmem>> -> memref<1x5x100x64xf32, #tpu.memory_space<vmem>>
        %dma_wait3A_362 = tpu.memref_squeeze %dma_wait3A_361 : memref<1x5x100x64xf32, #tpu.memory_space<vmem>> -> memref<5x100x64xf32, #tpu.memory_space<vmem>>
        %dma_wait3A_363 = arith.constant 0 : i32
        %dma_wait3A_364 = arith.constant 0 : i32
        %dma_wait3A_365 = arith.constant 0 : i32
        %dma_wait3A_366 = tpu.memref_slice %arg10[%dma_wait3A_357, %dma_wait3A_363, %dma_wait3A_364, %dma_wait3A_365] : memref<2x5x100x64xf32, #tpu.memory_space<vmem>> -> memref<1x5x100x64xf32, #tpu.memory_space<vmem>>
        %dma_wait3A_367 = tpu.memref_squeeze %dma_wait3A_366 : memref<1x5x100x64xf32, #tpu.memory_space<vmem>> -> memref<5x100x64xf32, #tpu.memory_space<vmem>>
        tpu.wait_dma2 semaphore(%arg15 : memref<!tpu.dma_semaphore, #tpu.memory_space<semaphore_mem>>) src(%arg6 : memref<5x100x64xf32, #tpu.memory_space<hbm>>) dst(%dma_wait3A_367 : memref<5x100x64xf32, #tpu.memory_space<vmem>>)
      } else {
      }
      %add3A_96 = arith.addi %mul3A_4, %mul3A_93 : i32
      %add3A_97 = arith.constant 1 : i32
      %add3A_98 = arith.addi %add3A_96, %add3A_97 : i32
      %run_scoped3A_99 = arith.constant 1 : i32
      "tpu.region"() ({
        %run_scoped3A_357 = tpu.sem_alloc : memref<!tpu.dma_semaphore, #tpu.memory_space<semaphore_mem>>
        %dma_start3A_358 = arith.constant 0 : i32
        %dma_start3A_359 = arith.constant 0 : i32
        %dma_start3A_360 = tpu.memref_slice %arg8[%run_scoped3A_99, %dma_start3A_358, %dma_start3A_359] : memref<2x5x100xi32, #tpu.memory_space<vmem>> -> memref<1x5x100xi32, #tpu.memory_space<vmem>>
        %dma_start3A_361 = tpu.memref_squeeze %dma_start3A_360 : memref<1x5x100xi32, #tpu.memory_space<vmem>> -> memref<5x100xi32, #tpu.memory_space<vmem>>
        %dma_start3A_362 = arith.constant 0 : i32
        %dma_start3A_363 = arith.constant 0 : i32
        %dma_start3A_364 = tpu.memref_slice %arg3[%add3A_98, %dma_start3A_362, %dma_start3A_363] : memref<640x5x100xi32, #tpu.memory_space<hbm>> -> memref<1x5x100xi32, #tpu.memory_space<hbm>>
        %dma_start3A_365 = tpu.memref_squeeze %dma_start3A_364 : memref<1x5x100xi32, #tpu.memory_space<hbm>> -> memref<5x100xi32, #tpu.memory_space<hbm>>
        %dma_start3A_366 = arith.constant 0 : i32
        %dma_start3A_367 = arith.constant 0 : i32
        %dma_start3A_368 = tpu.memref_slice %arg8[%run_scoped3A_99, %dma_start3A_366, %dma_start3A_367] : memref<2x5x100xi32, #tpu.memory_space<vmem>> -> memref<1x5x100xi32, #tpu.memory_space<vmem>>
        %dma_start3A_369 = tpu.memref_squeeze %dma_start3A_368 : memref<1x5x100xi32, #tpu.memory_space<vmem>> -> memref<5x100xi32, #tpu.memory_space<vmem>>
        %dma_start3A_370 = arith.constant 0 : i32
        %dma_start3A_371 = arith.constant 0 : i32
        %dma_start3A_372 = tpu.memref_slice %arg3[%add3A_98, %dma_start3A_370, %dma_start3A_371] : memref<640x5x100xi32, #tpu.memory_space<hbm>> -> memref<1x5x100xi32, #tpu.memory_space<hbm>>
        %dma_start3A_373 = tpu.memref_squeeze %dma_start3A_372 : memref<1x5x100xi32, #tpu.memory_space<hbm>> -> memref<5x100xi32, #tpu.memory_space<hbm>>
        tpu.enqueue_dma source(%dma_start3A_373 : memref<5x100xi32, #tpu.memory_space<hbm>>) target(%dma_start3A_369 : memref<5x100xi32, #tpu.memory_space<vmem>>) target_semaphore(%run_scoped3A_357 : memref<!tpu.dma_semaphore, #tpu.memory_space<semaphore_mem>>)
        %dma_wait3A_374 = arith.constant 0 : i32
        %dma_wait3A_375 = arith.constant 0 : i32
        %dma_wait3A_376 = tpu.memref_slice %arg8[%run_scoped3A_99, %dma_wait3A_374, %dma_wait3A_375] : memref<2x5x100xi32, #tpu.memory_space<vmem>> -> memref<1x5x100xi32, #tpu.memory_space<vmem>>
        %dma_wait3A_377 = tpu.memref_squeeze %dma_wait3A_376 : memref<1x5x100xi32, #tpu.memory_space<vmem>> -> memref<5x100xi32, #tpu.memory_space<vmem>>
        %dma_wait3A_378 = arith.constant 0 : i32
        %dma_wait3A_379 = arith.constant 0 : i32
        %dma_wait3A_380 = tpu.memref_slice %arg3[%add3A_98, %dma_wait3A_378, %dma_wait3A_379] : memref<640x5x100xi32, #tpu.memory_space<hbm>> -> memref<1x5x100xi32, #tpu.memory_space<hbm>>
        %dma_wait3A_381 = tpu.memref_squeeze %dma_wait3A_380 : memref<1x5x100xi32, #tpu.memory_space<hbm>> -> memref<5x100xi32, #tpu.memory_space<hbm>>
        %dma_wait3A_382 = arith.constant 0 : i32
        %dma_wait3A_383 = arith.constant 0 : i32
        %dma_wait3A_384 = tpu.memref_slice %arg8[%run_scoped3A_99, %dma_wait3A_382, %dma_wait3A_383] : memref<2x5x100xi32, #tpu.memory_space<vmem>> -> memref<1x5x100xi32, #tpu.memory_space<vmem>>
        %dma_wait3A_385 = tpu.memref_squeeze %dma_wait3A_384 : memref<1x5x100xi32, #tpu.memory_space<vmem>> -> memref<5x100xi32, #tpu.memory_space<vmem>>
        %dma_wait3A_386 = arith.constant 0 : i32
        %dma_wait3A_387 = arith.constant 0 : i32
        %dma_wait3A_388 = tpu.memref_slice %arg3[%add3A_98, %dma_wait3A_386, %dma_wait3A_387] : memref<640x5x100xi32, #tpu.memory_space<hbm>> -> memref<1x5x100xi32, #tpu.memory_space<hbm>>
        %dma_wait3A_389 = tpu.memref_squeeze %dma_wait3A_388 : memref<1x5x100xi32, #tpu.memory_space<hbm>> -> memref<5x100xi32, #tpu.memory_space<hbm>>
        tpu.wait_dma2 semaphore(%run_scoped3A_357 : memref<!tpu.dma_semaphore, #tpu.memory_space<semaphore_mem>>) src(%dma_wait3A_389 : memref<5x100xi32, #tpu.memory_space<hbm>>) dst(%dma_wait3A_385 : memref<5x100xi32, #tpu.memory_space<vmem>>)
        tpu.yield
      }) : () -> ()
      %add3A_100 = arith.addi %mul3A_4, %mul3A_93 : i32
      %add3A_101 = arith.constant 1 : i32
      %add3A_102 = arith.addi %add3A_100, %add3A_101 : i32
      %run_scoped3A_103 = arith.constant 1 : i32
      "tpu.region"() ({
        %run_scoped3A_357 = tpu.sem_alloc : memref<!tpu.dma_semaphore, #tpu.memory_space<semaphore_mem>>
        %dma_start3A_358 = arith.constant 0 : i32
        %dma_start3A_359 = arith.constant 0 : i32
        %dma_start3A_360 = tpu.memref_slice %arg9[%run_scoped3A_103, %dma_start3A_358, %dma_start3A_359] : memref<2x5x100xi32, #tpu.memory_space<vmem>> -> memref<1x5x100xi32, #tpu.memory_space<vmem>>
        %dma_start3A_361 = tpu.memref_squeeze %dma_start3A_360 : memref<1x5x100xi32, #tpu.memory_space<vmem>> -> memref<5x100xi32, #tpu.memory_space<vmem>>
        %dma_start3A_362 = arith.constant 0 : i32
        %dma_start3A_363 = arith.constant 0 : i32
        %dma_start3A_364 = tpu.memref_slice %arg4[%add3A_102, %dma_start3A_362, %dma_start3A_363] : memref<640x5x100xi32, #tpu.memory_space<hbm>> -> memref<1x5x100xi32, #tpu.memory_space<hbm>>
        %dma_start3A_365 = tpu.memref_squeeze %dma_start3A_364 : memref<1x5x100xi32, #tpu.memory_space<hbm>> -> memref<5x100xi32, #tpu.memory_space<hbm>>
        %dma_start3A_366 = arith.constant 0 : i32
        %dma_start3A_367 = arith.constant 0 : i32
        %dma_start3A_368 = tpu.memref_slice %arg9[%run_scoped3A_103, %dma_start3A_366, %dma_start3A_367] : memref<2x5x100xi32, #tpu.memory_space<vmem>> -> memref<1x5x100xi32, #tpu.memory_space<vmem>>
        %dma_start3A_369 = tpu.memref_squeeze %dma_start3A_368 : memref<1x5x100xi32, #tpu.memory_space<vmem>> -> memref<5x100xi32, #tpu.memory_space<vmem>>
        %dma_start3A_370 = arith.constant 0 : i32
        %dma_start3A_371 = arith.constant 0 : i32
        %dma_start3A_372 = tpu.memref_slice %arg4[%add3A_102, %dma_start3A_370, %dma_start3A_371] : memref<640x5x100xi32, #tpu.memory_space<hbm>> -> memref<1x5x100xi32, #tpu.memory_space<hbm>>
        %dma_start3A_373 = tpu.memref_squeeze %dma_start3A_372 : memref<1x5x100xi32, #tpu.memory_space<hbm>> -> memref<5x100xi32, #tpu.memory_space<hbm>>
        tpu.enqueue_dma source(%dma_start3A_373 : memref<5x100xi32, #tpu.memory_space<hbm>>) target(%dma_start3A_369 : memref<5x100xi32, #tpu.memory_space<vmem>>) target_semaphore(%run_scoped3A_357 : memref<!tpu.dma_semaphore, #tpu.memory_space<semaphore_mem>>)
        %dma_wait3A_374 = arith.constant 0 : i32
        %dma_wait3A_375 = arith.constant 0 : i32
        %dma_wait3A_376 = tpu.memref_slice %arg9[%run_scoped3A_103, %dma_wait3A_374, %dma_wait3A_375] : memref<2x5x100xi32, #tpu.memory_space<vmem>> -> memref<1x5x100xi32, #tpu.memory_space<vmem>>
        %dma_wait3A_377 = tpu.memref_squeeze %dma_wait3A_376 : memref<1x5x100xi32, #tpu.memory_space<vmem>> -> memref<5x100xi32, #tpu.memory_space<vmem>>
        %dma_wait3A_378 = arith.constant 0 : i32
        %dma_wait3A_379 = arith.constant 0 : i32
        %dma_wait3A_380 = tpu.memref_slice %arg4[%add3A_102, %dma_wait3A_378, %dma_wait3A_379] : memref<640x5x100xi32, #tpu.memory_space<hbm>> -> memref<1x5x100xi32, #tpu.memory_space<hbm>>
        %dma_wait3A_381 = tpu.memref_squeeze %dma_wait3A_380 : memref<1x5x100xi32, #tpu.memory_space<hbm>> -> memref<5x100xi32, #tpu.memory_space<hbm>>
        %dma_wait3A_382 = arith.constant 0 : i32
        %dma_wait3A_383 = arith.constant 0 : i32
        %dma_wait3A_384 = tpu.memref_slice %arg9[%run_scoped3A_103, %dma_wait3A_382, %dma_wait3A_383] : memref<2x5x100xi32, #tpu.memory_space<vmem>> -> memref<1x5x100xi32, #tpu.memory_space<vmem>>
        %dma_wait3A_385 = tpu.memref_squeeze %dma_wait3A_384 : memref<1x5x100xi32, #tpu.memory_space<vmem>> -> memref<5x100xi32, #tpu.memory_space<vmem>>
        %dma_wait3A_386 = arith.constant 0 : i32
        %dma_wait3A_387 = arith.constant 0 : i32
        %dma_wait3A_388 = tpu.memref_slice %arg4[%add3A_102, %dma_wait3A_386, %dma_wait3A_387] : memref<640x5x100xi32, #tpu.memory_space<hbm>> -> memref<1x5x100xi32, #tpu.memory_space<hbm>>
        %dma_wait3A_389 = tpu.memref_squeeze %dma_wait3A_388 : memref<1x5x100xi32, #tpu.memory_space<hbm>> -> memref<5x100xi32, #tpu.memory_space<hbm>>
        tpu.wait_dma2 semaphore(%run_scoped3A_357 : memref<!tpu.dma_semaphore, #tpu.memory_space<semaphore_mem>>) src(%dma_wait3A_389 : memref<5x100xi32, #tpu.memory_space<hbm>>) dst(%dma_wait3A_385 : memref<5x100xi32, #tpu.memory_space<vmem>>)
        tpu.yield
      }) : () -> ()
      %add3A_104 = arith.constant 1 : i32
      %add3A_105 = arith.addi %mul3A_93, %add3A_104 : i32
      %dma_start3A_106 = arith.constant 1 : i32
      %dma_start3A_107 = arith.constant 0 : i32
      %dma_start3A_108 = arith.constant 1 : i32
      %dma_start3A_109 = arith.constant 0 : i32
      %dma_start3A_110 = arith.constant 0 : i32
      %dma_start3A_111 = arith.constant 0 : i32
      %dma_start3A_112 = tpu.memref_slice %arg10[%dma_start3A_108, %dma_start3A_109, %dma_start3A_110, %dma_start3A_111] : memref<2x5x100x64xf32, #tpu.memory_space<vmem>> -> memref<1x1x100x64xf32, #tpu.memory_space<vmem>>
      %dma_start3A_113 = tpu.memref_squeeze %dma_start3A_112 : memref<1x1x100x64xf32, #tpu.memory_space<vmem>> -> memref<100x64xf32, #tpu.memory_space<vmem>>
      %dma_start3A_114 = arith.constant 0 : i32
      %dma_start3A_115 = tpu.memref_slice %arg8[%dma_start3A_106, %dma_start3A_107, %dma_start3A_114] : memref<2x5x100xi32, #tpu.memory_space<vmem>> -> memref<1x1x100xi32, #tpu.memory_space<vmem>>
      %dma_start3A_116 = tpu.memref_squeeze %dma_start3A_115 : memref<1x1x100xi32, #tpu.memory_space<vmem>> -> memref<100xi32, #tpu.memory_space<vmem>>
      %dma_start3A_117 = arith.constant 0 : i32
      %dma_start3A_118 = arith.constant 0 : i32
      %dma_start3A_119 = tpu.memref_slice %arg2[%dma_start3A_117, %dma_start3A_118] : memref<10000x64xf32, #tpu.memory_space<hbm>> -> memref<10000x64xf32, #tpu.memory_space<hbm>>
      tpu.enqueue_indirect_dma source(%dma_start3A_119 : memref<10000x64xf32, #tpu.memory_space<hbm>>) target(%dma_start3A_113 : memref<100x64xf32, #tpu.memory_space<vmem>>) offsets(%dma_start3A_116 : memref<100xi32, #tpu.memory_space<vmem>>) semaphore(%arg13 : memref<!tpu.dma_semaphore, #tpu.memory_space<semaphore_mem>>)
      %dma_start3A_120 = arith.constant 1 : i32
      %dma_start3A_121 = arith.constant 1 : i32
      %dma_start3A_122 = arith.constant 1 : i32
      %dma_start3A_123 = arith.constant 1 : i32
      %dma_start3A_124 = arith.constant 0 : i32
      %dma_start3A_125 = arith.constant 0 : i32
      %dma_start3A_126 = tpu.memref_slice %arg10[%dma_start3A_122, %dma_start3A_123, %dma_start3A_124, %dma_start3A_125] : memref<2x5x100x64xf32, #tpu.memory_space<vmem>> -> memref<1x1x100x64xf32, #tpu.memory_space<vmem>>
      %dma_start3A_127 = tpu.memref_squeeze %dma_start3A_126 : memref<1x1x100x64xf32, #tpu.memory_space<vmem>> -> memref<100x64xf32, #tpu.memory_space<vmem>>
      %dma_start3A_128 = arith.constant 0 : i32
      %dma_start3A_129 = tpu.memref_slice %arg8[%dma_start3A_120, %dma_start3A_121, %dma_start3A_128] : memref<2x5x100xi32, #tpu.memory_space<vmem>> -> memref<1x1x100xi32, #tpu.memory_space<vmem>>
      %dma_start3A_130 = tpu.memref_squeeze %dma_start3A_129 : memref<1x1x100xi32, #tpu.memory_space<vmem>> -> memref<100xi32, #tpu.memory_space<vmem>>
      %dma_start3A_131 = arith.constant 0 : i32
      %dma_start3A_132 = arith.constant 0 : i32
      %dma_start3A_133 = tpu.memref_slice %arg2[%dma_start3A_131, %dma_start3A_132] : memref<10000x64xf32, #tpu.memory_space<hbm>> -> memref<10000x64xf32, #tpu.memory_space<hbm>>
      tpu.enqueue_indirect_dma source(%dma_start3A_133 : memref<10000x64xf32, #tpu.memory_space<hbm>>) target(%dma_start3A_127 : memref<100x64xf32, #tpu.memory_space<vmem>>) offsets(%dma_start3A_130 : memref<100xi32, #tpu.memory_space<vmem>>) semaphore(%arg13 : memref<!tpu.dma_semaphore, #tpu.memory_space<semaphore_mem>>)
      %dma_start3A_134 = arith.constant 1 : i32
      %dma_start3A_135 = arith.constant 2 : i32
      %dma_start3A_136 = arith.constant 1 : i32
      %dma_start3A_137 = arith.constant 2 : i32
      %dma_start3A_138 = arith.constant 0 : i32
      %dma_start3A_139 = arith.constant 0 : i32
      %dma_start3A_140 = tpu.memref_slice %arg10[%dma_start3A_136, %dma_start3A_137, %dma_start3A_138, %dma_start3A_139] : memref<2x5x100x64xf32, #tpu.memory_space<vmem>> -> memref<1x1x100x64xf32, #tpu.memory_space<vmem>>
      %dma_start3A_141 = tpu.memref_squeeze %dma_start3A_140 : memref<1x1x100x64xf32, #tpu.memory_space<vmem>> -> memref<100x64xf32, #tpu.memory_space<vmem>>
      %dma_start3A_142 = arith.constant 0 : i32
      %dma_start3A_143 = tpu.memref_slice %arg8[%dma_start3A_134, %dma_start3A_135, %dma_start3A_142] : memref<2x5x100xi32, #tpu.memory_space<vmem>> -> memref<1x1x100xi32, #tpu.memory_space<vmem>>
      %dma_start3A_144 = tpu.memref_squeeze %dma_start3A_143 : memref<1x1x100xi32, #tpu.memory_space<vmem>> -> memref<100xi32, #tpu.memory_space<vmem>>
      %dma_start3A_145 = arith.constant 0 : i32
      %dma_start3A_146 = arith.constant 0 : i32
      %dma_start3A_147 = tpu.memref_slice %arg2[%dma_start3A_145, %dma_start3A_146] : memref<10000x64xf32, #tpu.memory_space<hbm>> -> memref<10000x64xf32, #tpu.memory_space<hbm>>
      tpu.enqueue_indirect_dma source(%dma_start3A_147 : memref<10000x64xf32, #tpu.memory_space<hbm>>) target(%dma_start3A_141 : memref<100x64xf32, #tpu.memory_space<vmem>>) offsets(%dma_start3A_144 : memref<100xi32, #tpu.memory_space<vmem>>) semaphore(%arg13 : memref<!tpu.dma_semaphore, #tpu.memory_space<semaphore_mem>>)
      %dma_start3A_148 = arith.constant 1 : i32
      %dma_start3A_149 = arith.constant 3 : i32
      %dma_start3A_150 = arith.constant 1 : i32
      %dma_start3A_151 = arith.constant 3 : i32
      %dma_start3A_152 = arith.constant 0 : i32
      %dma_start3A_153 = arith.constant 0 : i32
      %dma_start3A_154 = tpu.memref_slice %arg10[%dma_start3A_150, %dma_start3A_151, %dma_start3A_152, %dma_start3A_153] : memref<2x5x100x64xf32, #tpu.memory_space<vmem>> -> memref<1x1x100x64xf32, #tpu.memory_space<vmem>>
      %dma_start3A_155 = tpu.memref_squeeze %dma_start3A_154 : memref<1x1x100x64xf32, #tpu.memory_space<vmem>> -> memref<100x64xf32, #tpu.memory_space<vmem>>
      %dma_start3A_156 = arith.constant 0 : i32
      %dma_start3A_157 = tpu.memref_slice %arg8[%dma_start3A_148, %dma_start3A_149, %dma_start3A_156] : memref<2x5x100xi32, #tpu.memory_space<vmem>> -> memref<1x1x100xi32, #tpu.memory_space<vmem>>
      %dma_start3A_158 = tpu.memref_squeeze %dma_start3A_157 : memref<1x1x100xi32, #tpu.memory_space<vmem>> -> memref<100xi32, #tpu.memory_space<vmem>>
      %dma_start3A_159 = arith.constant 0 : i32
      %dma_start3A_160 = arith.constant 0 : i32
      %dma_start3A_161 = tpu.memref_slice %arg2[%dma_start3A_159, %dma_start3A_160] : memref<10000x64xf32, #tpu.memory_space<hbm>> -> memref<10000x64xf32, #tpu.memory_space<hbm>>
      tpu.enqueue_indirect_dma source(%dma_start3A_161 : memref<10000x64xf32, #tpu.memory_space<hbm>>) target(%dma_start3A_155 : memref<100x64xf32, #tpu.memory_space<vmem>>) offsets(%dma_start3A_158 : memref<100xi32, #tpu.memory_space<vmem>>) semaphore(%arg13 : memref<!tpu.dma_semaphore, #tpu.memory_space<semaphore_mem>>)
      %dma_start3A_162 = arith.constant 1 : i32
      %dma_start3A_163 = arith.constant 4 : i32
      %dma_start3A_164 = arith.constant 1 : i32
      %dma_start3A_165 = arith.constant 4 : i32
      %dma_start3A_166 = arith.constant 0 : i32
      %dma_start3A_167 = arith.constant 0 : i32
      %dma_start3A_168 = tpu.memref_slice %arg10[%dma_start3A_164, %dma_start3A_165, %dma_start3A_166, %dma_start3A_167] : memref<2x5x100x64xf32, #tpu.memory_space<vmem>> -> memref<1x1x100x64xf32, #tpu.memory_space<vmem>>
      %dma_start3A_169 = tpu.memref_squeeze %dma_start3A_168 : memref<1x1x100x64xf32, #tpu.memory_space<vmem>> -> memref<100x64xf32, #tpu.memory_space<vmem>>
      %dma_start3A_170 = arith.constant 0 : i32
      %dma_start3A_171 = tpu.memref_slice %arg8[%dma_start3A_162, %dma_start3A_163, %dma_start3A_170] : memref<2x5x100xi32, #tpu.memory_space<vmem>> -> memref<1x1x100xi32, #tpu.memory_space<vmem>>
      %dma_start3A_172 = tpu.memref_squeeze %dma_start3A_171 : memref<1x1x100xi32, #tpu.memory_space<vmem>> -> memref<100xi32, #tpu.memory_space<vmem>>
      %dma_start3A_173 = arith.constant 0 : i32
      %dma_start3A_174 = arith.constant 0 : i32
      %dma_start3A_175 = tpu.memref_slice %arg2[%dma_start3A_173, %dma_start3A_174] : memref<10000x64xf32, #tpu.memory_space<hbm>> -> memref<10000x64xf32, #tpu.memory_space<hbm>>
      tpu.enqueue_indirect_dma source(%dma_start3A_175 : memref<10000x64xf32, #tpu.memory_space<hbm>>) target(%dma_start3A_169 : memref<100x64xf32, #tpu.memory_space<vmem>>) offsets(%dma_start3A_172 : memref<100xi32, #tpu.memory_space<vmem>>) semaphore(%arg13 : memref<!tpu.dma_semaphore, #tpu.memory_space<semaphore_mem>>)
      %dma_wait3A_176 = arith.constant 0 : i32
      %dma_wait3A_177 = arith.constant 0 : i32
      %dma_wait3A_178 = arith.constant 0 : i32
      %dma_wait3A_179 = arith.constant 0 : i32
      %dma_wait3A_180 = tpu.memref_slice %arg10[%dma_wait3A_176, %dma_wait3A_177, %dma_wait3A_178, %dma_wait3A_179] : memref<2x5x100x64xf32, #tpu.memory_space<vmem>> -> memref<1x5x100x64xf32, #tpu.memory_space<vmem>>
      %dma_wait3A_181 = tpu.memref_squeeze %dma_wait3A_180 : memref<1x5x100x64xf32, #tpu.memory_space<vmem>> -> memref<5x100x64xf32, #tpu.memory_space<vmem>>
      %dma_wait3A_182 = arith.constant 0 : i32
      %dma_wait3A_183 = arith.constant 0 : i32
      %dma_wait3A_184 = arith.constant 0 : i32
      %dma_wait3A_185 = tpu.memref_slice %arg10[%dma_wait3A_176, %dma_wait3A_182, %dma_wait3A_183, %dma_wait3A_184] : memref<2x5x100x64xf32, #tpu.memory_space<vmem>> -> memref<1x5x100x64xf32, #tpu.memory_space<vmem>>
      %dma_wait3A_186 = tpu.memref_squeeze %dma_wait3A_185 : memref<1x5x100x64xf32, #tpu.memory_space<vmem>> -> memref<5x100x64xf32, #tpu.memory_space<vmem>>
      tpu.wait_dma2 semaphore(%arg12 : memref<!tpu.dma_semaphore, #tpu.memory_space<semaphore_mem>>) src(%arg6 : memref<5x100x64xf32, #tpu.memory_space<hbm>>) dst(%dma_wait3A_186 : memref<5x100x64xf32, #tpu.memory_space<vmem>>)
      %dma_start3A_187 = arith.constant 0 : i32
      %dma_start3A_188 = arith.constant 0 : i32
      %dma_start3A_189 = arith.constant 0 : i32
      %dma_start3A_190 = arith.constant 0 : i32
      %dma_start3A_191 = arith.constant 0 : i32
      %dma_start3A_192 = arith.constant 0 : i32
      %dma_start3A_193 = tpu.memref_slice %arg10[%dma_start3A_187, %dma_start3A_188, %dma_start3A_191, %dma_start3A_192] : memref<2x5x100x64xf32, #tpu.memory_space<vmem>> -> memref<1x1x100x64xf32, #tpu.memory_space<vmem>>
      %dma_start3A_194 = tpu.memref_squeeze %dma_start3A_193 : memref<1x1x100x64xf32, #tpu.memory_space<vmem>> -> memref<100x64xf32, #tpu.memory_space<vmem>>
      %dma_start3A_195 = arith.constant 0 : i32
      %dma_start3A_196 = tpu.memref_slice %arg9[%dma_start3A_189, %dma_start3A_190, %dma_start3A_195] : memref<2x5x100xi32, #tpu.memory_space<vmem>> -> memref<1x1x100xi32, #tpu.memory_space<vmem>>
      %dma_start3A_197 = tpu.memref_squeeze %dma_start3A_196 : memref<1x1x100xi32, #tpu.memory_space<vmem>> -> memref<100xi32, #tpu.memory_space<vmem>>
      %dma_start3A_198 = arith.constant 0 : i32
      %dma_start3A_199 = arith.constant 0 : i32
      %dma_start3A_200 = tpu.memref_slice %arg11[%dma_start3A_198, %dma_start3A_199] : memref<10240x64xf32, #tpu.memory_space<vmem_shared>> -> memref<10240x64xf32, #tpu.memory_space<vmem_shared>>
      tpu.enqueue_indirect_dma source(%dma_start3A_194 : memref<100x64xf32, #tpu.memory_space<vmem>>) target(%dma_start3A_200 : memref<10240x64xf32, #tpu.memory_space<vmem_shared>>) offsets(%dma_start3A_197 : memref<100xi32, #tpu.memory_space<vmem>>) semaphore(%arg14 : memref<!tpu.dma_semaphore, #tpu.memory_space<semaphore_mem>>) {add = true}
      %dma_start3A_201 = arith.constant 0 : i32
      %dma_start3A_202 = arith.constant 1 : i32
      %dma_start3A_203 = arith.constant 0 : i32
      %dma_start3A_204 = arith.constant 1 : i32
      %dma_start3A_205 = arith.constant 0 : i32
      %dma_start3A_206 = arith.constant 0 : i32
      %dma_start3A_207 = tpu.memref_slice %arg10[%dma_start3A_201, %dma_start3A_202, %dma_start3A_205, %dma_start3A_206] : memref<2x5x100x64xf32, #tpu.memory_space<vmem>> -> memref<1x1x100x64xf32, #tpu.memory_space<vmem>>
      %dma_start3A_208 = tpu.memref_squeeze %dma_start3A_207 : memref<1x1x100x64xf32, #tpu.memory_space<vmem>> -> memref<100x64xf32, #tpu.memory_space<vmem>>
      %dma_start3A_209 = arith.constant 0 : i32
      %dma_start3A_210 = tpu.memref_slice %arg9[%dma_start3A_203, %dma_start3A_204, %dma_start3A_209] : memref<2x5x100xi32, #tpu.memory_space<vmem>> -> memref<1x1x100xi32, #tpu.memory_space<vmem>>
      %dma_start3A_211 = tpu.memref_squeeze %dma_start3A_210 : memref<1x1x100xi32, #tpu.memory_space<vmem>> -> memref<100xi32, #tpu.memory_space<vmem>>
      %dma_start3A_212 = arith.constant 0 : i32
      %dma_start3A_213 = arith.constant 0 : i32
      %dma_start3A_214 = tpu.memref_slice %arg11[%dma_start3A_212, %dma_start3A_213] : memref<10240x64xf32, #tpu.memory_space<vmem_shared>> -> memref<10240x64xf32, #tpu.memory_space<vmem_shared>>
      tpu.enqueue_indirect_dma source(%dma_start3A_208 : memref<100x64xf32, #tpu.memory_space<vmem>>) target(%dma_start3A_214 : memref<10240x64xf32, #tpu.memory_space<vmem_shared>>) offsets(%dma_start3A_211 : memref<100xi32, #tpu.memory_space<vmem>>) semaphore(%arg14 : memref<!tpu.dma_semaphore, #tpu.memory_space<semaphore_mem>>) {add = true}
      %dma_start3A_215 = arith.constant 0 : i32
      %dma_start3A_216 = arith.constant 2 : i32
      %dma_start3A_217 = arith.constant 0 : i32
      %dma_start3A_218 = arith.constant 2 : i32
      %dma_start3A_219 = arith.constant 0 : i32
      %dma_start3A_220 = arith.constant 0 : i32
      %dma_start3A_221 = tpu.memref_slice %arg10[%dma_start3A_215, %dma_start3A_216, %dma_start3A_219, %dma_start3A_220] : memref<2x5x100x64xf32, #tpu.memory_space<vmem>> -> memref<1x1x100x64xf32, #tpu.memory_space<vmem>>
      %dma_start3A_222 = tpu.memref_squeeze %dma_start3A_221 : memref<1x1x100x64xf32, #tpu.memory_space<vmem>> -> memref<100x64xf32, #tpu.memory_space<vmem>>
      %dma_start3A_223 = arith.constant 0 : i32
      %dma_start3A_224 = tpu.memref_slice %arg9[%dma_start3A_217, %dma_start3A_218, %dma_start3A_223] : memref<2x5x100xi32, #tpu.memory_space<vmem>> -> memref<1x1x100xi32, #tpu.memory_space<vmem>>
      %dma_start3A_225 = tpu.memref_squeeze %dma_start3A_224 : memref<1x1x100xi32, #tpu.memory_space<vmem>> -> memref<100xi32, #tpu.memory_space<vmem>>
      %dma_start3A_226 = arith.constant 0 : i32
      %dma_start3A_227 = arith.constant 0 : i32
      %dma_start3A_228 = tpu.memref_slice %arg11[%dma_start3A_226, %dma_start3A_227] : memref<10240x64xf32, #tpu.memory_space<vmem_shared>> -> memref<10240x64xf32, #tpu.memory_space<vmem_shared>>
      tpu.enqueue_indirect_dma source(%dma_start3A_222 : memref<100x64xf32, #tpu.memory_space<vmem>>) target(%dma_start3A_228 : memref<10240x64xf32, #tpu.memory_space<vmem_shared>>) offsets(%dma_start3A_225 : memref<100xi32, #tpu.memory_space<vmem>>) semaphore(%arg14 : memref<!tpu.dma_semaphore, #tpu.memory_space<semaphore_mem>>) {add = true}
      %dma_start3A_229 = arith.constant 0 : i32
      %dma_start3A_230 = arith.constant 3 : i32
      %dma_start3A_231 = arith.constant 0 : i32
      %dma_start3A_232 = arith.constant 3 : i32
      %dma_start3A_233 = arith.constant 0 : i32
      %dma_start3A_234 = arith.constant 0 : i32
      %dma_start3A_235 = tpu.memref_slice %arg10[%dma_start3A_229, %dma_start3A_230, %dma_start3A_233, %dma_start3A_234] : memref<2x5x100x64xf32, #tpu.memory_space<vmem>> -> memref<1x1x100x64xf32, #tpu.memory_space<vmem>>
      %dma_start3A_236 = tpu.memref_squeeze %dma_start3A_235 : memref<1x1x100x64xf32, #tpu.memory_space<vmem>> -> memref<100x64xf32, #tpu.memory_space<vmem>>
      %dma_start3A_237 = arith.constant 0 : i32
      %dma_start3A_238 = tpu.memref_slice %arg9[%dma_start3A_231, %dma_start3A_232, %dma_start3A_237] : memref<2x5x100xi32, #tpu.memory_space<vmem>> -> memref<1x1x100xi32, #tpu.memory_space<vmem>>
      %dma_start3A_239 = tpu.memref_squeeze %dma_start3A_238 : memref<1x1x100xi32, #tpu.memory_space<vmem>> -> memref<100xi32, #tpu.memory_space<vmem>>
      %dma_start3A_240 = arith.constant 0 : i32
      %dma_start3A_241 = arith.constant 0 : i32
      %dma_start3A_242 = tpu.memref_slice %arg11[%dma_start3A_240, %dma_start3A_241] : memref<10240x64xf32, #tpu.memory_space<vmem_shared>> -> memref<10240x64xf32, #tpu.memory_space<vmem_shared>>
      tpu.enqueue_indirect_dma source(%dma_start3A_236 : memref<100x64xf32, #tpu.memory_space<vmem>>) target(%dma_start3A_242 : memref<10240x64xf32, #tpu.memory_space<vmem_shared>>) offsets(%dma_start3A_239 : memref<100xi32, #tpu.memory_space<vmem>>) semaphore(%arg14 : memref<!tpu.dma_semaphore, #tpu.memory_space<semaphore_mem>>) {add = true}
      %dma_start3A_243 = arith.constant 0 : i32
      %dma_start3A_244 = arith.constant 4 : i32
      %dma_start3A_245 = arith.constant 0 : i32
      %dma_start3A_246 = arith.constant 4 : i32
      %dma_start3A_247 = arith.constant 0 : i32
      %dma_start3A_248 = arith.constant 0 : i32
      %dma_start3A_249 = tpu.memref_slice %arg10[%dma_start3A_243, %dma_start3A_244, %dma_start3A_247, %dma_start3A_248] : memref<2x5x100x64xf32, #tpu.memory_space<vmem>> -> memref<1x1x100x64xf32, #tpu.memory_space<vmem>>
      %dma_start3A_250 = tpu.memref_squeeze %dma_start3A_249 : memref<1x1x100x64xf32, #tpu.memory_space<vmem>> -> memref<100x64xf32, #tpu.memory_space<vmem>>
      %dma_start3A_251 = arith.constant 0 : i32
      %dma_start3A_252 = tpu.memref_slice %arg9[%dma_start3A_245, %dma_start3A_246, %dma_start3A_251] : memref<2x5x100xi32, #tpu.memory_space<vmem>> -> memref<1x1x100xi32, #tpu.memory_space<vmem>>
      %dma_start3A_253 = tpu.memref_squeeze %dma_start3A_252 : memref<1x1x100xi32, #tpu.memory_space<vmem>> -> memref<100xi32, #tpu.memory_space<vmem>>
      %dma_start3A_254 = arith.constant 0 : i32
      %dma_start3A_255 = arith.constant 0 : i32
      %dma_start3A_256 = tpu.memref_slice %arg11[%dma_start3A_254, %dma_start3A_255] : memref<10240x64xf32, #tpu.memory_space<vmem_shared>> -> memref<10240x64xf32, #tpu.memory_space<vmem_shared>>
      tpu.enqueue_indirect_dma source(%dma_start3A_250 : memref<100x64xf32, #tpu.memory_space<vmem>>) target(%dma_start3A_256 : memref<10240x64xf32, #tpu.memory_space<vmem_shared>>) offsets(%dma_start3A_253 : memref<100xi32, #tpu.memory_space<vmem>>) semaphore(%arg14 : memref<!tpu.dma_semaphore, #tpu.memory_space<semaphore_mem>>) {add = true}
      %mul3A_257 = arith.constant 2 : i32
      %mul3A_258 = arith.muli %mul3A_257, %scan3A_91 : i32
      %add3A_259 = arith.constant 1 : i32
      %add3A_260 = arith.addi %mul3A_258, %add3A_259 : i32
      %lt3A = arith.constant 9 : i32
      %lt3A_261 = arith.cmpi slt, %scan3A_91, %lt3A : i32
      %dma_wait3A_262 = arith.constant 0 : i32
      %dma_wait3A_263 = arith.constant 0 : i32
      %dma_wait3A_264 = arith.constant 0 : i32
      %dma_wait3A_265 = arith.constant 0 : i32
      %dma_wait3A_266 = tpu.memref_slice %arg10[%dma_wait3A_262, %dma_wait3A_263, %dma_wait3A_264, %dma_wait3A_265] : memref<2x5x100x64xf32, #tpu.memory_space<vmem>> -> memref<1x5x100x64xf32, #tpu.memory_space<vmem>>
      %dma_wait3A_267 = tpu.memref_squeeze %dma_wait3A_266 : memref<1x5x100x64xf32, #tpu.memory_space<vmem>> -> memref<5x100x64xf32, #tpu.memory_space<vmem>>
      %dma_wait3A_268 = arith.constant 0 : i32
      %dma_wait3A_269 = arith.constant 0 : i32
      %dma_wait3A_270 = arith.constant 0 : i32
      %dma_wait3A_271 = tpu.memref_slice %arg10[%dma_wait3A_262, %dma_wait3A_268, %dma_wait3A_269, %dma_wait3A_270] : memref<2x5x100x64xf32, #tpu.memory_space<vmem>> -> memref<1x5x100x64xf32, #tpu.memory_space<vmem>>
      %dma_wait3A_272 = tpu.memref_squeeze %dma_wait3A_271 : memref<1x5x100x64xf32, #tpu.memory_space<vmem>> -> memref<5x100x64xf32, #tpu.memory_space<vmem>>
      tpu.wait_dma2 semaphore(%arg14 : memref<!tpu.dma_semaphore, #tpu.memory_space<semaphore_mem>>) src(%arg6 : memref<5x100x64xf32, #tpu.memory_space<hbm>>) dst(%dma_wait3A_272 : memref<5x100x64xf32, #tpu.memory_space<vmem>>)
      %convert_element_type3A_273 = arith.extui %lt3A_261 : i1 to i32
      %cond3A_274 = arith.constant 0 : i32
      %cond3A_275 = arith.cmpi ne, %convert_element_type3A_273, %cond3A_274 : i32
      scf.if %cond3A_275 {
        %add3A_357 = arith.addi %mul3A_4, %add3A_260 : i32
        %add3A_358 = arith.constant 1 : i32
        %add3A_359 = arith.addi %add3A_357, %add3A_358 : i32
        %run_scoped3A_360 = arith.constant 0 : i32
        "tpu.region"() ({
          %run_scoped3A_437 = tpu.sem_alloc : memref<!tpu.dma_semaphore, #tpu.memory_space<semaphore_mem>>
          %dma_start3A_438 = arith.constant 0 : i32
          %dma_start3A_439 = arith.constant 0 : i32
          %dma_start3A_440 = tpu.memref_slice %arg8[%run_scoped3A_360, %dma_start3A_438, %dma_start3A_439] : memref<2x5x100xi32, #tpu.memory_space<vmem>> -> memref<1x5x100xi32, #tpu.memory_space<vmem>>
          %dma_start3A_441 = tpu.memref_squeeze %dma_start3A_440 : memref<1x5x100xi32, #tpu.memory_space<vmem>> -> memref<5x100xi32, #tpu.memory_space<vmem>>
          %dma_start3A_442 = arith.constant 0 : i32
          %dma_start3A_443 = arith.constant 0 : i32
          %dma_start3A_444 = tpu.memref_slice %arg3[%add3A_359, %dma_start3A_442, %dma_start3A_443] : memref<640x5x100xi32, #tpu.memory_space<hbm>> -> memref<1x5x100xi32, #tpu.memory_space<hbm>>
          %dma_start3A_445 = tpu.memref_squeeze %dma_start3A_444 : memref<1x5x100xi32, #tpu.memory_space<hbm>> -> memref<5x100xi32, #tpu.memory_space<hbm>>
          %dma_start3A_446 = arith.constant 0 : i32
          %dma_start3A_447 = arith.constant 0 : i32
          %dma_start3A_448 = tpu.memref_slice %arg8[%run_scoped3A_360, %dma_start3A_446, %dma_start3A_447] : memref<2x5x100xi32, #tpu.memory_space<vmem>> -> memref<1x5x100xi32, #tpu.memory_space<vmem>>
          %dma_start3A_449 = tpu.memref_squeeze %dma_start3A_448 : memref<1x5x100xi32, #tpu.memory_space<vmem>> -> memref<5x100xi32, #tpu.memory_space<vmem>>
          %dma_start3A_450 = arith.constant 0 : i32
          %dma_start3A_451 = arith.constant 0 : i32
          %dma_start3A_452 = tpu.memref_slice %arg3[%add3A_359, %dma_start3A_450, %dma_start3A_451] : memref<640x5x100xi32, #tpu.memory_space<hbm>> -> memref<1x5x100xi32, #tpu.memory_space<hbm>>
          %dma_start3A_453 = tpu.memref_squeeze %dma_start3A_452 : memref<1x5x100xi32, #tpu.memory_space<hbm>> -> memref<5x100xi32, #tpu.memory_space<hbm>>
          tpu.enqueue_dma source(%dma_start3A_453 : memref<5x100xi32, #tpu.memory_space<hbm>>) target(%dma_start3A_449 : memref<5x100xi32, #tpu.memory_space<vmem>>) target_semaphore(%run_scoped3A_437 : memref<!tpu.dma_semaphore, #tpu.memory_space<semaphore_mem>>)
          %dma_wait3A_454 = arith.constant 0 : i32
          %dma_wait3A_455 = arith.constant 0 : i32
          %dma_wait3A_456 = tpu.memref_slice %arg8[%run_scoped3A_360, %dma_wait3A_454, %dma_wait3A_455] : memref<2x5x100xi32, #tpu.memory_space<vmem>> -> memref<1x5x100xi32, #tpu.memory_space<vmem>>
          %dma_wait3A_457 = tpu.memref_squeeze %dma_wait3A_456 : memref<1x5x100xi32, #tpu.memory_space<vmem>> -> memref<5x100xi32, #tpu.memory_space<vmem>>
          %dma_wait3A_458 = arith.constant 0 : i32
          %dma_wait3A_459 = arith.constant 0 : i32
          %dma_wait3A_460 = tpu.memref_slice %arg3[%add3A_359, %dma_wait3A_458, %dma_wait3A_459] : memref<640x5x100xi32, #tpu.memory_space<hbm>> -> memref<1x5x100xi32, #tpu.memory_space<hbm>>
          %dma_wait3A_461 = tpu.memref_squeeze %dma_wait3A_460 : memref<1x5x100xi32, #tpu.memory_space<hbm>> -> memref<5x100xi32, #tpu.memory_space<hbm>>
          %dma_wait3A_462 = arith.constant 0 : i32
          %dma_wait3A_463 = arith.constant 0 : i32
          %dma_wait3A_464 = tpu.memref_slice %arg8[%run_scoped3A_360, %dma_wait3A_462, %dma_wait3A_463] : memref<2x5x100xi32, #tpu.memory_space<vmem>> -> memref<1x5x100xi32, #tpu.memory_space<vmem>>
          %dma_wait3A_465 = tpu.memref_squeeze %dma_wait3A_464 : memref<1x5x100xi32, #tpu.memory_space<vmem>> -> memref<5x100xi32, #tpu.memory_space<vmem>>
          %dma_wait3A_466 = arith.constant 0 : i32
          %dma_wait3A_467 = arith.constant 0 : i32
          %dma_wait3A_468 = tpu.memref_slice %arg3[%add3A_359, %dma_wait3A_466, %dma_wait3A_467] : memref<640x5x100xi32, #tpu.memory_space<hbm>> -> memref<1x5x100xi32, #tpu.memory_space<hbm>>
          %dma_wait3A_469 = tpu.memref_squeeze %dma_wait3A_468 : memref<1x5x100xi32, #tpu.memory_space<hbm>> -> memref<5x100xi32, #tpu.memory_space<hbm>>
          tpu.wait_dma2 semaphore(%run_scoped3A_437 : memref<!tpu.dma_semaphore, #tpu.memory_space<semaphore_mem>>) src(%dma_wait3A_469 : memref<5x100xi32, #tpu.memory_space<hbm>>) dst(%dma_wait3A_465 : memref<5x100xi32, #tpu.memory_space<vmem>>)
          tpu.yield
        }) : () -> ()
        %add3A_361 = arith.addi %mul3A_4, %add3A_260 : i32
        %add3A_362 = arith.constant 1 : i32
        %add3A_363 = arith.addi %add3A_361, %add3A_362 : i32
        %run_scoped3A_364 = arith.constant 0 : i32
        "tpu.region"() ({
          %run_scoped3A_437 = tpu.sem_alloc : memref<!tpu.dma_semaphore, #tpu.memory_space<semaphore_mem>>
          %dma_start3A_438 = arith.constant 0 : i32
          %dma_start3A_439 = arith.constant 0 : i32
          %dma_start3A_440 = tpu.memref_slice %arg9[%run_scoped3A_364, %dma_start3A_438, %dma_start3A_439] : memref<2x5x100xi32, #tpu.memory_space<vmem>> -> memref<1x5x100xi32, #tpu.memory_space<vmem>>
          %dma_start3A_441 = tpu.memref_squeeze %dma_start3A_440 : memref<1x5x100xi32, #tpu.memory_space<vmem>> -> memref<5x100xi32, #tpu.memory_space<vmem>>
          %dma_start3A_442 = arith.constant 0 : i32
          %dma_start3A_443 = arith.constant 0 : i32
          %dma_start3A_444 = tpu.memref_slice %arg4[%add3A_363, %dma_start3A_442, %dma_start3A_443] : memref<640x5x100xi32, #tpu.memory_space<hbm>> -> memref<1x5x100xi32, #tpu.memory_space<hbm>>
          %dma_start3A_445 = tpu.memref_squeeze %dma_start3A_444 : memref<1x5x100xi32, #tpu.memory_space<hbm>> -> memref<5x100xi32, #tpu.memory_space<hbm>>
          %dma_start3A_446 = arith.constant 0 : i32
          %dma_start3A_447 = arith.constant 0 : i32
          %dma_start3A_448 = tpu.memref_slice %arg9[%run_scoped3A_364, %dma_start3A_446, %dma_start3A_447] : memref<2x5x100xi32, #tpu.memory_space<vmem>> -> memref<1x5x100xi32, #tpu.memory_space<vmem>>
          %dma_start3A_449 = tpu.memref_squeeze %dma_start3A_448 : memref<1x5x100xi32, #tpu.memory_space<vmem>> -> memref<5x100xi32, #tpu.memory_space<vmem>>
          %dma_start3A_450 = arith.constant 0 : i32
          %dma_start3A_451 = arith.constant 0 : i32
          %dma_start3A_452 = tpu.memref_slice %arg4[%add3A_363, %dma_start3A_450, %dma_start3A_451] : memref<640x5x100xi32, #tpu.memory_space<hbm>> -> memref<1x5x100xi32, #tpu.memory_space<hbm>>
          %dma_start3A_453 = tpu.memref_squeeze %dma_start3A_452 : memref<1x5x100xi32, #tpu.memory_space<hbm>> -> memref<5x100xi32, #tpu.memory_space<hbm>>
          tpu.enqueue_dma source(%dma_start3A_453 : memref<5x100xi32, #tpu.memory_space<hbm>>) target(%dma_start3A_449 : memref<5x100xi32, #tpu.memory_space<vmem>>) target_semaphore(%run_scoped3A_437 : memref<!tpu.dma_semaphore, #tpu.memory_space<semaphore_mem>>)
          %dma_wait3A_454 = arith.constant 0 : i32
          %dma_wait3A_455 = arith.constant 0 : i32
          %dma_wait3A_456 = tpu.memref_slice %arg9[%run_scoped3A_364, %dma_wait3A_454, %dma_wait3A_455] : memref<2x5x100xi32, #tpu.memory_space<vmem>> -> memref<1x5x100xi32, #tpu.memory_space<vmem>>
          %dma_wait3A_457 = tpu.memref_squeeze %dma_wait3A_456 : memref<1x5x100xi32, #tpu.memory_space<vmem>> -> memref<5x100xi32, #tpu.memory_space<vmem>>
          %dma_wait3A_458 = arith.constant 0 : i32
          %dma_wait3A_459 = arith.constant 0 : i32
          %dma_wait3A_460 = tpu.memref_slice %arg4[%add3A_363, %dma_wait3A_458, %dma_wait3A_459] : memref<640x5x100xi32, #tpu.memory_space<hbm>> -> memref<1x5x100xi32, #tpu.memory_space<hbm>>
          %dma_wait3A_461 = tpu.memref_squeeze %dma_wait3A_460 : memref<1x5x100xi32, #tpu.memory_space<hbm>> -> memref<5x100xi32, #tpu.memory_space<hbm>>
          %dma_wait3A_462 = arith.constant 0 : i32
          %dma_wait3A_463 = arith.constant 0 : i32
          %dma_wait3A_464 = tpu.memref_slice %arg9[%run_scoped3A_364, %dma_wait3A_462, %dma_wait3A_463] : memref<2x5x100xi32, #tpu.memory_space<vmem>> -> memref<1x5x100xi32, #tpu.memory_space<vmem>>
          %dma_wait3A_465 = tpu.memref_squeeze %dma_wait3A_464 : memref<1x5x100xi32, #tpu.memory_space<vmem>> -> memref<5x100xi32, #tpu.memory_space<vmem>>
          %dma_wait3A_466 = arith.constant 0 : i32
          %dma_wait3A_467 = arith.constant 0 : i32
          %dma_wait3A_468 = tpu.memref_slice %arg4[%add3A_363, %dma_wait3A_466, %dma_wait3A_467] : memref<640x5x100xi32, #tpu.memory_space<hbm>> -> memref<1x5x100xi32, #tpu.memory_space<hbm>>
          %dma_wait3A_469 = tpu.memref_squeeze %dma_wait3A_468 : memref<1x5x100xi32, #tpu.memory_space<hbm>> -> memref<5x100xi32, #tpu.memory_space<hbm>>
          tpu.wait_dma2 semaphore(%run_scoped3A_437 : memref<!tpu.dma_semaphore, #tpu.memory_space<semaphore_mem>>) src(%dma_wait3A_469 : memref<5x100xi32, #tpu.memory_space<hbm>>) dst(%dma_wait3A_465 : memref<5x100xi32, #tpu.memory_space<vmem>>)
          tpu.yield
        }) : () -> ()
        %add3A_365 = arith.constant 1 : i32
        %add3A_366 = arith.addi %add3A_260, %add3A_365 : i32
        %dma_start3A_367 = arith.constant 0 : i32
        %dma_start3A_368 = arith.constant 0 : i32
        %dma_start3A_369 = arith.constant 0 : i32
        %dma_start3A_370 = arith.constant 0 : i32
        %dma_start3A_371 = arith.constant 0 : i32
        %dma_start3A_372 = arith.constant 0 : i32
        %dma_start3A_373 = tpu.memref_slice %arg10[%dma_start3A_369, %dma_start3A_370, %dma_start3A_371, %dma_start3A_372] : memref<2x5x100x64xf32, #tpu.memory_space<vmem>> -> memref<1x1x100x64xf32, #tpu.memory_space<vmem>>
        %dma_start3A_374 = tpu.memref_squeeze %dma_start3A_373 : memref<1x1x100x64xf32, #tpu.memory_space<vmem>> -> memref<100x64xf32, #tpu.memory_space<vmem>>
        %dma_start3A_375 = arith.constant 0 : i32
        %dma_start3A_376 = tpu.memref_slice %arg8[%dma_start3A_367, %dma_start3A_368, %dma_start3A_375] : memref<2x5x100xi32, #tpu.memory_space<vmem>> -> memref<1x1x100xi32, #tpu.memory_space<vmem>>
        %dma_start3A_377 = tpu.memref_squeeze %dma_start3A_376 : memref<1x1x100xi32, #tpu.memory_space<vmem>> -> memref<100xi32, #tpu.memory_space<vmem>>
        %dma_start3A_378 = arith.constant 0 : i32
        %dma_start3A_379 = arith.constant 0 : i32
        %dma_start3A_380 = tpu.memref_slice %arg2[%dma_start3A_378, %dma_start3A_379] : memref<10000x64xf32, #tpu.memory_space<hbm>> -> memref<10000x64xf32, #tpu.memory_space<hbm>>
        tpu.enqueue_indirect_dma source(%dma_start3A_380 : memref<10000x64xf32, #tpu.memory_space<hbm>>) target(%dma_start3A_374 : memref<100x64xf32, #tpu.memory_space<vmem>>) offsets(%dma_start3A_377 : memref<100xi32, #tpu.memory_space<vmem>>) semaphore(%arg12 : memref<!tpu.dma_semaphore, #tpu.memory_space<semaphore_mem>>)
        %dma_start3A_381 = arith.constant 0 : i32
        %dma_start3A_382 = arith.constant 1 : i32
        %dma_start3A_383 = arith.constant 0 : i32
        %dma_start3A_384 = arith.constant 1 : i32
        %dma_start3A_385 = arith.constant 0 : i32
        %dma_start3A_386 = arith.constant 0 : i32
        %dma_start3A_387 = tpu.memref_slice %arg10[%dma_start3A_383, %dma_start3A_384, %dma_start3A_385, %dma_start3A_386] : memref<2x5x100x64xf32, #tpu.memory_space<vmem>> -> memref<1x1x100x64xf32, #tpu.memory_space<vmem>>
        %dma_start3A_388 = tpu.memref_squeeze %dma_start3A_387 : memref<1x1x100x64xf32, #tpu.memory_space<vmem>> -> memref<100x64xf32, #tpu.memory_space<vmem>>
        %dma_start3A_389 = arith.constant 0 : i32
        %dma_start3A_390 = tpu.memref_slice %arg8[%dma_start3A_381, %dma_start3A_382, %dma_start3A_389] : memref<2x5x100xi32, #tpu.memory_space<vmem>> -> memref<1x1x100xi32, #tpu.memory_space<vmem>>
        %dma_start3A_391 = tpu.memref_squeeze %dma_start3A_390 : memref<1x1x100xi32, #tpu.memory_space<vmem>> -> memref<100xi32, #tpu.memory_space<vmem>>
        %dma_start3A_392 = arith.constant 0 : i32
        %dma_start3A_393 = arith.constant 0 : i32
        %dma_start3A_394 = tpu.memref_slice %arg2[%dma_start3A_392, %dma_start3A_393] : memref<10000x64xf32, #tpu.memory_space<hbm>> -> memref<10000x64xf32, #tpu.memory_space<hbm>>
        tpu.enqueue_indirect_dma source(%dma_start3A_394 : memref<10000x64xf32, #tpu.memory_space<hbm>>) target(%dma_start3A_388 : memref<100x64xf32, #tpu.memory_space<vmem>>) offsets(%dma_start3A_391 : memref<100xi32, #tpu.memory_space<vmem>>) semaphore(%arg12 : memref<!tpu.dma_semaphore, #tpu.memory_space<semaphore_mem>>)
        %dma_start3A_395 = arith.constant 0 : i32
        %dma_start3A_396 = arith.constant 2 : i32
        %dma_start3A_397 = arith.constant 0 : i32
        %dma_start3A_398 = arith.constant 2 : i32
        %dma_start3A_399 = arith.constant 0 : i32
        %dma_start3A_400 = arith.constant 0 : i32
        %dma_start3A_401 = tpu.memref_slice %arg10[%dma_start3A_397, %dma_start3A_398, %dma_start3A_399, %dma_start3A_400] : memref<2x5x100x64xf32, #tpu.memory_space<vmem>> -> memref<1x1x100x64xf32, #tpu.memory_space<vmem>>
        %dma_start3A_402 = tpu.memref_squeeze %dma_start3A_401 : memref<1x1x100x64xf32, #tpu.memory_space<vmem>> -> memref<100x64xf32, #tpu.memory_space<vmem>>
        %dma_start3A_403 = arith.constant 0 : i32
        %dma_start3A_404 = tpu.memref_slice %arg8[%dma_start3A_395, %dma_start3A_396, %dma_start3A_403] : memref<2x5x100xi32, #tpu.memory_space<vmem>> -> memref<1x1x100xi32, #tpu.memory_space<vmem>>
        %dma_start3A_405 = tpu.memref_squeeze %dma_start3A_404 : memref<1x1x100xi32, #tpu.memory_space<vmem>> -> memref<100xi32, #tpu.memory_space<vmem>>
        %dma_start3A_406 = arith.constant 0 : i32
        %dma_start3A_407 = arith.constant 0 : i32
        %dma_start3A_408 = tpu.memref_slice %arg2[%dma_start3A_406, %dma_start3A_407] : memref<10000x64xf32, #tpu.memory_space<hbm>> -> memref<10000x64xf32, #tpu.memory_space<hbm>>
        tpu.enqueue_indirect_dma source(%dma_start3A_408 : memref<10000x64xf32, #tpu.memory_space<hbm>>) target(%dma_start3A_402 : memref<100x64xf32, #tpu.memory_space<vmem>>) offsets(%dma_start3A_405 : memref<100xi32, #tpu.memory_space<vmem>>) semaphore(%arg12 : memref<!tpu.dma_semaphore, #tpu.memory_space<semaphore_mem>>)
        %dma_start3A_409 = arith.constant 0 : i32
        %dma_start3A_410 = arith.constant 3 : i32
        %dma_start3A_411 = arith.constant 0 : i32
        %dma_start3A_412 = arith.constant 3 : i32
        %dma_start3A_413 = arith.constant 0 : i32
        %dma_start3A_414 = arith.constant 0 : i32
        %dma_start3A_415 = tpu.memref_slice %arg10[%dma_start3A_411, %dma_start3A_412, %dma_start3A_413, %dma_start3A_414] : memref<2x5x100x64xf32, #tpu.memory_space<vmem>> -> memref<1x1x100x64xf32, #tpu.memory_space<vmem>>
        %dma_start3A_416 = tpu.memref_squeeze %dma_start3A_415 : memref<1x1x100x64xf32, #tpu.memory_space<vmem>> -> memref<100x64xf32, #tpu.memory_space<vmem>>
        %dma_start3A_417 = arith.constant 0 : i32
        %dma_start3A_418 = tpu.memref_slice %arg8[%dma_start3A_409, %dma_start3A_410, %dma_start3A_417] : memref<2x5x100xi32, #tpu.memory_space<vmem>> -> memref<1x1x100xi32, #tpu.memory_space<vmem>>
        %dma_start3A_419 = tpu.memref_squeeze %dma_start3A_418 : memref<1x1x100xi32, #tpu.memory_space<vmem>> -> memref<100xi32, #tpu.memory_space<vmem>>
        %dma_start3A_420 = arith.constant 0 : i32
        %dma_start3A_421 = arith.constant 0 : i32
        %dma_start3A_422 = tpu.memref_slice %arg2[%dma_start3A_420, %dma_start3A_421] : memref<10000x64xf32, #tpu.memory_space<hbm>> -> memref<10000x64xf32, #tpu.memory_space<hbm>>
        tpu.enqueue_indirect_dma source(%dma_start3A_422 : memref<10000x64xf32, #tpu.memory_space<hbm>>) target(%dma_start3A_416 : memref<100x64xf32, #tpu.memory_space<vmem>>) offsets(%dma_start3A_419 : memref<100xi32, #tpu.memory_space<vmem>>) semaphore(%arg12 : memref<!tpu.dma_semaphore, #tpu.memory_space<semaphore_mem>>)
        %dma_start3A_423 = arith.constant 0 : i32
        %dma_start3A_424 = arith.constant 4 : i32
        %dma_start3A_425 = arith.constant 0 : i32
        %dma_start3A_426 = arith.constant 4 : i32
        %dma_start3A_427 = arith.constant 0 : i32
        %dma_start3A_428 = arith.constant 0 : i32
        %dma_start3A_429 = tpu.memref_slice %arg10[%dma_start3A_425, %dma_start3A_426, %dma_start3A_427, %dma_start3A_428] : memref<2x5x100x64xf32, #tpu.memory_space<vmem>> -> memref<1x1x100x64xf32, #tpu.memory_space<vmem>>
        %dma_start3A_430 = tpu.memref_squeeze %dma_start3A_429 : memref<1x1x100x64xf32, #tpu.memory_space<vmem>> -> memref<100x64xf32, #tpu.memory_space<vmem>>
        %dma_start3A_431 = arith.constant 0 : i32
        %dma_start3A_432 = tpu.memref_slice %arg8[%dma_start3A_423, %dma_start3A_424, %dma_start3A_431] : memref<2x5x100xi32, #tpu.memory_space<vmem>> -> memref<1x1x100xi32, #tpu.memory_space<vmem>>
        %dma_start3A_433 = tpu.memref_squeeze %dma_start3A_432 : memref<1x1x100xi32, #tpu.memory_space<vmem>> -> memref<100xi32, #tpu.memory_space<vmem>>
        %dma_start3A_434 = arith.constant 0 : i32
        %dma_start3A_435 = arith.constant 0 : i32
        %dma_start3A_436 = tpu.memref_slice %arg2[%dma_start3A_434, %dma_start3A_435] : memref<10000x64xf32, #tpu.memory_space<hbm>> -> memref<10000x64xf32, #tpu.memory_space<hbm>>
        tpu.enqueue_indirect_dma source(%dma_start3A_436 : memref<10000x64xf32, #tpu.memory_space<hbm>>) target(%dma_start3A_430 : memref<100x64xf32, #tpu.memory_space<vmem>>) offsets(%dma_start3A_433 : memref<100xi32, #tpu.memory_space<vmem>>) semaphore(%arg12 : memref<!tpu.dma_semaphore, #tpu.memory_space<semaphore_mem>>)
      } else {
      }
      %dma_wait3A_276 = arith.constant 1 : i32
      %dma_wait3A_277 = arith.constant 0 : i32
      %dma_wait3A_278 = arith.constant 0 : i32
      %dma_wait3A_279 = arith.constant 0 : i32
      %dma_wait3A_280 = tpu.memref_slice %arg10[%dma_wait3A_276, %dma_wait3A_277, %dma_wait3A_278, %dma_wait3A_279] : memref<2x5x100x64xf32, #tpu.memory_space<vmem>> -> memref<1x5x100x64xf32, #tpu.memory_space<vmem>>
      %dma_wait3A_281 = tpu.memref_squeeze %dma_wait3A_280 : memref<1x5x100x64xf32, #tpu.memory_space<vmem>> -> memref<5x100x64xf32, #tpu.memory_space<vmem>>
      %dma_wait3A_282 = arith.constant 0 : i32
      %dma_wait3A_283 = arith.constant 0 : i32
      %dma_wait3A_284 = arith.constant 0 : i32
      %dma_wait3A_285 = tpu.memref_slice %arg10[%dma_wait3A_276, %dma_wait3A_282, %dma_wait3A_283, %dma_wait3A_284] : memref<2x5x100x64xf32, #tpu.memory_space<vmem>> -> memref<1x5x100x64xf32, #tpu.memory_space<vmem>>
      %dma_wait3A_286 = tpu.memref_squeeze %dma_wait3A_285 : memref<1x5x100x64xf32, #tpu.memory_space<vmem>> -> memref<5x100x64xf32, #tpu.memory_space<vmem>>
      tpu.wait_dma2 semaphore(%arg13 : memref<!tpu.dma_semaphore, #tpu.memory_space<semaphore_mem>>) src(%arg6 : memref<5x100x64xf32, #tpu.memory_space<hbm>>) dst(%dma_wait3A_286 : memref<5x100x64xf32, #tpu.memory_space<vmem>>)
      %dma_start3A_287 = arith.constant 1 : i32
      %dma_start3A_288 = arith.constant 0 : i32
      %dma_start3A_289 = arith.constant 1 : i32
      %dma_start3A_290 = arith.constant 0 : i32
      %dma_start3A_291 = arith.constant 0 : i32
      %dma_start3A_292 = arith.constant 0 : i32
      %dma_start3A_293 = tpu.memref_slice %arg10[%dma_start3A_287, %dma_start3A_288, %dma_start3A_291, %dma_start3A_292] : memref<2x5x100x64xf32, #tpu.memory_space<vmem>> -> memref<1x1x100x64xf32, #tpu.memory_space<vmem>>
      %dma_start3A_294 = tpu.memref_squeeze %dma_start3A_293 : memref<1x1x100x64xf32, #tpu.memory_space<vmem>> -> memref<100x64xf32, #tpu.memory_space<vmem>>
      %dma_start3A_295 = arith.constant 0 : i32
      %dma_start3A_296 = tpu.memref_slice %arg9[%dma_start3A_289, %dma_start3A_290, %dma_start3A_295] : memref<2x5x100xi32, #tpu.memory_space<vmem>> -> memref<1x1x100xi32, #tpu.memory_space<vmem>>
      %dma_start3A_297 = tpu.memref_squeeze %dma_start3A_296 : memref<1x1x100xi32, #tpu.memory_space<vmem>> -> memref<100xi32, #tpu.memory_space<vmem>>
      %dma_start3A_298 = arith.constant 0 : i32
      %dma_start3A_299 = arith.constant 0 : i32
      %dma_start3A_300 = tpu.memref_slice %arg11[%dma_start3A_298, %dma_start3A_299] : memref<10240x64xf32, #tpu.memory_space<vmem_shared>> -> memref<10240x64xf32, #tpu.memory_space<vmem_shared>>
      tpu.enqueue_indirect_dma source(%dma_start3A_294 : memref<100x64xf32, #tpu.memory_space<vmem>>) target(%dma_start3A_300 : memref<10240x64xf32, #tpu.memory_space<vmem_shared>>) offsets(%dma_start3A_297 : memref<100xi32, #tpu.memory_space<vmem>>) semaphore(%arg15 : memref<!tpu.dma_semaphore, #tpu.memory_space<semaphore_mem>>) {add = true}
      %dma_start3A_301 = arith.constant 1 : i32
      %dma_start3A_302 = arith.constant 1 : i32
      %dma_start3A_303 = arith.constant 1 : i32
      %dma_start3A_304 = arith.constant 1 : i32
      %dma_start3A_305 = arith.constant 0 : i32
      %dma_start3A_306 = arith.constant 0 : i32
      %dma_start3A_307 = tpu.memref_slice %arg10[%dma_start3A_301, %dma_start3A_302, %dma_start3A_305, %dma_start3A_306] : memref<2x5x100x64xf32, #tpu.memory_space<vmem>> -> memref<1x1x100x64xf32, #tpu.memory_space<vmem>>
      %dma_start3A_308 = tpu.memref_squeeze %dma_start3A_307 : memref<1x1x100x64xf32, #tpu.memory_space<vmem>> -> memref<100x64xf32, #tpu.memory_space<vmem>>
      %dma_start3A_309 = arith.constant 0 : i32
      %dma_start3A_310 = tpu.memref_slice %arg9[%dma_start3A_303, %dma_start3A_304, %dma_start3A_309] : memref<2x5x100xi32, #tpu.memory_space<vmem>> -> memref<1x1x100xi32, #tpu.memory_space<vmem>>
      %dma_start3A_311 = tpu.memref_squeeze %dma_start3A_310 : memref<1x1x100xi32, #tpu.memory_space<vmem>> -> memref<100xi32, #tpu.memory_space<vmem>>
      %dma_start3A_312 = arith.constant 0 : i32
      %dma_start3A_313 = arith.constant 0 : i32
      %dma_start3A_314 = tpu.memref_slice %arg11[%dma_start3A_312, %dma_start3A_313] : memref<10240x64xf32, #tpu.memory_space<vmem_shared>> -> memref<10240x64xf32, #tpu.memory_space<vmem_shared>>
      tpu.enqueue_indirect_dma source(%dma_start3A_308 : memref<100x64xf32, #tpu.memory_space<vmem>>) target(%dma_start3A_314 : memref<10240x64xf32, #tpu.memory_space<vmem_shared>>) offsets(%dma_start3A_311 : memref<100xi32, #tpu.memory_space<vmem>>) semaphore(%arg15 : memref<!tpu.dma_semaphore, #tpu.memory_space<semaphore_mem>>) {add = true}
      %dma_start3A_315 = arith.constant 1 : i32
      %dma_start3A_316 = arith.constant 2 : i32
      %dma_start3A_317 = arith.constant 1 : i32
      %dma_start3A_318 = arith.constant 2 : i32
      %dma_start3A_319 = arith.constant 0 : i32
      %dma_start3A_320 = arith.constant 0 : i32
      %dma_start3A_321 = tpu.memref_slice %arg10[%dma_start3A_315, %dma_start3A_316, %dma_start3A_319, %dma_start3A_320] : memref<2x5x100x64xf32, #tpu.memory_space<vmem>> -> memref<1x1x100x64xf32, #tpu.memory_space<vmem>>
      %dma_start3A_322 = tpu.memref_squeeze %dma_start3A_321 : memref<1x1x100x64xf32, #tpu.memory_space<vmem>> -> memref<100x64xf32, #tpu.memory_space<vmem>>
      %dma_start3A_323 = arith.constant 0 : i32
      %dma_start3A_324 = tpu.memref_slice %arg9[%dma_start3A_317, %dma_start3A_318, %dma_start3A_323] : memref<2x5x100xi32, #tpu.memory_space<vmem>> -> memref<1x1x100xi32, #tpu.memory_space<vmem>>
      %dma_start3A_325 = tpu.memref_squeeze %dma_start3A_324 : memref<1x1x100xi32, #tpu.memory_space<vmem>> -> memref<100xi32, #tpu.memory_space<vmem>>
      %dma_start3A_326 = arith.constant 0 : i32
      %dma_start3A_327 = arith.constant 0 : i32
      %dma_start3A_328 = tpu.memref_slice %arg11[%dma_start3A_326, %dma_start3A_327] : memref<10240x64xf32, #tpu.memory_space<vmem_shared>> -> memref<10240x64xf32, #tpu.memory_space<vmem_shared>>
      tpu.enqueue_indirect_dma source(%dma_start3A_322 : memref<100x64xf32, #tpu.memory_space<vmem>>) target(%dma_start3A_328 : memref<10240x64xf32, #tpu.memory_space<vmem_shared>>) offsets(%dma_start3A_325 : memref<100xi32, #tpu.memory_space<vmem>>) semaphore(%arg15 : memref<!tpu.dma_semaphore, #tpu.memory_space<semaphore_mem>>) {add = true}
      %dma_start3A_329 = arith.constant 1 : i32
      %dma_start3A_330 = arith.constant 3 : i32
      %dma_start3A_331 = arith.constant 1 : i32
      %dma_start3A_332 = arith.constant 3 : i32
      %dma_start3A_333 = arith.constant 0 : i32
      %dma_start3A_334 = arith.constant 0 : i32
      %dma_start3A_335 = tpu.memref_slice %arg10[%dma_start3A_329, %dma_start3A_330, %dma_start3A_333, %dma_start3A_334] : memref<2x5x100x64xf32, #tpu.memory_space<vmem>> -> memref<1x1x100x64xf32, #tpu.memory_space<vmem>>
      %dma_start3A_336 = tpu.memref_squeeze %dma_start3A_335 : memref<1x1x100x64xf32, #tpu.memory_space<vmem>> -> memref<100x64xf32, #tpu.memory_space<vmem>>
      %dma_start3A_337 = arith.constant 0 : i32
      %dma_start3A_338 = tpu.memref_slice %arg9[%dma_start3A_331, %dma_start3A_332, %dma_start3A_337] : memref<2x5x100xi32, #tpu.memory_space<vmem>> -> memref<1x1x100xi32, #tpu.memory_space<vmem>>
      %dma_start3A_339 = tpu.memref_squeeze %dma_start3A_338 : memref<1x1x100xi32, #tpu.memory_space<vmem>> -> memref<100xi32, #tpu.memory_space<vmem>>
      %dma_start3A_340 = arith.constant 0 : i32
      %dma_start3A_341 = arith.constant 0 : i32
      %dma_start3A_342 = tpu.memref_slice %arg11[%dma_start3A_340, %dma_start3A_341] : memref<10240x64xf32, #tpu.memory_space<vmem_shared>> -> memref<10240x64xf32, #tpu.memory_space<vmem_shared>>
      tpu.enqueue_indirect_dma source(%dma_start3A_336 : memref<100x64xf32, #tpu.memory_space<vmem>>) target(%dma_start3A_342 : memref<10240x64xf32, #tpu.memory_space<vmem_shared>>) offsets(%dma_start3A_339 : memref<100xi32, #tpu.memory_space<vmem>>) semaphore(%arg15 : memref<!tpu.dma_semaphore, #tpu.memory_space<semaphore_mem>>) {add = true}
      %dma_start3A_343 = arith.constant 1 : i32
      %dma_start3A_344 = arith.constant 4 : i32
      %dma_start3A_345 = arith.constant 1 : i32
      %dma_start3A_346 = arith.constant 4 : i32
      %dma_start3A_347 = arith.constant 0 : i32
      %dma_start3A_348 = arith.constant 0 : i32
      %dma_start3A_349 = tpu.memref_slice %arg10[%dma_start3A_343, %dma_start3A_344, %dma_start3A_347, %dma_start3A_348] : memref<2x5x100x64xf32, #tpu.memory_space<vmem>> -> memref<1x1x100x64xf32, #tpu.memory_space<vmem>>
      %dma_start3A_350 = tpu.memref_squeeze %dma_start3A_349 : memref<1x1x100x64xf32, #tpu.memory_space<vmem>> -> memref<100x64xf32, #tpu.memory_space<vmem>>
      %dma_start3A_351 = arith.constant 0 : i32
      %dma_start3A_352 = tpu.memref_slice %arg9[%dma_start3A_345, %dma_start3A_346, %dma_start3A_351] : memref<2x5x100xi32, #tpu.memory_space<vmem>> -> memref<1x1x100xi32, #tpu.memory_space<vmem>>
      %dma_start3A_353 = tpu.memref_squeeze %dma_start3A_352 : memref<1x1x100xi32, #tpu.memory_space<vmem>> -> memref<100xi32, #tpu.memory_space<vmem>>
      %dma_start3A_354 = arith.constant 0 : i32
      %dma_start3A_355 = arith.constant 0 : i32
      %dma_start3A_356 = tpu.memref_slice %arg11[%dma_start3A_354, %dma_start3A_355] : memref<10240x64xf32, #tpu.memory_space<vmem_shared>> -> memref<10240x64xf32, #tpu.memory_space<vmem_shared>>
      tpu.enqueue_indirect_dma source(%dma_start3A_350 : memref<100x64xf32, #tpu.memory_space<vmem>>) target(%dma_start3A_356 : memref<10240x64xf32, #tpu.memory_space<vmem_shared>>) offsets(%dma_start3A_353 : memref<100xi32, #tpu.memory_space<vmem>>) semaphore(%arg15 : memref<!tpu.dma_semaphore, #tpu.memory_space<semaphore_mem>>) {add = true}
    }
    %scan3A_79 = arith.constant 10 : i32
    %dma_wait3A = arith.constant 1 : i32
    %dma_wait3A_80 = arith.constant 0 : i32
    %dma_wait3A_81 = arith.constant 0 : i32
    %dma_wait3A_82 = arith.constant 0 : i32
    %dma_wait3A_83 = tpu.memref_slice %arg10[%dma_wait3A, %dma_wait3A_80, %dma_wait3A_81, %dma_wait3A_82] : memref<2x5x100x64xf32, #tpu.memory_space<vmem>> -> memref<1x5x100x64xf32, #tpu.memory_space<vmem>>
    %dma_wait3A_84 = tpu.memref_squeeze %dma_wait3A_83 : memref<1x5x100x64xf32, #tpu.memory_space<vmem>> -> memref<5x100x64xf32, #tpu.memory_space<vmem>>
    %dma_wait3A_85 = arith.constant 0 : i32
    %dma_wait3A_86 = arith.constant 0 : i32
    %dma_wait3A_87 = arith.constant 0 : i32
    %dma_wait3A_88 = tpu.memref_slice %arg10[%dma_wait3A, %dma_wait3A_85, %dma_wait3A_86, %dma_wait3A_87] : memref<2x5x100x64xf32, #tpu.memory_space<vmem>> -> memref<1x5x100x64xf32, #tpu.memory_space<vmem>>
    %dma_wait3A_89 = tpu.memref_squeeze %dma_wait3A_88 : memref<1x5x100x64xf32, #tpu.memory_space<vmem>> -> memref<5x100x64xf32, #tpu.memory_space<vmem>>
    tpu.wait_dma2 semaphore(%arg15 : memref<!tpu.dma_semaphore, #tpu.memory_space<semaphore_mem>>) src(%arg6 : memref<5x100x64xf32, #tpu.memory_space<hbm>>) dst(%dma_wait3A_89 : memref<5x100x64xf32, #tpu.memory_space<vmem>>)
    %barrier3A_90 = arith.constant 0 : index
    tpu.barrier barrier_id(%barrier3A_90)
    "tpu.region"() ({
      %run_scoped3A_91 = tpu.sem_alloc : memref<!tpu.dma_semaphore, #tpu.memory_space<semaphore_mem>>
      %dma_start3A_92 = arith.constant 0 : i32
      %dma_start3A_93 = tpu.memref_slice %arg7[%arg0, %mul3A_0, %dma_start3A_92] : memref<2x10240x64xf32, #tpu.memory_space<hbm>> -> memref<1x640x64xf32, #tpu.memory_space<hbm>>
      %dma_start3A_94 = tpu.memref_squeeze %dma_start3A_93 : memref<1x640x64xf32, #tpu.memory_space<hbm>> -> memref<640x64xf32, #tpu.memory_space<hbm>>
      %dma_start3A_95 = arith.constant 0 : i32
      %dma_start3A_96 = tpu.memref_slice %arg11[%mul3A_0, %dma_start3A_95] : memref<10240x64xf32, #tpu.memory_space<vmem_shared>> -> memref<640x64xf32, #tpu.memory_space<vmem_shared>>
      tpu.enqueue_dma source(%dma_start3A_96 : memref<640x64xf32, #tpu.memory_space<vmem_shared>>) target(%dma_start3A_94 : memref<640x64xf32, #tpu.memory_space<hbm>>) target_semaphore(%run_scoped3A_91 : memref<!tpu.dma_semaphore, #tpu.memory_space<semaphore_mem>>)
      %dma_wait3A_97 = arith.constant 0 : i32
      %dma_wait3A_98 = tpu.memref_slice %arg7[%arg0, %mul3A_0, %dma_wait3A_97] : memref<2x10240x64xf32, #tpu.memory_space<hbm>> -> memref<1x640x64xf32, #tpu.memory_space<hbm>>
      %dma_wait3A_99 = tpu.memref_squeeze %dma_wait3A_98 : memref<1x640x64xf32, #tpu.memory_space<hbm>> -> memref<640x64xf32, #tpu.memory_space<hbm>>
      %dma_wait3A_100 = arith.constant 0 : i32
      %dma_wait3A_101 = tpu.memref_slice %arg11[%mul3A_0, %dma_wait3A_100] : memref<10240x64xf32, #tpu.memory_space<vmem_shared>> -> memref<640x64xf32, #tpu.memory_space<vmem_shared>>
      tpu.wait_dma2 semaphore(%run_scoped3A_91 : memref<!tpu.dma_semaphore, #tpu.memory_space<semaphore_mem>>) src(%dma_wait3A_101 : memref<640x64xf32, #tpu.memory_space<vmem_shared>>) dst(%dma_wait3A_99 : memref<640x64xf32, #tpu.memory_space<hbm>>)
      tpu.yield
    }) : () -> ()
    return
  }
}

#map = affine_map<(d0, d1) -> (0, 0)>
#map1 = affine_map<(d0, d1) -> (0, 0, 0)>
module attributes {stable_mosaic.version = 14 : i64} {
  func.func @body(%arg0: i32, %arg1: i32, %arg2: memref<10000x64xf32, #tpu.memory_space<hbm>>, %arg3: memref<10000x64xf32, #tpu.memory_space<hbm>>, %arg4: memref<640x5x100xi32, #tpu.memory_space<hbm>>, %arg5: memref<640x5x100xi32, #tpu.memory_space<hbm>>, %arg6: memref<10240x64xf32, #tpu.memory_space<hbm>>, %arg7: memref<5x100x64xf32, #tpu.memory_space<hbm>>, %arg8: memref<10240x8xf32, #tpu.memory_space<hbm>>, %arg9: memref<5x100x8xf32, #tpu.memory_space<hbm>>, %arg10: memref<2x10240x64xf32, #tpu.memory_space<hbm>>, %arg11: memref<2x10240x8xf32, #tpu.memory_space<hbm>>, %arg12: memref<2x5x100xi32, #tpu.memory_space<vmem>>, %arg13: memref<2x5x100xi32, #tpu.memory_space<vmem>>, %arg14: memref<2x5x100x64xf32, #tpu.memory_space<vmem>>, %arg15: memref<10240x64xf32, #tpu.memory_space<vmem_shared>>, %arg16: memref<!tpu.dma_semaphore, #tpu.memory_space<semaphore_mem>>, %arg17: memref<!tpu.dma_semaphore, #tpu.memory_space<semaphore_mem>>, %arg18: memref<!tpu.dma_semaphore, #tpu.memory_space<semaphore_mem>>, %arg19: memref<!tpu.dma_semaphore, #tpu.memory_space<semaphore_mem>>, %arg20: memref<5x100x8xf32, #tpu.memory_space<vmem>>, %arg21: memref<10240x8xf32, #tpu.memory_space<vmem_shared>>, %arg22: memref<!tpu.dma_semaphore, #tpu.memory_space<semaphore_mem>>) attributes {dimension_semantics = [#tpu.dimension_semantics<core_parallel>, #tpu.dimension_semantics<subcore_parallel>], iteration_bounds = array<i64: 2, 16>, scalar_prefetch = 0 : i64, scratch_operands = 11 : i64, tpu.core_type = #tpu.core_type<sc_vector_subcore>, window_params = [{transform_indices = #map}, {transform_indices = #map}, {transform_indices = #map1}, {transform_indices = #map1}, {transform_indices = #map}, {transform_indices = #map1}, {transform_indices = #map}, {transform_indices = #map1}, {transform_indices = #map1}, {transform_indices = #map1}]} {
    %mul3A = arith.constant 640 : i32
    %mul3A_0 = arith.muli %arg1, %mul3A : i32
    %mul3A_1 = arith.constant 40 : i32
    %mul3A_2 = arith.muli %arg1, %mul3A_1 : i32
    "tpu.region"() ({
      %run_scoped3A = tpu.sem_alloc : memref<!tpu.dma_semaphore, #tpu.memory_space<semaphore_mem>>
      %dma_start3A = arith.constant 0 : i32
      %dma_start3A_16 = tpu.memref_slice %arg15[%mul3A_0, %dma_start3A] : memref<10240x64xf32, #tpu.memory_space<vmem_shared>> -> memref<640x64xf32, #tpu.memory_space<vmem_shared>>
      %dma_start3A_17 = arith.constant 0 : i32
      %dma_start3A_18 = tpu.memref_slice %arg6[%mul3A_0, %dma_start3A_17] : memref<10240x64xf32, #tpu.memory_space<hbm>> -> memref<640x64xf32, #tpu.memory_space<hbm>>
      tpu.enqueue_dma source(%dma_start3A_18 : memref<640x64xf32, #tpu.memory_space<hbm>>) target(%dma_start3A_16 : memref<640x64xf32, #tpu.memory_space<vmem_shared>>) target_semaphore(%run_scoped3A : memref<!tpu.dma_semaphore, #tpu.memory_space<semaphore_mem>>)
      %dma_wait3A = arith.constant 0 : i32
      %dma_wait3A_19 = tpu.memref_slice %arg15[%mul3A_0, %dma_wait3A] : memref<10240x64xf32, #tpu.memory_space<vmem_shared>> -> memref<640x64xf32, #tpu.memory_space<vmem_shared>>
      %dma_wait3A_20 = arith.constant 0 : i32
      %dma_wait3A_21 = tpu.memref_slice %arg6[%mul3A_0, %dma_wait3A_20] : memref<10240x64xf32, #tpu.memory_space<hbm>> -> memref<640x64xf32, #tpu.memory_space<hbm>>
      tpu.wait_dma2 semaphore(%run_scoped3A : memref<!tpu.dma_semaphore, #tpu.memory_space<semaphore_mem>>) src(%dma_wait3A_21 : memref<640x64xf32, #tpu.memory_space<hbm>>) dst(%dma_wait3A_19 : memref<640x64xf32, #tpu.memory_space<vmem_shared>>)
      tpu.yield
    }) : () -> ()
    "tpu.region"() ({
      %run_scoped3A = tpu.sem_alloc : memref<!tpu.dma_semaphore, #tpu.memory_space<semaphore_mem>>
      %dma_start3A = arith.constant 0 : i32
      %dma_start3A_16 = tpu.memref_slice %arg21[%mul3A_0, %dma_start3A] : memref<10240x8xf32, #tpu.memory_space<vmem_shared>> -> memref<640x8xf32, #tpu.memory_space<vmem_shared>>
      %dma_start3A_17 = arith.constant 0 : i32
      %dma_start3A_18 = tpu.memref_slice %arg8[%mul3A_0, %dma_start3A_17] : memref<10240x8xf32, #tpu.memory_space<hbm>> -> memref<640x8xf32, #tpu.memory_space<hbm>>
      tpu.enqueue_dma source(%dma_start3A_18 : memref<640x8xf32, #tpu.memory_space<hbm>>) target(%dma_start3A_16 : memref<640x8xf32, #tpu.memory_space<vmem_shared>>) target_semaphore(%run_scoped3A : memref<!tpu.dma_semaphore, #tpu.memory_space<semaphore_mem>>)
      %dma_wait3A = arith.constant 0 : i32
      %dma_wait3A_19 = tpu.memref_slice %arg21[%mul3A_0, %dma_wait3A] : memref<10240x8xf32, #tpu.memory_space<vmem_shared>> -> memref<640x8xf32, #tpu.memory_space<vmem_shared>>
      %dma_wait3A_20 = arith.constant 0 : i32
      %dma_wait3A_21 = tpu.memref_slice %arg8[%mul3A_0, %dma_wait3A_20] : memref<10240x8xf32, #tpu.memory_space<hbm>> -> memref<640x8xf32, #tpu.memory_space<hbm>>
      tpu.wait_dma2 semaphore(%run_scoped3A : memref<!tpu.dma_semaphore, #tpu.memory_space<semaphore_mem>>) src(%dma_wait3A_21 : memref<640x8xf32, #tpu.memory_space<hbm>>) dst(%dma_wait3A_19 : memref<640x8xf32, #tpu.memory_space<vmem_shared>>)
      tpu.yield
    }) : () -> ()
    "tpu.region"() ({
      %run_scoped3A = tpu.sem_alloc : memref<!tpu.dma_semaphore, #tpu.memory_space<semaphore_mem>>
      tpu.enqueue_dma source(%arg9 : memref<5x100x8xf32, #tpu.memory_space<hbm>>) target(%arg20 : memref<5x100x8xf32, #tpu.memory_space<vmem>>) target_semaphore(%run_scoped3A : memref<!tpu.dma_semaphore, #tpu.memory_space<semaphore_mem>>)
      tpu.wait_dma2 semaphore(%run_scoped3A : memref<!tpu.dma_semaphore, #tpu.memory_space<semaphore_mem>>) src(%arg9 : memref<5x100x8xf32, #tpu.memory_space<hbm>>) dst(%arg20 : memref<5x100x8xf32, #tpu.memory_space<vmem>>)
      tpu.yield
    }) : () -> ()
    %barrier3A = arith.constant 0 : index
    tpu.barrier barrier_id(%barrier3A)
    %eq3A = arith.constant 0 : i32
    %eq3A_3 = arith.cmpi eq, %arg0, %eq3A : i32
    %convert_element_type3A = arith.extui %eq3A_3 : i1 to i32
    %cond3A = arith.constant 0 : i32
    %cond3A_4 = arith.cmpi ne, %convert_element_type3A, %cond3A : i32
    scf.if %cond3A_4 {
      %run_scoped3A = arith.constant 0 : i32
      "tpu.region"() ({
        %run_scoped3A_102 = tpu.sem_alloc : memref<!tpu.dma_semaphore, #tpu.memory_space<semaphore_mem>>
        %dma_start3A_103 = arith.constant 0 : i32
        %dma_start3A_104 = arith.constant 0 : i32
        %dma_start3A_105 = tpu.memref_slice %arg12[%run_scoped3A, %dma_start3A_103, %dma_start3A_104] : memref<2x5x100xi32, #tpu.memory_space<vmem>> -> memref<1x5x100xi32, #tpu.memory_space<vmem>>
        %dma_start3A_106 = tpu.memref_squeeze %dma_start3A_105 : memref<1x5x100xi32, #tpu.memory_space<vmem>> -> memref<5x100xi32, #tpu.memory_space<vmem>>
        %dma_start3A_107 = arith.constant 0 : i32
        %dma_start3A_108 = arith.constant 0 : i32
        %dma_start3A_109 = tpu.memref_slice %arg4[%mul3A_2, %dma_start3A_107, %dma_start3A_108] : memref<640x5x100xi32, #tpu.memory_space<hbm>> -> memref<1x5x100xi32, #tpu.memory_space<hbm>>
        %dma_start3A_110 = tpu.memref_squeeze %dma_start3A_109 : memref<1x5x100xi32, #tpu.memory_space<hbm>> -> memref<5x100xi32, #tpu.memory_space<hbm>>
        %dma_start3A_111 = arith.constant 0 : i32
        %dma_start3A_112 = arith.constant 0 : i32
        %dma_start3A_113 = tpu.memref_slice %arg12[%run_scoped3A, %dma_start3A_111, %dma_start3A_112] : memref<2x5x100xi32, #tpu.memory_space<vmem>> -> memref<1x5x100xi32, #tpu.memory_space<vmem>>
        %dma_start3A_114 = tpu.memref_squeeze %dma_start3A_113 : memref<1x5x100xi32, #tpu.memory_space<vmem>> -> memref<5x100xi32, #tpu.memory_space<vmem>>
        %dma_start3A_115 = arith.constant 0 : i32
        %dma_start3A_116 = arith.constant 0 : i32
        %dma_start3A_117 = tpu.memref_slice %arg4[%mul3A_2, %dma_start3A_115, %dma_start3A_116] : memref<640x5x100xi32, #tpu.memory_space<hbm>> -> memref<1x5x100xi32, #tpu.memory_space<hbm>>
        %dma_start3A_118 = tpu.memref_squeeze %dma_start3A_117 : memref<1x5x100xi32, #tpu.memory_space<hbm>> -> memref<5x100xi32, #tpu.memory_space<hbm>>
        tpu.enqueue_dma source(%dma_start3A_118 : memref<5x100xi32, #tpu.memory_space<hbm>>) target(%dma_start3A_114 : memref<5x100xi32, #tpu.memory_space<vmem>>) target_semaphore(%run_scoped3A_102 : memref<!tpu.dma_semaphore, #tpu.memory_space<semaphore_mem>>)
        %dma_wait3A_119 = arith.constant 0 : i32
        %dma_wait3A_120 = arith.constant 0 : i32
        %dma_wait3A_121 = tpu.memref_slice %arg12[%run_scoped3A, %dma_wait3A_119, %dma_wait3A_120] : memref<2x5x100xi32, #tpu.memory_space<vmem>> -> memref<1x5x100xi32, #tpu.memory_space<vmem>>
        %dma_wait3A_122 = tpu.memref_squeeze %dma_wait3A_121 : memref<1x5x100xi32, #tpu.memory_space<vmem>> -> memref<5x100xi32, #tpu.memory_space<vmem>>
        %dma_wait3A_123 = arith.constant 0 : i32
        %dma_wait3A_124 = arith.constant 0 : i32
        %dma_wait3A_125 = tpu.memref_slice %arg4[%mul3A_2, %dma_wait3A_123, %dma_wait3A_124] : memref<640x5x100xi32, #tpu.memory_space<hbm>> -> memref<1x5x100xi32, #tpu.memory_space<hbm>>
        %dma_wait3A_126 = tpu.memref_squeeze %dma_wait3A_125 : memref<1x5x100xi32, #tpu.memory_space<hbm>> -> memref<5x100xi32, #tpu.memory_space<hbm>>
        %dma_wait3A_127 = arith.constant 0 : i32
        %dma_wait3A_128 = arith.constant 0 : i32
        %dma_wait3A_129 = tpu.memref_slice %arg12[%run_scoped3A, %dma_wait3A_127, %dma_wait3A_128] : memref<2x5x100xi32, #tpu.memory_space<vmem>> -> memref<1x5x100xi32, #tpu.memory_space<vmem>>
        %dma_wait3A_130 = tpu.memref_squeeze %dma_wait3A_129 : memref<1x5x100xi32, #tpu.memory_space<vmem>> -> memref<5x100xi32, #tpu.memory_space<vmem>>
        %dma_wait3A_131 = arith.constant 0 : i32
        %dma_wait3A_132 = arith.constant 0 : i32
        %dma_wait3A_133 = tpu.memref_slice %arg4[%mul3A_2, %dma_wait3A_131, %dma_wait3A_132] : memref<640x5x100xi32, #tpu.memory_space<hbm>> -> memref<1x5x100xi32, #tpu.memory_space<hbm>>
        %dma_wait3A_134 = tpu.memref_squeeze %dma_wait3A_133 : memref<1x5x100xi32, #tpu.memory_space<hbm>> -> memref<5x100xi32, #tpu.memory_space<hbm>>
        tpu.wait_dma2 semaphore(%run_scoped3A_102 : memref<!tpu.dma_semaphore, #tpu.memory_space<semaphore_mem>>) src(%dma_wait3A_134 : memref<5x100xi32, #tpu.memory_space<hbm>>) dst(%dma_wait3A_130 : memref<5x100xi32, #tpu.memory_space<vmem>>)
        tpu.yield
      }) : () -> ()
      %run_scoped3A_16 = arith.constant 0 : i32
      "tpu.region"() ({
        %run_scoped3A_102 = tpu.sem_alloc : memref<!tpu.dma_semaphore, #tpu.memory_space<semaphore_mem>>
        %dma_start3A_103 = arith.constant 0 : i32
        %dma_start3A_104 = arith.constant 0 : i32
        %dma_start3A_105 = tpu.memref_slice %arg13[%run_scoped3A_16, %dma_start3A_103, %dma_start3A_104] : memref<2x5x100xi32, #tpu.memory_space<vmem>> -> memref<1x5x100xi32, #tpu.memory_space<vmem>>
        %dma_start3A_106 = tpu.memref_squeeze %dma_start3A_105 : memref<1x5x100xi32, #tpu.memory_space<vmem>> -> memref<5x100xi32, #tpu.memory_space<vmem>>
        %dma_start3A_107 = arith.constant 0 : i32
        %dma_start3A_108 = arith.constant 0 : i32
        %dma_start3A_109 = tpu.memref_slice %arg5[%mul3A_2, %dma_start3A_107, %dma_start3A_108] : memref<640x5x100xi32, #tpu.memory_space<hbm>> -> memref<1x5x100xi32, #tpu.memory_space<hbm>>
        %dma_start3A_110 = tpu.memref_squeeze %dma_start3A_109 : memref<1x5x100xi32, #tpu.memory_space<hbm>> -> memref<5x100xi32, #tpu.memory_space<hbm>>
        %dma_start3A_111 = arith.constant 0 : i32
        %dma_start3A_112 = arith.constant 0 : i32
        %dma_start3A_113 = tpu.memref_slice %arg13[%run_scoped3A_16, %dma_start3A_111, %dma_start3A_112] : memref<2x5x100xi32, #tpu.memory_space<vmem>> -> memref<1x5x100xi32, #tpu.memory_space<vmem>>
        %dma_start3A_114 = tpu.memref_squeeze %dma_start3A_113 : memref<1x5x100xi32, #tpu.memory_space<vmem>> -> memref<5x100xi32, #tpu.memory_space<vmem>>
        %dma_start3A_115 = arith.constant 0 : i32
        %dma_start3A_116 = arith.constant 0 : i32
        %dma_start3A_117 = tpu.memref_slice %arg5[%mul3A_2, %dma_start3A_115, %dma_start3A_116] : memref<640x5x100xi32, #tpu.memory_space<hbm>> -> memref<1x5x100xi32, #tpu.memory_space<hbm>>
        %dma_start3A_118 = tpu.memref_squeeze %dma_start3A_117 : memref<1x5x100xi32, #tpu.memory_space<hbm>> -> memref<5x100xi32, #tpu.memory_space<hbm>>
        tpu.enqueue_dma source(%dma_start3A_118 : memref<5x100xi32, #tpu.memory_space<hbm>>) target(%dma_start3A_114 : memref<5x100xi32, #tpu.memory_space<vmem>>) target_semaphore(%run_scoped3A_102 : memref<!tpu.dma_semaphore, #tpu.memory_space<semaphore_mem>>)
        %dma_wait3A_119 = arith.constant 0 : i32
        %dma_wait3A_120 = arith.constant 0 : i32
        %dma_wait3A_121 = tpu.memref_slice %arg13[%run_scoped3A_16, %dma_wait3A_119, %dma_wait3A_120] : memref<2x5x100xi32, #tpu.memory_space<vmem>> -> memref<1x5x100xi32, #tpu.memory_space<vmem>>
        %dma_wait3A_122 = tpu.memref_squeeze %dma_wait3A_121 : memref<1x5x100xi32, #tpu.memory_space<vmem>> -> memref<5x100xi32, #tpu.memory_space<vmem>>
        %dma_wait3A_123 = arith.constant 0 : i32
        %dma_wait3A_124 = arith.constant 0 : i32
        %dma_wait3A_125 = tpu.memref_slice %arg5[%mul3A_2, %dma_wait3A_123, %dma_wait3A_124] : memref<640x5x100xi32, #tpu.memory_space<hbm>> -> memref<1x5x100xi32, #tpu.memory_space<hbm>>
        %dma_wait3A_126 = tpu.memref_squeeze %dma_wait3A_125 : memref<1x5x100xi32, #tpu.memory_space<hbm>> -> memref<5x100xi32, #tpu.memory_space<hbm>>
        %dma_wait3A_127 = arith.constant 0 : i32
        %dma_wait3A_128 = arith.constant 0 : i32
        %dma_wait3A_129 = tpu.memref_slice %arg13[%run_scoped3A_16, %dma_wait3A_127, %dma_wait3A_128] : memref<2x5x100xi32, #tpu.memory_space<vmem>> -> memref<1x5x100xi32, #tpu.memory_space<vmem>>
        %dma_wait3A_130 = tpu.memref_squeeze %dma_wait3A_129 : memref<1x5x100xi32, #tpu.memory_space<vmem>> -> memref<5x100xi32, #tpu.memory_space<vmem>>
        %dma_wait3A_131 = arith.constant 0 : i32
        %dma_wait3A_132 = arith.constant 0 : i32
        %dma_wait3A_133 = tpu.memref_slice %arg5[%mul3A_2, %dma_wait3A_131, %dma_wait3A_132] : memref<640x5x100xi32, #tpu.memory_space<hbm>> -> memref<1x5x100xi32, #tpu.memory_space<hbm>>
        %dma_wait3A_134 = tpu.memref_squeeze %dma_wait3A_133 : memref<1x5x100xi32, #tpu.memory_space<hbm>> -> memref<5x100xi32, #tpu.memory_space<hbm>>
        tpu.wait_dma2 semaphore(%run_scoped3A_102 : memref<!tpu.dma_semaphore, #tpu.memory_space<semaphore_mem>>) src(%dma_wait3A_134 : memref<5x100xi32, #tpu.memory_space<hbm>>) dst(%dma_wait3A_130 : memref<5x100xi32, #tpu.memory_space<vmem>>)
        tpu.yield
      }) : () -> ()
      %dma_start3A = arith.constant 0 : i32
      %dma_start3A_17 = arith.constant 0 : i32
      %dma_start3A_18 = arith.constant 0 : i32
      %dma_start3A_19 = arith.constant 0 : i32
      %dma_start3A_20 = arith.constant 0 : i32
      %dma_start3A_21 = arith.constant 0 : i32
      %dma_start3A_22 = tpu.memref_slice %arg14[%dma_start3A_18, %dma_start3A_19, %dma_start3A_20, %dma_start3A_21] : memref<2x5x100x64xf32, #tpu.memory_space<vmem>> -> memref<1x1x100x64xf32, #tpu.memory_space<vmem>>
      %dma_start3A_23 = tpu.memref_squeeze %dma_start3A_22 : memref<1x1x100x64xf32, #tpu.memory_space<vmem>> -> memref<100x64xf32, #tpu.memory_space<vmem>>
      %dma_start3A_24 = arith.constant 0 : i32
      %dma_start3A_25 = tpu.memref_slice %arg12[%dma_start3A, %dma_start3A_17, %dma_start3A_24] : memref<2x5x100xi32, #tpu.memory_space<vmem>> -> memref<1x1x100xi32, #tpu.memory_space<vmem>>
      %dma_start3A_26 = tpu.memref_squeeze %dma_start3A_25 : memref<1x1x100xi32, #tpu.memory_space<vmem>> -> memref<100xi32, #tpu.memory_space<vmem>>
      %dma_start3A_27 = arith.constant 0 : i32
      %dma_start3A_28 = arith.constant 0 : i32
      %dma_start3A_29 = tpu.memref_slice %arg2[%dma_start3A_27, %dma_start3A_28] : memref<10000x64xf32, #tpu.memory_space<hbm>> -> memref<10000x64xf32, #tpu.memory_space<hbm>>
      tpu.enqueue_indirect_dma source(%dma_start3A_29 : memref<10000x64xf32, #tpu.memory_space<hbm>>) target(%dma_start3A_23 : memref<100x64xf32, #tpu.memory_space<vmem>>) offsets(%dma_start3A_26 : memref<100xi32, #tpu.memory_space<vmem>>) semaphore(%arg16 : memref<!tpu.dma_semaphore, #tpu.memory_space<semaphore_mem>>)
      %dma_start3A_30 = arith.constant 0 : i32
      %dma_start3A_31 = arith.constant 1 : i32
      %dma_start3A_32 = arith.constant 0 : i32
      %dma_start3A_33 = arith.constant 1 : i32
      %dma_start3A_34 = arith.constant 0 : i32
      %dma_start3A_35 = arith.constant 0 : i32
      %dma_start3A_36 = tpu.memref_slice %arg14[%dma_start3A_32, %dma_start3A_33, %dma_start3A_34, %dma_start3A_35] : memref<2x5x100x64xf32, #tpu.memory_space<vmem>> -> memref<1x1x100x64xf32, #tpu.memory_space<vmem>>
      %dma_start3A_37 = tpu.memref_squeeze %dma_start3A_36 : memref<1x1x100x64xf32, #tpu.memory_space<vmem>> -> memref<100x64xf32, #tpu.memory_space<vmem>>
      %dma_start3A_38 = arith.constant 0 : i32
      %dma_start3A_39 = tpu.memref_slice %arg12[%dma_start3A_30, %dma_start3A_31, %dma_start3A_38] : memref<2x5x100xi32, #tpu.memory_space<vmem>> -> memref<1x1x100xi32, #tpu.memory_space<vmem>>
      %dma_start3A_40 = tpu.memref_squeeze %dma_start3A_39 : memref<1x1x100xi32, #tpu.memory_space<vmem>> -> memref<100xi32, #tpu.memory_space<vmem>>
      %dma_start3A_41 = arith.constant 0 : i32
      %dma_start3A_42 = arith.constant 0 : i32
      %dma_start3A_43 = tpu.memref_slice %arg2[%dma_start3A_41, %dma_start3A_42] : memref<10000x64xf32, #tpu.memory_space<hbm>> -> memref<10000x64xf32, #tpu.memory_space<hbm>>
      tpu.enqueue_indirect_dma source(%dma_start3A_43 : memref<10000x64xf32, #tpu.memory_space<hbm>>) target(%dma_start3A_37 : memref<100x64xf32, #tpu.memory_space<vmem>>) offsets(%dma_start3A_40 : memref<100xi32, #tpu.memory_space<vmem>>) semaphore(%arg16 : memref<!tpu.dma_semaphore, #tpu.memory_space<semaphore_mem>>)
      %dma_start3A_44 = arith.constant 0 : i32
      %dma_start3A_45 = arith.constant 2 : i32
      %dma_start3A_46 = arith.constant 0 : i32
      %dma_start3A_47 = arith.constant 2 : i32
      %dma_start3A_48 = arith.constant 0 : i32
      %dma_start3A_49 = arith.constant 0 : i32
      %dma_start3A_50 = tpu.memref_slice %arg14[%dma_start3A_46, %dma_start3A_47, %dma_start3A_48, %dma_start3A_49] : memref<2x5x100x64xf32, #tpu.memory_space<vmem>> -> memref<1x1x100x64xf32, #tpu.memory_space<vmem>>
      %dma_start3A_51 = tpu.memref_squeeze %dma_start3A_50 : memref<1x1x100x64xf32, #tpu.memory_space<vmem>> -> memref<100x64xf32, #tpu.memory_space<vmem>>
      %dma_start3A_52 = arith.constant 0 : i32
      %dma_start3A_53 = tpu.memref_slice %arg12[%dma_start3A_44, %dma_start3A_45, %dma_start3A_52] : memref<2x5x100xi32, #tpu.memory_space<vmem>> -> memref<1x1x100xi32, #tpu.memory_space<vmem>>
      %dma_start3A_54 = tpu.memref_squeeze %dma_start3A_53 : memref<1x1x100xi32, #tpu.memory_space<vmem>> -> memref<100xi32, #tpu.memory_space<vmem>>
      %dma_start3A_55 = arith.constant 0 : i32
      %dma_start3A_56 = arith.constant 0 : i32
      %dma_start3A_57 = tpu.memref_slice %arg2[%dma_start3A_55, %dma_start3A_56] : memref<10000x64xf32, #tpu.memory_space<hbm>> -> memref<10000x64xf32, #tpu.memory_space<hbm>>
      tpu.enqueue_indirect_dma source(%dma_start3A_57 : memref<10000x64xf32, #tpu.memory_space<hbm>>) target(%dma_start3A_51 : memref<100x64xf32, #tpu.memory_space<vmem>>) offsets(%dma_start3A_54 : memref<100xi32, #tpu.memory_space<vmem>>) semaphore(%arg16 : memref<!tpu.dma_semaphore, #tpu.memory_space<semaphore_mem>>)
      %dma_start3A_58 = arith.constant 0 : i32
      %dma_start3A_59 = arith.constant 3 : i32
      %dma_start3A_60 = arith.constant 0 : i32
      %dma_start3A_61 = arith.constant 3 : i32
      %dma_start3A_62 = arith.constant 0 : i32
      %dma_start3A_63 = arith.constant 0 : i32
      %dma_start3A_64 = tpu.memref_slice %arg14[%dma_start3A_60, %dma_start3A_61, %dma_start3A_62, %dma_start3A_63] : memref<2x5x100x64xf32, #tpu.memory_space<vmem>> -> memref<1x1x100x64xf32, #tpu.memory_space<vmem>>
      %dma_start3A_65 = tpu.memref_squeeze %dma_start3A_64 : memref<1x1x100x64xf32, #tpu.memory_space<vmem>> -> memref<100x64xf32, #tpu.memory_space<vmem>>
      %dma_start3A_66 = arith.constant 0 : i32
      %dma_start3A_67 = tpu.memref_slice %arg12[%dma_start3A_58, %dma_start3A_59, %dma_start3A_66] : memref<2x5x100xi32, #tpu.memory_space<vmem>> -> memref<1x1x100xi32, #tpu.memory_space<vmem>>
      %dma_start3A_68 = tpu.memref_squeeze %dma_start3A_67 : memref<1x1x100xi32, #tpu.memory_space<vmem>> -> memref<100xi32, #tpu.memory_space<vmem>>
      %dma_start3A_69 = arith.constant 0 : i32
      %dma_start3A_70 = arith.constant 0 : i32
      %dma_start3A_71 = tpu.memref_slice %arg2[%dma_start3A_69, %dma_start3A_70] : memref<10000x64xf32, #tpu.memory_space<hbm>> -> memref<10000x64xf32, #tpu.memory_space<hbm>>
      tpu.enqueue_indirect_dma source(%dma_start3A_71 : memref<10000x64xf32, #tpu.memory_space<hbm>>) target(%dma_start3A_65 : memref<100x64xf32, #tpu.memory_space<vmem>>) offsets(%dma_start3A_68 : memref<100xi32, #tpu.memory_space<vmem>>) semaphore(%arg16 : memref<!tpu.dma_semaphore, #tpu.memory_space<semaphore_mem>>)
      %dma_start3A_72 = arith.constant 0 : i32
      %dma_start3A_73 = arith.constant 4 : i32
      %dma_start3A_74 = arith.constant 0 : i32
      %dma_start3A_75 = arith.constant 4 : i32
      %dma_start3A_76 = arith.constant 0 : i32
      %dma_start3A_77 = arith.constant 0 : i32
      %dma_start3A_78 = tpu.memref_slice %arg14[%dma_start3A_74, %dma_start3A_75, %dma_start3A_76, %dma_start3A_77] : memref<2x5x100x64xf32, #tpu.memory_space<vmem>> -> memref<1x1x100x64xf32, #tpu.memory_space<vmem>>
      %dma_start3A_79 = tpu.memref_squeeze %dma_start3A_78 : memref<1x1x100x64xf32, #tpu.memory_space<vmem>> -> memref<100x64xf32, #tpu.memory_space<vmem>>
      %dma_start3A_80 = arith.constant 0 : i32
      %dma_start3A_81 = tpu.memref_slice %arg12[%dma_start3A_72, %dma_start3A_73, %dma_start3A_80] : memref<2x5x100xi32, #tpu.memory_space<vmem>> -> memref<1x1x100xi32, #tpu.memory_space<vmem>>
      %dma_start3A_82 = tpu.memref_squeeze %dma_start3A_81 : memref<1x1x100xi32, #tpu.memory_space<vmem>> -> memref<100xi32, #tpu.memory_space<vmem>>
      %dma_start3A_83 = arith.constant 0 : i32
      %dma_start3A_84 = arith.constant 0 : i32
      %dma_start3A_85 = tpu.memref_slice %arg2[%dma_start3A_83, %dma_start3A_84] : memref<10000x64xf32, #tpu.memory_space<hbm>> -> memref<10000x64xf32, #tpu.memory_space<hbm>>
      tpu.enqueue_indirect_dma source(%dma_start3A_85 : memref<10000x64xf32, #tpu.memory_space<hbm>>) target(%dma_start3A_79 : memref<100x64xf32, #tpu.memory_space<vmem>>) offsets(%dma_start3A_82 : memref<100xi32, #tpu.memory_space<vmem>>) semaphore(%arg16 : memref<!tpu.dma_semaphore, #tpu.memory_space<semaphore_mem>>)
      %scan3A_86 = arith.constant 0 : i32
      %scan3A_87 = arith.constant 0 : i32
      %scan3A_88 = arith.constant 20 : i32
      %scan3A_89 = arith.addi %scan3A_87, %scan3A_88 : i32
      %scan3A_90 = arith.constant 1 : i32
      scf.for %scan3A_102 = %scan3A_87 to %scan3A_89 step %scan3A_90  : i32 {
        %mul3A_103 = arith.constant 2 : i32
        %mul3A_104 = arith.muli %mul3A_103, %scan3A_102 : i32
        %gt3A = arith.constant 0 : i32
        %gt3A_105 = arith.cmpi sgt, %scan3A_102, %gt3A : i32
        %convert_element_type3A_106 = arith.extui %gt3A_105 : i1 to i32
        %cond3A_107 = arith.constant 0 : i32
        %cond3A_108 = arith.cmpi ne, %convert_element_type3A_106, %cond3A_107 : i32
        scf.if %cond3A_108 {
          %dma_wait3A_499 = arith.constant 1 : i32
          %dma_wait3A_500 = arith.constant 0 : i32
          %dma_wait3A_501 = arith.constant 0 : i32
          %dma_wait3A_502 = arith.constant 0 : i32
          %dma_wait3A_503 = tpu.memref_slice %arg14[%dma_wait3A_499, %dma_wait3A_500, %dma_wait3A_501, %dma_wait3A_502] : memref<2x5x100x64xf32, #tpu.memory_space<vmem>> -> memref<1x5x100x64xf32, #tpu.memory_space<vmem>>
          %dma_wait3A_504 = tpu.memref_squeeze %dma_wait3A_503 : memref<1x5x100x64xf32, #tpu.memory_space<vmem>> -> memref<5x100x64xf32, #tpu.memory_space<vmem>>
          %dma_wait3A_505 = arith.constant 0 : i32
          %dma_wait3A_506 = arith.constant 0 : i32
          %dma_wait3A_507 = arith.constant 0 : i32
          %dma_wait3A_508 = tpu.memref_slice %arg14[%dma_wait3A_499, %dma_wait3A_505, %dma_wait3A_506, %dma_wait3A_507] : memref<2x5x100x64xf32, #tpu.memory_space<vmem>> -> memref<1x5x100x64xf32, #tpu.memory_space<vmem>>
          %dma_wait3A_509 = tpu.memref_squeeze %dma_wait3A_508 : memref<1x5x100x64xf32, #tpu.memory_space<vmem>> -> memref<5x100x64xf32, #tpu.memory_space<vmem>>
          tpu.wait_dma2 semaphore(%arg19 : memref<!tpu.dma_semaphore, #tpu.memory_space<semaphore_mem>>) src(%arg7 : memref<5x100x64xf32, #tpu.memory_space<hbm>>) dst(%dma_wait3A_509 : memref<5x100x64xf32, #tpu.memory_space<vmem>>)
        } else {
        }
        %add3A = arith.addi %mul3A_2, %mul3A_104 : i32
        %add3A_109 = arith.constant 1 : i32
        %add3A_110 = arith.addi %add3A, %add3A_109 : i32
        %run_scoped3A_111 = arith.constant 1 : i32
        "tpu.region"() ({
          %run_scoped3A_499 = tpu.sem_alloc : memref<!tpu.dma_semaphore, #tpu.memory_space<semaphore_mem>>
          %dma_start3A_500 = arith.constant 0 : i32
          %dma_start3A_501 = arith.constant 0 : i32
          %dma_start3A_502 = tpu.memref_slice %arg12[%run_scoped3A_111, %dma_start3A_500, %dma_start3A_501] : memref<2x5x100xi32, #tpu.memory_space<vmem>> -> memref<1x5x100xi32, #tpu.memory_space<vmem>>
          %dma_start3A_503 = tpu.memref_squeeze %dma_start3A_502 : memref<1x5x100xi32, #tpu.memory_space<vmem>> -> memref<5x100xi32, #tpu.memory_space<vmem>>
          %dma_start3A_504 = arith.constant 0 : i32
          %dma_start3A_505 = arith.constant 0 : i32
          %dma_start3A_506 = tpu.memref_slice %arg4[%add3A_110, %dma_start3A_504, %dma_start3A_505] : memref<640x5x100xi32, #tpu.memory_space<hbm>> -> memref<1x5x100xi32, #tpu.memory_space<hbm>>
          %dma_start3A_507 = tpu.memref_squeeze %dma_start3A_506 : memref<1x5x100xi32, #tpu.memory_space<hbm>> -> memref<5x100xi32, #tpu.memory_space<hbm>>
          %dma_start3A_508 = arith.constant 0 : i32
          %dma_start3A_509 = arith.constant 0 : i32
          %dma_start3A_510 = tpu.memref_slice %arg12[%run_scoped3A_111, %dma_start3A_508, %dma_start3A_509] : memref<2x5x100xi32, #tpu.memory_space<vmem>> -> memref<1x5x100xi32, #tpu.memory_space<vmem>>
          %dma_start3A_511 = tpu.memref_squeeze %dma_start3A_510 : memref<1x5x100xi32, #tpu.memory_space<vmem>> -> memref<5x100xi32, #tpu.memory_space<vmem>>
          %dma_start3A_512 = arith.constant 0 : i32
          %dma_start3A_513 = arith.constant 0 : i32
          %dma_start3A_514 = tpu.memref_slice %arg4[%add3A_110, %dma_start3A_512, %dma_start3A_513] : memref<640x5x100xi32, #tpu.memory_space<hbm>> -> memref<1x5x100xi32, #tpu.memory_space<hbm>>
          %dma_start3A_515 = tpu.memref_squeeze %dma_start3A_514 : memref<1x5x100xi32, #tpu.memory_space<hbm>> -> memref<5x100xi32, #tpu.memory_space<hbm>>
          tpu.enqueue_dma source(%dma_start3A_515 : memref<5x100xi32, #tpu.memory_space<hbm>>) target(%dma_start3A_511 : memref<5x100xi32, #tpu.memory_space<vmem>>) target_semaphore(%run_scoped3A_499 : memref<!tpu.dma_semaphore, #tpu.memory_space<semaphore_mem>>)
          %dma_wait3A_516 = arith.constant 0 : i32
          %dma_wait3A_517 = arith.constant 0 : i32
          %dma_wait3A_518 = tpu.memref_slice %arg12[%run_scoped3A_111, %dma_wait3A_516, %dma_wait3A_517] : memref<2x5x100xi32, #tpu.memory_space<vmem>> -> memref<1x5x100xi32, #tpu.memory_space<vmem>>
          %dma_wait3A_519 = tpu.memref_squeeze %dma_wait3A_518 : memref<1x5x100xi32, #tpu.memory_space<vmem>> -> memref<5x100xi32, #tpu.memory_space<vmem>>
          %dma_wait3A_520 = arith.constant 0 : i32
          %dma_wait3A_521 = arith.constant 0 : i32
          %dma_wait3A_522 = tpu.memref_slice %arg4[%add3A_110, %dma_wait3A_520, %dma_wait3A_521] : memref<640x5x100xi32, #tpu.memory_space<hbm>> -> memref<1x5x100xi32, #tpu.memory_space<hbm>>
          %dma_wait3A_523 = tpu.memref_squeeze %dma_wait3A_522 : memref<1x5x100xi32, #tpu.memory_space<hbm>> -> memref<5x100xi32, #tpu.memory_space<hbm>>
          %dma_wait3A_524 = arith.constant 0 : i32
          %dma_wait3A_525 = arith.constant 0 : i32
          %dma_wait3A_526 = tpu.memref_slice %arg12[%run_scoped3A_111, %dma_wait3A_524, %dma_wait3A_525] : memref<2x5x100xi32, #tpu.memory_space<vmem>> -> memref<1x5x100xi32, #tpu.memory_space<vmem>>
          %dma_wait3A_527 = tpu.memref_squeeze %dma_wait3A_526 : memref<1x5x100xi32, #tpu.memory_space<vmem>> -> memref<5x100xi32, #tpu.memory_space<vmem>>
          %dma_wait3A_528 = arith.constant 0 : i32
          %dma_wait3A_529 = arith.constant 0 : i32
          %dma_wait3A_530 = tpu.memref_slice %arg4[%add3A_110, %dma_wait3A_528, %dma_wait3A_529] : memref<640x5x100xi32, #tpu.memory_space<hbm>> -> memref<1x5x100xi32, #tpu.memory_space<hbm>>
          %dma_wait3A_531 = tpu.memref_squeeze %dma_wait3A_530 : memref<1x5x100xi32, #tpu.memory_space<hbm>> -> memref<5x100xi32, #tpu.memory_space<hbm>>
          tpu.wait_dma2 semaphore(%run_scoped3A_499 : memref<!tpu.dma_semaphore, #tpu.memory_space<semaphore_mem>>) src(%dma_wait3A_531 : memref<5x100xi32, #tpu.memory_space<hbm>>) dst(%dma_wait3A_527 : memref<5x100xi32, #tpu.memory_space<vmem>>)
          tpu.yield
        }) : () -> ()
        %add3A_112 = arith.addi %mul3A_2, %mul3A_104 : i32
        %add3A_113 = arith.constant 1 : i32
        %add3A_114 = arith.addi %add3A_112, %add3A_113 : i32
        %run_scoped3A_115 = arith.constant 1 : i32
        "tpu.region"() ({
          %run_scoped3A_499 = tpu.sem_alloc : memref<!tpu.dma_semaphore, #tpu.memory_space<semaphore_mem>>
          %dma_start3A_500 = arith.constant 0 : i32
          %dma_start3A_501 = arith.constant 0 : i32
          %dma_start3A_502 = tpu.memref_slice %arg13[%run_scoped3A_115, %dma_start3A_500, %dma_start3A_501] : memref<2x5x100xi32, #tpu.memory_space<vmem>> -> memref<1x5x100xi32, #tpu.memory_space<vmem>>
          %dma_start3A_503 = tpu.memref_squeeze %dma_start3A_502 : memref<1x5x100xi32, #tpu.memory_space<vmem>> -> memref<5x100xi32, #tpu.memory_space<vmem>>
          %dma_start3A_504 = arith.constant 0 : i32
          %dma_start3A_505 = arith.constant 0 : i32
          %dma_start3A_506 = tpu.memref_slice %arg5[%add3A_114, %dma_start3A_504, %dma_start3A_505] : memref<640x5x100xi32, #tpu.memory_space<hbm>> -> memref<1x5x100xi32, #tpu.memory_space<hbm>>
          %dma_start3A_507 = tpu.memref_squeeze %dma_start3A_506 : memref<1x5x100xi32, #tpu.memory_space<hbm>> -> memref<5x100xi32, #tpu.memory_space<hbm>>
          %dma_start3A_508 = arith.constant 0 : i32
          %dma_start3A_509 = arith.constant 0 : i32
          %dma_start3A_510 = tpu.memref_slice %arg13[%run_scoped3A_115, %dma_start3A_508, %dma_start3A_509] : memref<2x5x100xi32, #tpu.memory_space<vmem>> -> memref<1x5x100xi32, #tpu.memory_space<vmem>>
          %dma_start3A_511 = tpu.memref_squeeze %dma_start3A_510 : memref<1x5x100xi32, #tpu.memory_space<vmem>> -> memref<5x100xi32, #tpu.memory_space<vmem>>
          %dma_start3A_512 = arith.constant 0 : i32
          %dma_start3A_513 = arith.constant 0 : i32
          %dma_start3A_514 = tpu.memref_slice %arg5[%add3A_114, %dma_start3A_512, %dma_start3A_513] : memref<640x5x100xi32, #tpu.memory_space<hbm>> -> memref<1x5x100xi32, #tpu.memory_space<hbm>>
          %dma_start3A_515 = tpu.memref_squeeze %dma_start3A_514 : memref<1x5x100xi32, #tpu.memory_space<hbm>> -> memref<5x100xi32, #tpu.memory_space<hbm>>
          tpu.enqueue_dma source(%dma_start3A_515 : memref<5x100xi32, #tpu.memory_space<hbm>>) target(%dma_start3A_511 : memref<5x100xi32, #tpu.memory_space<vmem>>) target_semaphore(%run_scoped3A_499 : memref<!tpu.dma_semaphore, #tpu.memory_space<semaphore_mem>>)
          %dma_wait3A_516 = arith.constant 0 : i32
          %dma_wait3A_517 = arith.constant 0 : i32
          %dma_wait3A_518 = tpu.memref_slice %arg13[%run_scoped3A_115, %dma_wait3A_516, %dma_wait3A_517] : memref<2x5x100xi32, #tpu.memory_space<vmem>> -> memref<1x5x100xi32, #tpu.memory_space<vmem>>
          %dma_wait3A_519 = tpu.memref_squeeze %dma_wait3A_518 : memref<1x5x100xi32, #tpu.memory_space<vmem>> -> memref<5x100xi32, #tpu.memory_space<vmem>>
          %dma_wait3A_520 = arith.constant 0 : i32
          %dma_wait3A_521 = arith.constant 0 : i32
          %dma_wait3A_522 = tpu.memref_slice %arg5[%add3A_114, %dma_wait3A_520, %dma_wait3A_521] : memref<640x5x100xi32, #tpu.memory_space<hbm>> -> memref<1x5x100xi32, #tpu.memory_space<hbm>>
          %dma_wait3A_523 = tpu.memref_squeeze %dma_wait3A_522 : memref<1x5x100xi32, #tpu.memory_space<hbm>> -> memref<5x100xi32, #tpu.memory_space<hbm>>
          %dma_wait3A_524 = arith.constant 0 : i32
          %dma_wait3A_525 = arith.constant 0 : i32
          %dma_wait3A_526 = tpu.memref_slice %arg13[%run_scoped3A_115, %dma_wait3A_524, %dma_wait3A_525] : memref<2x5x100xi32, #tpu.memory_space<vmem>> -> memref<1x5x100xi32, #tpu.memory_space<vmem>>
          %dma_wait3A_527 = tpu.memref_squeeze %dma_wait3A_526 : memref<1x5x100xi32, #tpu.memory_space<vmem>> -> memref<5x100xi32, #tpu.memory_space<vmem>>
          %dma_wait3A_528 = arith.constant 0 : i32
          %dma_wait3A_529 = arith.constant 0 : i32
          %dma_wait3A_530 = tpu.memref_slice %arg5[%add3A_114, %dma_wait3A_528, %dma_wait3A_529] : memref<640x5x100xi32, #tpu.memory_space<hbm>> -> memref<1x5x100xi32, #tpu.memory_space<hbm>>
          %dma_wait3A_531 = tpu.memref_squeeze %dma_wait3A_530 : memref<1x5x100xi32, #tpu.memory_space<hbm>> -> memref<5x100xi32, #tpu.memory_space<hbm>>
          tpu.wait_dma2 semaphore(%run_scoped3A_499 : memref<!tpu.dma_semaphore, #tpu.memory_space<semaphore_mem>>) src(%dma_wait3A_531 : memref<5x100xi32, #tpu.memory_space<hbm>>) dst(%dma_wait3A_527 : memref<5x100xi32, #tpu.memory_space<vmem>>)
          tpu.yield
        }) : () -> ()
        %add3A_116 = arith.constant 1 : i32
        %add3A_117 = arith.addi %mul3A_104, %add3A_116 : i32
        %dma_start3A_118 = arith.constant 1 : i32
        %dma_start3A_119 = arith.constant 0 : i32
        %dma_start3A_120 = arith.constant 1 : i32
        %dma_start3A_121 = arith.constant 0 : i32
        %dma_start3A_122 = arith.constant 0 : i32
        %dma_start3A_123 = arith.constant 0 : i32
        %dma_start3A_124 = tpu.memref_slice %arg14[%dma_start3A_120, %dma_start3A_121, %dma_start3A_122, %dma_start3A_123] : memref<2x5x100x64xf32, #tpu.memory_space<vmem>> -> memref<1x1x100x64xf32, #tpu.memory_space<vmem>>
        %dma_start3A_125 = tpu.memref_squeeze %dma_start3A_124 : memref<1x1x100x64xf32, #tpu.memory_space<vmem>> -> memref<100x64xf32, #tpu.memory_space<vmem>>
        %dma_start3A_126 = arith.constant 0 : i32
        %dma_start3A_127 = tpu.memref_slice %arg12[%dma_start3A_118, %dma_start3A_119, %dma_start3A_126] : memref<2x5x100xi32, #tpu.memory_space<vmem>> -> memref<1x1x100xi32, #tpu.memory_space<vmem>>
        %dma_start3A_128 = tpu.memref_squeeze %dma_start3A_127 : memref<1x1x100xi32, #tpu.memory_space<vmem>> -> memref<100xi32, #tpu.memory_space<vmem>>
        %dma_start3A_129 = arith.constant 0 : i32
        %dma_start3A_130 = arith.constant 0 : i32
        %dma_start3A_131 = tpu.memref_slice %arg2[%dma_start3A_129, %dma_start3A_130] : memref<10000x64xf32, #tpu.memory_space<hbm>> -> memref<10000x64xf32, #tpu.memory_space<hbm>>
        tpu.enqueue_indirect_dma source(%dma_start3A_131 : memref<10000x64xf32, #tpu.memory_space<hbm>>) target(%dma_start3A_125 : memref<100x64xf32, #tpu.memory_space<vmem>>) offsets(%dma_start3A_128 : memref<100xi32, #tpu.memory_space<vmem>>) semaphore(%arg17 : memref<!tpu.dma_semaphore, #tpu.memory_space<semaphore_mem>>)
        %dma_start3A_132 = arith.constant 1 : i32
        %dma_start3A_133 = arith.constant 1 : i32
        %dma_start3A_134 = arith.constant 1 : i32
        %dma_start3A_135 = arith.constant 1 : i32
        %dma_start3A_136 = arith.constant 0 : i32
        %dma_start3A_137 = arith.constant 0 : i32
        %dma_start3A_138 = tpu.memref_slice %arg14[%dma_start3A_134, %dma_start3A_135, %dma_start3A_136, %dma_start3A_137] : memref<2x5x100x64xf32, #tpu.memory_space<vmem>> -> memref<1x1x100x64xf32, #tpu.memory_space<vmem>>
        %dma_start3A_139 = tpu.memref_squeeze %dma_start3A_138 : memref<1x1x100x64xf32, #tpu.memory_space<vmem>> -> memref<100x64xf32, #tpu.memory_space<vmem>>
        %dma_start3A_140 = arith.constant 0 : i32
        %dma_start3A_141 = tpu.memref_slice %arg12[%dma_start3A_132, %dma_start3A_133, %dma_start3A_140] : memref<2x5x100xi32, #tpu.memory_space<vmem>> -> memref<1x1x100xi32, #tpu.memory_space<vmem>>
        %dma_start3A_142 = tpu.memref_squeeze %dma_start3A_141 : memref<1x1x100xi32, #tpu.memory_space<vmem>> -> memref<100xi32, #tpu.memory_space<vmem>>
        %dma_start3A_143 = arith.constant 0 : i32
        %dma_start3A_144 = arith.constant 0 : i32
        %dma_start3A_145 = tpu.memref_slice %arg2[%dma_start3A_143, %dma_start3A_144] : memref<10000x64xf32, #tpu.memory_space<hbm>> -> memref<10000x64xf32, #tpu.memory_space<hbm>>
        tpu.enqueue_indirect_dma source(%dma_start3A_145 : memref<10000x64xf32, #tpu.memory_space<hbm>>) target(%dma_start3A_139 : memref<100x64xf32, #tpu.memory_space<vmem>>) offsets(%dma_start3A_142 : memref<100xi32, #tpu.memory_space<vmem>>) semaphore(%arg17 : memref<!tpu.dma_semaphore, #tpu.memory_space<semaphore_mem>>)
        %dma_start3A_146 = arith.constant 1 : i32
        %dma_start3A_147 = arith.constant 2 : i32
        %dma_start3A_148 = arith.constant 1 : i32
        %dma_start3A_149 = arith.constant 2 : i32
        %dma_start3A_150 = arith.constant 0 : i32
        %dma_start3A_151 = arith.constant 0 : i32
        %dma_start3A_152 = tpu.memref_slice %arg14[%dma_start3A_148, %dma_start3A_149, %dma_start3A_150, %dma_start3A_151] : memref<2x5x100x64xf32, #tpu.memory_space<vmem>> -> memref<1x1x100x64xf32, #tpu.memory_space<vmem>>
        %dma_start3A_153 = tpu.memref_squeeze %dma_start3A_152 : memref<1x1x100x64xf32, #tpu.memory_space<vmem>> -> memref<100x64xf32, #tpu.memory_space<vmem>>
        %dma_start3A_154 = arith.constant 0 : i32
        %dma_start3A_155 = tpu.memref_slice %arg12[%dma_start3A_146, %dma_start3A_147, %dma_start3A_154] : memref<2x5x100xi32, #tpu.memory_space<vmem>> -> memref<1x1x100xi32, #tpu.memory_space<vmem>>
        %dma_start3A_156 = tpu.memref_squeeze %dma_start3A_155 : memref<1x1x100xi32, #tpu.memory_space<vmem>> -> memref<100xi32, #tpu.memory_space<vmem>>
        %dma_start3A_157 = arith.constant 0 : i32
        %dma_start3A_158 = arith.constant 0 : i32
        %dma_start3A_159 = tpu.memref_slice %arg2[%dma_start3A_157, %dma_start3A_158] : memref<10000x64xf32, #tpu.memory_space<hbm>> -> memref<10000x64xf32, #tpu.memory_space<hbm>>
        tpu.enqueue_indirect_dma source(%dma_start3A_159 : memref<10000x64xf32, #tpu.memory_space<hbm>>) target(%dma_start3A_153 : memref<100x64xf32, #tpu.memory_space<vmem>>) offsets(%dma_start3A_156 : memref<100xi32, #tpu.memory_space<vmem>>) semaphore(%arg17 : memref<!tpu.dma_semaphore, #tpu.memory_space<semaphore_mem>>)
        %dma_start3A_160 = arith.constant 1 : i32
        %dma_start3A_161 = arith.constant 3 : i32
        %dma_start3A_162 = arith.constant 1 : i32
        %dma_start3A_163 = arith.constant 3 : i32
        %dma_start3A_164 = arith.constant 0 : i32
        %dma_start3A_165 = arith.constant 0 : i32
        %dma_start3A_166 = tpu.memref_slice %arg14[%dma_start3A_162, %dma_start3A_163, %dma_start3A_164, %dma_start3A_165] : memref<2x5x100x64xf32, #tpu.memory_space<vmem>> -> memref<1x1x100x64xf32, #tpu.memory_space<vmem>>
        %dma_start3A_167 = tpu.memref_squeeze %dma_start3A_166 : memref<1x1x100x64xf32, #tpu.memory_space<vmem>> -> memref<100x64xf32, #tpu.memory_space<vmem>>
        %dma_start3A_168 = arith.constant 0 : i32
        %dma_start3A_169 = tpu.memref_slice %arg12[%dma_start3A_160, %dma_start3A_161, %dma_start3A_168] : memref<2x5x100xi32, #tpu.memory_space<vmem>> -> memref<1x1x100xi32, #tpu.memory_space<vmem>>
        %dma_start3A_170 = tpu.memref_squeeze %dma_start3A_169 : memref<1x1x100xi32, #tpu.memory_space<vmem>> -> memref<100xi32, #tpu.memory_space<vmem>>
        %dma_start3A_171 = arith.constant 0 : i32
        %dma_start3A_172 = arith.constant 0 : i32
        %dma_start3A_173 = tpu.memref_slice %arg2[%dma_start3A_171, %dma_start3A_172] : memref<10000x64xf32, #tpu.memory_space<hbm>> -> memref<10000x64xf32, #tpu.memory_space<hbm>>
        tpu.enqueue_indirect_dma source(%dma_start3A_173 : memref<10000x64xf32, #tpu.memory_space<hbm>>) target(%dma_start3A_167 : memref<100x64xf32, #tpu.memory_space<vmem>>) offsets(%dma_start3A_170 : memref<100xi32, #tpu.memory_space<vmem>>) semaphore(%arg17 : memref<!tpu.dma_semaphore, #tpu.memory_space<semaphore_mem>>)
        %dma_start3A_174 = arith.constant 1 : i32
        %dma_start3A_175 = arith.constant 4 : i32
        %dma_start3A_176 = arith.constant 1 : i32
        %dma_start3A_177 = arith.constant 4 : i32
        %dma_start3A_178 = arith.constant 0 : i32
        %dma_start3A_179 = arith.constant 0 : i32
        %dma_start3A_180 = tpu.memref_slice %arg14[%dma_start3A_176, %dma_start3A_177, %dma_start3A_178, %dma_start3A_179] : memref<2x5x100x64xf32, #tpu.memory_space<vmem>> -> memref<1x1x100x64xf32, #tpu.memory_space<vmem>>
        %dma_start3A_181 = tpu.memref_squeeze %dma_start3A_180 : memref<1x1x100x64xf32, #tpu.memory_space<vmem>> -> memref<100x64xf32, #tpu.memory_space<vmem>>
        %dma_start3A_182 = arith.constant 0 : i32
        %dma_start3A_183 = tpu.memref_slice %arg12[%dma_start3A_174, %dma_start3A_175, %dma_start3A_182] : memref<2x5x100xi32, #tpu.memory_space<vmem>> -> memref<1x1x100xi32, #tpu.memory_space<vmem>>
        %dma_start3A_184 = tpu.memref_squeeze %dma_start3A_183 : memref<1x1x100xi32, #tpu.memory_space<vmem>> -> memref<100xi32, #tpu.memory_space<vmem>>
        %dma_start3A_185 = arith.constant 0 : i32
        %dma_start3A_186 = arith.constant 0 : i32
        %dma_start3A_187 = tpu.memref_slice %arg2[%dma_start3A_185, %dma_start3A_186] : memref<10000x64xf32, #tpu.memory_space<hbm>> -> memref<10000x64xf32, #tpu.memory_space<hbm>>
        tpu.enqueue_indirect_dma source(%dma_start3A_187 : memref<10000x64xf32, #tpu.memory_space<hbm>>) target(%dma_start3A_181 : memref<100x64xf32, #tpu.memory_space<vmem>>) offsets(%dma_start3A_184 : memref<100xi32, #tpu.memory_space<vmem>>) semaphore(%arg17 : memref<!tpu.dma_semaphore, #tpu.memory_space<semaphore_mem>>)
        %dma_wait3A_188 = arith.constant 0 : i32
        %dma_wait3A_189 = arith.constant 0 : i32
        %dma_wait3A_190 = arith.constant 0 : i32
        %dma_wait3A_191 = arith.constant 0 : i32
        %dma_wait3A_192 = tpu.memref_slice %arg14[%dma_wait3A_188, %dma_wait3A_189, %dma_wait3A_190, %dma_wait3A_191] : memref<2x5x100x64xf32, #tpu.memory_space<vmem>> -> memref<1x5x100x64xf32, #tpu.memory_space<vmem>>
        %dma_wait3A_193 = tpu.memref_squeeze %dma_wait3A_192 : memref<1x5x100x64xf32, #tpu.memory_space<vmem>> -> memref<5x100x64xf32, #tpu.memory_space<vmem>>
        %dma_wait3A_194 = arith.constant 0 : i32
        %dma_wait3A_195 = arith.constant 0 : i32
        %dma_wait3A_196 = arith.constant 0 : i32
        %dma_wait3A_197 = tpu.memref_slice %arg14[%dma_wait3A_188, %dma_wait3A_194, %dma_wait3A_195, %dma_wait3A_196] : memref<2x5x100x64xf32, #tpu.memory_space<vmem>> -> memref<1x5x100x64xf32, #tpu.memory_space<vmem>>
        %dma_wait3A_198 = tpu.memref_squeeze %dma_wait3A_197 : memref<1x5x100x64xf32, #tpu.memory_space<vmem>> -> memref<5x100x64xf32, #tpu.memory_space<vmem>>
        tpu.wait_dma2 semaphore(%arg16 : memref<!tpu.dma_semaphore, #tpu.memory_space<semaphore_mem>>) src(%arg7 : memref<5x100x64xf32, #tpu.memory_space<hbm>>) dst(%dma_wait3A_198 : memref<5x100x64xf32, #tpu.memory_space<vmem>>)
        %dma_start3A_199 = arith.constant 0 : i32
        %dma_start3A_200 = arith.constant 0 : i32
        %dma_start3A_201 = arith.constant 0 : i32
        %dma_start3A_202 = arith.constant 0 : i32
        %dma_start3A_203 = arith.constant 0 : i32
        %dma_start3A_204 = arith.constant 0 : i32
        %dma_start3A_205 = tpu.memref_slice %arg14[%dma_start3A_199, %dma_start3A_200, %dma_start3A_203, %dma_start3A_204] : memref<2x5x100x64xf32, #tpu.memory_space<vmem>> -> memref<1x1x100x64xf32, #tpu.memory_space<vmem>>
        %dma_start3A_206 = tpu.memref_squeeze %dma_start3A_205 : memref<1x1x100x64xf32, #tpu.memory_space<vmem>> -> memref<100x64xf32, #tpu.memory_space<vmem>>
        %dma_start3A_207 = arith.constant 0 : i32
        %dma_start3A_208 = tpu.memref_slice %arg13[%dma_start3A_201, %dma_start3A_202, %dma_start3A_207] : memref<2x5x100xi32, #tpu.memory_space<vmem>> -> memref<1x1x100xi32, #tpu.memory_space<vmem>>
        %dma_start3A_209 = tpu.memref_squeeze %dma_start3A_208 : memref<1x1x100xi32, #tpu.memory_space<vmem>> -> memref<100xi32, #tpu.memory_space<vmem>>
        %dma_start3A_210 = arith.constant 0 : i32
        %dma_start3A_211 = arith.constant 0 : i32
        %dma_start3A_212 = tpu.memref_slice %arg15[%dma_start3A_210, %dma_start3A_211] : memref<10240x64xf32, #tpu.memory_space<vmem_shared>> -> memref<10240x64xf32, #tpu.memory_space<vmem_shared>>
        tpu.enqueue_indirect_dma source(%dma_start3A_206 : memref<100x64xf32, #tpu.memory_space<vmem>>) target(%dma_start3A_212 : memref<10240x64xf32, #tpu.memory_space<vmem_shared>>) offsets(%dma_start3A_209 : memref<100xi32, #tpu.memory_space<vmem>>) semaphore(%arg18 : memref<!tpu.dma_semaphore, #tpu.memory_space<semaphore_mem>>) {add = true}
        %dma_start3A_213 = arith.constant 0 : i32
        %dma_start3A_214 = arith.constant 1 : i32
        %dma_start3A_215 = arith.constant 0 : i32
        %dma_start3A_216 = arith.constant 1 : i32
        %dma_start3A_217 = arith.constant 0 : i32
        %dma_start3A_218 = arith.constant 0 : i32
        %dma_start3A_219 = tpu.memref_slice %arg14[%dma_start3A_213, %dma_start3A_214, %dma_start3A_217, %dma_start3A_218] : memref<2x5x100x64xf32, #tpu.memory_space<vmem>> -> memref<1x1x100x64xf32, #tpu.memory_space<vmem>>
        %dma_start3A_220 = tpu.memref_squeeze %dma_start3A_219 : memref<1x1x100x64xf32, #tpu.memory_space<vmem>> -> memref<100x64xf32, #tpu.memory_space<vmem>>
        %dma_start3A_221 = arith.constant 0 : i32
        %dma_start3A_222 = tpu.memref_slice %arg13[%dma_start3A_215, %dma_start3A_216, %dma_start3A_221] : memref<2x5x100xi32, #tpu.memory_space<vmem>> -> memref<1x1x100xi32, #tpu.memory_space<vmem>>
        %dma_start3A_223 = tpu.memref_squeeze %dma_start3A_222 : memref<1x1x100xi32, #tpu.memory_space<vmem>> -> memref<100xi32, #tpu.memory_space<vmem>>
        %dma_start3A_224 = arith.constant 0 : i32
        %dma_start3A_225 = arith.constant 0 : i32
        %dma_start3A_226 = tpu.memref_slice %arg15[%dma_start3A_224, %dma_start3A_225] : memref<10240x64xf32, #tpu.memory_space<vmem_shared>> -> memref<10240x64xf32, #tpu.memory_space<vmem_shared>>
        tpu.enqueue_indirect_dma source(%dma_start3A_220 : memref<100x64xf32, #tpu.memory_space<vmem>>) target(%dma_start3A_226 : memref<10240x64xf32, #tpu.memory_space<vmem_shared>>) offsets(%dma_start3A_223 : memref<100xi32, #tpu.memory_space<vmem>>) semaphore(%arg18 : memref<!tpu.dma_semaphore, #tpu.memory_space<semaphore_mem>>) {add = true}
        %dma_start3A_227 = arith.constant 0 : i32
        %dma_start3A_228 = arith.constant 2 : i32
        %dma_start3A_229 = arith.constant 0 : i32
        %dma_start3A_230 = arith.constant 2 : i32
        %dma_start3A_231 = arith.constant 0 : i32
        %dma_start3A_232 = arith.constant 0 : i32
        %dma_start3A_233 = tpu.memref_slice %arg14[%dma_start3A_227, %dma_start3A_228, %dma_start3A_231, %dma_start3A_232] : memref<2x5x100x64xf32, #tpu.memory_space<vmem>> -> memref<1x1x100x64xf32, #tpu.memory_space<vmem>>
        %dma_start3A_234 = tpu.memref_squeeze %dma_start3A_233 : memref<1x1x100x64xf32, #tpu.memory_space<vmem>> -> memref<100x64xf32, #tpu.memory_space<vmem>>
        %dma_start3A_235 = arith.constant 0 : i32
        %dma_start3A_236 = tpu.memref_slice %arg13[%dma_start3A_229, %dma_start3A_230, %dma_start3A_235] : memref<2x5x100xi32, #tpu.memory_space<vmem>> -> memref<1x1x100xi32, #tpu.memory_space<vmem>>
        %dma_start3A_237 = tpu.memref_squeeze %dma_start3A_236 : memref<1x1x100xi32, #tpu.memory_space<vmem>> -> memref<100xi32, #tpu.memory_space<vmem>>
        %dma_start3A_238 = arith.constant 0 : i32
        %dma_start3A_239 = arith.constant 0 : i32
        %dma_start3A_240 = tpu.memref_slice %arg15[%dma_start3A_238, %dma_start3A_239] : memref<10240x64xf32, #tpu.memory_space<vmem_shared>> -> memref<10240x64xf32, #tpu.memory_space<vmem_shared>>
        tpu.enqueue_indirect_dma source(%dma_start3A_234 : memref<100x64xf32, #tpu.memory_space<vmem>>) target(%dma_start3A_240 : memref<10240x64xf32, #tpu.memory_space<vmem_shared>>) offsets(%dma_start3A_237 : memref<100xi32, #tpu.memory_space<vmem>>) semaphore(%arg18 : memref<!tpu.dma_semaphore, #tpu.memory_space<semaphore_mem>>) {add = true}
        %dma_start3A_241 = arith.constant 0 : i32
        %dma_start3A_242 = arith.constant 3 : i32
        %dma_start3A_243 = arith.constant 0 : i32
        %dma_start3A_244 = arith.constant 3 : i32
        %dma_start3A_245 = arith.constant 0 : i32
        %dma_start3A_246 = arith.constant 0 : i32
        %dma_start3A_247 = tpu.memref_slice %arg14[%dma_start3A_241, %dma_start3A_242, %dma_start3A_245, %dma_start3A_246] : memref<2x5x100x64xf32, #tpu.memory_space<vmem>> -> memref<1x1x100x64xf32, #tpu.memory_space<vmem>>
        %dma_start3A_248 = tpu.memref_squeeze %dma_start3A_247 : memref<1x1x100x64xf32, #tpu.memory_space<vmem>> -> memref<100x64xf32, #tpu.memory_space<vmem>>
        %dma_start3A_249 = arith.constant 0 : i32
        %dma_start3A_250 = tpu.memref_slice %arg13[%dma_start3A_243, %dma_start3A_244, %dma_start3A_249] : memref<2x5x100xi32, #tpu.memory_space<vmem>> -> memref<1x1x100xi32, #tpu.memory_space<vmem>>
        %dma_start3A_251 = tpu.memref_squeeze %dma_start3A_250 : memref<1x1x100xi32, #tpu.memory_space<vmem>> -> memref<100xi32, #tpu.memory_space<vmem>>
        %dma_start3A_252 = arith.constant 0 : i32
        %dma_start3A_253 = arith.constant 0 : i32
        %dma_start3A_254 = tpu.memref_slice %arg15[%dma_start3A_252, %dma_start3A_253] : memref<10240x64xf32, #tpu.memory_space<vmem_shared>> -> memref<10240x64xf32, #tpu.memory_space<vmem_shared>>
        tpu.enqueue_indirect_dma source(%dma_start3A_248 : memref<100x64xf32, #tpu.memory_space<vmem>>) target(%dma_start3A_254 : memref<10240x64xf32, #tpu.memory_space<vmem_shared>>) offsets(%dma_start3A_251 : memref<100xi32, #tpu.memory_space<vmem>>) semaphore(%arg18 : memref<!tpu.dma_semaphore, #tpu.memory_space<semaphore_mem>>) {add = true}
        %dma_start3A_255 = arith.constant 0 : i32
        %dma_start3A_256 = arith.constant 4 : i32
        %dma_start3A_257 = arith.constant 0 : i32
        %dma_start3A_258 = arith.constant 4 : i32
        %dma_start3A_259 = arith.constant 0 : i32
        %dma_start3A_260 = arith.constant 0 : i32
        %dma_start3A_261 = tpu.memref_slice %arg14[%dma_start3A_255, %dma_start3A_256, %dma_start3A_259, %dma_start3A_260] : memref<2x5x100x64xf32, #tpu.memory_space<vmem>> -> memref<1x1x100x64xf32, #tpu.memory_space<vmem>>
        %dma_start3A_262 = tpu.memref_squeeze %dma_start3A_261 : memref<1x1x100x64xf32, #tpu.memory_space<vmem>> -> memref<100x64xf32, #tpu.memory_space<vmem>>
        %dma_start3A_263 = arith.constant 0 : i32
        %dma_start3A_264 = tpu.memref_slice %arg13[%dma_start3A_257, %dma_start3A_258, %dma_start3A_263] : memref<2x5x100xi32, #tpu.memory_space<vmem>> -> memref<1x1x100xi32, #tpu.memory_space<vmem>>
        %dma_start3A_265 = tpu.memref_squeeze %dma_start3A_264 : memref<1x1x100xi32, #tpu.memory_space<vmem>> -> memref<100xi32, #tpu.memory_space<vmem>>
        %dma_start3A_266 = arith.constant 0 : i32
        %dma_start3A_267 = arith.constant 0 : i32
        %dma_start3A_268 = tpu.memref_slice %arg15[%dma_start3A_266, %dma_start3A_267] : memref<10240x64xf32, #tpu.memory_space<vmem_shared>> -> memref<10240x64xf32, #tpu.memory_space<vmem_shared>>
        tpu.enqueue_indirect_dma source(%dma_start3A_262 : memref<100x64xf32, #tpu.memory_space<vmem>>) target(%dma_start3A_268 : memref<10240x64xf32, #tpu.memory_space<vmem_shared>>) offsets(%dma_start3A_265 : memref<100xi32, #tpu.memory_space<vmem>>) semaphore(%arg18 : memref<!tpu.dma_semaphore, #tpu.memory_space<semaphore_mem>>) {add = true}
        %dma_start3A_269 = arith.constant 0 : i32
        %dma_start3A_270 = arith.constant 0 : i32
        %dma_start3A_271 = arith.constant 0 : i32
        %dma_start3A_272 = arith.constant 0 : i32
        %dma_start3A_273 = arith.constant 0 : i32
        %dma_start3A_274 = tpu.memref_slice %arg20[%dma_start3A_269, %dma_start3A_272, %dma_start3A_273] : memref<5x100x8xf32, #tpu.memory_space<vmem>> -> memref<1x100x8xf32, #tpu.memory_space<vmem>>
        %dma_start3A_275 = tpu.memref_squeeze %dma_start3A_274 : memref<1x100x8xf32, #tpu.memory_space<vmem>> -> memref<100x8xf32, #tpu.memory_space<vmem>>
        %dma_start3A_276 = arith.constant 0 : i32
        %dma_start3A_277 = tpu.memref_slice %arg13[%dma_start3A_270, %dma_start3A_271, %dma_start3A_276] : memref<2x5x100xi32, #tpu.memory_space<vmem>> -> memref<1x1x100xi32, #tpu.memory_space<vmem>>
        %dma_start3A_278 = tpu.memref_squeeze %dma_start3A_277 : memref<1x1x100xi32, #tpu.memory_space<vmem>> -> memref<100xi32, #tpu.memory_space<vmem>>
        %dma_start3A_279 = arith.constant 0 : i32
        %dma_start3A_280 = arith.constant 0 : i32
        %dma_start3A_281 = tpu.memref_slice %arg21[%dma_start3A_279, %dma_start3A_280] : memref<10240x8xf32, #tpu.memory_space<vmem_shared>> -> memref<10240x8xf32, #tpu.memory_space<vmem_shared>>
        tpu.enqueue_indirect_dma source(%dma_start3A_275 : memref<100x8xf32, #tpu.memory_space<vmem>>) target(%dma_start3A_281 : memref<10240x8xf32, #tpu.memory_space<vmem_shared>>) offsets(%dma_start3A_278 : memref<100xi32, #tpu.memory_space<vmem>>) semaphore(%arg22 : memref<!tpu.dma_semaphore, #tpu.memory_space<semaphore_mem>>) {add = true}
        %dma_start3A_282 = arith.constant 1 : i32
        %dma_start3A_283 = arith.constant 0 : i32
        %dma_start3A_284 = arith.constant 1 : i32
        %dma_start3A_285 = arith.constant 0 : i32
        %dma_start3A_286 = arith.constant 0 : i32
        %dma_start3A_287 = tpu.memref_slice %arg20[%dma_start3A_282, %dma_start3A_285, %dma_start3A_286] : memref<5x100x8xf32, #tpu.memory_space<vmem>> -> memref<1x100x8xf32, #tpu.memory_space<vmem>>
        %dma_start3A_288 = tpu.memref_squeeze %dma_start3A_287 : memref<1x100x8xf32, #tpu.memory_space<vmem>> -> memref<100x8xf32, #tpu.memory_space<vmem>>
        %dma_start3A_289 = arith.constant 0 : i32
        %dma_start3A_290 = tpu.memref_slice %arg13[%dma_start3A_283, %dma_start3A_284, %dma_start3A_289] : memref<2x5x100xi32, #tpu.memory_space<vmem>> -> memref<1x1x100xi32, #tpu.memory_space<vmem>>
        %dma_start3A_291 = tpu.memref_squeeze %dma_start3A_290 : memref<1x1x100xi32, #tpu.memory_space<vmem>> -> memref<100xi32, #tpu.memory_space<vmem>>
        %dma_start3A_292 = arith.constant 0 : i32
        %dma_start3A_293 = arith.constant 0 : i32
        %dma_start3A_294 = tpu.memref_slice %arg21[%dma_start3A_292, %dma_start3A_293] : memref<10240x8xf32, #tpu.memory_space<vmem_shared>> -> memref<10240x8xf32, #tpu.memory_space<vmem_shared>>
        tpu.enqueue_indirect_dma source(%dma_start3A_288 : memref<100x8xf32, #tpu.memory_space<vmem>>) target(%dma_start3A_294 : memref<10240x8xf32, #tpu.memory_space<vmem_shared>>) offsets(%dma_start3A_291 : memref<100xi32, #tpu.memory_space<vmem>>) semaphore(%arg22 : memref<!tpu.dma_semaphore, #tpu.memory_space<semaphore_mem>>) {add = true}
        %dma_start3A_295 = arith.constant 2 : i32
        %dma_start3A_296 = arith.constant 0 : i32
        %dma_start3A_297 = arith.constant 2 : i32
        %dma_start3A_298 = arith.constant 0 : i32
        %dma_start3A_299 = arith.constant 0 : i32
        %dma_start3A_300 = tpu.memref_slice %arg20[%dma_start3A_295, %dma_start3A_298, %dma_start3A_299] : memref<5x100x8xf32, #tpu.memory_space<vmem>> -> memref<1x100x8xf32, #tpu.memory_space<vmem>>
        %dma_start3A_301 = tpu.memref_squeeze %dma_start3A_300 : memref<1x100x8xf32, #tpu.memory_space<vmem>> -> memref<100x8xf32, #tpu.memory_space<vmem>>
        %dma_start3A_302 = arith.constant 0 : i32
        %dma_start3A_303 = tpu.memref_slice %arg13[%dma_start3A_296, %dma_start3A_297, %dma_start3A_302] : memref<2x5x100xi32, #tpu.memory_space<vmem>> -> memref<1x1x100xi32, #tpu.memory_space<vmem>>
        %dma_start3A_304 = tpu.memref_squeeze %dma_start3A_303 : memref<1x1x100xi32, #tpu.memory_space<vmem>> -> memref<100xi32, #tpu.memory_space<vmem>>
        %dma_start3A_305 = arith.constant 0 : i32
        %dma_start3A_306 = arith.constant 0 : i32
        %dma_start3A_307 = tpu.memref_slice %arg21[%dma_start3A_305, %dma_start3A_306] : memref<10240x8xf32, #tpu.memory_space<vmem_shared>> -> memref<10240x8xf32, #tpu.memory_space<vmem_shared>>
        tpu.enqueue_indirect_dma source(%dma_start3A_301 : memref<100x8xf32, #tpu.memory_space<vmem>>) target(%dma_start3A_307 : memref<10240x8xf32, #tpu.memory_space<vmem_shared>>) offsets(%dma_start3A_304 : memref<100xi32, #tpu.memory_space<vmem>>) semaphore(%arg22 : memref<!tpu.dma_semaphore, #tpu.memory_space<semaphore_mem>>) {add = true}
        %dma_start3A_308 = arith.constant 3 : i32
        %dma_start3A_309 = arith.constant 0 : i32
        %dma_start3A_310 = arith.constant 3 : i32
        %dma_start3A_311 = arith.constant 0 : i32
        %dma_start3A_312 = arith.constant 0 : i32
        %dma_start3A_313 = tpu.memref_slice %arg20[%dma_start3A_308, %dma_start3A_311, %dma_start3A_312] : memref<5x100x8xf32, #tpu.memory_space<vmem>> -> memref<1x100x8xf32, #tpu.memory_space<vmem>>
        %dma_start3A_314 = tpu.memref_squeeze %dma_start3A_313 : memref<1x100x8xf32, #tpu.memory_space<vmem>> -> memref<100x8xf32, #tpu.memory_space<vmem>>
        %dma_start3A_315 = arith.constant 0 : i32
        %dma_start3A_316 = tpu.memref_slice %arg13[%dma_start3A_309, %dma_start3A_310, %dma_start3A_315] : memref<2x5x100xi32, #tpu.memory_space<vmem>> -> memref<1x1x100xi32, #tpu.memory_space<vmem>>
        %dma_start3A_317 = tpu.memref_squeeze %dma_start3A_316 : memref<1x1x100xi32, #tpu.memory_space<vmem>> -> memref<100xi32, #tpu.memory_space<vmem>>
        %dma_start3A_318 = arith.constant 0 : i32
        %dma_start3A_319 = arith.constant 0 : i32
        %dma_start3A_320 = tpu.memref_slice %arg21[%dma_start3A_318, %dma_start3A_319] : memref<10240x8xf32, #tpu.memory_space<vmem_shared>> -> memref<10240x8xf32, #tpu.memory_space<vmem_shared>>
        tpu.enqueue_indirect_dma source(%dma_start3A_314 : memref<100x8xf32, #tpu.memory_space<vmem>>) target(%dma_start3A_320 : memref<10240x8xf32, #tpu.memory_space<vmem_shared>>) offsets(%dma_start3A_317 : memref<100xi32, #tpu.memory_space<vmem>>) semaphore(%arg22 : memref<!tpu.dma_semaphore, #tpu.memory_space<semaphore_mem>>) {add = true}
        %dma_start3A_321 = arith.constant 4 : i32
        %dma_start3A_322 = arith.constant 0 : i32
        %dma_start3A_323 = arith.constant 4 : i32
        %dma_start3A_324 = arith.constant 0 : i32
        %dma_start3A_325 = arith.constant 0 : i32
        %dma_start3A_326 = tpu.memref_slice %arg20[%dma_start3A_321, %dma_start3A_324, %dma_start3A_325] : memref<5x100x8xf32, #tpu.memory_space<vmem>> -> memref<1x100x8xf32, #tpu.memory_space<vmem>>
        %dma_start3A_327 = tpu.memref_squeeze %dma_start3A_326 : memref<1x100x8xf32, #tpu.memory_space<vmem>> -> memref<100x8xf32, #tpu.memory_space<vmem>>
        %dma_start3A_328 = arith.constant 0 : i32
        %dma_start3A_329 = tpu.memref_slice %arg13[%dma_start3A_322, %dma_start3A_323, %dma_start3A_328] : memref<2x5x100xi32, #tpu.memory_space<vmem>> -> memref<1x1x100xi32, #tpu.memory_space<vmem>>
        %dma_start3A_330 = tpu.memref_squeeze %dma_start3A_329 : memref<1x1x100xi32, #tpu.memory_space<vmem>> -> memref<100xi32, #tpu.memory_space<vmem>>
        %dma_start3A_331 = arith.constant 0 : i32
        %dma_start3A_332 = arith.constant 0 : i32
        %dma_start3A_333 = tpu.memref_slice %arg21[%dma_start3A_331, %dma_start3A_332] : memref<10240x8xf32, #tpu.memory_space<vmem_shared>> -> memref<10240x8xf32, #tpu.memory_space<vmem_shared>>
        tpu.enqueue_indirect_dma source(%dma_start3A_327 : memref<100x8xf32, #tpu.memory_space<vmem>>) target(%dma_start3A_333 : memref<10240x8xf32, #tpu.memory_space<vmem_shared>>) offsets(%dma_start3A_330 : memref<100xi32, #tpu.memory_space<vmem>>) semaphore(%arg22 : memref<!tpu.dma_semaphore, #tpu.memory_space<semaphore_mem>>) {add = true}
        %mul3A_334 = arith.constant 2 : i32
        %mul3A_335 = arith.muli %mul3A_334, %scan3A_102 : i32
        %add3A_336 = arith.constant 1 : i32
        %add3A_337 = arith.addi %mul3A_335, %add3A_336 : i32
        %lt3A = arith.constant 19 : i32
        %lt3A_338 = arith.cmpi slt, %scan3A_102, %lt3A : i32
        %dma_wait3A_339 = arith.constant 0 : i32
        %dma_wait3A_340 = arith.constant 0 : i32
        %dma_wait3A_341 = arith.constant 0 : i32
        %dma_wait3A_342 = arith.constant 0 : i32
        %dma_wait3A_343 = tpu.memref_slice %arg14[%dma_wait3A_339, %dma_wait3A_340, %dma_wait3A_341, %dma_wait3A_342] : memref<2x5x100x64xf32, #tpu.memory_space<vmem>> -> memref<1x5x100x64xf32, #tpu.memory_space<vmem>>
        %dma_wait3A_344 = tpu.memref_squeeze %dma_wait3A_343 : memref<1x5x100x64xf32, #tpu.memory_space<vmem>> -> memref<5x100x64xf32, #tpu.memory_space<vmem>>
        %dma_wait3A_345 = arith.constant 0 : i32
        %dma_wait3A_346 = arith.constant 0 : i32
        %dma_wait3A_347 = arith.constant 0 : i32
        %dma_wait3A_348 = tpu.memref_slice %arg14[%dma_wait3A_339, %dma_wait3A_345, %dma_wait3A_346, %dma_wait3A_347] : memref<2x5x100x64xf32, #tpu.memory_space<vmem>> -> memref<1x5x100x64xf32, #tpu.memory_space<vmem>>
        %dma_wait3A_349 = tpu.memref_squeeze %dma_wait3A_348 : memref<1x5x100x64xf32, #tpu.memory_space<vmem>> -> memref<5x100x64xf32, #tpu.memory_space<vmem>>
        tpu.wait_dma2 semaphore(%arg18 : memref<!tpu.dma_semaphore, #tpu.memory_space<semaphore_mem>>) src(%arg7 : memref<5x100x64xf32, #tpu.memory_space<hbm>>) dst(%dma_wait3A_349 : memref<5x100x64xf32, #tpu.memory_space<vmem>>)
        %convert_element_type3A_350 = arith.extui %lt3A_338 : i1 to i32
        %cond3A_351 = arith.constant 0 : i32
        %cond3A_352 = arith.cmpi ne, %convert_element_type3A_350, %cond3A_351 : i32
        scf.if %cond3A_352 {
          %add3A_499 = arith.addi %mul3A_2, %add3A_337 : i32
          %add3A_500 = arith.constant 1 : i32
          %add3A_501 = arith.addi %add3A_499, %add3A_500 : i32
          %run_scoped3A_502 = arith.constant 0 : i32
          "tpu.region"() ({
            %run_scoped3A_579 = tpu.sem_alloc : memref<!tpu.dma_semaphore, #tpu.memory_space<semaphore_mem>>
            %dma_start3A_580 = arith.constant 0 : i32
            %dma_start3A_581 = arith.constant 0 : i32
            %dma_start3A_582 = tpu.memref_slice %arg12[%run_scoped3A_502, %dma_start3A_580, %dma_start3A_581] : memref<2x5x100xi32, #tpu.memory_space<vmem>> -> memref<1x5x100xi32, #tpu.memory_space<vmem>>
            %dma_start3A_583 = tpu.memref_squeeze %dma_start3A_582 : memref<1x5x100xi32, #tpu.memory_space<vmem>> -> memref<5x100xi32, #tpu.memory_space<vmem>>
            %dma_start3A_584 = arith.constant 0 : i32
            %dma_start3A_585 = arith.constant 0 : i32
            %dma_start3A_586 = tpu.memref_slice %arg4[%add3A_501, %dma_start3A_584, %dma_start3A_585] : memref<640x5x100xi32, #tpu.memory_space<hbm>> -> memref<1x5x100xi32, #tpu.memory_space<hbm>>
            %dma_start3A_587 = tpu.memref_squeeze %dma_start3A_586 : memref<1x5x100xi32, #tpu.memory_space<hbm>> -> memref<5x100xi32, #tpu.memory_space<hbm>>
            %dma_start3A_588 = arith.constant 0 : i32
            %dma_start3A_589 = arith.constant 0 : i32
            %dma_start3A_590 = tpu.memref_slice %arg12[%run_scoped3A_502, %dma_start3A_588, %dma_start3A_589] : memref<2x5x100xi32, #tpu.memory_space<vmem>> -> memref<1x5x100xi32, #tpu.memory_space<vmem>>
            %dma_start3A_591 = tpu.memref_squeeze %dma_start3A_590 : memref<1x5x100xi32, #tpu.memory_space<vmem>> -> memref<5x100xi32, #tpu.memory_space<vmem>>
            %dma_start3A_592 = arith.constant 0 : i32
            %dma_start3A_593 = arith.constant 0 : i32
            %dma_start3A_594 = tpu.memref_slice %arg4[%add3A_501, %dma_start3A_592, %dma_start3A_593] : memref<640x5x100xi32, #tpu.memory_space<hbm>> -> memref<1x5x100xi32, #tpu.memory_space<hbm>>
            %dma_start3A_595 = tpu.memref_squeeze %dma_start3A_594 : memref<1x5x100xi32, #tpu.memory_space<hbm>> -> memref<5x100xi32, #tpu.memory_space<hbm>>
            tpu.enqueue_dma source(%dma_start3A_595 : memref<5x100xi32, #tpu.memory_space<hbm>>) target(%dma_start3A_591 : memref<5x100xi32, #tpu.memory_space<vmem>>) target_semaphore(%run_scoped3A_579 : memref<!tpu.dma_semaphore, #tpu.memory_space<semaphore_mem>>)
            %dma_wait3A_596 = arith.constant 0 : i32
            %dma_wait3A_597 = arith.constant 0 : i32
            %dma_wait3A_598 = tpu.memref_slice %arg12[%run_scoped3A_502, %dma_wait3A_596, %dma_wait3A_597] : memref<2x5x100xi32, #tpu.memory_space<vmem>> -> memref<1x5x100xi32, #tpu.memory_space<vmem>>
            %dma_wait3A_599 = tpu.memref_squeeze %dma_wait3A_598 : memref<1x5x100xi32, #tpu.memory_space<vmem>> -> memref<5x100xi32, #tpu.memory_space<vmem>>
            %dma_wait3A_600 = arith.constant 0 : i32
            %dma_wait3A_601 = arith.constant 0 : i32
            %dma_wait3A_602 = tpu.memref_slice %arg4[%add3A_501, %dma_wait3A_600, %dma_wait3A_601] : memref<640x5x100xi32, #tpu.memory_space<hbm>> -> memref<1x5x100xi32, #tpu.memory_space<hbm>>
            %dma_wait3A_603 = tpu.memref_squeeze %dma_wait3A_602 : memref<1x5x100xi32, #tpu.memory_space<hbm>> -> memref<5x100xi32, #tpu.memory_space<hbm>>
            %dma_wait3A_604 = arith.constant 0 : i32
            %dma_wait3A_605 = arith.constant 0 : i32
            %dma_wait3A_606 = tpu.memref_slice %arg12[%run_scoped3A_502, %dma_wait3A_604, %dma_wait3A_605] : memref<2x5x100xi32, #tpu.memory_space<vmem>> -> memref<1x5x100xi32, #tpu.memory_space<vmem>>
            %dma_wait3A_607 = tpu.memref_squeeze %dma_wait3A_606 : memref<1x5x100xi32, #tpu.memory_space<vmem>> -> memref<5x100xi32, #tpu.memory_space<vmem>>
            %dma_wait3A_608 = arith.constant 0 : i32
            %dma_wait3A_609 = arith.constant 0 : i32
            %dma_wait3A_610 = tpu.memref_slice %arg4[%add3A_501, %dma_wait3A_608, %dma_wait3A_609] : memref<640x5x100xi32, #tpu.memory_space<hbm>> -> memref<1x5x100xi32, #tpu.memory_space<hbm>>
            %dma_wait3A_611 = tpu.memref_squeeze %dma_wait3A_610 : memref<1x5x100xi32, #tpu.memory_space<hbm>> -> memref<5x100xi32, #tpu.memory_space<hbm>>
            tpu.wait_dma2 semaphore(%run_scoped3A_579 : memref<!tpu.dma_semaphore, #tpu.memory_space<semaphore_mem>>) src(%dma_wait3A_611 : memref<5x100xi32, #tpu.memory_space<hbm>>) dst(%dma_wait3A_607 : memref<5x100xi32, #tpu.memory_space<vmem>>)
            tpu.yield
          }) : () -> ()
          %add3A_503 = arith.addi %mul3A_2, %add3A_337 : i32
          %add3A_504 = arith.constant 1 : i32
          %add3A_505 = arith.addi %add3A_503, %add3A_504 : i32
          %run_scoped3A_506 = arith.constant 0 : i32
          "tpu.region"() ({
            %run_scoped3A_579 = tpu.sem_alloc : memref<!tpu.dma_semaphore, #tpu.memory_space<semaphore_mem>>
            %dma_start3A_580 = arith.constant 0 : i32
            %dma_start3A_581 = arith.constant 0 : i32
            %dma_start3A_582 = tpu.memref_slice %arg13[%run_scoped3A_506, %dma_start3A_580, %dma_start3A_581] : memref<2x5x100xi32, #tpu.memory_space<vmem>> -> memref<1x5x100xi32, #tpu.memory_space<vmem>>
            %dma_start3A_583 = tpu.memref_squeeze %dma_start3A_582 : memref<1x5x100xi32, #tpu.memory_space<vmem>> -> memref<5x100xi32, #tpu.memory_space<vmem>>
            %dma_start3A_584 = arith.constant 0 : i32
            %dma_start3A_585 = arith.constant 0 : i32
            %dma_start3A_586 = tpu.memref_slice %arg5[%add3A_505, %dma_start3A_584, %dma_start3A_585] : memref<640x5x100xi32, #tpu.memory_space<hbm>> -> memref<1x5x100xi32, #tpu.memory_space<hbm>>
            %dma_start3A_587 = tpu.memref_squeeze %dma_start3A_586 : memref<1x5x100xi32, #tpu.memory_space<hbm>> -> memref<5x100xi32, #tpu.memory_space<hbm>>
            %dma_start3A_588 = arith.constant 0 : i32
            %dma_start3A_589 = arith.constant 0 : i32
            %dma_start3A_590 = tpu.memref_slice %arg13[%run_scoped3A_506, %dma_start3A_588, %dma_start3A_589] : memref<2x5x100xi32, #tpu.memory_space<vmem>> -> memref<1x5x100xi32, #tpu.memory_space<vmem>>
            %dma_start3A_591 = tpu.memref_squeeze %dma_start3A_590 : memref<1x5x100xi32, #tpu.memory_space<vmem>> -> memref<5x100xi32, #tpu.memory_space<vmem>>
            %dma_start3A_592 = arith.constant 0 : i32
            %dma_start3A_593 = arith.constant 0 : i32
            %dma_start3A_594 = tpu.memref_slice %arg5[%add3A_505, %dma_start3A_592, %dma_start3A_593] : memref<640x5x100xi32, #tpu.memory_space<hbm>> -> memref<1x5x100xi32, #tpu.memory_space<hbm>>
            %dma_start3A_595 = tpu.memref_squeeze %dma_start3A_594 : memref<1x5x100xi32, #tpu.memory_space<hbm>> -> memref<5x100xi32, #tpu.memory_space<hbm>>
            tpu.enqueue_dma source(%dma_start3A_595 : memref<5x100xi32, #tpu.memory_space<hbm>>) target(%dma_start3A_591 : memref<5x100xi32, #tpu.memory_space<vmem>>) target_semaphore(%run_scoped3A_579 : memref<!tpu.dma_semaphore, #tpu.memory_space<semaphore_mem>>)
            %dma_wait3A_596 = arith.constant 0 : i32
            %dma_wait3A_597 = arith.constant 0 : i32
            %dma_wait3A_598 = tpu.memref_slice %arg13[%run_scoped3A_506, %dma_wait3A_596, %dma_wait3A_597] : memref<2x5x100xi32, #tpu.memory_space<vmem>> -> memref<1x5x100xi32, #tpu.memory_space<vmem>>
            %dma_wait3A_599 = tpu.memref_squeeze %dma_wait3A_598 : memref<1x5x100xi32, #tpu.memory_space<vmem>> -> memref<5x100xi32, #tpu.memory_space<vmem>>
            %dma_wait3A_600 = arith.constant 0 : i32
            %dma_wait3A_601 = arith.constant 0 : i32
            %dma_wait3A_602 = tpu.memref_slice %arg5[%add3A_505, %dma_wait3A_600, %dma_wait3A_601] : memref<640x5x100xi32, #tpu.memory_space<hbm>> -> memref<1x5x100xi32, #tpu.memory_space<hbm>>
            %dma_wait3A_603 = tpu.memref_squeeze %dma_wait3A_602 : memref<1x5x100xi32, #tpu.memory_space<hbm>> -> memref<5x100xi32, #tpu.memory_space<hbm>>
            %dma_wait3A_604 = arith.constant 0 : i32
            %dma_wait3A_605 = arith.constant 0 : i32
            %dma_wait3A_606 = tpu.memref_slice %arg13[%run_scoped3A_506, %dma_wait3A_604, %dma_wait3A_605] : memref<2x5x100xi32, #tpu.memory_space<vmem>> -> memref<1x5x100xi32, #tpu.memory_space<vmem>>
            %dma_wait3A_607 = tpu.memref_squeeze %dma_wait3A_606 : memref<1x5x100xi32, #tpu.memory_space<vmem>> -> memref<5x100xi32, #tpu.memory_space<vmem>>
            %dma_wait3A_608 = arith.constant 0 : i32
            %dma_wait3A_609 = arith.constant 0 : i32
            %dma_wait3A_610 = tpu.memref_slice %arg5[%add3A_505, %dma_wait3A_608, %dma_wait3A_609] : memref<640x5x100xi32, #tpu.memory_space<hbm>> -> memref<1x5x100xi32, #tpu.memory_space<hbm>>
            %dma_wait3A_611 = tpu.memref_squeeze %dma_wait3A_610 : memref<1x5x100xi32, #tpu.memory_space<hbm>> -> memref<5x100xi32, #tpu.memory_space<hbm>>
            tpu.wait_dma2 semaphore(%run_scoped3A_579 : memref<!tpu.dma_semaphore, #tpu.memory_space<semaphore_mem>>) src(%dma_wait3A_611 : memref<5x100xi32, #tpu.memory_space<hbm>>) dst(%dma_wait3A_607 : memref<5x100xi32, #tpu.memory_space<vmem>>)
            tpu.yield
          }) : () -> ()
          %add3A_507 = arith.constant 1 : i32
          %add3A_508 = arith.addi %add3A_337, %add3A_507 : i32
          %dma_start3A_509 = arith.constant 0 : i32
          %dma_start3A_510 = arith.constant 0 : i32
          %dma_start3A_511 = arith.constant 0 : i32
          %dma_start3A_512 = arith.constant 0 : i32
          %dma_start3A_513 = arith.constant 0 : i32
          %dma_start3A_514 = arith.constant 0 : i32
          %dma_start3A_515 = tpu.memref_slice %arg14[%dma_start3A_511, %dma_start3A_512, %dma_start3A_513, %dma_start3A_514] : memref<2x5x100x64xf32, #tpu.memory_space<vmem>> -> memref<1x1x100x64xf32, #tpu.memory_space<vmem>>
          %dma_start3A_516 = tpu.memref_squeeze %dma_start3A_515 : memref<1x1x100x64xf32, #tpu.memory_space<vmem>> -> memref<100x64xf32, #tpu.memory_space<vmem>>
          %dma_start3A_517 = arith.constant 0 : i32
          %dma_start3A_518 = tpu.memref_slice %arg12[%dma_start3A_509, %dma_start3A_510, %dma_start3A_517] : memref<2x5x100xi32, #tpu.memory_space<vmem>> -> memref<1x1x100xi32, #tpu.memory_space<vmem>>
          %dma_start3A_519 = tpu.memref_squeeze %dma_start3A_518 : memref<1x1x100xi32, #tpu.memory_space<vmem>> -> memref<100xi32, #tpu.memory_space<vmem>>
          %dma_start3A_520 = arith.constant 0 : i32
          %dma_start3A_521 = arith.constant 0 : i32
          %dma_start3A_522 = tpu.memref_slice %arg2[%dma_start3A_520, %dma_start3A_521] : memref<10000x64xf32, #tpu.memory_space<hbm>> -> memref<10000x64xf32, #tpu.memory_space<hbm>>
          tpu.enqueue_indirect_dma source(%dma_start3A_522 : memref<10000x64xf32, #tpu.memory_space<hbm>>) target(%dma_start3A_516 : memref<100x64xf32, #tpu.memory_space<vmem>>) offsets(%dma_start3A_519 : memref<100xi32, #tpu.memory_space<vmem>>) semaphore(%arg16 : memref<!tpu.dma_semaphore, #tpu.memory_space<semaphore_mem>>)
          %dma_start3A_523 = arith.constant 0 : i32
          %dma_start3A_524 = arith.constant 1 : i32
          %dma_start3A_525 = arith.constant 0 : i32
          %dma_start3A_526 = arith.constant 1 : i32
          %dma_start3A_527 = arith.constant 0 : i32
          %dma_start3A_528 = arith.constant 0 : i32
          %dma_start3A_529 = tpu.memref_slice %arg14[%dma_start3A_525, %dma_start3A_526, %dma_start3A_527, %dma_start3A_528] : memref<2x5x100x64xf32, #tpu.memory_space<vmem>> -> memref<1x1x100x64xf32, #tpu.memory_space<vmem>>
          %dma_start3A_530 = tpu.memref_squeeze %dma_start3A_529 : memref<1x1x100x64xf32, #tpu.memory_space<vmem>> -> memref<100x64xf32, #tpu.memory_space<vmem>>
          %dma_start3A_531 = arith.constant 0 : i32
          %dma_start3A_532 = tpu.memref_slice %arg12[%dma_start3A_523, %dma_start3A_524, %dma_start3A_531] : memref<2x5x100xi32, #tpu.memory_space<vmem>> -> memref<1x1x100xi32, #tpu.memory_space<vmem>>
          %dma_start3A_533 = tpu.memref_squeeze %dma_start3A_532 : memref<1x1x100xi32, #tpu.memory_space<vmem>> -> memref<100xi32, #tpu.memory_space<vmem>>
          %dma_start3A_534 = arith.constant 0 : i32
          %dma_start3A_535 = arith.constant 0 : i32
          %dma_start3A_536 = tpu.memref_slice %arg2[%dma_start3A_534, %dma_start3A_535] : memref<10000x64xf32, #tpu.memory_space<hbm>> -> memref<10000x64xf32, #tpu.memory_space<hbm>>
          tpu.enqueue_indirect_dma source(%dma_start3A_536 : memref<10000x64xf32, #tpu.memory_space<hbm>>) target(%dma_start3A_530 : memref<100x64xf32, #tpu.memory_space<vmem>>) offsets(%dma_start3A_533 : memref<100xi32, #tpu.memory_space<vmem>>) semaphore(%arg16 : memref<!tpu.dma_semaphore, #tpu.memory_space<semaphore_mem>>)
          %dma_start3A_537 = arith.constant 0 : i32
          %dma_start3A_538 = arith.constant 2 : i32
          %dma_start3A_539 = arith.constant 0 : i32
          %dma_start3A_540 = arith.constant 2 : i32
          %dma_start3A_541 = arith.constant 0 : i32
          %dma_start3A_542 = arith.constant 0 : i32
          %dma_start3A_543 = tpu.memref_slice %arg14[%dma_start3A_539, %dma_start3A_540, %dma_start3A_541, %dma_start3A_542] : memref<2x5x100x64xf32, #tpu.memory_space<vmem>> -> memref<1x1x100x64xf32, #tpu.memory_space<vmem>>
          %dma_start3A_544 = tpu.memref_squeeze %dma_start3A_543 : memref<1x1x100x64xf32, #tpu.memory_space<vmem>> -> memref<100x64xf32, #tpu.memory_space<vmem>>
          %dma_start3A_545 = arith.constant 0 : i32
          %dma_start3A_546 = tpu.memref_slice %arg12[%dma_start3A_537, %dma_start3A_538, %dma_start3A_545] : memref<2x5x100xi32, #tpu.memory_space<vmem>> -> memref<1x1x100xi32, #tpu.memory_space<vmem>>
          %dma_start3A_547 = tpu.memref_squeeze %dma_start3A_546 : memref<1x1x100xi32, #tpu.memory_space<vmem>> -> memref<100xi32, #tpu.memory_space<vmem>>
          %dma_start3A_548 = arith.constant 0 : i32
          %dma_start3A_549 = arith.constant 0 : i32
          %dma_start3A_550 = tpu.memref_slice %arg2[%dma_start3A_548, %dma_start3A_549] : memref<10000x64xf32, #tpu.memory_space<hbm>> -> memref<10000x64xf32, #tpu.memory_space<hbm>>
          tpu.enqueue_indirect_dma source(%dma_start3A_550 : memref<10000x64xf32, #tpu.memory_space<hbm>>) target(%dma_start3A_544 : memref<100x64xf32, #tpu.memory_space<vmem>>) offsets(%dma_start3A_547 : memref<100xi32, #tpu.memory_space<vmem>>) semaphore(%arg16 : memref<!tpu.dma_semaphore, #tpu.memory_space<semaphore_mem>>)
          %dma_start3A_551 = arith.constant 0 : i32
          %dma_start3A_552 = arith.constant 3 : i32
          %dma_start3A_553 = arith.constant 0 : i32
          %dma_start3A_554 = arith.constant 3 : i32
          %dma_start3A_555 = arith.constant 0 : i32
          %dma_start3A_556 = arith.constant 0 : i32
          %dma_start3A_557 = tpu.memref_slice %arg14[%dma_start3A_553, %dma_start3A_554, %dma_start3A_555, %dma_start3A_556] : memref<2x5x100x64xf32, #tpu.memory_space<vmem>> -> memref<1x1x100x64xf32, #tpu.memory_space<vmem>>
          %dma_start3A_558 = tpu.memref_squeeze %dma_start3A_557 : memref<1x1x100x64xf32, #tpu.memory_space<vmem>> -> memref<100x64xf32, #tpu.memory_space<vmem>>
          %dma_start3A_559 = arith.constant 0 : i32
          %dma_start3A_560 = tpu.memref_slice %arg12[%dma_start3A_551, %dma_start3A_552, %dma_start3A_559] : memref<2x5x100xi32, #tpu.memory_space<vmem>> -> memref<1x1x100xi32, #tpu.memory_space<vmem>>
          %dma_start3A_561 = tpu.memref_squeeze %dma_start3A_560 : memref<1x1x100xi32, #tpu.memory_space<vmem>> -> memref<100xi32, #tpu.memory_space<vmem>>
          %dma_start3A_562 = arith.constant 0 : i32
          %dma_start3A_563 = arith.constant 0 : i32
          %dma_start3A_564 = tpu.memref_slice %arg2[%dma_start3A_562, %dma_start3A_563] : memref<10000x64xf32, #tpu.memory_space<hbm>> -> memref<10000x64xf32, #tpu.memory_space<hbm>>
          tpu.enqueue_indirect_dma source(%dma_start3A_564 : memref<10000x64xf32, #tpu.memory_space<hbm>>) target(%dma_start3A_558 : memref<100x64xf32, #tpu.memory_space<vmem>>) offsets(%dma_start3A_561 : memref<100xi32, #tpu.memory_space<vmem>>) semaphore(%arg16 : memref<!tpu.dma_semaphore, #tpu.memory_space<semaphore_mem>>)
          %dma_start3A_565 = arith.constant 0 : i32
          %dma_start3A_566 = arith.constant 4 : i32
          %dma_start3A_567 = arith.constant 0 : i32
          %dma_start3A_568 = arith.constant 4 : i32
          %dma_start3A_569 = arith.constant 0 : i32
          %dma_start3A_570 = arith.constant 0 : i32
          %dma_start3A_571 = tpu.memref_slice %arg14[%dma_start3A_567, %dma_start3A_568, %dma_start3A_569, %dma_start3A_570] : memref<2x5x100x64xf32, #tpu.memory_space<vmem>> -> memref<1x1x100x64xf32, #tpu.memory_space<vmem>>
          %dma_start3A_572 = tpu.memref_squeeze %dma_start3A_571 : memref<1x1x100x64xf32, #tpu.memory_space<vmem>> -> memref<100x64xf32, #tpu.memory_space<vmem>>
          %dma_start3A_573 = arith.constant 0 : i32
          %dma_start3A_574 = tpu.memref_slice %arg12[%dma_start3A_565, %dma_start3A_566, %dma_start3A_573] : memref<2x5x100xi32, #tpu.memory_space<vmem>> -> memref<1x1x100xi32, #tpu.memory_space<vmem>>
          %dma_start3A_575 = tpu.memref_squeeze %dma_start3A_574 : memref<1x1x100xi32, #tpu.memory_space<vmem>> -> memref<100xi32, #tpu.memory_space<vmem>>
          %dma_start3A_576 = arith.constant 0 : i32
          %dma_start3A_577 = arith.constant 0 : i32
          %dma_start3A_578 = tpu.memref_slice %arg2[%dma_start3A_576, %dma_start3A_577] : memref<10000x64xf32, #tpu.memory_space<hbm>> -> memref<10000x64xf32, #tpu.memory_space<hbm>>
          tpu.enqueue_indirect_dma source(%dma_start3A_578 : memref<10000x64xf32, #tpu.memory_space<hbm>>) target(%dma_start3A_572 : memref<100x64xf32, #tpu.memory_space<vmem>>) offsets(%dma_start3A_575 : memref<100xi32, #tpu.memory_space<vmem>>) semaphore(%arg16 : memref<!tpu.dma_semaphore, #tpu.memory_space<semaphore_mem>>)
        } else {
        }
        %dma_wait3A_353 = arith.constant 1 : i32
        %dma_wait3A_354 = arith.constant 0 : i32
        %dma_wait3A_355 = arith.constant 0 : i32
        %dma_wait3A_356 = arith.constant 0 : i32
        %dma_wait3A_357 = tpu.memref_slice %arg14[%dma_wait3A_353, %dma_wait3A_354, %dma_wait3A_355, %dma_wait3A_356] : memref<2x5x100x64xf32, #tpu.memory_space<vmem>> -> memref<1x5x100x64xf32, #tpu.memory_space<vmem>>
        %dma_wait3A_358 = tpu.memref_squeeze %dma_wait3A_357 : memref<1x5x100x64xf32, #tpu.memory_space<vmem>> -> memref<5x100x64xf32, #tpu.memory_space<vmem>>
        %dma_wait3A_359 = arith.constant 0 : i32
        %dma_wait3A_360 = arith.constant 0 : i32
        %dma_wait3A_361 = arith.constant 0 : i32
        %dma_wait3A_362 = tpu.memref_slice %arg14[%dma_wait3A_353, %dma_wait3A_359, %dma_wait3A_360, %dma_wait3A_361] : memref<2x5x100x64xf32, #tpu.memory_space<vmem>> -> memref<1x5x100x64xf32, #tpu.memory_space<vmem>>
        %dma_wait3A_363 = tpu.memref_squeeze %dma_wait3A_362 : memref<1x5x100x64xf32, #tpu.memory_space<vmem>> -> memref<5x100x64xf32, #tpu.memory_space<vmem>>
        tpu.wait_dma2 semaphore(%arg17 : memref<!tpu.dma_semaphore, #tpu.memory_space<semaphore_mem>>) src(%arg7 : memref<5x100x64xf32, #tpu.memory_space<hbm>>) dst(%dma_wait3A_363 : memref<5x100x64xf32, #tpu.memory_space<vmem>>)
        %dma_start3A_364 = arith.constant 1 : i32
        %dma_start3A_365 = arith.constant 0 : i32
        %dma_start3A_366 = arith.constant 1 : i32
        %dma_start3A_367 = arith.constant 0 : i32
        %dma_start3A_368 = arith.constant 0 : i32
        %dma_start3A_369 = arith.constant 0 : i32
        %dma_start3A_370 = tpu.memref_slice %arg14[%dma_start3A_364, %dma_start3A_365, %dma_start3A_368, %dma_start3A_369] : memref<2x5x100x64xf32, #tpu.memory_space<vmem>> -> memref<1x1x100x64xf32, #tpu.memory_space<vmem>>
        %dma_start3A_371 = tpu.memref_squeeze %dma_start3A_370 : memref<1x1x100x64xf32, #tpu.memory_space<vmem>> -> memref<100x64xf32, #tpu.memory_space<vmem>>
        %dma_start3A_372 = arith.constant 0 : i32
        %dma_start3A_373 = tpu.memref_slice %arg13[%dma_start3A_366, %dma_start3A_367, %dma_start3A_372] : memref<2x5x100xi32, #tpu.memory_space<vmem>> -> memref<1x1x100xi32, #tpu.memory_space<vmem>>
        %dma_start3A_374 = tpu.memref_squeeze %dma_start3A_373 : memref<1x1x100xi32, #tpu.memory_space<vmem>> -> memref<100xi32, #tpu.memory_space<vmem>>
        %dma_start3A_375 = arith.constant 0 : i32
        %dma_start3A_376 = arith.constant 0 : i32
        %dma_start3A_377 = tpu.memref_slice %arg15[%dma_start3A_375, %dma_start3A_376] : memref<10240x64xf32, #tpu.memory_space<vmem_shared>> -> memref<10240x64xf32, #tpu.memory_space<vmem_shared>>
        tpu.enqueue_indirect_dma source(%dma_start3A_371 : memref<100x64xf32, #tpu.memory_space<vmem>>) target(%dma_start3A_377 : memref<10240x64xf32, #tpu.memory_space<vmem_shared>>) offsets(%dma_start3A_374 : memref<100xi32, #tpu.memory_space<vmem>>) semaphore(%arg19 : memref<!tpu.dma_semaphore, #tpu.memory_space<semaphore_mem>>) {add = true}
        %dma_start3A_378 = arith.constant 1 : i32
        %dma_start3A_379 = arith.constant 1 : i32
        %dma_start3A_380 = arith.constant 1 : i32
        %dma_start3A_381 = arith.constant 1 : i32
        %dma_start3A_382 = arith.constant 0 : i32
        %dma_start3A_383 = arith.constant 0 : i32
        %dma_start3A_384 = tpu.memref_slice %arg14[%dma_start3A_378, %dma_start3A_379, %dma_start3A_382, %dma_start3A_383] : memref<2x5x100x64xf32, #tpu.memory_space<vmem>> -> memref<1x1x100x64xf32, #tpu.memory_space<vmem>>
        %dma_start3A_385 = tpu.memref_squeeze %dma_start3A_384 : memref<1x1x100x64xf32, #tpu.memory_space<vmem>> -> memref<100x64xf32, #tpu.memory_space<vmem>>
        %dma_start3A_386 = arith.constant 0 : i32
        %dma_start3A_387 = tpu.memref_slice %arg13[%dma_start3A_380, %dma_start3A_381, %dma_start3A_386] : memref<2x5x100xi32, #tpu.memory_space<vmem>> -> memref<1x1x100xi32, #tpu.memory_space<vmem>>
        %dma_start3A_388 = tpu.memref_squeeze %dma_start3A_387 : memref<1x1x100xi32, #tpu.memory_space<vmem>> -> memref<100xi32, #tpu.memory_space<vmem>>
        %dma_start3A_389 = arith.constant 0 : i32
        %dma_start3A_390 = arith.constant 0 : i32
        %dma_start3A_391 = tpu.memref_slice %arg15[%dma_start3A_389, %dma_start3A_390] : memref<10240x64xf32, #tpu.memory_space<vmem_shared>> -> memref<10240x64xf32, #tpu.memory_space<vmem_shared>>
        tpu.enqueue_indirect_dma source(%dma_start3A_385 : memref<100x64xf32, #tpu.memory_space<vmem>>) target(%dma_start3A_391 : memref<10240x64xf32, #tpu.memory_space<vmem_shared>>) offsets(%dma_start3A_388 : memref<100xi32, #tpu.memory_space<vmem>>) semaphore(%arg19 : memref<!tpu.dma_semaphore, #tpu.memory_space<semaphore_mem>>) {add = true}
        %dma_start3A_392 = arith.constant 1 : i32
        %dma_start3A_393 = arith.constant 2 : i32
        %dma_start3A_394 = arith.constant 1 : i32
        %dma_start3A_395 = arith.constant 2 : i32
        %dma_start3A_396 = arith.constant 0 : i32
        %dma_start3A_397 = arith.constant 0 : i32
        %dma_start3A_398 = tpu.memref_slice %arg14[%dma_start3A_392, %dma_start3A_393, %dma_start3A_396, %dma_start3A_397] : memref<2x5x100x64xf32, #tpu.memory_space<vmem>> -> memref<1x1x100x64xf32, #tpu.memory_space<vmem>>
        %dma_start3A_399 = tpu.memref_squeeze %dma_start3A_398 : memref<1x1x100x64xf32, #tpu.memory_space<vmem>> -> memref<100x64xf32, #tpu.memory_space<vmem>>
        %dma_start3A_400 = arith.constant 0 : i32
        %dma_start3A_401 = tpu.memref_slice %arg13[%dma_start3A_394, %dma_start3A_395, %dma_start3A_400] : memref<2x5x100xi32, #tpu.memory_space<vmem>> -> memref<1x1x100xi32, #tpu.memory_space<vmem>>
        %dma_start3A_402 = tpu.memref_squeeze %dma_start3A_401 : memref<1x1x100xi32, #tpu.memory_space<vmem>> -> memref<100xi32, #tpu.memory_space<vmem>>
        %dma_start3A_403 = arith.constant 0 : i32
        %dma_start3A_404 = arith.constant 0 : i32
        %dma_start3A_405 = tpu.memref_slice %arg15[%dma_start3A_403, %dma_start3A_404] : memref<10240x64xf32, #tpu.memory_space<vmem_shared>> -> memref<10240x64xf32, #tpu.memory_space<vmem_shared>>
        tpu.enqueue_indirect_dma source(%dma_start3A_399 : memref<100x64xf32, #tpu.memory_space<vmem>>) target(%dma_start3A_405 : memref<10240x64xf32, #tpu.memory_space<vmem_shared>>) offsets(%dma_start3A_402 : memref<100xi32, #tpu.memory_space<vmem>>) semaphore(%arg19 : memref<!tpu.dma_semaphore, #tpu.memory_space<semaphore_mem>>) {add = true}
        %dma_start3A_406 = arith.constant 1 : i32
        %dma_start3A_407 = arith.constant 3 : i32
        %dma_start3A_408 = arith.constant 1 : i32
        %dma_start3A_409 = arith.constant 3 : i32
        %dma_start3A_410 = arith.constant 0 : i32
        %dma_start3A_411 = arith.constant 0 : i32
        %dma_start3A_412 = tpu.memref_slice %arg14[%dma_start3A_406, %dma_start3A_407, %dma_start3A_410, %dma_start3A_411] : memref<2x5x100x64xf32, #tpu.memory_space<vmem>> -> memref<1x1x100x64xf32, #tpu.memory_space<vmem>>
        %dma_start3A_413 = tpu.memref_squeeze %dma_start3A_412 : memref<1x1x100x64xf32, #tpu.memory_space<vmem>> -> memref<100x64xf32, #tpu.memory_space<vmem>>
        %dma_start3A_414 = arith.constant 0 : i32
        %dma_start3A_415 = tpu.memref_slice %arg13[%dma_start3A_408, %dma_start3A_409, %dma_start3A_414] : memref<2x5x100xi32, #tpu.memory_space<vmem>> -> memref<1x1x100xi32, #tpu.memory_space<vmem>>
        %dma_start3A_416 = tpu.memref_squeeze %dma_start3A_415 : memref<1x1x100xi32, #tpu.memory_space<vmem>> -> memref<100xi32, #tpu.memory_space<vmem>>
        %dma_start3A_417 = arith.constant 0 : i32
        %dma_start3A_418 = arith.constant 0 : i32
        %dma_start3A_419 = tpu.memref_slice %arg15[%dma_start3A_417, %dma_start3A_418] : memref<10240x64xf32, #tpu.memory_space<vmem_shared>> -> memref<10240x64xf32, #tpu.memory_space<vmem_shared>>
        tpu.enqueue_indirect_dma source(%dma_start3A_413 : memref<100x64xf32, #tpu.memory_space<vmem>>) target(%dma_start3A_419 : memref<10240x64xf32, #tpu.memory_space<vmem_shared>>) offsets(%dma_start3A_416 : memref<100xi32, #tpu.memory_space<vmem>>) semaphore(%arg19 : memref<!tpu.dma_semaphore, #tpu.memory_space<semaphore_mem>>) {add = true}
        %dma_start3A_420 = arith.constant 1 : i32
        %dma_start3A_421 = arith.constant 4 : i32
        %dma_start3A_422 = arith.constant 1 : i32
        %dma_start3A_423 = arith.constant 4 : i32
        %dma_start3A_424 = arith.constant 0 : i32
        %dma_start3A_425 = arith.constant 0 : i32
        %dma_start3A_426 = tpu.memref_slice %arg14[%dma_start3A_420, %dma_start3A_421, %dma_start3A_424, %dma_start3A_425] : memref<2x5x100x64xf32, #tpu.memory_space<vmem>> -> memref<1x1x100x64xf32, #tpu.memory_space<vmem>>
        %dma_start3A_427 = tpu.memref_squeeze %dma_start3A_426 : memref<1x1x100x64xf32, #tpu.memory_space<vmem>> -> memref<100x64xf32, #tpu.memory_space<vmem>>
        %dma_start3A_428 = arith.constant 0 : i32
        %dma_start3A_429 = tpu.memref_slice %arg13[%dma_start3A_422, %dma_start3A_423, %dma_start3A_428] : memref<2x5x100xi32, #tpu.memory_space<vmem>> -> memref<1x1x100xi32, #tpu.memory_space<vmem>>
        %dma_start3A_430 = tpu.memref_squeeze %dma_start3A_429 : memref<1x1x100xi32, #tpu.memory_space<vmem>> -> memref<100xi32, #tpu.memory_space<vmem>>
        %dma_start3A_431 = arith.constant 0 : i32
        %dma_start3A_432 = arith.constant 0 : i32
        %dma_start3A_433 = tpu.memref_slice %arg15[%dma_start3A_431, %dma_start3A_432] : memref<10240x64xf32, #tpu.memory_space<vmem_shared>> -> memref<10240x64xf32, #tpu.memory_space<vmem_shared>>
        tpu.enqueue_indirect_dma source(%dma_start3A_427 : memref<100x64xf32, #tpu.memory_space<vmem>>) target(%dma_start3A_433 : memref<10240x64xf32, #tpu.memory_space<vmem_shared>>) offsets(%dma_start3A_430 : memref<100xi32, #tpu.memory_space<vmem>>) semaphore(%arg19 : memref<!tpu.dma_semaphore, #tpu.memory_space<semaphore_mem>>) {add = true}
        %dma_start3A_434 = arith.constant 0 : i32
        %dma_start3A_435 = arith.constant 1 : i32
        %dma_start3A_436 = arith.constant 0 : i32
        %dma_start3A_437 = arith.constant 0 : i32
        %dma_start3A_438 = arith.constant 0 : i32
        %dma_start3A_439 = tpu.memref_slice %arg20[%dma_start3A_434, %dma_start3A_437, %dma_start3A_438] : memref<5x100x8xf32, #tpu.memory_space<vmem>> -> memref<1x100x8xf32, #tpu.memory_space<vmem>>
        %dma_start3A_440 = tpu.memref_squeeze %dma_start3A_439 : memref<1x100x8xf32, #tpu.memory_space<vmem>> -> memref<100x8xf32, #tpu.memory_space<vmem>>
        %dma_start3A_441 = arith.constant 0 : i32
        %dma_start3A_442 = tpu.memref_slice %arg13[%dma_start3A_435, %dma_start3A_436, %dma_start3A_441] : memref<2x5x100xi32, #tpu.memory_space<vmem>> -> memref<1x1x100xi32, #tpu.memory_space<vmem>>
        %dma_start3A_443 = tpu.memref_squeeze %dma_start3A_442 : memref<1x1x100xi32, #tpu.memory_space<vmem>> -> memref<100xi32, #tpu.memory_space<vmem>>
        %dma_start3A_444 = arith.constant 0 : i32
        %dma_start3A_445 = arith.constant 0 : i32
        %dma_start3A_446 = tpu.memref_slice %arg21[%dma_start3A_444, %dma_start3A_445] : memref<10240x8xf32, #tpu.memory_space<vmem_shared>> -> memref<10240x8xf32, #tpu.memory_space<vmem_shared>>
        tpu.enqueue_indirect_dma source(%dma_start3A_440 : memref<100x8xf32, #tpu.memory_space<vmem>>) target(%dma_start3A_446 : memref<10240x8xf32, #tpu.memory_space<vmem_shared>>) offsets(%dma_start3A_443 : memref<100xi32, #tpu.memory_space<vmem>>) semaphore(%arg22 : memref<!tpu.dma_semaphore, #tpu.memory_space<semaphore_mem>>) {add = true}
        %dma_start3A_447 = arith.constant 1 : i32
        %dma_start3A_448 = arith.constant 1 : i32
        %dma_start3A_449 = arith.constant 1 : i32
        %dma_start3A_450 = arith.constant 0 : i32
        %dma_start3A_451 = arith.constant 0 : i32
        %dma_start3A_452 = tpu.memref_slice %arg20[%dma_start3A_447, %dma_start3A_450, %dma_start3A_451] : memref<5x100x8xf32, #tpu.memory_space<vmem>> -> memref<1x100x8xf32, #tpu.memory_space<vmem>>
        %dma_start3A_453 = tpu.memref_squeeze %dma_start3A_452 : memref<1x100x8xf32, #tpu.memory_space<vmem>> -> memref<100x8xf32, #tpu.memory_space<vmem>>
        %dma_start3A_454 = arith.constant 0 : i32
        %dma_start3A_455 = tpu.memref_slice %arg13[%dma_start3A_448, %dma_start3A_449, %dma_start3A_454] : memref<2x5x100xi32, #tpu.memory_space<vmem>> -> memref<1x1x100xi32, #tpu.memory_space<vmem>>
        %dma_start3A_456 = tpu.memref_squeeze %dma_start3A_455 : memref<1x1x100xi32, #tpu.memory_space<vmem>> -> memref<100xi32, #tpu.memory_space<vmem>>
        %dma_start3A_457 = arith.constant 0 : i32
        %dma_start3A_458 = arith.constant 0 : i32
        %dma_start3A_459 = tpu.memref_slice %arg21[%dma_start3A_457, %dma_start3A_458] : memref<10240x8xf32, #tpu.memory_space<vmem_shared>> -> memref<10240x8xf32, #tpu.memory_space<vmem_shared>>
        tpu.enqueue_indirect_dma source(%dma_start3A_453 : memref<100x8xf32, #tpu.memory_space<vmem>>) target(%dma_start3A_459 : memref<10240x8xf32, #tpu.memory_space<vmem_shared>>) offsets(%dma_start3A_456 : memref<100xi32, #tpu.memory_space<vmem>>) semaphore(%arg22 : memref<!tpu.dma_semaphore, #tpu.memory_space<semaphore_mem>>) {add = true}
        %dma_start3A_460 = arith.constant 2 : i32
        %dma_start3A_461 = arith.constant 1 : i32
        %dma_start3A_462 = arith.constant 2 : i32
        %dma_start3A_463 = arith.constant 0 : i32
        %dma_start3A_464 = arith.constant 0 : i32
        %dma_start3A_465 = tpu.memref_slice %arg20[%dma_start3A_460, %dma_start3A_463, %dma_start3A_464] : memref<5x100x8xf32, #tpu.memory_space<vmem>> -> memref<1x100x8xf32, #tpu.memory_space<vmem>>
        %dma_start3A_466 = tpu.memref_squeeze %dma_start3A_465 : memref<1x100x8xf32, #tpu.memory_space<vmem>> -> memref<100x8xf32, #tpu.memory_space<vmem>>
        %dma_start3A_467 = arith.constant 0 : i32
        %dma_start3A_468 = tpu.memref_slice %arg13[%dma_start3A_461, %dma_start3A_462, %dma_start3A_467] : memref<2x5x100xi32, #tpu.memory_space<vmem>> -> memref<1x1x100xi32, #tpu.memory_space<vmem>>
        %dma_start3A_469 = tpu.memref_squeeze %dma_start3A_468 : memref<1x1x100xi32, #tpu.memory_space<vmem>> -> memref<100xi32, #tpu.memory_space<vmem>>
        %dma_start3A_470 = arith.constant 0 : i32
        %dma_start3A_471 = arith.constant 0 : i32
        %dma_start3A_472 = tpu.memref_slice %arg21[%dma_start3A_470, %dma_start3A_471] : memref<10240x8xf32, #tpu.memory_space<vmem_shared>> -> memref<10240x8xf32, #tpu.memory_space<vmem_shared>>
        tpu.enqueue_indirect_dma source(%dma_start3A_466 : memref<100x8xf32, #tpu.memory_space<vmem>>) target(%dma_start3A_472 : memref<10240x8xf32, #tpu.memory_space<vmem_shared>>) offsets(%dma_start3A_469 : memref<100xi32, #tpu.memory_space<vmem>>) semaphore(%arg22 : memref<!tpu.dma_semaphore, #tpu.memory_space<semaphore_mem>>) {add = true}
        %dma_start3A_473 = arith.constant 3 : i32
        %dma_start3A_474 = arith.constant 1 : i32
        %dma_start3A_475 = arith.constant 3 : i32
        %dma_start3A_476 = arith.constant 0 : i32
        %dma_start3A_477 = arith.constant 0 : i32
        %dma_start3A_478 = tpu.memref_slice %arg20[%dma_start3A_473, %dma_start3A_476, %dma_start3A_477] : memref<5x100x8xf32, #tpu.memory_space<vmem>> -> memref<1x100x8xf32, #tpu.memory_space<vmem>>
        %dma_start3A_479 = tpu.memref_squeeze %dma_start3A_478 : memref<1x100x8xf32, #tpu.memory_space<vmem>> -> memref<100x8xf32, #tpu.memory_space<vmem>>
        %dma_start3A_480 = arith.constant 0 : i32
        %dma_start3A_481 = tpu.memref_slice %arg13[%dma_start3A_474, %dma_start3A_475, %dma_start3A_480] : memref<2x5x100xi32, #tpu.memory_space<vmem>> -> memref<1x1x100xi32, #tpu.memory_space<vmem>>
        %dma_start3A_482 = tpu.memref_squeeze %dma_start3A_481 : memref<1x1x100xi32, #tpu.memory_space<vmem>> -> memref<100xi32, #tpu.memory_space<vmem>>
        %dma_start3A_483 = arith.constant 0 : i32
        %dma_start3A_484 = arith.constant 0 : i32
        %dma_start3A_485 = tpu.memref_slice %arg21[%dma_start3A_483, %dma_start3A_484] : memref<10240x8xf32, #tpu.memory_space<vmem_shared>> -> memref<10240x8xf32, #tpu.memory_space<vmem_shared>>
        tpu.enqueue_indirect_dma source(%dma_start3A_479 : memref<100x8xf32, #tpu.memory_space<vmem>>) target(%dma_start3A_485 : memref<10240x8xf32, #tpu.memory_space<vmem_shared>>) offsets(%dma_start3A_482 : memref<100xi32, #tpu.memory_space<vmem>>) semaphore(%arg22 : memref<!tpu.dma_semaphore, #tpu.memory_space<semaphore_mem>>) {add = true}
        %dma_start3A_486 = arith.constant 4 : i32
        %dma_start3A_487 = arith.constant 1 : i32
        %dma_start3A_488 = arith.constant 4 : i32
        %dma_start3A_489 = arith.constant 0 : i32
        %dma_start3A_490 = arith.constant 0 : i32
        %dma_start3A_491 = tpu.memref_slice %arg20[%dma_start3A_486, %dma_start3A_489, %dma_start3A_490] : memref<5x100x8xf32, #tpu.memory_space<vmem>> -> memref<1x100x8xf32, #tpu.memory_space<vmem>>
        %dma_start3A_492 = tpu.memref_squeeze %dma_start3A_491 : memref<1x100x8xf32, #tpu.memory_space<vmem>> -> memref<100x8xf32, #tpu.memory_space<vmem>>
        %dma_start3A_493 = arith.constant 0 : i32
        %dma_start3A_494 = tpu.memref_slice %arg13[%dma_start3A_487, %dma_start3A_488, %dma_start3A_493] : memref<2x5x100xi32, #tpu.memory_space<vmem>> -> memref<1x1x100xi32, #tpu.memory_space<vmem>>
        %dma_start3A_495 = tpu.memref_squeeze %dma_start3A_494 : memref<1x1x100xi32, #tpu.memory_space<vmem>> -> memref<100xi32, #tpu.memory_space<vmem>>
        %dma_start3A_496 = arith.constant 0 : i32
        %dma_start3A_497 = arith.constant 0 : i32
        %dma_start3A_498 = tpu.memref_slice %arg21[%dma_start3A_496, %dma_start3A_497] : memref<10240x8xf32, #tpu.memory_space<vmem_shared>> -> memref<10240x8xf32, #tpu.memory_space<vmem_shared>>
        tpu.enqueue_indirect_dma source(%dma_start3A_492 : memref<100x8xf32, #tpu.memory_space<vmem>>) target(%dma_start3A_498 : memref<10240x8xf32, #tpu.memory_space<vmem_shared>>) offsets(%dma_start3A_495 : memref<100xi32, #tpu.memory_space<vmem>>) semaphore(%arg22 : memref<!tpu.dma_semaphore, #tpu.memory_space<semaphore_mem>>) {add = true}
      }
      %scan3A_91 = arith.constant 20 : i32
      %dma_wait3A = arith.constant 1 : i32
      %dma_wait3A_92 = arith.constant 0 : i32
      %dma_wait3A_93 = arith.constant 0 : i32
      %dma_wait3A_94 = arith.constant 0 : i32
      %dma_wait3A_95 = tpu.memref_slice %arg14[%dma_wait3A, %dma_wait3A_92, %dma_wait3A_93, %dma_wait3A_94] : memref<2x5x100x64xf32, #tpu.memory_space<vmem>> -> memref<1x5x100x64xf32, #tpu.memory_space<vmem>>
      %dma_wait3A_96 = tpu.memref_squeeze %dma_wait3A_95 : memref<1x5x100x64xf32, #tpu.memory_space<vmem>> -> memref<5x100x64xf32, #tpu.memory_space<vmem>>
      %dma_wait3A_97 = arith.constant 0 : i32
      %dma_wait3A_98 = arith.constant 0 : i32
      %dma_wait3A_99 = arith.constant 0 : i32
      %dma_wait3A_100 = tpu.memref_slice %arg14[%dma_wait3A, %dma_wait3A_97, %dma_wait3A_98, %dma_wait3A_99] : memref<2x5x100x64xf32, #tpu.memory_space<vmem>> -> memref<1x5x100x64xf32, #tpu.memory_space<vmem>>
      %dma_wait3A_101 = tpu.memref_squeeze %dma_wait3A_100 : memref<1x5x100x64xf32, #tpu.memory_space<vmem>> -> memref<5x100x64xf32, #tpu.memory_space<vmem>>
      tpu.wait_dma2 semaphore(%arg19 : memref<!tpu.dma_semaphore, #tpu.memory_space<semaphore_mem>>) src(%arg7 : memref<5x100x64xf32, #tpu.memory_space<hbm>>) dst(%dma_wait3A_101 : memref<5x100x64xf32, #tpu.memory_space<vmem>>)
    } else {
    }
    %eq3A_5 = arith.constant 1 : i32
    %eq3A_6 = arith.cmpi eq, %arg0, %eq3A_5 : i32
    %convert_element_type3A_7 = arith.extui %eq3A_6 : i1 to i32
    %cond3A_8 = arith.constant 0 : i32
    %cond3A_9 = arith.cmpi ne, %convert_element_type3A_7, %cond3A_8 : i32
    scf.if %cond3A_9 {
      %run_scoped3A = arith.constant 0 : i32
      "tpu.region"() ({
        %run_scoped3A_102 = tpu.sem_alloc : memref<!tpu.dma_semaphore, #tpu.memory_space<semaphore_mem>>
        %dma_start3A_103 = arith.constant 0 : i32
        %dma_start3A_104 = arith.constant 0 : i32
        %dma_start3A_105 = tpu.memref_slice %arg12[%run_scoped3A, %dma_start3A_103, %dma_start3A_104] : memref<2x5x100xi32, #tpu.memory_space<vmem>> -> memref<1x5x100xi32, #tpu.memory_space<vmem>>
        %dma_start3A_106 = tpu.memref_squeeze %dma_start3A_105 : memref<1x5x100xi32, #tpu.memory_space<vmem>> -> memref<5x100xi32, #tpu.memory_space<vmem>>
        %dma_start3A_107 = arith.constant 0 : i32
        %dma_start3A_108 = arith.constant 0 : i32
        %dma_start3A_109 = tpu.memref_slice %arg4[%mul3A_2, %dma_start3A_107, %dma_start3A_108] : memref<640x5x100xi32, #tpu.memory_space<hbm>> -> memref<1x5x100xi32, #tpu.memory_space<hbm>>
        %dma_start3A_110 = tpu.memref_squeeze %dma_start3A_109 : memref<1x5x100xi32, #tpu.memory_space<hbm>> -> memref<5x100xi32, #tpu.memory_space<hbm>>
        %dma_start3A_111 = arith.constant 0 : i32
        %dma_start3A_112 = arith.constant 0 : i32
        %dma_start3A_113 = tpu.memref_slice %arg12[%run_scoped3A, %dma_start3A_111, %dma_start3A_112] : memref<2x5x100xi32, #tpu.memory_space<vmem>> -> memref<1x5x100xi32, #tpu.memory_space<vmem>>
        %dma_start3A_114 = tpu.memref_squeeze %dma_start3A_113 : memref<1x5x100xi32, #tpu.memory_space<vmem>> -> memref<5x100xi32, #tpu.memory_space<vmem>>
        %dma_start3A_115 = arith.constant 0 : i32
        %dma_start3A_116 = arith.constant 0 : i32
        %dma_start3A_117 = tpu.memref_slice %arg4[%mul3A_2, %dma_start3A_115, %dma_start3A_116] : memref<640x5x100xi32, #tpu.memory_space<hbm>> -> memref<1x5x100xi32, #tpu.memory_space<hbm>>
        %dma_start3A_118 = tpu.memref_squeeze %dma_start3A_117 : memref<1x5x100xi32, #tpu.memory_space<hbm>> -> memref<5x100xi32, #tpu.memory_space<hbm>>
        tpu.enqueue_dma source(%dma_start3A_118 : memref<5x100xi32, #tpu.memory_space<hbm>>) target(%dma_start3A_114 : memref<5x100xi32, #tpu.memory_space<vmem>>) target_semaphore(%run_scoped3A_102 : memref<!tpu.dma_semaphore, #tpu.memory_space<semaphore_mem>>)
        %dma_wait3A_119 = arith.constant 0 : i32
        %dma_wait3A_120 = arith.constant 0 : i32
        %dma_wait3A_121 = tpu.memref_slice %arg12[%run_scoped3A, %dma_wait3A_119, %dma_wait3A_120] : memref<2x5x100xi32, #tpu.memory_space<vmem>> -> memref<1x5x100xi32, #tpu.memory_space<vmem>>
        %dma_wait3A_122 = tpu.memref_squeeze %dma_wait3A_121 : memref<1x5x100xi32, #tpu.memory_space<vmem>> -> memref<5x100xi32, #tpu.memory_space<vmem>>
        %dma_wait3A_123 = arith.constant 0 : i32
        %dma_wait3A_124 = arith.constant 0 : i32
        %dma_wait3A_125 = tpu.memref_slice %arg4[%mul3A_2, %dma_wait3A_123, %dma_wait3A_124] : memref<640x5x100xi32, #tpu.memory_space<hbm>> -> memref<1x5x100xi32, #tpu.memory_space<hbm>>
        %dma_wait3A_126 = tpu.memref_squeeze %dma_wait3A_125 : memref<1x5x100xi32, #tpu.memory_space<hbm>> -> memref<5x100xi32, #tpu.memory_space<hbm>>
        %dma_wait3A_127 = arith.constant 0 : i32
        %dma_wait3A_128 = arith.constant 0 : i32
        %dma_wait3A_129 = tpu.memref_slice %arg12[%run_scoped3A, %dma_wait3A_127, %dma_wait3A_128] : memref<2x5x100xi32, #tpu.memory_space<vmem>> -> memref<1x5x100xi32, #tpu.memory_space<vmem>>
        %dma_wait3A_130 = tpu.memref_squeeze %dma_wait3A_129 : memref<1x5x100xi32, #tpu.memory_space<vmem>> -> memref<5x100xi32, #tpu.memory_space<vmem>>
        %dma_wait3A_131 = arith.constant 0 : i32
        %dma_wait3A_132 = arith.constant 0 : i32
        %dma_wait3A_133 = tpu.memref_slice %arg4[%mul3A_2, %dma_wait3A_131, %dma_wait3A_132] : memref<640x5x100xi32, #tpu.memory_space<hbm>> -> memref<1x5x100xi32, #tpu.memory_space<hbm>>
        %dma_wait3A_134 = tpu.memref_squeeze %dma_wait3A_133 : memref<1x5x100xi32, #tpu.memory_space<hbm>> -> memref<5x100xi32, #tpu.memory_space<hbm>>
        tpu.wait_dma2 semaphore(%run_scoped3A_102 : memref<!tpu.dma_semaphore, #tpu.memory_space<semaphore_mem>>) src(%dma_wait3A_134 : memref<5x100xi32, #tpu.memory_space<hbm>>) dst(%dma_wait3A_130 : memref<5x100xi32, #tpu.memory_space<vmem>>)
        tpu.yield
      }) : () -> ()
      %run_scoped3A_16 = arith.constant 0 : i32
      "tpu.region"() ({
        %run_scoped3A_102 = tpu.sem_alloc : memref<!tpu.dma_semaphore, #tpu.memory_space<semaphore_mem>>
        %dma_start3A_103 = arith.constant 0 : i32
        %dma_start3A_104 = arith.constant 0 : i32
        %dma_start3A_105 = tpu.memref_slice %arg13[%run_scoped3A_16, %dma_start3A_103, %dma_start3A_104] : memref<2x5x100xi32, #tpu.memory_space<vmem>> -> memref<1x5x100xi32, #tpu.memory_space<vmem>>
        %dma_start3A_106 = tpu.memref_squeeze %dma_start3A_105 : memref<1x5x100xi32, #tpu.memory_space<vmem>> -> memref<5x100xi32, #tpu.memory_space<vmem>>
        %dma_start3A_107 = arith.constant 0 : i32
        %dma_start3A_108 = arith.constant 0 : i32
        %dma_start3A_109 = tpu.memref_slice %arg5[%mul3A_2, %dma_start3A_107, %dma_start3A_108] : memref<640x5x100xi32, #tpu.memory_space<hbm>> -> memref<1x5x100xi32, #tpu.memory_space<hbm>>
        %dma_start3A_110 = tpu.memref_squeeze %dma_start3A_109 : memref<1x5x100xi32, #tpu.memory_space<hbm>> -> memref<5x100xi32, #tpu.memory_space<hbm>>
        %dma_start3A_111 = arith.constant 0 : i32
        %dma_start3A_112 = arith.constant 0 : i32
        %dma_start3A_113 = tpu.memref_slice %arg13[%run_scoped3A_16, %dma_start3A_111, %dma_start3A_112] : memref<2x5x100xi32, #tpu.memory_space<vmem>> -> memref<1x5x100xi32, #tpu.memory_space<vmem>>
        %dma_start3A_114 = tpu.memref_squeeze %dma_start3A_113 : memref<1x5x100xi32, #tpu.memory_space<vmem>> -> memref<5x100xi32, #tpu.memory_space<vmem>>
        %dma_start3A_115 = arith.constant 0 : i32
        %dma_start3A_116 = arith.constant 0 : i32
        %dma_start3A_117 = tpu.memref_slice %arg5[%mul3A_2, %dma_start3A_115, %dma_start3A_116] : memref<640x5x100xi32, #tpu.memory_space<hbm>> -> memref<1x5x100xi32, #tpu.memory_space<hbm>>
        %dma_start3A_118 = tpu.memref_squeeze %dma_start3A_117 : memref<1x5x100xi32, #tpu.memory_space<hbm>> -> memref<5x100xi32, #tpu.memory_space<hbm>>
        tpu.enqueue_dma source(%dma_start3A_118 : memref<5x100xi32, #tpu.memory_space<hbm>>) target(%dma_start3A_114 : memref<5x100xi32, #tpu.memory_space<vmem>>) target_semaphore(%run_scoped3A_102 : memref<!tpu.dma_semaphore, #tpu.memory_space<semaphore_mem>>)
        %dma_wait3A_119 = arith.constant 0 : i32
        %dma_wait3A_120 = arith.constant 0 : i32
        %dma_wait3A_121 = tpu.memref_slice %arg13[%run_scoped3A_16, %dma_wait3A_119, %dma_wait3A_120] : memref<2x5x100xi32, #tpu.memory_space<vmem>> -> memref<1x5x100xi32, #tpu.memory_space<vmem>>
        %dma_wait3A_122 = tpu.memref_squeeze %dma_wait3A_121 : memref<1x5x100xi32, #tpu.memory_space<vmem>> -> memref<5x100xi32, #tpu.memory_space<vmem>>
        %dma_wait3A_123 = arith.constant 0 : i32
        %dma_wait3A_124 = arith.constant 0 : i32
        %dma_wait3A_125 = tpu.memref_slice %arg5[%mul3A_2, %dma_wait3A_123, %dma_wait3A_124] : memref<640x5x100xi32, #tpu.memory_space<hbm>> -> memref<1x5x100xi32, #tpu.memory_space<hbm>>
        %dma_wait3A_126 = tpu.memref_squeeze %dma_wait3A_125 : memref<1x5x100xi32, #tpu.memory_space<hbm>> -> memref<5x100xi32, #tpu.memory_space<hbm>>
        %dma_wait3A_127 = arith.constant 0 : i32
        %dma_wait3A_128 = arith.constant 0 : i32
        %dma_wait3A_129 = tpu.memref_slice %arg13[%run_scoped3A_16, %dma_wait3A_127, %dma_wait3A_128] : memref<2x5x100xi32, #tpu.memory_space<vmem>> -> memref<1x5x100xi32, #tpu.memory_space<vmem>>
        %dma_wait3A_130 = tpu.memref_squeeze %dma_wait3A_129 : memref<1x5x100xi32, #tpu.memory_space<vmem>> -> memref<5x100xi32, #tpu.memory_space<vmem>>
        %dma_wait3A_131 = arith.constant 0 : i32
        %dma_wait3A_132 = arith.constant 0 : i32
        %dma_wait3A_133 = tpu.memref_slice %arg5[%mul3A_2, %dma_wait3A_131, %dma_wait3A_132] : memref<640x5x100xi32, #tpu.memory_space<hbm>> -> memref<1x5x100xi32, #tpu.memory_space<hbm>>
        %dma_wait3A_134 = tpu.memref_squeeze %dma_wait3A_133 : memref<1x5x100xi32, #tpu.memory_space<hbm>> -> memref<5x100xi32, #tpu.memory_space<hbm>>
        tpu.wait_dma2 semaphore(%run_scoped3A_102 : memref<!tpu.dma_semaphore, #tpu.memory_space<semaphore_mem>>) src(%dma_wait3A_134 : memref<5x100xi32, #tpu.memory_space<hbm>>) dst(%dma_wait3A_130 : memref<5x100xi32, #tpu.memory_space<vmem>>)
        tpu.yield
      }) : () -> ()
      %dma_start3A = arith.constant 0 : i32
      %dma_start3A_17 = arith.constant 0 : i32
      %dma_start3A_18 = arith.constant 0 : i32
      %dma_start3A_19 = arith.constant 0 : i32
      %dma_start3A_20 = arith.constant 0 : i32
      %dma_start3A_21 = arith.constant 0 : i32
      %dma_start3A_22 = tpu.memref_slice %arg14[%dma_start3A_18, %dma_start3A_19, %dma_start3A_20, %dma_start3A_21] : memref<2x5x100x64xf32, #tpu.memory_space<vmem>> -> memref<1x1x100x64xf32, #tpu.memory_space<vmem>>
      %dma_start3A_23 = tpu.memref_squeeze %dma_start3A_22 : memref<1x1x100x64xf32, #tpu.memory_space<vmem>> -> memref<100x64xf32, #tpu.memory_space<vmem>>
      %dma_start3A_24 = arith.constant 0 : i32
      %dma_start3A_25 = tpu.memref_slice %arg12[%dma_start3A, %dma_start3A_17, %dma_start3A_24] : memref<2x5x100xi32, #tpu.memory_space<vmem>> -> memref<1x1x100xi32, #tpu.memory_space<vmem>>
      %dma_start3A_26 = tpu.memref_squeeze %dma_start3A_25 : memref<1x1x100xi32, #tpu.memory_space<vmem>> -> memref<100xi32, #tpu.memory_space<vmem>>
      %dma_start3A_27 = arith.constant 0 : i32
      %dma_start3A_28 = arith.constant 0 : i32
      %dma_start3A_29 = tpu.memref_slice %arg3[%dma_start3A_27, %dma_start3A_28] : memref<10000x64xf32, #tpu.memory_space<hbm>> -> memref<10000x64xf32, #tpu.memory_space<hbm>>
      tpu.enqueue_indirect_dma source(%dma_start3A_29 : memref<10000x64xf32, #tpu.memory_space<hbm>>) target(%dma_start3A_23 : memref<100x64xf32, #tpu.memory_space<vmem>>) offsets(%dma_start3A_26 : memref<100xi32, #tpu.memory_space<vmem>>) semaphore(%arg16 : memref<!tpu.dma_semaphore, #tpu.memory_space<semaphore_mem>>)
      %dma_start3A_30 = arith.constant 0 : i32
      %dma_start3A_31 = arith.constant 1 : i32
      %dma_start3A_32 = arith.constant 0 : i32
      %dma_start3A_33 = arith.constant 1 : i32
      %dma_start3A_34 = arith.constant 0 : i32
      %dma_start3A_35 = arith.constant 0 : i32
      %dma_start3A_36 = tpu.memref_slice %arg14[%dma_start3A_32, %dma_start3A_33, %dma_start3A_34, %dma_start3A_35] : memref<2x5x100x64xf32, #tpu.memory_space<vmem>> -> memref<1x1x100x64xf32, #tpu.memory_space<vmem>>
      %dma_start3A_37 = tpu.memref_squeeze %dma_start3A_36 : memref<1x1x100x64xf32, #tpu.memory_space<vmem>> -> memref<100x64xf32, #tpu.memory_space<vmem>>
      %dma_start3A_38 = arith.constant 0 : i32
      %dma_start3A_39 = tpu.memref_slice %arg12[%dma_start3A_30, %dma_start3A_31, %dma_start3A_38] : memref<2x5x100xi32, #tpu.memory_space<vmem>> -> memref<1x1x100xi32, #tpu.memory_space<vmem>>
      %dma_start3A_40 = tpu.memref_squeeze %dma_start3A_39 : memref<1x1x100xi32, #tpu.memory_space<vmem>> -> memref<100xi32, #tpu.memory_space<vmem>>
      %dma_start3A_41 = arith.constant 0 : i32
      %dma_start3A_42 = arith.constant 0 : i32
      %dma_start3A_43 = tpu.memref_slice %arg3[%dma_start3A_41, %dma_start3A_42] : memref<10000x64xf32, #tpu.memory_space<hbm>> -> memref<10000x64xf32, #tpu.memory_space<hbm>>
      tpu.enqueue_indirect_dma source(%dma_start3A_43 : memref<10000x64xf32, #tpu.memory_space<hbm>>) target(%dma_start3A_37 : memref<100x64xf32, #tpu.memory_space<vmem>>) offsets(%dma_start3A_40 : memref<100xi32, #tpu.memory_space<vmem>>) semaphore(%arg16 : memref<!tpu.dma_semaphore, #tpu.memory_space<semaphore_mem>>)
      %dma_start3A_44 = arith.constant 0 : i32
      %dma_start3A_45 = arith.constant 2 : i32
      %dma_start3A_46 = arith.constant 0 : i32
      %dma_start3A_47 = arith.constant 2 : i32
      %dma_start3A_48 = arith.constant 0 : i32
      %dma_start3A_49 = arith.constant 0 : i32
      %dma_start3A_50 = tpu.memref_slice %arg14[%dma_start3A_46, %dma_start3A_47, %dma_start3A_48, %dma_start3A_49] : memref<2x5x100x64xf32, #tpu.memory_space<vmem>> -> memref<1x1x100x64xf32, #tpu.memory_space<vmem>>
      %dma_start3A_51 = tpu.memref_squeeze %dma_start3A_50 : memref<1x1x100x64xf32, #tpu.memory_space<vmem>> -> memref<100x64xf32, #tpu.memory_space<vmem>>
      %dma_start3A_52 = arith.constant 0 : i32
      %dma_start3A_53 = tpu.memref_slice %arg12[%dma_start3A_44, %dma_start3A_45, %dma_start3A_52] : memref<2x5x100xi32, #tpu.memory_space<vmem>> -> memref<1x1x100xi32, #tpu.memory_space<vmem>>
      %dma_start3A_54 = tpu.memref_squeeze %dma_start3A_53 : memref<1x1x100xi32, #tpu.memory_space<vmem>> -> memref<100xi32, #tpu.memory_space<vmem>>
      %dma_start3A_55 = arith.constant 0 : i32
      %dma_start3A_56 = arith.constant 0 : i32
      %dma_start3A_57 = tpu.memref_slice %arg3[%dma_start3A_55, %dma_start3A_56] : memref<10000x64xf32, #tpu.memory_space<hbm>> -> memref<10000x64xf32, #tpu.memory_space<hbm>>
      tpu.enqueue_indirect_dma source(%dma_start3A_57 : memref<10000x64xf32, #tpu.memory_space<hbm>>) target(%dma_start3A_51 : memref<100x64xf32, #tpu.memory_space<vmem>>) offsets(%dma_start3A_54 : memref<100xi32, #tpu.memory_space<vmem>>) semaphore(%arg16 : memref<!tpu.dma_semaphore, #tpu.memory_space<semaphore_mem>>)
      %dma_start3A_58 = arith.constant 0 : i32
      %dma_start3A_59 = arith.constant 3 : i32
      %dma_start3A_60 = arith.constant 0 : i32
      %dma_start3A_61 = arith.constant 3 : i32
      %dma_start3A_62 = arith.constant 0 : i32
      %dma_start3A_63 = arith.constant 0 : i32
      %dma_start3A_64 = tpu.memref_slice %arg14[%dma_start3A_60, %dma_start3A_61, %dma_start3A_62, %dma_start3A_63] : memref<2x5x100x64xf32, #tpu.memory_space<vmem>> -> memref<1x1x100x64xf32, #tpu.memory_space<vmem>>
      %dma_start3A_65 = tpu.memref_squeeze %dma_start3A_64 : memref<1x1x100x64xf32, #tpu.memory_space<vmem>> -> memref<100x64xf32, #tpu.memory_space<vmem>>
      %dma_start3A_66 = arith.constant 0 : i32
      %dma_start3A_67 = tpu.memref_slice %arg12[%dma_start3A_58, %dma_start3A_59, %dma_start3A_66] : memref<2x5x100xi32, #tpu.memory_space<vmem>> -> memref<1x1x100xi32, #tpu.memory_space<vmem>>
      %dma_start3A_68 = tpu.memref_squeeze %dma_start3A_67 : memref<1x1x100xi32, #tpu.memory_space<vmem>> -> memref<100xi32, #tpu.memory_space<vmem>>
      %dma_start3A_69 = arith.constant 0 : i32
      %dma_start3A_70 = arith.constant 0 : i32
      %dma_start3A_71 = tpu.memref_slice %arg3[%dma_start3A_69, %dma_start3A_70] : memref<10000x64xf32, #tpu.memory_space<hbm>> -> memref<10000x64xf32, #tpu.memory_space<hbm>>
      tpu.enqueue_indirect_dma source(%dma_start3A_71 : memref<10000x64xf32, #tpu.memory_space<hbm>>) target(%dma_start3A_65 : memref<100x64xf32, #tpu.memory_space<vmem>>) offsets(%dma_start3A_68 : memref<100xi32, #tpu.memory_space<vmem>>) semaphore(%arg16 : memref<!tpu.dma_semaphore, #tpu.memory_space<semaphore_mem>>)
      %dma_start3A_72 = arith.constant 0 : i32
      %dma_start3A_73 = arith.constant 4 : i32
      %dma_start3A_74 = arith.constant 0 : i32
      %dma_start3A_75 = arith.constant 4 : i32
      %dma_start3A_76 = arith.constant 0 : i32
      %dma_start3A_77 = arith.constant 0 : i32
      %dma_start3A_78 = tpu.memref_slice %arg14[%dma_start3A_74, %dma_start3A_75, %dma_start3A_76, %dma_start3A_77] : memref<2x5x100x64xf32, #tpu.memory_space<vmem>> -> memref<1x1x100x64xf32, #tpu.memory_space<vmem>>
      %dma_start3A_79 = tpu.memref_squeeze %dma_start3A_78 : memref<1x1x100x64xf32, #tpu.memory_space<vmem>> -> memref<100x64xf32, #tpu.memory_space<vmem>>
      %dma_start3A_80 = arith.constant 0 : i32
      %dma_start3A_81 = tpu.memref_slice %arg12[%dma_start3A_72, %dma_start3A_73, %dma_start3A_80] : memref<2x5x100xi32, #tpu.memory_space<vmem>> -> memref<1x1x100xi32, #tpu.memory_space<vmem>>
      %dma_start3A_82 = tpu.memref_squeeze %dma_start3A_81 : memref<1x1x100xi32, #tpu.memory_space<vmem>> -> memref<100xi32, #tpu.memory_space<vmem>>
      %dma_start3A_83 = arith.constant 0 : i32
      %dma_start3A_84 = arith.constant 0 : i32
      %dma_start3A_85 = tpu.memref_slice %arg3[%dma_start3A_83, %dma_start3A_84] : memref<10000x64xf32, #tpu.memory_space<hbm>> -> memref<10000x64xf32, #tpu.memory_space<hbm>>
      tpu.enqueue_indirect_dma source(%dma_start3A_85 : memref<10000x64xf32, #tpu.memory_space<hbm>>) target(%dma_start3A_79 : memref<100x64xf32, #tpu.memory_space<vmem>>) offsets(%dma_start3A_82 : memref<100xi32, #tpu.memory_space<vmem>>) semaphore(%arg16 : memref<!tpu.dma_semaphore, #tpu.memory_space<semaphore_mem>>)
      %scan3A_86 = arith.constant 0 : i32
      %scan3A_87 = arith.constant 0 : i32
      %scan3A_88 = arith.constant 20 : i32
      %scan3A_89 = arith.addi %scan3A_87, %scan3A_88 : i32
      %scan3A_90 = arith.constant 1 : i32
      scf.for %scan3A_102 = %scan3A_87 to %scan3A_89 step %scan3A_90  : i32 {
        %mul3A_103 = arith.constant 2 : i32
        %mul3A_104 = arith.muli %mul3A_103, %scan3A_102 : i32
        %gt3A = arith.constant 0 : i32
        %gt3A_105 = arith.cmpi sgt, %scan3A_102, %gt3A : i32
        %convert_element_type3A_106 = arith.extui %gt3A_105 : i1 to i32
        %cond3A_107 = arith.constant 0 : i32
        %cond3A_108 = arith.cmpi ne, %convert_element_type3A_106, %cond3A_107 : i32
        scf.if %cond3A_108 {
          %dma_wait3A_499 = arith.constant 1 : i32
          %dma_wait3A_500 = arith.constant 0 : i32
          %dma_wait3A_501 = arith.constant 0 : i32
          %dma_wait3A_502 = arith.constant 0 : i32
          %dma_wait3A_503 = tpu.memref_slice %arg14[%dma_wait3A_499, %dma_wait3A_500, %dma_wait3A_501, %dma_wait3A_502] : memref<2x5x100x64xf32, #tpu.memory_space<vmem>> -> memref<1x5x100x64xf32, #tpu.memory_space<vmem>>
          %dma_wait3A_504 = tpu.memref_squeeze %dma_wait3A_503 : memref<1x5x100x64xf32, #tpu.memory_space<vmem>> -> memref<5x100x64xf32, #tpu.memory_space<vmem>>
          %dma_wait3A_505 = arith.constant 0 : i32
          %dma_wait3A_506 = arith.constant 0 : i32
          %dma_wait3A_507 = arith.constant 0 : i32
          %dma_wait3A_508 = tpu.memref_slice %arg14[%dma_wait3A_499, %dma_wait3A_505, %dma_wait3A_506, %dma_wait3A_507] : memref<2x5x100x64xf32, #tpu.memory_space<vmem>> -> memref<1x5x100x64xf32, #tpu.memory_space<vmem>>
          %dma_wait3A_509 = tpu.memref_squeeze %dma_wait3A_508 : memref<1x5x100x64xf32, #tpu.memory_space<vmem>> -> memref<5x100x64xf32, #tpu.memory_space<vmem>>
          tpu.wait_dma2 semaphore(%arg19 : memref<!tpu.dma_semaphore, #tpu.memory_space<semaphore_mem>>) src(%arg7 : memref<5x100x64xf32, #tpu.memory_space<hbm>>) dst(%dma_wait3A_509 : memref<5x100x64xf32, #tpu.memory_space<vmem>>)
        } else {
        }
        %add3A = arith.addi %mul3A_2, %mul3A_104 : i32
        %add3A_109 = arith.constant 1 : i32
        %add3A_110 = arith.addi %add3A, %add3A_109 : i32
        %run_scoped3A_111 = arith.constant 1 : i32
        "tpu.region"() ({
          %run_scoped3A_499 = tpu.sem_alloc : memref<!tpu.dma_semaphore, #tpu.memory_space<semaphore_mem>>
          %dma_start3A_500 = arith.constant 0 : i32
          %dma_start3A_501 = arith.constant 0 : i32
          %dma_start3A_502 = tpu.memref_slice %arg12[%run_scoped3A_111, %dma_start3A_500, %dma_start3A_501] : memref<2x5x100xi32, #tpu.memory_space<vmem>> -> memref<1x5x100xi32, #tpu.memory_space<vmem>>
          %dma_start3A_503 = tpu.memref_squeeze %dma_start3A_502 : memref<1x5x100xi32, #tpu.memory_space<vmem>> -> memref<5x100xi32, #tpu.memory_space<vmem>>
          %dma_start3A_504 = arith.constant 0 : i32
          %dma_start3A_505 = arith.constant 0 : i32
          %dma_start3A_506 = tpu.memref_slice %arg4[%add3A_110, %dma_start3A_504, %dma_start3A_505] : memref<640x5x100xi32, #tpu.memory_space<hbm>> -> memref<1x5x100xi32, #tpu.memory_space<hbm>>
          %dma_start3A_507 = tpu.memref_squeeze %dma_start3A_506 : memref<1x5x100xi32, #tpu.memory_space<hbm>> -> memref<5x100xi32, #tpu.memory_space<hbm>>
          %dma_start3A_508 = arith.constant 0 : i32
          %dma_start3A_509 = arith.constant 0 : i32
          %dma_start3A_510 = tpu.memref_slice %arg12[%run_scoped3A_111, %dma_start3A_508, %dma_start3A_509] : memref<2x5x100xi32, #tpu.memory_space<vmem>> -> memref<1x5x100xi32, #tpu.memory_space<vmem>>
          %dma_start3A_511 = tpu.memref_squeeze %dma_start3A_510 : memref<1x5x100xi32, #tpu.memory_space<vmem>> -> memref<5x100xi32, #tpu.memory_space<vmem>>
          %dma_start3A_512 = arith.constant 0 : i32
          %dma_start3A_513 = arith.constant 0 : i32
          %dma_start3A_514 = tpu.memref_slice %arg4[%add3A_110, %dma_start3A_512, %dma_start3A_513] : memref<640x5x100xi32, #tpu.memory_space<hbm>> -> memref<1x5x100xi32, #tpu.memory_space<hbm>>
          %dma_start3A_515 = tpu.memref_squeeze %dma_start3A_514 : memref<1x5x100xi32, #tpu.memory_space<hbm>> -> memref<5x100xi32, #tpu.memory_space<hbm>>
          tpu.enqueue_dma source(%dma_start3A_515 : memref<5x100xi32, #tpu.memory_space<hbm>>) target(%dma_start3A_511 : memref<5x100xi32, #tpu.memory_space<vmem>>) target_semaphore(%run_scoped3A_499 : memref<!tpu.dma_semaphore, #tpu.memory_space<semaphore_mem>>)
          %dma_wait3A_516 = arith.constant 0 : i32
          %dma_wait3A_517 = arith.constant 0 : i32
          %dma_wait3A_518 = tpu.memref_slice %arg12[%run_scoped3A_111, %dma_wait3A_516, %dma_wait3A_517] : memref<2x5x100xi32, #tpu.memory_space<vmem>> -> memref<1x5x100xi32, #tpu.memory_space<vmem>>
          %dma_wait3A_519 = tpu.memref_squeeze %dma_wait3A_518 : memref<1x5x100xi32, #tpu.memory_space<vmem>> -> memref<5x100xi32, #tpu.memory_space<vmem>>
          %dma_wait3A_520 = arith.constant 0 : i32
          %dma_wait3A_521 = arith.constant 0 : i32
          %dma_wait3A_522 = tpu.memref_slice %arg4[%add3A_110, %dma_wait3A_520, %dma_wait3A_521] : memref<640x5x100xi32, #tpu.memory_space<hbm>> -> memref<1x5x100xi32, #tpu.memory_space<hbm>>
          %dma_wait3A_523 = tpu.memref_squeeze %dma_wait3A_522 : memref<1x5x100xi32, #tpu.memory_space<hbm>> -> memref<5x100xi32, #tpu.memory_space<hbm>>
          %dma_wait3A_524 = arith.constant 0 : i32
          %dma_wait3A_525 = arith.constant 0 : i32
          %dma_wait3A_526 = tpu.memref_slice %arg12[%run_scoped3A_111, %dma_wait3A_524, %dma_wait3A_525] : memref<2x5x100xi32, #tpu.memory_space<vmem>> -> memref<1x5x100xi32, #tpu.memory_space<vmem>>
          %dma_wait3A_527 = tpu.memref_squeeze %dma_wait3A_526 : memref<1x5x100xi32, #tpu.memory_space<vmem>> -> memref<5x100xi32, #tpu.memory_space<vmem>>
          %dma_wait3A_528 = arith.constant 0 : i32
          %dma_wait3A_529 = arith.constant 0 : i32
          %dma_wait3A_530 = tpu.memref_slice %arg4[%add3A_110, %dma_wait3A_528, %dma_wait3A_529] : memref<640x5x100xi32, #tpu.memory_space<hbm>> -> memref<1x5x100xi32, #tpu.memory_space<hbm>>
          %dma_wait3A_531 = tpu.memref_squeeze %dma_wait3A_530 : memref<1x5x100xi32, #tpu.memory_space<hbm>> -> memref<5x100xi32, #tpu.memory_space<hbm>>
          tpu.wait_dma2 semaphore(%run_scoped3A_499 : memref<!tpu.dma_semaphore, #tpu.memory_space<semaphore_mem>>) src(%dma_wait3A_531 : memref<5x100xi32, #tpu.memory_space<hbm>>) dst(%dma_wait3A_527 : memref<5x100xi32, #tpu.memory_space<vmem>>)
          tpu.yield
        }) : () -> ()
        %add3A_112 = arith.addi %mul3A_2, %mul3A_104 : i32
        %add3A_113 = arith.constant 1 : i32
        %add3A_114 = arith.addi %add3A_112, %add3A_113 : i32
        %run_scoped3A_115 = arith.constant 1 : i32
        "tpu.region"() ({
          %run_scoped3A_499 = tpu.sem_alloc : memref<!tpu.dma_semaphore, #tpu.memory_space<semaphore_mem>>
          %dma_start3A_500 = arith.constant 0 : i32
          %dma_start3A_501 = arith.constant 0 : i32
          %dma_start3A_502 = tpu.memref_slice %arg13[%run_scoped3A_115, %dma_start3A_500, %dma_start3A_501] : memref<2x5x100xi32, #tpu.memory_space<vmem>> -> memref<1x5x100xi32, #tpu.memory_space<vmem>>
          %dma_start3A_503 = tpu.memref_squeeze %dma_start3A_502 : memref<1x5x100xi32, #tpu.memory_space<vmem>> -> memref<5x100xi32, #tpu.memory_space<vmem>>
          %dma_start3A_504 = arith.constant 0 : i32
          %dma_start3A_505 = arith.constant 0 : i32
          %dma_start3A_506 = tpu.memref_slice %arg5[%add3A_114, %dma_start3A_504, %dma_start3A_505] : memref<640x5x100xi32, #tpu.memory_space<hbm>> -> memref<1x5x100xi32, #tpu.memory_space<hbm>>
          %dma_start3A_507 = tpu.memref_squeeze %dma_start3A_506 : memref<1x5x100xi32, #tpu.memory_space<hbm>> -> memref<5x100xi32, #tpu.memory_space<hbm>>
          %dma_start3A_508 = arith.constant 0 : i32
          %dma_start3A_509 = arith.constant 0 : i32
          %dma_start3A_510 = tpu.memref_slice %arg13[%run_scoped3A_115, %dma_start3A_508, %dma_start3A_509] : memref<2x5x100xi32, #tpu.memory_space<vmem>> -> memref<1x5x100xi32, #tpu.memory_space<vmem>>
          %dma_start3A_511 = tpu.memref_squeeze %dma_start3A_510 : memref<1x5x100xi32, #tpu.memory_space<vmem>> -> memref<5x100xi32, #tpu.memory_space<vmem>>
          %dma_start3A_512 = arith.constant 0 : i32
          %dma_start3A_513 = arith.constant 0 : i32
          %dma_start3A_514 = tpu.memref_slice %arg5[%add3A_114, %dma_start3A_512, %dma_start3A_513] : memref<640x5x100xi32, #tpu.memory_space<hbm>> -> memref<1x5x100xi32, #tpu.memory_space<hbm>>
          %dma_start3A_515 = tpu.memref_squeeze %dma_start3A_514 : memref<1x5x100xi32, #tpu.memory_space<hbm>> -> memref<5x100xi32, #tpu.memory_space<hbm>>
          tpu.enqueue_dma source(%dma_start3A_515 : memref<5x100xi32, #tpu.memory_space<hbm>>) target(%dma_start3A_511 : memref<5x100xi32, #tpu.memory_space<vmem>>) target_semaphore(%run_scoped3A_499 : memref<!tpu.dma_semaphore, #tpu.memory_space<semaphore_mem>>)
          %dma_wait3A_516 = arith.constant 0 : i32
          %dma_wait3A_517 = arith.constant 0 : i32
          %dma_wait3A_518 = tpu.memref_slice %arg13[%run_scoped3A_115, %dma_wait3A_516, %dma_wait3A_517] : memref<2x5x100xi32, #tpu.memory_space<vmem>> -> memref<1x5x100xi32, #tpu.memory_space<vmem>>
          %dma_wait3A_519 = tpu.memref_squeeze %dma_wait3A_518 : memref<1x5x100xi32, #tpu.memory_space<vmem>> -> memref<5x100xi32, #tpu.memory_space<vmem>>
          %dma_wait3A_520 = arith.constant 0 : i32
          %dma_wait3A_521 = arith.constant 0 : i32
          %dma_wait3A_522 = tpu.memref_slice %arg5[%add3A_114, %dma_wait3A_520, %dma_wait3A_521] : memref<640x5x100xi32, #tpu.memory_space<hbm>> -> memref<1x5x100xi32, #tpu.memory_space<hbm>>
          %dma_wait3A_523 = tpu.memref_squeeze %dma_wait3A_522 : memref<1x5x100xi32, #tpu.memory_space<hbm>> -> memref<5x100xi32, #tpu.memory_space<hbm>>
          %dma_wait3A_524 = arith.constant 0 : i32
          %dma_wait3A_525 = arith.constant 0 : i32
          %dma_wait3A_526 = tpu.memref_slice %arg13[%run_scoped3A_115, %dma_wait3A_524, %dma_wait3A_525] : memref<2x5x100xi32, #tpu.memory_space<vmem>> -> memref<1x5x100xi32, #tpu.memory_space<vmem>>
          %dma_wait3A_527 = tpu.memref_squeeze %dma_wait3A_526 : memref<1x5x100xi32, #tpu.memory_space<vmem>> -> memref<5x100xi32, #tpu.memory_space<vmem>>
          %dma_wait3A_528 = arith.constant 0 : i32
          %dma_wait3A_529 = arith.constant 0 : i32
          %dma_wait3A_530 = tpu.memref_slice %arg5[%add3A_114, %dma_wait3A_528, %dma_wait3A_529] : memref<640x5x100xi32, #tpu.memory_space<hbm>> -> memref<1x5x100xi32, #tpu.memory_space<hbm>>
          %dma_wait3A_531 = tpu.memref_squeeze %dma_wait3A_530 : memref<1x5x100xi32, #tpu.memory_space<hbm>> -> memref<5x100xi32, #tpu.memory_space<hbm>>
          tpu.wait_dma2 semaphore(%run_scoped3A_499 : memref<!tpu.dma_semaphore, #tpu.memory_space<semaphore_mem>>) src(%dma_wait3A_531 : memref<5x100xi32, #tpu.memory_space<hbm>>) dst(%dma_wait3A_527 : memref<5x100xi32, #tpu.memory_space<vmem>>)
          tpu.yield
        }) : () -> ()
        %add3A_116 = arith.constant 1 : i32
        %add3A_117 = arith.addi %mul3A_104, %add3A_116 : i32
        %dma_start3A_118 = arith.constant 1 : i32
        %dma_start3A_119 = arith.constant 0 : i32
        %dma_start3A_120 = arith.constant 1 : i32
        %dma_start3A_121 = arith.constant 0 : i32
        %dma_start3A_122 = arith.constant 0 : i32
        %dma_start3A_123 = arith.constant 0 : i32
        %dma_start3A_124 = tpu.memref_slice %arg14[%dma_start3A_120, %dma_start3A_121, %dma_start3A_122, %dma_start3A_123] : memref<2x5x100x64xf32, #tpu.memory_space<vmem>> -> memref<1x1x100x64xf32, #tpu.memory_space<vmem>>
        %dma_start3A_125 = tpu.memref_squeeze %dma_start3A_124 : memref<1x1x100x64xf32, #tpu.memory_space<vmem>> -> memref<100x64xf32, #tpu.memory_space<vmem>>
        %dma_start3A_126 = arith.constant 0 : i32
        %dma_start3A_127 = tpu.memref_slice %arg12[%dma_start3A_118, %dma_start3A_119, %dma_start3A_126] : memref<2x5x100xi32, #tpu.memory_space<vmem>> -> memref<1x1x100xi32, #tpu.memory_space<vmem>>
        %dma_start3A_128 = tpu.memref_squeeze %dma_start3A_127 : memref<1x1x100xi32, #tpu.memory_space<vmem>> -> memref<100xi32, #tpu.memory_space<vmem>>
        %dma_start3A_129 = arith.constant 0 : i32
        %dma_start3A_130 = arith.constant 0 : i32
        %dma_start3A_131 = tpu.memref_slice %arg3[%dma_start3A_129, %dma_start3A_130] : memref<10000x64xf32, #tpu.memory_space<hbm>> -> memref<10000x64xf32, #tpu.memory_space<hbm>>
        tpu.enqueue_indirect_dma source(%dma_start3A_131 : memref<10000x64xf32, #tpu.memory_space<hbm>>) target(%dma_start3A_125 : memref<100x64xf32, #tpu.memory_space<vmem>>) offsets(%dma_start3A_128 : memref<100xi32, #tpu.memory_space<vmem>>) semaphore(%arg17 : memref<!tpu.dma_semaphore, #tpu.memory_space<semaphore_mem>>)
        %dma_start3A_132 = arith.constant 1 : i32
        %dma_start3A_133 = arith.constant 1 : i32
        %dma_start3A_134 = arith.constant 1 : i32
        %dma_start3A_135 = arith.constant 1 : i32
        %dma_start3A_136 = arith.constant 0 : i32
        %dma_start3A_137 = arith.constant 0 : i32
        %dma_start3A_138 = tpu.memref_slice %arg14[%dma_start3A_134, %dma_start3A_135, %dma_start3A_136, %dma_start3A_137] : memref<2x5x100x64xf32, #tpu.memory_space<vmem>> -> memref<1x1x100x64xf32, #tpu.memory_space<vmem>>
        %dma_start3A_139 = tpu.memref_squeeze %dma_start3A_138 : memref<1x1x100x64xf32, #tpu.memory_space<vmem>> -> memref<100x64xf32, #tpu.memory_space<vmem>>
        %dma_start3A_140 = arith.constant 0 : i32
        %dma_start3A_141 = tpu.memref_slice %arg12[%dma_start3A_132, %dma_start3A_133, %dma_start3A_140] : memref<2x5x100xi32, #tpu.memory_space<vmem>> -> memref<1x1x100xi32, #tpu.memory_space<vmem>>
        %dma_start3A_142 = tpu.memref_squeeze %dma_start3A_141 : memref<1x1x100xi32, #tpu.memory_space<vmem>> -> memref<100xi32, #tpu.memory_space<vmem>>
        %dma_start3A_143 = arith.constant 0 : i32
        %dma_start3A_144 = arith.constant 0 : i32
        %dma_start3A_145 = tpu.memref_slice %arg3[%dma_start3A_143, %dma_start3A_144] : memref<10000x64xf32, #tpu.memory_space<hbm>> -> memref<10000x64xf32, #tpu.memory_space<hbm>>
        tpu.enqueue_indirect_dma source(%dma_start3A_145 : memref<10000x64xf32, #tpu.memory_space<hbm>>) target(%dma_start3A_139 : memref<100x64xf32, #tpu.memory_space<vmem>>) offsets(%dma_start3A_142 : memref<100xi32, #tpu.memory_space<vmem>>) semaphore(%arg17 : memref<!tpu.dma_semaphore, #tpu.memory_space<semaphore_mem>>)
        %dma_start3A_146 = arith.constant 1 : i32
        %dma_start3A_147 = arith.constant 2 : i32
        %dma_start3A_148 = arith.constant 1 : i32
        %dma_start3A_149 = arith.constant 2 : i32
        %dma_start3A_150 = arith.constant 0 : i32
        %dma_start3A_151 = arith.constant 0 : i32
        %dma_start3A_152 = tpu.memref_slice %arg14[%dma_start3A_148, %dma_start3A_149, %dma_start3A_150, %dma_start3A_151] : memref<2x5x100x64xf32, #tpu.memory_space<vmem>> -> memref<1x1x100x64xf32, #tpu.memory_space<vmem>>
        %dma_start3A_153 = tpu.memref_squeeze %dma_start3A_152 : memref<1x1x100x64xf32, #tpu.memory_space<vmem>> -> memref<100x64xf32, #tpu.memory_space<vmem>>
        %dma_start3A_154 = arith.constant 0 : i32
        %dma_start3A_155 = tpu.memref_slice %arg12[%dma_start3A_146, %dma_start3A_147, %dma_start3A_154] : memref<2x5x100xi32, #tpu.memory_space<vmem>> -> memref<1x1x100xi32, #tpu.memory_space<vmem>>
        %dma_start3A_156 = tpu.memref_squeeze %dma_start3A_155 : memref<1x1x100xi32, #tpu.memory_space<vmem>> -> memref<100xi32, #tpu.memory_space<vmem>>
        %dma_start3A_157 = arith.constant 0 : i32
        %dma_start3A_158 = arith.constant 0 : i32
        %dma_start3A_159 = tpu.memref_slice %arg3[%dma_start3A_157, %dma_start3A_158] : memref<10000x64xf32, #tpu.memory_space<hbm>> -> memref<10000x64xf32, #tpu.memory_space<hbm>>
        tpu.enqueue_indirect_dma source(%dma_start3A_159 : memref<10000x64xf32, #tpu.memory_space<hbm>>) target(%dma_start3A_153 : memref<100x64xf32, #tpu.memory_space<vmem>>) offsets(%dma_start3A_156 : memref<100xi32, #tpu.memory_space<vmem>>) semaphore(%arg17 : memref<!tpu.dma_semaphore, #tpu.memory_space<semaphore_mem>>)
        %dma_start3A_160 = arith.constant 1 : i32
        %dma_start3A_161 = arith.constant 3 : i32
        %dma_start3A_162 = arith.constant 1 : i32
        %dma_start3A_163 = arith.constant 3 : i32
        %dma_start3A_164 = arith.constant 0 : i32
        %dma_start3A_165 = arith.constant 0 : i32
        %dma_start3A_166 = tpu.memref_slice %arg14[%dma_start3A_162, %dma_start3A_163, %dma_start3A_164, %dma_start3A_165] : memref<2x5x100x64xf32, #tpu.memory_space<vmem>> -> memref<1x1x100x64xf32, #tpu.memory_space<vmem>>
        %dma_start3A_167 = tpu.memref_squeeze %dma_start3A_166 : memref<1x1x100x64xf32, #tpu.memory_space<vmem>> -> memref<100x64xf32, #tpu.memory_space<vmem>>
        %dma_start3A_168 = arith.constant 0 : i32
        %dma_start3A_169 = tpu.memref_slice %arg12[%dma_start3A_160, %dma_start3A_161, %dma_start3A_168] : memref<2x5x100xi32, #tpu.memory_space<vmem>> -> memref<1x1x100xi32, #tpu.memory_space<vmem>>
        %dma_start3A_170 = tpu.memref_squeeze %dma_start3A_169 : memref<1x1x100xi32, #tpu.memory_space<vmem>> -> memref<100xi32, #tpu.memory_space<vmem>>
        %dma_start3A_171 = arith.constant 0 : i32
        %dma_start3A_172 = arith.constant 0 : i32
        %dma_start3A_173 = tpu.memref_slice %arg3[%dma_start3A_171, %dma_start3A_172] : memref<10000x64xf32, #tpu.memory_space<hbm>> -> memref<10000x64xf32, #tpu.memory_space<hbm>>
        tpu.enqueue_indirect_dma source(%dma_start3A_173 : memref<10000x64xf32, #tpu.memory_space<hbm>>) target(%dma_start3A_167 : memref<100x64xf32, #tpu.memory_space<vmem>>) offsets(%dma_start3A_170 : memref<100xi32, #tpu.memory_space<vmem>>) semaphore(%arg17 : memref<!tpu.dma_semaphore, #tpu.memory_space<semaphore_mem>>)
        %dma_start3A_174 = arith.constant 1 : i32
        %dma_start3A_175 = arith.constant 4 : i32
        %dma_start3A_176 = arith.constant 1 : i32
        %dma_start3A_177 = arith.constant 4 : i32
        %dma_start3A_178 = arith.constant 0 : i32
        %dma_start3A_179 = arith.constant 0 : i32
        %dma_start3A_180 = tpu.memref_slice %arg14[%dma_start3A_176, %dma_start3A_177, %dma_start3A_178, %dma_start3A_179] : memref<2x5x100x64xf32, #tpu.memory_space<vmem>> -> memref<1x1x100x64xf32, #tpu.memory_space<vmem>>
        %dma_start3A_181 = tpu.memref_squeeze %dma_start3A_180 : memref<1x1x100x64xf32, #tpu.memory_space<vmem>> -> memref<100x64xf32, #tpu.memory_space<vmem>>
        %dma_start3A_182 = arith.constant 0 : i32
        %dma_start3A_183 = tpu.memref_slice %arg12[%dma_start3A_174, %dma_start3A_175, %dma_start3A_182] : memref<2x5x100xi32, #tpu.memory_space<vmem>> -> memref<1x1x100xi32, #tpu.memory_space<vmem>>
        %dma_start3A_184 = tpu.memref_squeeze %dma_start3A_183 : memref<1x1x100xi32, #tpu.memory_space<vmem>> -> memref<100xi32, #tpu.memory_space<vmem>>
        %dma_start3A_185 = arith.constant 0 : i32
        %dma_start3A_186 = arith.constant 0 : i32
        %dma_start3A_187 = tpu.memref_slice %arg3[%dma_start3A_185, %dma_start3A_186] : memref<10000x64xf32, #tpu.memory_space<hbm>> -> memref<10000x64xf32, #tpu.memory_space<hbm>>
        tpu.enqueue_indirect_dma source(%dma_start3A_187 : memref<10000x64xf32, #tpu.memory_space<hbm>>) target(%dma_start3A_181 : memref<100x64xf32, #tpu.memory_space<vmem>>) offsets(%dma_start3A_184 : memref<100xi32, #tpu.memory_space<vmem>>) semaphore(%arg17 : memref<!tpu.dma_semaphore, #tpu.memory_space<semaphore_mem>>)
        %dma_wait3A_188 = arith.constant 0 : i32
        %dma_wait3A_189 = arith.constant 0 : i32
        %dma_wait3A_190 = arith.constant 0 : i32
        %dma_wait3A_191 = arith.constant 0 : i32
        %dma_wait3A_192 = tpu.memref_slice %arg14[%dma_wait3A_188, %dma_wait3A_189, %dma_wait3A_190, %dma_wait3A_191] : memref<2x5x100x64xf32, #tpu.memory_space<vmem>> -> memref<1x5x100x64xf32, #tpu.memory_space<vmem>>
        %dma_wait3A_193 = tpu.memref_squeeze %dma_wait3A_192 : memref<1x5x100x64xf32, #tpu.memory_space<vmem>> -> memref<5x100x64xf32, #tpu.memory_space<vmem>>
        %dma_wait3A_194 = arith.constant 0 : i32
        %dma_wait3A_195 = arith.constant 0 : i32
        %dma_wait3A_196 = arith.constant 0 : i32
        %dma_wait3A_197 = tpu.memref_slice %arg14[%dma_wait3A_188, %dma_wait3A_194, %dma_wait3A_195, %dma_wait3A_196] : memref<2x5x100x64xf32, #tpu.memory_space<vmem>> -> memref<1x5x100x64xf32, #tpu.memory_space<vmem>>
        %dma_wait3A_198 = tpu.memref_squeeze %dma_wait3A_197 : memref<1x5x100x64xf32, #tpu.memory_space<vmem>> -> memref<5x100x64xf32, #tpu.memory_space<vmem>>
        tpu.wait_dma2 semaphore(%arg16 : memref<!tpu.dma_semaphore, #tpu.memory_space<semaphore_mem>>) src(%arg7 : memref<5x100x64xf32, #tpu.memory_space<hbm>>) dst(%dma_wait3A_198 : memref<5x100x64xf32, #tpu.memory_space<vmem>>)
        %dma_start3A_199 = arith.constant 0 : i32
        %dma_start3A_200 = arith.constant 0 : i32
        %dma_start3A_201 = arith.constant 0 : i32
        %dma_start3A_202 = arith.constant 0 : i32
        %dma_start3A_203 = arith.constant 0 : i32
        %dma_start3A_204 = arith.constant 0 : i32
        %dma_start3A_205 = tpu.memref_slice %arg14[%dma_start3A_199, %dma_start3A_200, %dma_start3A_203, %dma_start3A_204] : memref<2x5x100x64xf32, #tpu.memory_space<vmem>> -> memref<1x1x100x64xf32, #tpu.memory_space<vmem>>
        %dma_start3A_206 = tpu.memref_squeeze %dma_start3A_205 : memref<1x1x100x64xf32, #tpu.memory_space<vmem>> -> memref<100x64xf32, #tpu.memory_space<vmem>>
        %dma_start3A_207 = arith.constant 0 : i32
        %dma_start3A_208 = tpu.memref_slice %arg13[%dma_start3A_201, %dma_start3A_202, %dma_start3A_207] : memref<2x5x100xi32, #tpu.memory_space<vmem>> -> memref<1x1x100xi32, #tpu.memory_space<vmem>>
        %dma_start3A_209 = tpu.memref_squeeze %dma_start3A_208 : memref<1x1x100xi32, #tpu.memory_space<vmem>> -> memref<100xi32, #tpu.memory_space<vmem>>
        %dma_start3A_210 = arith.constant 0 : i32
        %dma_start3A_211 = arith.constant 0 : i32
        %dma_start3A_212 = tpu.memref_slice %arg15[%dma_start3A_210, %dma_start3A_211] : memref<10240x64xf32, #tpu.memory_space<vmem_shared>> -> memref<10240x64xf32, #tpu.memory_space<vmem_shared>>
        tpu.enqueue_indirect_dma source(%dma_start3A_206 : memref<100x64xf32, #tpu.memory_space<vmem>>) target(%dma_start3A_212 : memref<10240x64xf32, #tpu.memory_space<vmem_shared>>) offsets(%dma_start3A_209 : memref<100xi32, #tpu.memory_space<vmem>>) semaphore(%arg18 : memref<!tpu.dma_semaphore, #tpu.memory_space<semaphore_mem>>) {add = true}
        %dma_start3A_213 = arith.constant 0 : i32
        %dma_start3A_214 = arith.constant 1 : i32
        %dma_start3A_215 = arith.constant 0 : i32
        %dma_start3A_216 = arith.constant 1 : i32
        %dma_start3A_217 = arith.constant 0 : i32
        %dma_start3A_218 = arith.constant 0 : i32
        %dma_start3A_219 = tpu.memref_slice %arg14[%dma_start3A_213, %dma_start3A_214, %dma_start3A_217, %dma_start3A_218] : memref<2x5x100x64xf32, #tpu.memory_space<vmem>> -> memref<1x1x100x64xf32, #tpu.memory_space<vmem>>
        %dma_start3A_220 = tpu.memref_squeeze %dma_start3A_219 : memref<1x1x100x64xf32, #tpu.memory_space<vmem>> -> memref<100x64xf32, #tpu.memory_space<vmem>>
        %dma_start3A_221 = arith.constant 0 : i32
        %dma_start3A_222 = tpu.memref_slice %arg13[%dma_start3A_215, %dma_start3A_216, %dma_start3A_221] : memref<2x5x100xi32, #tpu.memory_space<vmem>> -> memref<1x1x100xi32, #tpu.memory_space<vmem>>
        %dma_start3A_223 = tpu.memref_squeeze %dma_start3A_222 : memref<1x1x100xi32, #tpu.memory_space<vmem>> -> memref<100xi32, #tpu.memory_space<vmem>>
        %dma_start3A_224 = arith.constant 0 : i32
        %dma_start3A_225 = arith.constant 0 : i32
        %dma_start3A_226 = tpu.memref_slice %arg15[%dma_start3A_224, %dma_start3A_225] : memref<10240x64xf32, #tpu.memory_space<vmem_shared>> -> memref<10240x64xf32, #tpu.memory_space<vmem_shared>>
        tpu.enqueue_indirect_dma source(%dma_start3A_220 : memref<100x64xf32, #tpu.memory_space<vmem>>) target(%dma_start3A_226 : memref<10240x64xf32, #tpu.memory_space<vmem_shared>>) offsets(%dma_start3A_223 : memref<100xi32, #tpu.memory_space<vmem>>) semaphore(%arg18 : memref<!tpu.dma_semaphore, #tpu.memory_space<semaphore_mem>>) {add = true}
        %dma_start3A_227 = arith.constant 0 : i32
        %dma_start3A_228 = arith.constant 2 : i32
        %dma_start3A_229 = arith.constant 0 : i32
        %dma_start3A_230 = arith.constant 2 : i32
        %dma_start3A_231 = arith.constant 0 : i32
        %dma_start3A_232 = arith.constant 0 : i32
        %dma_start3A_233 = tpu.memref_slice %arg14[%dma_start3A_227, %dma_start3A_228, %dma_start3A_231, %dma_start3A_232] : memref<2x5x100x64xf32, #tpu.memory_space<vmem>> -> memref<1x1x100x64xf32, #tpu.memory_space<vmem>>
        %dma_start3A_234 = tpu.memref_squeeze %dma_start3A_233 : memref<1x1x100x64xf32, #tpu.memory_space<vmem>> -> memref<100x64xf32, #tpu.memory_space<vmem>>
        %dma_start3A_235 = arith.constant 0 : i32
        %dma_start3A_236 = tpu.memref_slice %arg13[%dma_start3A_229, %dma_start3A_230, %dma_start3A_235] : memref<2x5x100xi32, #tpu.memory_space<vmem>> -> memref<1x1x100xi32, #tpu.memory_space<vmem>>
        %dma_start3A_237 = tpu.memref_squeeze %dma_start3A_236 : memref<1x1x100xi32, #tpu.memory_space<vmem>> -> memref<100xi32, #tpu.memory_space<vmem>>
        %dma_start3A_238 = arith.constant 0 : i32
        %dma_start3A_239 = arith.constant 0 : i32
        %dma_start3A_240 = tpu.memref_slice %arg15[%dma_start3A_238, %dma_start3A_239] : memref<10240x64xf32, #tpu.memory_space<vmem_shared>> -> memref<10240x64xf32, #tpu.memory_space<vmem_shared>>
        tpu.enqueue_indirect_dma source(%dma_start3A_234 : memref<100x64xf32, #tpu.memory_space<vmem>>) target(%dma_start3A_240 : memref<10240x64xf32, #tpu.memory_space<vmem_shared>>) offsets(%dma_start3A_237 : memref<100xi32, #tpu.memory_space<vmem>>) semaphore(%arg18 : memref<!tpu.dma_semaphore, #tpu.memory_space<semaphore_mem>>) {add = true}
        %dma_start3A_241 = arith.constant 0 : i32
        %dma_start3A_242 = arith.constant 3 : i32
        %dma_start3A_243 = arith.constant 0 : i32
        %dma_start3A_244 = arith.constant 3 : i32
        %dma_start3A_245 = arith.constant 0 : i32
        %dma_start3A_246 = arith.constant 0 : i32
        %dma_start3A_247 = tpu.memref_slice %arg14[%dma_start3A_241, %dma_start3A_242, %dma_start3A_245, %dma_start3A_246] : memref<2x5x100x64xf32, #tpu.memory_space<vmem>> -> memref<1x1x100x64xf32, #tpu.memory_space<vmem>>
        %dma_start3A_248 = tpu.memref_squeeze %dma_start3A_247 : memref<1x1x100x64xf32, #tpu.memory_space<vmem>> -> memref<100x64xf32, #tpu.memory_space<vmem>>
        %dma_start3A_249 = arith.constant 0 : i32
        %dma_start3A_250 = tpu.memref_slice %arg13[%dma_start3A_243, %dma_start3A_244, %dma_start3A_249] : memref<2x5x100xi32, #tpu.memory_space<vmem>> -> memref<1x1x100xi32, #tpu.memory_space<vmem>>
        %dma_start3A_251 = tpu.memref_squeeze %dma_start3A_250 : memref<1x1x100xi32, #tpu.memory_space<vmem>> -> memref<100xi32, #tpu.memory_space<vmem>>
        %dma_start3A_252 = arith.constant 0 : i32
        %dma_start3A_253 = arith.constant 0 : i32
        %dma_start3A_254 = tpu.memref_slice %arg15[%dma_start3A_252, %dma_start3A_253] : memref<10240x64xf32, #tpu.memory_space<vmem_shared>> -> memref<10240x64xf32, #tpu.memory_space<vmem_shared>>
        tpu.enqueue_indirect_dma source(%dma_start3A_248 : memref<100x64xf32, #tpu.memory_space<vmem>>) target(%dma_start3A_254 : memref<10240x64xf32, #tpu.memory_space<vmem_shared>>) offsets(%dma_start3A_251 : memref<100xi32, #tpu.memory_space<vmem>>) semaphore(%arg18 : memref<!tpu.dma_semaphore, #tpu.memory_space<semaphore_mem>>) {add = true}
        %dma_start3A_255 = arith.constant 0 : i32
        %dma_start3A_256 = arith.constant 4 : i32
        %dma_start3A_257 = arith.constant 0 : i32
        %dma_start3A_258 = arith.constant 4 : i32
        %dma_start3A_259 = arith.constant 0 : i32
        %dma_start3A_260 = arith.constant 0 : i32
        %dma_start3A_261 = tpu.memref_slice %arg14[%dma_start3A_255, %dma_start3A_256, %dma_start3A_259, %dma_start3A_260] : memref<2x5x100x64xf32, #tpu.memory_space<vmem>> -> memref<1x1x100x64xf32, #tpu.memory_space<vmem>>
        %dma_start3A_262 = tpu.memref_squeeze %dma_start3A_261 : memref<1x1x100x64xf32, #tpu.memory_space<vmem>> -> memref<100x64xf32, #tpu.memory_space<vmem>>
        %dma_start3A_263 = arith.constant 0 : i32
        %dma_start3A_264 = tpu.memref_slice %arg13[%dma_start3A_257, %dma_start3A_258, %dma_start3A_263] : memref<2x5x100xi32, #tpu.memory_space<vmem>> -> memref<1x1x100xi32, #tpu.memory_space<vmem>>
        %dma_start3A_265 = tpu.memref_squeeze %dma_start3A_264 : memref<1x1x100xi32, #tpu.memory_space<vmem>> -> memref<100xi32, #tpu.memory_space<vmem>>
        %dma_start3A_266 = arith.constant 0 : i32
        %dma_start3A_267 = arith.constant 0 : i32
        %dma_start3A_268 = tpu.memref_slice %arg15[%dma_start3A_266, %dma_start3A_267] : memref<10240x64xf32, #tpu.memory_space<vmem_shared>> -> memref<10240x64xf32, #tpu.memory_space<vmem_shared>>
        tpu.enqueue_indirect_dma source(%dma_start3A_262 : memref<100x64xf32, #tpu.memory_space<vmem>>) target(%dma_start3A_268 : memref<10240x64xf32, #tpu.memory_space<vmem_shared>>) offsets(%dma_start3A_265 : memref<100xi32, #tpu.memory_space<vmem>>) semaphore(%arg18 : memref<!tpu.dma_semaphore, #tpu.memory_space<semaphore_mem>>) {add = true}
        %dma_start3A_269 = arith.constant 0 : i32
        %dma_start3A_270 = arith.constant 0 : i32
        %dma_start3A_271 = arith.constant 0 : i32
        %dma_start3A_272 = arith.constant 0 : i32
        %dma_start3A_273 = arith.constant 0 : i32
        %dma_start3A_274 = tpu.memref_slice %arg20[%dma_start3A_269, %dma_start3A_272, %dma_start3A_273] : memref<5x100x8xf32, #tpu.memory_space<vmem>> -> memref<1x100x8xf32, #tpu.memory_space<vmem>>
        %dma_start3A_275 = tpu.memref_squeeze %dma_start3A_274 : memref<1x100x8xf32, #tpu.memory_space<vmem>> -> memref<100x8xf32, #tpu.memory_space<vmem>>
        %dma_start3A_276 = arith.constant 0 : i32
        %dma_start3A_277 = tpu.memref_slice %arg13[%dma_start3A_270, %dma_start3A_271, %dma_start3A_276] : memref<2x5x100xi32, #tpu.memory_space<vmem>> -> memref<1x1x100xi32, #tpu.memory_space<vmem>>
        %dma_start3A_278 = tpu.memref_squeeze %dma_start3A_277 : memref<1x1x100xi32, #tpu.memory_space<vmem>> -> memref<100xi32, #tpu.memory_space<vmem>>
        %dma_start3A_279 = arith.constant 0 : i32
        %dma_start3A_280 = arith.constant 0 : i32
        %dma_start3A_281 = tpu.memref_slice %arg21[%dma_start3A_279, %dma_start3A_280] : memref<10240x8xf32, #tpu.memory_space<vmem_shared>> -> memref<10240x8xf32, #tpu.memory_space<vmem_shared>>
        tpu.enqueue_indirect_dma source(%dma_start3A_275 : memref<100x8xf32, #tpu.memory_space<vmem>>) target(%dma_start3A_281 : memref<10240x8xf32, #tpu.memory_space<vmem_shared>>) offsets(%dma_start3A_278 : memref<100xi32, #tpu.memory_space<vmem>>) semaphore(%arg22 : memref<!tpu.dma_semaphore, #tpu.memory_space<semaphore_mem>>) {add = true}
        %dma_start3A_282 = arith.constant 1 : i32
        %dma_start3A_283 = arith.constant 0 : i32
        %dma_start3A_284 = arith.constant 1 : i32
        %dma_start3A_285 = arith.constant 0 : i32
        %dma_start3A_286 = arith.constant 0 : i32
        %dma_start3A_287 = tpu.memref_slice %arg20[%dma_start3A_282, %dma_start3A_285, %dma_start3A_286] : memref<5x100x8xf32, #tpu.memory_space<vmem>> -> memref<1x100x8xf32, #tpu.memory_space<vmem>>
        %dma_start3A_288 = tpu.memref_squeeze %dma_start3A_287 : memref<1x100x8xf32, #tpu.memory_space<vmem>> -> memref<100x8xf32, #tpu.memory_space<vmem>>
        %dma_start3A_289 = arith.constant 0 : i32
        %dma_start3A_290 = tpu.memref_slice %arg13[%dma_start3A_283, %dma_start3A_284, %dma_start3A_289] : memref<2x5x100xi32, #tpu.memory_space<vmem>> -> memref<1x1x100xi32, #tpu.memory_space<vmem>>
        %dma_start3A_291 = tpu.memref_squeeze %dma_start3A_290 : memref<1x1x100xi32, #tpu.memory_space<vmem>> -> memref<100xi32, #tpu.memory_space<vmem>>
        %dma_start3A_292 = arith.constant 0 : i32
        %dma_start3A_293 = arith.constant 0 : i32
        %dma_start3A_294 = tpu.memref_slice %arg21[%dma_start3A_292, %dma_start3A_293] : memref<10240x8xf32, #tpu.memory_space<vmem_shared>> -> memref<10240x8xf32, #tpu.memory_space<vmem_shared>>
        tpu.enqueue_indirect_dma source(%dma_start3A_288 : memref<100x8xf32, #tpu.memory_space<vmem>>) target(%dma_start3A_294 : memref<10240x8xf32, #tpu.memory_space<vmem_shared>>) offsets(%dma_start3A_291 : memref<100xi32, #tpu.memory_space<vmem>>) semaphore(%arg22 : memref<!tpu.dma_semaphore, #tpu.memory_space<semaphore_mem>>) {add = true}
        %dma_start3A_295 = arith.constant 2 : i32
        %dma_start3A_296 = arith.constant 0 : i32
        %dma_start3A_297 = arith.constant 2 : i32
        %dma_start3A_298 = arith.constant 0 : i32
        %dma_start3A_299 = arith.constant 0 : i32
        %dma_start3A_300 = tpu.memref_slice %arg20[%dma_start3A_295, %dma_start3A_298, %dma_start3A_299] : memref<5x100x8xf32, #tpu.memory_space<vmem>> -> memref<1x100x8xf32, #tpu.memory_space<vmem>>
        %dma_start3A_301 = tpu.memref_squeeze %dma_start3A_300 : memref<1x100x8xf32, #tpu.memory_space<vmem>> -> memref<100x8xf32, #tpu.memory_space<vmem>>
        %dma_start3A_302 = arith.constant 0 : i32
        %dma_start3A_303 = tpu.memref_slice %arg13[%dma_start3A_296, %dma_start3A_297, %dma_start3A_302] : memref<2x5x100xi32, #tpu.memory_space<vmem>> -> memref<1x1x100xi32, #tpu.memory_space<vmem>>
        %dma_start3A_304 = tpu.memref_squeeze %dma_start3A_303 : memref<1x1x100xi32, #tpu.memory_space<vmem>> -> memref<100xi32, #tpu.memory_space<vmem>>
        %dma_start3A_305 = arith.constant 0 : i32
        %dma_start3A_306 = arith.constant 0 : i32
        %dma_start3A_307 = tpu.memref_slice %arg21[%dma_start3A_305, %dma_start3A_306] : memref<10240x8xf32, #tpu.memory_space<vmem_shared>> -> memref<10240x8xf32, #tpu.memory_space<vmem_shared>>
        tpu.enqueue_indirect_dma source(%dma_start3A_301 : memref<100x8xf32, #tpu.memory_space<vmem>>) target(%dma_start3A_307 : memref<10240x8xf32, #tpu.memory_space<vmem_shared>>) offsets(%dma_start3A_304 : memref<100xi32, #tpu.memory_space<vmem>>) semaphore(%arg22 : memref<!tpu.dma_semaphore, #tpu.memory_space<semaphore_mem>>) {add = true}
        %dma_start3A_308 = arith.constant 3 : i32
        %dma_start3A_309 = arith.constant 0 : i32
        %dma_start3A_310 = arith.constant 3 : i32
        %dma_start3A_311 = arith.constant 0 : i32
        %dma_start3A_312 = arith.constant 0 : i32
        %dma_start3A_313 = tpu.memref_slice %arg20[%dma_start3A_308, %dma_start3A_311, %dma_start3A_312] : memref<5x100x8xf32, #tpu.memory_space<vmem>> -> memref<1x100x8xf32, #tpu.memory_space<vmem>>
        %dma_start3A_314 = tpu.memref_squeeze %dma_start3A_313 : memref<1x100x8xf32, #tpu.memory_space<vmem>> -> memref<100x8xf32, #tpu.memory_space<vmem>>
        %dma_start3A_315 = arith.constant 0 : i32
        %dma_start3A_316 = tpu.memref_slice %arg13[%dma_start3A_309, %dma_start3A_310, %dma_start3A_315] : memref<2x5x100xi32, #tpu.memory_space<vmem>> -> memref<1x1x100xi32, #tpu.memory_space<vmem>>
        %dma_start3A_317 = tpu.memref_squeeze %dma_start3A_316 : memref<1x1x100xi32, #tpu.memory_space<vmem>> -> memref<100xi32, #tpu.memory_space<vmem>>
        %dma_start3A_318 = arith.constant 0 : i32
        %dma_start3A_319 = arith.constant 0 : i32
        %dma_start3A_320 = tpu.memref_slice %arg21[%dma_start3A_318, %dma_start3A_319] : memref<10240x8xf32, #tpu.memory_space<vmem_shared>> -> memref<10240x8xf32, #tpu.memory_space<vmem_shared>>
        tpu.enqueue_indirect_dma source(%dma_start3A_314 : memref<100x8xf32, #tpu.memory_space<vmem>>) target(%dma_start3A_320 : memref<10240x8xf32, #tpu.memory_space<vmem_shared>>) offsets(%dma_start3A_317 : memref<100xi32, #tpu.memory_space<vmem>>) semaphore(%arg22 : memref<!tpu.dma_semaphore, #tpu.memory_space<semaphore_mem>>) {add = true}
        %dma_start3A_321 = arith.constant 4 : i32
        %dma_start3A_322 = arith.constant 0 : i32
        %dma_start3A_323 = arith.constant 4 : i32
        %dma_start3A_324 = arith.constant 0 : i32
        %dma_start3A_325 = arith.constant 0 : i32
        %dma_start3A_326 = tpu.memref_slice %arg20[%dma_start3A_321, %dma_start3A_324, %dma_start3A_325] : memref<5x100x8xf32, #tpu.memory_space<vmem>> -> memref<1x100x8xf32, #tpu.memory_space<vmem>>
        %dma_start3A_327 = tpu.memref_squeeze %dma_start3A_326 : memref<1x100x8xf32, #tpu.memory_space<vmem>> -> memref<100x8xf32, #tpu.memory_space<vmem>>
        %dma_start3A_328 = arith.constant 0 : i32
        %dma_start3A_329 = tpu.memref_slice %arg13[%dma_start3A_322, %dma_start3A_323, %dma_start3A_328] : memref<2x5x100xi32, #tpu.memory_space<vmem>> -> memref<1x1x100xi32, #tpu.memory_space<vmem>>
        %dma_start3A_330 = tpu.memref_squeeze %dma_start3A_329 : memref<1x1x100xi32, #tpu.memory_space<vmem>> -> memref<100xi32, #tpu.memory_space<vmem>>
        %dma_start3A_331 = arith.constant 0 : i32
        %dma_start3A_332 = arith.constant 0 : i32
        %dma_start3A_333 = tpu.memref_slice %arg21[%dma_start3A_331, %dma_start3A_332] : memref<10240x8xf32, #tpu.memory_space<vmem_shared>> -> memref<10240x8xf32, #tpu.memory_space<vmem_shared>>
        tpu.enqueue_indirect_dma source(%dma_start3A_327 : memref<100x8xf32, #tpu.memory_space<vmem>>) target(%dma_start3A_333 : memref<10240x8xf32, #tpu.memory_space<vmem_shared>>) offsets(%dma_start3A_330 : memref<100xi32, #tpu.memory_space<vmem>>) semaphore(%arg22 : memref<!tpu.dma_semaphore, #tpu.memory_space<semaphore_mem>>) {add = true}
        %mul3A_334 = arith.constant 2 : i32
        %mul3A_335 = arith.muli %mul3A_334, %scan3A_102 : i32
        %add3A_336 = arith.constant 1 : i32
        %add3A_337 = arith.addi %mul3A_335, %add3A_336 : i32
        %lt3A = arith.constant 19 : i32
        %lt3A_338 = arith.cmpi slt, %scan3A_102, %lt3A : i32
        %dma_wait3A_339 = arith.constant 0 : i32
        %dma_wait3A_340 = arith.constant 0 : i32
        %dma_wait3A_341 = arith.constant 0 : i32
        %dma_wait3A_342 = arith.constant 0 : i32
        %dma_wait3A_343 = tpu.memref_slice %arg14[%dma_wait3A_339, %dma_wait3A_340, %dma_wait3A_341, %dma_wait3A_342] : memref<2x5x100x64xf32, #tpu.memory_space<vmem>> -> memref<1x5x100x64xf32, #tpu.memory_space<vmem>>
        %dma_wait3A_344 = tpu.memref_squeeze %dma_wait3A_343 : memref<1x5x100x64xf32, #tpu.memory_space<vmem>> -> memref<5x100x64xf32, #tpu.memory_space<vmem>>
        %dma_wait3A_345 = arith.constant 0 : i32
        %dma_wait3A_346 = arith.constant 0 : i32
        %dma_wait3A_347 = arith.constant 0 : i32
        %dma_wait3A_348 = tpu.memref_slice %arg14[%dma_wait3A_339, %dma_wait3A_345, %dma_wait3A_346, %dma_wait3A_347] : memref<2x5x100x64xf32, #tpu.memory_space<vmem>> -> memref<1x5x100x64xf32, #tpu.memory_space<vmem>>
        %dma_wait3A_349 = tpu.memref_squeeze %dma_wait3A_348 : memref<1x5x100x64xf32, #tpu.memory_space<vmem>> -> memref<5x100x64xf32, #tpu.memory_space<vmem>>
        tpu.wait_dma2 semaphore(%arg18 : memref<!tpu.dma_semaphore, #tpu.memory_space<semaphore_mem>>) src(%arg7 : memref<5x100x64xf32, #tpu.memory_space<hbm>>) dst(%dma_wait3A_349 : memref<5x100x64xf32, #tpu.memory_space<vmem>>)
        %convert_element_type3A_350 = arith.extui %lt3A_338 : i1 to i32
        %cond3A_351 = arith.constant 0 : i32
        %cond3A_352 = arith.cmpi ne, %convert_element_type3A_350, %cond3A_351 : i32
        scf.if %cond3A_352 {
          %add3A_499 = arith.addi %mul3A_2, %add3A_337 : i32
          %add3A_500 = arith.constant 1 : i32
          %add3A_501 = arith.addi %add3A_499, %add3A_500 : i32
          %run_scoped3A_502 = arith.constant 0 : i32
          "tpu.region"() ({
            %run_scoped3A_579 = tpu.sem_alloc : memref<!tpu.dma_semaphore, #tpu.memory_space<semaphore_mem>>
            %dma_start3A_580 = arith.constant 0 : i32
            %dma_start3A_581 = arith.constant 0 : i32
            %dma_start3A_582 = tpu.memref_slice %arg12[%run_scoped3A_502, %dma_start3A_580, %dma_start3A_581] : memref<2x5x100xi32, #tpu.memory_space<vmem>> -> memref<1x5x100xi32, #tpu.memory_space<vmem>>
            %dma_start3A_583 = tpu.memref_squeeze %dma_start3A_582 : memref<1x5x100xi32, #tpu.memory_space<vmem>> -> memref<5x100xi32, #tpu.memory_space<vmem>>
            %dma_start3A_584 = arith.constant 0 : i32
            %dma_start3A_585 = arith.constant 0 : i32
            %dma_start3A_586 = tpu.memref_slice %arg4[%add3A_501, %dma_start3A_584, %dma_start3A_585] : memref<640x5x100xi32, #tpu.memory_space<hbm>> -> memref<1x5x100xi32, #tpu.memory_space<hbm>>
            %dma_start3A_587 = tpu.memref_squeeze %dma_start3A_586 : memref<1x5x100xi32, #tpu.memory_space<hbm>> -> memref<5x100xi32, #tpu.memory_space<hbm>>
            %dma_start3A_588 = arith.constant 0 : i32
            %dma_start3A_589 = arith.constant 0 : i32
            %dma_start3A_590 = tpu.memref_slice %arg12[%run_scoped3A_502, %dma_start3A_588, %dma_start3A_589] : memref<2x5x100xi32, #tpu.memory_space<vmem>> -> memref<1x5x100xi32, #tpu.memory_space<vmem>>
            %dma_start3A_591 = tpu.memref_squeeze %dma_start3A_590 : memref<1x5x100xi32, #tpu.memory_space<vmem>> -> memref<5x100xi32, #tpu.memory_space<vmem>>
            %dma_start3A_592 = arith.constant 0 : i32
            %dma_start3A_593 = arith.constant 0 : i32
            %dma_start3A_594 = tpu.memref_slice %arg4[%add3A_501, %dma_start3A_592, %dma_start3A_593] : memref<640x5x100xi32, #tpu.memory_space<hbm>> -> memref<1x5x100xi32, #tpu.memory_space<hbm>>
            %dma_start3A_595 = tpu.memref_squeeze %dma_start3A_594 : memref<1x5x100xi32, #tpu.memory_space<hbm>> -> memref<5x100xi32, #tpu.memory_space<hbm>>
            tpu.enqueue_dma source(%dma_start3A_595 : memref<5x100xi32, #tpu.memory_space<hbm>>) target(%dma_start3A_591 : memref<5x100xi32, #tpu.memory_space<vmem>>) target_semaphore(%run_scoped3A_579 : memref<!tpu.dma_semaphore, #tpu.memory_space<semaphore_mem>>)
            %dma_wait3A_596 = arith.constant 0 : i32
            %dma_wait3A_597 = arith.constant 0 : i32
            %dma_wait3A_598 = tpu.memref_slice %arg12[%run_scoped3A_502, %dma_wait3A_596, %dma_wait3A_597] : memref<2x5x100xi32, #tpu.memory_space<vmem>> -> memref<1x5x100xi32, #tpu.memory_space<vmem>>
            %dma_wait3A_599 = tpu.memref_squeeze %dma_wait3A_598 : memref<1x5x100xi32, #tpu.memory_space<vmem>> -> memref<5x100xi32, #tpu.memory_space<vmem>>
            %dma_wait3A_600 = arith.constant 0 : i32
            %dma_wait3A_601 = arith.constant 0 : i32
            %dma_wait3A_602 = tpu.memref_slice %arg4[%add3A_501, %dma_wait3A_600, %dma_wait3A_601] : memref<640x5x100xi32, #tpu.memory_space<hbm>> -> memref<1x5x100xi32, #tpu.memory_space<hbm>>
            %dma_wait3A_603 = tpu.memref_squeeze %dma_wait3A_602 : memref<1x5x100xi32, #tpu.memory_space<hbm>> -> memref<5x100xi32, #tpu.memory_space<hbm>>
            %dma_wait3A_604 = arith.constant 0 : i32
            %dma_wait3A_605 = arith.constant 0 : i32
            %dma_wait3A_606 = tpu.memref_slice %arg12[%run_scoped3A_502, %dma_wait3A_604, %dma_wait3A_605] : memref<2x5x100xi32, #tpu.memory_space<vmem>> -> memref<1x5x100xi32, #tpu.memory_space<vmem>>
            %dma_wait3A_607 = tpu.memref_squeeze %dma_wait3A_606 : memref<1x5x100xi32, #tpu.memory_space<vmem>> -> memref<5x100xi32, #tpu.memory_space<vmem>>
            %dma_wait3A_608 = arith.constant 0 : i32
            %dma_wait3A_609 = arith.constant 0 : i32
            %dma_wait3A_610 = tpu.memref_slice %arg4[%add3A_501, %dma_wait3A_608, %dma_wait3A_609] : memref<640x5x100xi32, #tpu.memory_space<hbm>> -> memref<1x5x100xi32, #tpu.memory_space<hbm>>
            %dma_wait3A_611 = tpu.memref_squeeze %dma_wait3A_610 : memref<1x5x100xi32, #tpu.memory_space<hbm>> -> memref<5x100xi32, #tpu.memory_space<hbm>>
            tpu.wait_dma2 semaphore(%run_scoped3A_579 : memref<!tpu.dma_semaphore, #tpu.memory_space<semaphore_mem>>) src(%dma_wait3A_611 : memref<5x100xi32, #tpu.memory_space<hbm>>) dst(%dma_wait3A_607 : memref<5x100xi32, #tpu.memory_space<vmem>>)
            tpu.yield
          }) : () -> ()
          %add3A_503 = arith.addi %mul3A_2, %add3A_337 : i32
          %add3A_504 = arith.constant 1 : i32
          %add3A_505 = arith.addi %add3A_503, %add3A_504 : i32
          %run_scoped3A_506 = arith.constant 0 : i32
          "tpu.region"() ({
            %run_scoped3A_579 = tpu.sem_alloc : memref<!tpu.dma_semaphore, #tpu.memory_space<semaphore_mem>>
            %dma_start3A_580 = arith.constant 0 : i32
            %dma_start3A_581 = arith.constant 0 : i32
            %dma_start3A_582 = tpu.memref_slice %arg13[%run_scoped3A_506, %dma_start3A_580, %dma_start3A_581] : memref<2x5x100xi32, #tpu.memory_space<vmem>> -> memref<1x5x100xi32, #tpu.memory_space<vmem>>
            %dma_start3A_583 = tpu.memref_squeeze %dma_start3A_582 : memref<1x5x100xi32, #tpu.memory_space<vmem>> -> memref<5x100xi32, #tpu.memory_space<vmem>>
            %dma_start3A_584 = arith.constant 0 : i32
            %dma_start3A_585 = arith.constant 0 : i32
            %dma_start3A_586 = tpu.memref_slice %arg5[%add3A_505, %dma_start3A_584, %dma_start3A_585] : memref<640x5x100xi32, #tpu.memory_space<hbm>> -> memref<1x5x100xi32, #tpu.memory_space<hbm>>
            %dma_start3A_587 = tpu.memref_squeeze %dma_start3A_586 : memref<1x5x100xi32, #tpu.memory_space<hbm>> -> memref<5x100xi32, #tpu.memory_space<hbm>>
            %dma_start3A_588 = arith.constant 0 : i32
            %dma_start3A_589 = arith.constant 0 : i32
            %dma_start3A_590 = tpu.memref_slice %arg13[%run_scoped3A_506, %dma_start3A_588, %dma_start3A_589] : memref<2x5x100xi32, #tpu.memory_space<vmem>> -> memref<1x5x100xi32, #tpu.memory_space<vmem>>
            %dma_start3A_591 = tpu.memref_squeeze %dma_start3A_590 : memref<1x5x100xi32, #tpu.memory_space<vmem>> -> memref<5x100xi32, #tpu.memory_space<vmem>>
            %dma_start3A_592 = arith.constant 0 : i32
            %dma_start3A_593 = arith.constant 0 : i32
            %dma_start3A_594 = tpu.memref_slice %arg5[%add3A_505, %dma_start3A_592, %dma_start3A_593] : memref<640x5x100xi32, #tpu.memory_space<hbm>> -> memref<1x5x100xi32, #tpu.memory_space<hbm>>
            %dma_start3A_595 = tpu.memref_squeeze %dma_start3A_594 : memref<1x5x100xi32, #tpu.memory_space<hbm>> -> memref<5x100xi32, #tpu.memory_space<hbm>>
            tpu.enqueue_dma source(%dma_start3A_595 : memref<5x100xi32, #tpu.memory_space<hbm>>) target(%dma_start3A_591 : memref<5x100xi32, #tpu.memory_space<vmem>>) target_semaphore(%run_scoped3A_579 : memref<!tpu.dma_semaphore, #tpu.memory_space<semaphore_mem>>)
            %dma_wait3A_596 = arith.constant 0 : i32
            %dma_wait3A_597 = arith.constant 0 : i32
            %dma_wait3A_598 = tpu.memref_slice %arg13[%run_scoped3A_506, %dma_wait3A_596, %dma_wait3A_597] : memref<2x5x100xi32, #tpu.memory_space<vmem>> -> memref<1x5x100xi32, #tpu.memory_space<vmem>>
            %dma_wait3A_599 = tpu.memref_squeeze %dma_wait3A_598 : memref<1x5x100xi32, #tpu.memory_space<vmem>> -> memref<5x100xi32, #tpu.memory_space<vmem>>
            %dma_wait3A_600 = arith.constant 0 : i32
            %dma_wait3A_601 = arith.constant 0 : i32
            %dma_wait3A_602 = tpu.memref_slice %arg5[%add3A_505, %dma_wait3A_600, %dma_wait3A_601] : memref<640x5x100xi32, #tpu.memory_space<hbm>> -> memref<1x5x100xi32, #tpu.memory_space<hbm>>
            %dma_wait3A_603 = tpu.memref_squeeze %dma_wait3A_602 : memref<1x5x100xi32, #tpu.memory_space<hbm>> -> memref<5x100xi32, #tpu.memory_space<hbm>>
            %dma_wait3A_604 = arith.constant 0 : i32
            %dma_wait3A_605 = arith.constant 0 : i32
            %dma_wait3A_606 = tpu.memref_slice %arg13[%run_scoped3A_506, %dma_wait3A_604, %dma_wait3A_605] : memref<2x5x100xi32, #tpu.memory_space<vmem>> -> memref<1x5x100xi32, #tpu.memory_space<vmem>>
            %dma_wait3A_607 = tpu.memref_squeeze %dma_wait3A_606 : memref<1x5x100xi32, #tpu.memory_space<vmem>> -> memref<5x100xi32, #tpu.memory_space<vmem>>
            %dma_wait3A_608 = arith.constant 0 : i32
            %dma_wait3A_609 = arith.constant 0 : i32
            %dma_wait3A_610 = tpu.memref_slice %arg5[%add3A_505, %dma_wait3A_608, %dma_wait3A_609] : memref<640x5x100xi32, #tpu.memory_space<hbm>> -> memref<1x5x100xi32, #tpu.memory_space<hbm>>
            %dma_wait3A_611 = tpu.memref_squeeze %dma_wait3A_610 : memref<1x5x100xi32, #tpu.memory_space<hbm>> -> memref<5x100xi32, #tpu.memory_space<hbm>>
            tpu.wait_dma2 semaphore(%run_scoped3A_579 : memref<!tpu.dma_semaphore, #tpu.memory_space<semaphore_mem>>) src(%dma_wait3A_611 : memref<5x100xi32, #tpu.memory_space<hbm>>) dst(%dma_wait3A_607 : memref<5x100xi32, #tpu.memory_space<vmem>>)
            tpu.yield
          }) : () -> ()
          %add3A_507 = arith.constant 1 : i32
          %add3A_508 = arith.addi %add3A_337, %add3A_507 : i32
          %dma_start3A_509 = arith.constant 0 : i32
          %dma_start3A_510 = arith.constant 0 : i32
          %dma_start3A_511 = arith.constant 0 : i32
          %dma_start3A_512 = arith.constant 0 : i32
          %dma_start3A_513 = arith.constant 0 : i32
          %dma_start3A_514 = arith.constant 0 : i32
          %dma_start3A_515 = tpu.memref_slice %arg14[%dma_start3A_511, %dma_start3A_512, %dma_start3A_513, %dma_start3A_514] : memref<2x5x100x64xf32, #tpu.memory_space<vmem>> -> memref<1x1x100x64xf32, #tpu.memory_space<vmem>>
          %dma_start3A_516 = tpu.memref_squeeze %dma_start3A_515 : memref<1x1x100x64xf32, #tpu.memory_space<vmem>> -> memref<100x64xf32, #tpu.memory_space<vmem>>
          %dma_start3A_517 = arith.constant 0 : i32
          %dma_start3A_518 = tpu.memref_slice %arg12[%dma_start3A_509, %dma_start3A_510, %dma_start3A_517] : memref<2x5x100xi32, #tpu.memory_space<vmem>> -> memref<1x1x100xi32, #tpu.memory_space<vmem>>
          %dma_start3A_519 = tpu.memref_squeeze %dma_start3A_518 : memref<1x1x100xi32, #tpu.memory_space<vmem>> -> memref<100xi32, #tpu.memory_space<vmem>>
          %dma_start3A_520 = arith.constant 0 : i32
          %dma_start3A_521 = arith.constant 0 : i32
          %dma_start3A_522 = tpu.memref_slice %arg3[%dma_start3A_520, %dma_start3A_521] : memref<10000x64xf32, #tpu.memory_space<hbm>> -> memref<10000x64xf32, #tpu.memory_space<hbm>>
          tpu.enqueue_indirect_dma source(%dma_start3A_522 : memref<10000x64xf32, #tpu.memory_space<hbm>>) target(%dma_start3A_516 : memref<100x64xf32, #tpu.memory_space<vmem>>) offsets(%dma_start3A_519 : memref<100xi32, #tpu.memory_space<vmem>>) semaphore(%arg16 : memref<!tpu.dma_semaphore, #tpu.memory_space<semaphore_mem>>)
          %dma_start3A_523 = arith.constant 0 : i32
          %dma_start3A_524 = arith.constant 1 : i32
          %dma_start3A_525 = arith.constant 0 : i32
          %dma_start3A_526 = arith.constant 1 : i32
          %dma_start3A_527 = arith.constant 0 : i32
          %dma_start3A_528 = arith.constant 0 : i32
          %dma_start3A_529 = tpu.memref_slice %arg14[%dma_start3A_525, %dma_start3A_526, %dma_start3A_527, %dma_start3A_528] : memref<2x5x100x64xf32, #tpu.memory_space<vmem>> -> memref<1x1x100x64xf32, #tpu.memory_space<vmem>>
          %dma_start3A_530 = tpu.memref_squeeze %dma_start3A_529 : memref<1x1x100x64xf32, #tpu.memory_space<vmem>> -> memref<100x64xf32, #tpu.memory_space<vmem>>
          %dma_start3A_531 = arith.constant 0 : i32
          %dma_start3A_532 = tpu.memref_slice %arg12[%dma_start3A_523, %dma_start3A_524, %dma_start3A_531] : memref<2x5x100xi32, #tpu.memory_space<vmem>> -> memref<1x1x100xi32, #tpu.memory_space<vmem>>
          %dma_start3A_533 = tpu.memref_squeeze %dma_start3A_532 : memref<1x1x100xi32, #tpu.memory_space<vmem>> -> memref<100xi32, #tpu.memory_space<vmem>>
          %dma_start3A_534 = arith.constant 0 : i32
          %dma_start3A_535 = arith.constant 0 : i32
          %dma_start3A_536 = tpu.memref_slice %arg3[%dma_start3A_534, %dma_start3A_535] : memref<10000x64xf32, #tpu.memory_space<hbm>> -> memref<10000x64xf32, #tpu.memory_space<hbm>>
          tpu.enqueue_indirect_dma source(%dma_start3A_536 : memref<10000x64xf32, #tpu.memory_space<hbm>>) target(%dma_start3A_530 : memref<100x64xf32, #tpu.memory_space<vmem>>) offsets(%dma_start3A_533 : memref<100xi32, #tpu.memory_space<vmem>>) semaphore(%arg16 : memref<!tpu.dma_semaphore, #tpu.memory_space<semaphore_mem>>)
          %dma_start3A_537 = arith.constant 0 : i32
          %dma_start3A_538 = arith.constant 2 : i32
          %dma_start3A_539 = arith.constant 0 : i32
          %dma_start3A_540 = arith.constant 2 : i32
          %dma_start3A_541 = arith.constant 0 : i32
          %dma_start3A_542 = arith.constant 0 : i32
          %dma_start3A_543 = tpu.memref_slice %arg14[%dma_start3A_539, %dma_start3A_540, %dma_start3A_541, %dma_start3A_542] : memref<2x5x100x64xf32, #tpu.memory_space<vmem>> -> memref<1x1x100x64xf32, #tpu.memory_space<vmem>>
          %dma_start3A_544 = tpu.memref_squeeze %dma_start3A_543 : memref<1x1x100x64xf32, #tpu.memory_space<vmem>> -> memref<100x64xf32, #tpu.memory_space<vmem>>
          %dma_start3A_545 = arith.constant 0 : i32
          %dma_start3A_546 = tpu.memref_slice %arg12[%dma_start3A_537, %dma_start3A_538, %dma_start3A_545] : memref<2x5x100xi32, #tpu.memory_space<vmem>> -> memref<1x1x100xi32, #tpu.memory_space<vmem>>
          %dma_start3A_547 = tpu.memref_squeeze %dma_start3A_546 : memref<1x1x100xi32, #tpu.memory_space<vmem>> -> memref<100xi32, #tpu.memory_space<vmem>>
          %dma_start3A_548 = arith.constant 0 : i32
          %dma_start3A_549 = arith.constant 0 : i32
          %dma_start3A_550 = tpu.memref_slice %arg3[%dma_start3A_548, %dma_start3A_549] : memref<10000x64xf32, #tpu.memory_space<hbm>> -> memref<10000x64xf32, #tpu.memory_space<hbm>>
          tpu.enqueue_indirect_dma source(%dma_start3A_550 : memref<10000x64xf32, #tpu.memory_space<hbm>>) target(%dma_start3A_544 : memref<100x64xf32, #tpu.memory_space<vmem>>) offsets(%dma_start3A_547 : memref<100xi32, #tpu.memory_space<vmem>>) semaphore(%arg16 : memref<!tpu.dma_semaphore, #tpu.memory_space<semaphore_mem>>)
          %dma_start3A_551 = arith.constant 0 : i32
          %dma_start3A_552 = arith.constant 3 : i32
          %dma_start3A_553 = arith.constant 0 : i32
          %dma_start3A_554 = arith.constant 3 : i32
          %dma_start3A_555 = arith.constant 0 : i32
          %dma_start3A_556 = arith.constant 0 : i32
          %dma_start3A_557 = tpu.memref_slice %arg14[%dma_start3A_553, %dma_start3A_554, %dma_start3A_555, %dma_start3A_556] : memref<2x5x100x64xf32, #tpu.memory_space<vmem>> -> memref<1x1x100x64xf32, #tpu.memory_space<vmem>>
          %dma_start3A_558 = tpu.memref_squeeze %dma_start3A_557 : memref<1x1x100x64xf32, #tpu.memory_space<vmem>> -> memref<100x64xf32, #tpu.memory_space<vmem>>
          %dma_start3A_559 = arith.constant 0 : i32
          %dma_start3A_560 = tpu.memref_slice %arg12[%dma_start3A_551, %dma_start3A_552, %dma_start3A_559] : memref<2x5x100xi32, #tpu.memory_space<vmem>> -> memref<1x1x100xi32, #tpu.memory_space<vmem>>
          %dma_start3A_561 = tpu.memref_squeeze %dma_start3A_560 : memref<1x1x100xi32, #tpu.memory_space<vmem>> -> memref<100xi32, #tpu.memory_space<vmem>>
          %dma_start3A_562 = arith.constant 0 : i32
          %dma_start3A_563 = arith.constant 0 : i32
          %dma_start3A_564 = tpu.memref_slice %arg3[%dma_start3A_562, %dma_start3A_563] : memref<10000x64xf32, #tpu.memory_space<hbm>> -> memref<10000x64xf32, #tpu.memory_space<hbm>>
          tpu.enqueue_indirect_dma source(%dma_start3A_564 : memref<10000x64xf32, #tpu.memory_space<hbm>>) target(%dma_start3A_558 : memref<100x64xf32, #tpu.memory_space<vmem>>) offsets(%dma_start3A_561 : memref<100xi32, #tpu.memory_space<vmem>>) semaphore(%arg16 : memref<!tpu.dma_semaphore, #tpu.memory_space<semaphore_mem>>)
          %dma_start3A_565 = arith.constant 0 : i32
          %dma_start3A_566 = arith.constant 4 : i32
          %dma_start3A_567 = arith.constant 0 : i32
          %dma_start3A_568 = arith.constant 4 : i32
          %dma_start3A_569 = arith.constant 0 : i32
          %dma_start3A_570 = arith.constant 0 : i32
          %dma_start3A_571 = tpu.memref_slice %arg14[%dma_start3A_567, %dma_start3A_568, %dma_start3A_569, %dma_start3A_570] : memref<2x5x100x64xf32, #tpu.memory_space<vmem>> -> memref<1x1x100x64xf32, #tpu.memory_space<vmem>>
          %dma_start3A_572 = tpu.memref_squeeze %dma_start3A_571 : memref<1x1x100x64xf32, #tpu.memory_space<vmem>> -> memref<100x64xf32, #tpu.memory_space<vmem>>
          %dma_start3A_573 = arith.constant 0 : i32
          %dma_start3A_574 = tpu.memref_slice %arg12[%dma_start3A_565, %dma_start3A_566, %dma_start3A_573] : memref<2x5x100xi32, #tpu.memory_space<vmem>> -> memref<1x1x100xi32, #tpu.memory_space<vmem>>
          %dma_start3A_575 = tpu.memref_squeeze %dma_start3A_574 : memref<1x1x100xi32, #tpu.memory_space<vmem>> -> memref<100xi32, #tpu.memory_space<vmem>>
          %dma_start3A_576 = arith.constant 0 : i32
          %dma_start3A_577 = arith.constant 0 : i32
          %dma_start3A_578 = tpu.memref_slice %arg3[%dma_start3A_576, %dma_start3A_577] : memref<10000x64xf32, #tpu.memory_space<hbm>> -> memref<10000x64xf32, #tpu.memory_space<hbm>>
          tpu.enqueue_indirect_dma source(%dma_start3A_578 : memref<10000x64xf32, #tpu.memory_space<hbm>>) target(%dma_start3A_572 : memref<100x64xf32, #tpu.memory_space<vmem>>) offsets(%dma_start3A_575 : memref<100xi32, #tpu.memory_space<vmem>>) semaphore(%arg16 : memref<!tpu.dma_semaphore, #tpu.memory_space<semaphore_mem>>)
        } else {
        }
        %dma_wait3A_353 = arith.constant 1 : i32
        %dma_wait3A_354 = arith.constant 0 : i32
        %dma_wait3A_355 = arith.constant 0 : i32
        %dma_wait3A_356 = arith.constant 0 : i32
        %dma_wait3A_357 = tpu.memref_slice %arg14[%dma_wait3A_353, %dma_wait3A_354, %dma_wait3A_355, %dma_wait3A_356] : memref<2x5x100x64xf32, #tpu.memory_space<vmem>> -> memref<1x5x100x64xf32, #tpu.memory_space<vmem>>
        %dma_wait3A_358 = tpu.memref_squeeze %dma_wait3A_357 : memref<1x5x100x64xf32, #tpu.memory_space<vmem>> -> memref<5x100x64xf32, #tpu.memory_space<vmem>>
        %dma_wait3A_359 = arith.constant 0 : i32
        %dma_wait3A_360 = arith.constant 0 : i32
        %dma_wait3A_361 = arith.constant 0 : i32
        %dma_wait3A_362 = tpu.memref_slice %arg14[%dma_wait3A_353, %dma_wait3A_359, %dma_wait3A_360, %dma_wait3A_361] : memref<2x5x100x64xf32, #tpu.memory_space<vmem>> -> memref<1x5x100x64xf32, #tpu.memory_space<vmem>>
        %dma_wait3A_363 = tpu.memref_squeeze %dma_wait3A_362 : memref<1x5x100x64xf32, #tpu.memory_space<vmem>> -> memref<5x100x64xf32, #tpu.memory_space<vmem>>
        tpu.wait_dma2 semaphore(%arg17 : memref<!tpu.dma_semaphore, #tpu.memory_space<semaphore_mem>>) src(%arg7 : memref<5x100x64xf32, #tpu.memory_space<hbm>>) dst(%dma_wait3A_363 : memref<5x100x64xf32, #tpu.memory_space<vmem>>)
        %dma_start3A_364 = arith.constant 1 : i32
        %dma_start3A_365 = arith.constant 0 : i32
        %dma_start3A_366 = arith.constant 1 : i32
        %dma_start3A_367 = arith.constant 0 : i32
        %dma_start3A_368 = arith.constant 0 : i32
        %dma_start3A_369 = arith.constant 0 : i32
        %dma_start3A_370 = tpu.memref_slice %arg14[%dma_start3A_364, %dma_start3A_365, %dma_start3A_368, %dma_start3A_369] : memref<2x5x100x64xf32, #tpu.memory_space<vmem>> -> memref<1x1x100x64xf32, #tpu.memory_space<vmem>>
        %dma_start3A_371 = tpu.memref_squeeze %dma_start3A_370 : memref<1x1x100x64xf32, #tpu.memory_space<vmem>> -> memref<100x64xf32, #tpu.memory_space<vmem>>
        %dma_start3A_372 = arith.constant 0 : i32
        %dma_start3A_373 = tpu.memref_slice %arg13[%dma_start3A_366, %dma_start3A_367, %dma_start3A_372] : memref<2x5x100xi32, #tpu.memory_space<vmem>> -> memref<1x1x100xi32, #tpu.memory_space<vmem>>
        %dma_start3A_374 = tpu.memref_squeeze %dma_start3A_373 : memref<1x1x100xi32, #tpu.memory_space<vmem>> -> memref<100xi32, #tpu.memory_space<vmem>>
        %dma_start3A_375 = arith.constant 0 : i32
        %dma_start3A_376 = arith.constant 0 : i32
        %dma_start3A_377 = tpu.memref_slice %arg15[%dma_start3A_375, %dma_start3A_376] : memref<10240x64xf32, #tpu.memory_space<vmem_shared>> -> memref<10240x64xf32, #tpu.memory_space<vmem_shared>>
        tpu.enqueue_indirect_dma source(%dma_start3A_371 : memref<100x64xf32, #tpu.memory_space<vmem>>) target(%dma_start3A_377 : memref<10240x64xf32, #tpu.memory_space<vmem_shared>>) offsets(%dma_start3A_374 : memref<100xi32, #tpu.memory_space<vmem>>) semaphore(%arg19 : memref<!tpu.dma_semaphore, #tpu.memory_space<semaphore_mem>>) {add = true}
        %dma_start3A_378 = arith.constant 1 : i32
        %dma_start3A_379 = arith.constant 1 : i32
        %dma_start3A_380 = arith.constant 1 : i32
        %dma_start3A_381 = arith.constant 1 : i32
        %dma_start3A_382 = arith.constant 0 : i32
        %dma_start3A_383 = arith.constant 0 : i32
        %dma_start3A_384 = tpu.memref_slice %arg14[%dma_start3A_378, %dma_start3A_379, %dma_start3A_382, %dma_start3A_383] : memref<2x5x100x64xf32, #tpu.memory_space<vmem>> -> memref<1x1x100x64xf32, #tpu.memory_space<vmem>>
        %dma_start3A_385 = tpu.memref_squeeze %dma_start3A_384 : memref<1x1x100x64xf32, #tpu.memory_space<vmem>> -> memref<100x64xf32, #tpu.memory_space<vmem>>
        %dma_start3A_386 = arith.constant 0 : i32
        %dma_start3A_387 = tpu.memref_slice %arg13[%dma_start3A_380, %dma_start3A_381, %dma_start3A_386] : memref<2x5x100xi32, #tpu.memory_space<vmem>> -> memref<1x1x100xi32, #tpu.memory_space<vmem>>
        %dma_start3A_388 = tpu.memref_squeeze %dma_start3A_387 : memref<1x1x100xi32, #tpu.memory_space<vmem>> -> memref<100xi32, #tpu.memory_space<vmem>>
        %dma_start3A_389 = arith.constant 0 : i32
        %dma_start3A_390 = arith.constant 0 : i32
        %dma_start3A_391 = tpu.memref_slice %arg15[%dma_start3A_389, %dma_start3A_390] : memref<10240x64xf32, #tpu.memory_space<vmem_shared>> -> memref<10240x64xf32, #tpu.memory_space<vmem_shared>>
        tpu.enqueue_indirect_dma source(%dma_start3A_385 : memref<100x64xf32, #tpu.memory_space<vmem>>) target(%dma_start3A_391 : memref<10240x64xf32, #tpu.memory_space<vmem_shared>>) offsets(%dma_start3A_388 : memref<100xi32, #tpu.memory_space<vmem>>) semaphore(%arg19 : memref<!tpu.dma_semaphore, #tpu.memory_space<semaphore_mem>>) {add = true}
        %dma_start3A_392 = arith.constant 1 : i32
        %dma_start3A_393 = arith.constant 2 : i32
        %dma_start3A_394 = arith.constant 1 : i32
        %dma_start3A_395 = arith.constant 2 : i32
        %dma_start3A_396 = arith.constant 0 : i32
        %dma_start3A_397 = arith.constant 0 : i32
        %dma_start3A_398 = tpu.memref_slice %arg14[%dma_start3A_392, %dma_start3A_393, %dma_start3A_396, %dma_start3A_397] : memref<2x5x100x64xf32, #tpu.memory_space<vmem>> -> memref<1x1x100x64xf32, #tpu.memory_space<vmem>>
        %dma_start3A_399 = tpu.memref_squeeze %dma_start3A_398 : memref<1x1x100x64xf32, #tpu.memory_space<vmem>> -> memref<100x64xf32, #tpu.memory_space<vmem>>
        %dma_start3A_400 = arith.constant 0 : i32
        %dma_start3A_401 = tpu.memref_slice %arg13[%dma_start3A_394, %dma_start3A_395, %dma_start3A_400] : memref<2x5x100xi32, #tpu.memory_space<vmem>> -> memref<1x1x100xi32, #tpu.memory_space<vmem>>
        %dma_start3A_402 = tpu.memref_squeeze %dma_start3A_401 : memref<1x1x100xi32, #tpu.memory_space<vmem>> -> memref<100xi32, #tpu.memory_space<vmem>>
        %dma_start3A_403 = arith.constant 0 : i32
        %dma_start3A_404 = arith.constant 0 : i32
        %dma_start3A_405 = tpu.memref_slice %arg15[%dma_start3A_403, %dma_start3A_404] : memref<10240x64xf32, #tpu.memory_space<vmem_shared>> -> memref<10240x64xf32, #tpu.memory_space<vmem_shared>>
        tpu.enqueue_indirect_dma source(%dma_start3A_399 : memref<100x64xf32, #tpu.memory_space<vmem>>) target(%dma_start3A_405 : memref<10240x64xf32, #tpu.memory_space<vmem_shared>>) offsets(%dma_start3A_402 : memref<100xi32, #tpu.memory_space<vmem>>) semaphore(%arg19 : memref<!tpu.dma_semaphore, #tpu.memory_space<semaphore_mem>>) {add = true}
        %dma_start3A_406 = arith.constant 1 : i32
        %dma_start3A_407 = arith.constant 3 : i32
        %dma_start3A_408 = arith.constant 1 : i32
        %dma_start3A_409 = arith.constant 3 : i32
        %dma_start3A_410 = arith.constant 0 : i32
        %dma_start3A_411 = arith.constant 0 : i32
        %dma_start3A_412 = tpu.memref_slice %arg14[%dma_start3A_406, %dma_start3A_407, %dma_start3A_410, %dma_start3A_411] : memref<2x5x100x64xf32, #tpu.memory_space<vmem>> -> memref<1x1x100x64xf32, #tpu.memory_space<vmem>>
        %dma_start3A_413 = tpu.memref_squeeze %dma_start3A_412 : memref<1x1x100x64xf32, #tpu.memory_space<vmem>> -> memref<100x64xf32, #tpu.memory_space<vmem>>
        %dma_start3A_414 = arith.constant 0 : i32
        %dma_start3A_415 = tpu.memref_slice %arg13[%dma_start3A_408, %dma_start3A_409, %dma_start3A_414] : memref<2x5x100xi32, #tpu.memory_space<vmem>> -> memref<1x1x100xi32, #tpu.memory_space<vmem>>
        %dma_start3A_416 = tpu.memref_squeeze %dma_start3A_415 : memref<1x1x100xi32, #tpu.memory_space<vmem>> -> memref<100xi32, #tpu.memory_space<vmem>>
        %dma_start3A_417 = arith.constant 0 : i32
        %dma_start3A_418 = arith.constant 0 : i32
        %dma_start3A_419 = tpu.memref_slice %arg15[%dma_start3A_417, %dma_start3A_418] : memref<10240x64xf32, #tpu.memory_space<vmem_shared>> -> memref<10240x64xf32, #tpu.memory_space<vmem_shared>>
        tpu.enqueue_indirect_dma source(%dma_start3A_413 : memref<100x64xf32, #tpu.memory_space<vmem>>) target(%dma_start3A_419 : memref<10240x64xf32, #tpu.memory_space<vmem_shared>>) offsets(%dma_start3A_416 : memref<100xi32, #tpu.memory_space<vmem>>) semaphore(%arg19 : memref<!tpu.dma_semaphore, #tpu.memory_space<semaphore_mem>>) {add = true}
        %dma_start3A_420 = arith.constant 1 : i32
        %dma_start3A_421 = arith.constant 4 : i32
        %dma_start3A_422 = arith.constant 1 : i32
        %dma_start3A_423 = arith.constant 4 : i32
        %dma_start3A_424 = arith.constant 0 : i32
        %dma_start3A_425 = arith.constant 0 : i32
        %dma_start3A_426 = tpu.memref_slice %arg14[%dma_start3A_420, %dma_start3A_421, %dma_start3A_424, %dma_start3A_425] : memref<2x5x100x64xf32, #tpu.memory_space<vmem>> -> memref<1x1x100x64xf32, #tpu.memory_space<vmem>>
        %dma_start3A_427 = tpu.memref_squeeze %dma_start3A_426 : memref<1x1x100x64xf32, #tpu.memory_space<vmem>> -> memref<100x64xf32, #tpu.memory_space<vmem>>
        %dma_start3A_428 = arith.constant 0 : i32
        %dma_start3A_429 = tpu.memref_slice %arg13[%dma_start3A_422, %dma_start3A_423, %dma_start3A_428] : memref<2x5x100xi32, #tpu.memory_space<vmem>> -> memref<1x1x100xi32, #tpu.memory_space<vmem>>
        %dma_start3A_430 = tpu.memref_squeeze %dma_start3A_429 : memref<1x1x100xi32, #tpu.memory_space<vmem>> -> memref<100xi32, #tpu.memory_space<vmem>>
        %dma_start3A_431 = arith.constant 0 : i32
        %dma_start3A_432 = arith.constant 0 : i32
        %dma_start3A_433 = tpu.memref_slice %arg15[%dma_start3A_431, %dma_start3A_432] : memref<10240x64xf32, #tpu.memory_space<vmem_shared>> -> memref<10240x64xf32, #tpu.memory_space<vmem_shared>>
        tpu.enqueue_indirect_dma source(%dma_start3A_427 : memref<100x64xf32, #tpu.memory_space<vmem>>) target(%dma_start3A_433 : memref<10240x64xf32, #tpu.memory_space<vmem_shared>>) offsets(%dma_start3A_430 : memref<100xi32, #tpu.memory_space<vmem>>) semaphore(%arg19 : memref<!tpu.dma_semaphore, #tpu.memory_space<semaphore_mem>>) {add = true}
        %dma_start3A_434 = arith.constant 0 : i32
        %dma_start3A_435 = arith.constant 1 : i32
        %dma_start3A_436 = arith.constant 0 : i32
        %dma_start3A_437 = arith.constant 0 : i32
        %dma_start3A_438 = arith.constant 0 : i32
        %dma_start3A_439 = tpu.memref_slice %arg20[%dma_start3A_434, %dma_start3A_437, %dma_start3A_438] : memref<5x100x8xf32, #tpu.memory_space<vmem>> -> memref<1x100x8xf32, #tpu.memory_space<vmem>>
        %dma_start3A_440 = tpu.memref_squeeze %dma_start3A_439 : memref<1x100x8xf32, #tpu.memory_space<vmem>> -> memref<100x8xf32, #tpu.memory_space<vmem>>
        %dma_start3A_441 = arith.constant 0 : i32
        %dma_start3A_442 = tpu.memref_slice %arg13[%dma_start3A_435, %dma_start3A_436, %dma_start3A_441] : memref<2x5x100xi32, #tpu.memory_space<vmem>> -> memref<1x1x100xi32, #tpu.memory_space<vmem>>
        %dma_start3A_443 = tpu.memref_squeeze %dma_start3A_442 : memref<1x1x100xi32, #tpu.memory_space<vmem>> -> memref<100xi32, #tpu.memory_space<vmem>>
        %dma_start3A_444 = arith.constant 0 : i32
        %dma_start3A_445 = arith.constant 0 : i32
        %dma_start3A_446 = tpu.memref_slice %arg21[%dma_start3A_444, %dma_start3A_445] : memref<10240x8xf32, #tpu.memory_space<vmem_shared>> -> memref<10240x8xf32, #tpu.memory_space<vmem_shared>>
        tpu.enqueue_indirect_dma source(%dma_start3A_440 : memref<100x8xf32, #tpu.memory_space<vmem>>) target(%dma_start3A_446 : memref<10240x8xf32, #tpu.memory_space<vmem_shared>>) offsets(%dma_start3A_443 : memref<100xi32, #tpu.memory_space<vmem>>) semaphore(%arg22 : memref<!tpu.dma_semaphore, #tpu.memory_space<semaphore_mem>>) {add = true}
        %dma_start3A_447 = arith.constant 1 : i32
        %dma_start3A_448 = arith.constant 1 : i32
        %dma_start3A_449 = arith.constant 1 : i32
        %dma_start3A_450 = arith.constant 0 : i32
        %dma_start3A_451 = arith.constant 0 : i32
        %dma_start3A_452 = tpu.memref_slice %arg20[%dma_start3A_447, %dma_start3A_450, %dma_start3A_451] : memref<5x100x8xf32, #tpu.memory_space<vmem>> -> memref<1x100x8xf32, #tpu.memory_space<vmem>>
        %dma_start3A_453 = tpu.memref_squeeze %dma_start3A_452 : memref<1x100x8xf32, #tpu.memory_space<vmem>> -> memref<100x8xf32, #tpu.memory_space<vmem>>
        %dma_start3A_454 = arith.constant 0 : i32
        %dma_start3A_455 = tpu.memref_slice %arg13[%dma_start3A_448, %dma_start3A_449, %dma_start3A_454] : memref<2x5x100xi32, #tpu.memory_space<vmem>> -> memref<1x1x100xi32, #tpu.memory_space<vmem>>
        %dma_start3A_456 = tpu.memref_squeeze %dma_start3A_455 : memref<1x1x100xi32, #tpu.memory_space<vmem>> -> memref<100xi32, #tpu.memory_space<vmem>>
        %dma_start3A_457 = arith.constant 0 : i32
        %dma_start3A_458 = arith.constant 0 : i32
        %dma_start3A_459 = tpu.memref_slice %arg21[%dma_start3A_457, %dma_start3A_458] : memref<10240x8xf32, #tpu.memory_space<vmem_shared>> -> memref<10240x8xf32, #tpu.memory_space<vmem_shared>>
        tpu.enqueue_indirect_dma source(%dma_start3A_453 : memref<100x8xf32, #tpu.memory_space<vmem>>) target(%dma_start3A_459 : memref<10240x8xf32, #tpu.memory_space<vmem_shared>>) offsets(%dma_start3A_456 : memref<100xi32, #tpu.memory_space<vmem>>) semaphore(%arg22 : memref<!tpu.dma_semaphore, #tpu.memory_space<semaphore_mem>>) {add = true}
        %dma_start3A_460 = arith.constant 2 : i32
        %dma_start3A_461 = arith.constant 1 : i32
        %dma_start3A_462 = arith.constant 2 : i32
        %dma_start3A_463 = arith.constant 0 : i32
        %dma_start3A_464 = arith.constant 0 : i32
        %dma_start3A_465 = tpu.memref_slice %arg20[%dma_start3A_460, %dma_start3A_463, %dma_start3A_464] : memref<5x100x8xf32, #tpu.memory_space<vmem>> -> memref<1x100x8xf32, #tpu.memory_space<vmem>>
        %dma_start3A_466 = tpu.memref_squeeze %dma_start3A_465 : memref<1x100x8xf32, #tpu.memory_space<vmem>> -> memref<100x8xf32, #tpu.memory_space<vmem>>
        %dma_start3A_467 = arith.constant 0 : i32
        %dma_start3A_468 = tpu.memref_slice %arg13[%dma_start3A_461, %dma_start3A_462, %dma_start3A_467] : memref<2x5x100xi32, #tpu.memory_space<vmem>> -> memref<1x1x100xi32, #tpu.memory_space<vmem>>
        %dma_start3A_469 = tpu.memref_squeeze %dma_start3A_468 : memref<1x1x100xi32, #tpu.memory_space<vmem>> -> memref<100xi32, #tpu.memory_space<vmem>>
        %dma_start3A_470 = arith.constant 0 : i32
        %dma_start3A_471 = arith.constant 0 : i32
        %dma_start3A_472 = tpu.memref_slice %arg21[%dma_start3A_470, %dma_start3A_471] : memref<10240x8xf32, #tpu.memory_space<vmem_shared>> -> memref<10240x8xf32, #tpu.memory_space<vmem_shared>>
        tpu.enqueue_indirect_dma source(%dma_start3A_466 : memref<100x8xf32, #tpu.memory_space<vmem>>) target(%dma_start3A_472 : memref<10240x8xf32, #tpu.memory_space<vmem_shared>>) offsets(%dma_start3A_469 : memref<100xi32, #tpu.memory_space<vmem>>) semaphore(%arg22 : memref<!tpu.dma_semaphore, #tpu.memory_space<semaphore_mem>>) {add = true}
        %dma_start3A_473 = arith.constant 3 : i32
        %dma_start3A_474 = arith.constant 1 : i32
        %dma_start3A_475 = arith.constant 3 : i32
        %dma_start3A_476 = arith.constant 0 : i32
        %dma_start3A_477 = arith.constant 0 : i32
        %dma_start3A_478 = tpu.memref_slice %arg20[%dma_start3A_473, %dma_start3A_476, %dma_start3A_477] : memref<5x100x8xf32, #tpu.memory_space<vmem>> -> memref<1x100x8xf32, #tpu.memory_space<vmem>>
        %dma_start3A_479 = tpu.memref_squeeze %dma_start3A_478 : memref<1x100x8xf32, #tpu.memory_space<vmem>> -> memref<100x8xf32, #tpu.memory_space<vmem>>
        %dma_start3A_480 = arith.constant 0 : i32
        %dma_start3A_481 = tpu.memref_slice %arg13[%dma_start3A_474, %dma_start3A_475, %dma_start3A_480] : memref<2x5x100xi32, #tpu.memory_space<vmem>> -> memref<1x1x100xi32, #tpu.memory_space<vmem>>
        %dma_start3A_482 = tpu.memref_squeeze %dma_start3A_481 : memref<1x1x100xi32, #tpu.memory_space<vmem>> -> memref<100xi32, #tpu.memory_space<vmem>>
        %dma_start3A_483 = arith.constant 0 : i32
        %dma_start3A_484 = arith.constant 0 : i32
        %dma_start3A_485 = tpu.memref_slice %arg21[%dma_start3A_483, %dma_start3A_484] : memref<10240x8xf32, #tpu.memory_space<vmem_shared>> -> memref<10240x8xf32, #tpu.memory_space<vmem_shared>>
        tpu.enqueue_indirect_dma source(%dma_start3A_479 : memref<100x8xf32, #tpu.memory_space<vmem>>) target(%dma_start3A_485 : memref<10240x8xf32, #tpu.memory_space<vmem_shared>>) offsets(%dma_start3A_482 : memref<100xi32, #tpu.memory_space<vmem>>) semaphore(%arg22 : memref<!tpu.dma_semaphore, #tpu.memory_space<semaphore_mem>>) {add = true}
        %dma_start3A_486 = arith.constant 4 : i32
        %dma_start3A_487 = arith.constant 1 : i32
        %dma_start3A_488 = arith.constant 4 : i32
        %dma_start3A_489 = arith.constant 0 : i32
        %dma_start3A_490 = arith.constant 0 : i32
        %dma_start3A_491 = tpu.memref_slice %arg20[%dma_start3A_486, %dma_start3A_489, %dma_start3A_490] : memref<5x100x8xf32, #tpu.memory_space<vmem>> -> memref<1x100x8xf32, #tpu.memory_space<vmem>>
        %dma_start3A_492 = tpu.memref_squeeze %dma_start3A_491 : memref<1x100x8xf32, #tpu.memory_space<vmem>> -> memref<100x8xf32, #tpu.memory_space<vmem>>
        %dma_start3A_493 = arith.constant 0 : i32
        %dma_start3A_494 = tpu.memref_slice %arg13[%dma_start3A_487, %dma_start3A_488, %dma_start3A_493] : memref<2x5x100xi32, #tpu.memory_space<vmem>> -> memref<1x1x100xi32, #tpu.memory_space<vmem>>
        %dma_start3A_495 = tpu.memref_squeeze %dma_start3A_494 : memref<1x1x100xi32, #tpu.memory_space<vmem>> -> memref<100xi32, #tpu.memory_space<vmem>>
        %dma_start3A_496 = arith.constant 0 : i32
        %dma_start3A_497 = arith.constant 0 : i32
        %dma_start3A_498 = tpu.memref_slice %arg21[%dma_start3A_496, %dma_start3A_497] : memref<10240x8xf32, #tpu.memory_space<vmem_shared>> -> memref<10240x8xf32, #tpu.memory_space<vmem_shared>>
        tpu.enqueue_indirect_dma source(%dma_start3A_492 : memref<100x8xf32, #tpu.memory_space<vmem>>) target(%dma_start3A_498 : memref<10240x8xf32, #tpu.memory_space<vmem_shared>>) offsets(%dma_start3A_495 : memref<100xi32, #tpu.memory_space<vmem>>) semaphore(%arg22 : memref<!tpu.dma_semaphore, #tpu.memory_space<semaphore_mem>>) {add = true}
      }
      %scan3A_91 = arith.constant 20 : i32
      %dma_wait3A = arith.constant 1 : i32
      %dma_wait3A_92 = arith.constant 0 : i32
      %dma_wait3A_93 = arith.constant 0 : i32
      %dma_wait3A_94 = arith.constant 0 : i32
      %dma_wait3A_95 = tpu.memref_slice %arg14[%dma_wait3A, %dma_wait3A_92, %dma_wait3A_93, %dma_wait3A_94] : memref<2x5x100x64xf32, #tpu.memory_space<vmem>> -> memref<1x5x100x64xf32, #tpu.memory_space<vmem>>
      %dma_wait3A_96 = tpu.memref_squeeze %dma_wait3A_95 : memref<1x5x100x64xf32, #tpu.memory_space<vmem>> -> memref<5x100x64xf32, #tpu.memory_space<vmem>>
      %dma_wait3A_97 = arith.constant 0 : i32
      %dma_wait3A_98 = arith.constant 0 : i32
      %dma_wait3A_99 = arith.constant 0 : i32
      %dma_wait3A_100 = tpu.memref_slice %arg14[%dma_wait3A, %dma_wait3A_97, %dma_wait3A_98, %dma_wait3A_99] : memref<2x5x100x64xf32, #tpu.memory_space<vmem>> -> memref<1x5x100x64xf32, #tpu.memory_space<vmem>>
      %dma_wait3A_101 = tpu.memref_squeeze %dma_wait3A_100 : memref<1x5x100x64xf32, #tpu.memory_space<vmem>> -> memref<5x100x64xf32, #tpu.memory_space<vmem>>
      tpu.wait_dma2 semaphore(%arg19 : memref<!tpu.dma_semaphore, #tpu.memory_space<semaphore_mem>>) src(%arg7 : memref<5x100x64xf32, #tpu.memory_space<hbm>>) dst(%dma_wait3A_101 : memref<5x100x64xf32, #tpu.memory_space<vmem>>)
    } else {
    }
    %scan3A = arith.constant 0 : i32
    %scan3A_10 = arith.constant 0 : i32
    %scan3A_11 = arith.constant 40 : i32
    %scan3A_12 = arith.addi %scan3A_10, %scan3A_11 : i32
    %scan3A_13 = arith.constant 1 : i32
    scf.for %scan3A_16 = %scan3A_10 to %scan3A_12 step %scan3A_13  : i32 {
      tpu.wait_dma2 semaphore(%arg22 : memref<!tpu.dma_semaphore, #tpu.memory_space<semaphore_mem>>) src(%arg9 : memref<5x100x8xf32, #tpu.memory_space<hbm>>) dst(%arg20 : memref<5x100x8xf32, #tpu.memory_space<vmem>>)
    }
    %scan3A_14 = arith.constant 40 : i32
    %barrier3A_15 = arith.constant 0 : index
    tpu.barrier barrier_id(%barrier3A_15)
    "tpu.region"() ({
      %run_scoped3A = tpu.sem_alloc : memref<!tpu.dma_semaphore, #tpu.memory_space<semaphore_mem>>
      %dma_start3A = arith.constant 0 : i32
      %dma_start3A_16 = tpu.memref_slice %arg10[%arg0, %mul3A_0, %dma_start3A] : memref<2x10240x64xf32, #tpu.memory_space<hbm>> -> memref<1x640x64xf32, #tpu.memory_space<hbm>>
      %dma_start3A_17 = tpu.memref_squeeze %dma_start3A_16 : memref<1x640x64xf32, #tpu.memory_space<hbm>> -> memref<640x64xf32, #tpu.memory_space<hbm>>
      %dma_start3A_18 = arith.constant 0 : i32
      %dma_start3A_19 = tpu.memref_slice %arg15[%mul3A_0, %dma_start3A_18] : memref<10240x64xf32, #tpu.memory_space<vmem_shared>> -> memref<640x64xf32, #tpu.memory_space<vmem_shared>>
      tpu.enqueue_dma source(%dma_start3A_19 : memref<640x64xf32, #tpu.memory_space<vmem_shared>>) target(%dma_start3A_17 : memref<640x64xf32, #tpu.memory_space<hbm>>) target_semaphore(%run_scoped3A : memref<!tpu.dma_semaphore, #tpu.memory_space<semaphore_mem>>)
      %dma_wait3A = arith.constant 0 : i32
      %dma_wait3A_20 = tpu.memref_slice %arg10[%arg0, %mul3A_0, %dma_wait3A] : memref<2x10240x64xf32, #tpu.memory_space<hbm>> -> memref<1x640x64xf32, #tpu.memory_space<hbm>>
      %dma_wait3A_21 = tpu.memref_squeeze %dma_wait3A_20 : memref<1x640x64xf32, #tpu.memory_space<hbm>> -> memref<640x64xf32, #tpu.memory_space<hbm>>
      %dma_wait3A_22 = arith.constant 0 : i32
      %dma_wait3A_23 = tpu.memref_slice %arg15[%mul3A_0, %dma_wait3A_22] : memref<10240x64xf32, #tpu.memory_space<vmem_shared>> -> memref<640x64xf32, #tpu.memory_space<vmem_shared>>
      tpu.wait_dma2 semaphore(%run_scoped3A : memref<!tpu.dma_semaphore, #tpu.memory_space<semaphore_mem>>) src(%dma_wait3A_23 : memref<640x64xf32, #tpu.memory_space<vmem_shared>>) dst(%dma_wait3A_21 : memref<640x64xf32, #tpu.memory_space<hbm>>)
      tpu.yield
    }) : () -> ()
    "tpu.region"() ({
      %run_scoped3A = tpu.sem_alloc : memref<!tpu.dma_semaphore, #tpu.memory_space<semaphore_mem>>
      %dma_start3A = arith.constant 0 : i32
      %dma_start3A_16 = tpu.memref_slice %arg11[%arg0, %mul3A_0, %dma_start3A] : memref<2x10240x8xf32, #tpu.memory_space<hbm>> -> memref<1x640x8xf32, #tpu.memory_space<hbm>>
      %dma_start3A_17 = tpu.memref_squeeze %dma_start3A_16 : memref<1x640x8xf32, #tpu.memory_space<hbm>> -> memref<640x8xf32, #tpu.memory_space<hbm>>
      %dma_start3A_18 = arith.constant 0 : i32
      %dma_start3A_19 = tpu.memref_slice %arg21[%mul3A_0, %dma_start3A_18] : memref<10240x8xf32, #tpu.memory_space<vmem_shared>> -> memref<640x8xf32, #tpu.memory_space<vmem_shared>>
      tpu.enqueue_dma source(%dma_start3A_19 : memref<640x8xf32, #tpu.memory_space<vmem_shared>>) target(%dma_start3A_17 : memref<640x8xf32, #tpu.memory_space<hbm>>) target_semaphore(%run_scoped3A : memref<!tpu.dma_semaphore, #tpu.memory_space<semaphore_mem>>)
      %dma_wait3A = arith.constant 0 : i32
      %dma_wait3A_20 = tpu.memref_slice %arg11[%arg0, %mul3A_0, %dma_wait3A] : memref<2x10240x8xf32, #tpu.memory_space<hbm>> -> memref<1x640x8xf32, #tpu.memory_space<hbm>>
      %dma_wait3A_21 = tpu.memref_squeeze %dma_wait3A_20 : memref<1x640x8xf32, #tpu.memory_space<hbm>> -> memref<640x8xf32, #tpu.memory_space<hbm>>
      %dma_wait3A_22 = arith.constant 0 : i32
      %dma_wait3A_23 = tpu.memref_slice %arg21[%mul3A_0, %dma_wait3A_22] : memref<10240x8xf32, #tpu.memory_space<vmem_shared>> -> memref<640x8xf32, #tpu.memory_space<vmem_shared>>
      tpu.wait_dma2 semaphore(%run_scoped3A : memref<!tpu.dma_semaphore, #tpu.memory_space<semaphore_mem>>) src(%dma_wait3A_23 : memref<640x8xf32, #tpu.memory_space<vmem_shared>>) dst(%dma_wait3A_21 : memref<640x8xf32, #tpu.memory_space<hbm>>)
      tpu.yield
    }) : () -> ()
    return
  }
}

module attributes {stable_mosaic.version = 14 : i64} {
  func.func @_dense1_body(%arg0: i32, %arg1: memref<1x2000x64xf32, #tpu.memory_space<vmem>>, %arg2: memref<1x2000x64xf32, #tpu.memory_space<vmem>>, %arg3: memref<1x2000x8xf32, #tpu.memory_space<vmem>>, %arg4: memref<1x2000x8xf32, #tpu.memory_space<vmem>>, %arg5: memref<2000x128xf32, #tpu.memory_space<vmem>>, %arg6: memref<128x256xf32, #tpu.memory_space<vmem>>, %arg7: memref<128x256xf32, #tpu.memory_space<vmem>>, %arg8: memref<1x256xf32, #tpu.memory_space<vmem>>, %arg9: memref<256x128xf32, #tpu.memory_space<vmem>>, %arg10: memref<1x64xf32, #tpu.memory_space<vmem>>, %arg11: memref<2000x64xf32, #tpu.memory_space<vmem>>, %arg12: memref<2000x64xf32, #tpu.memory_space<vmem>>, %arg13: memref<2000x8xf32, #tpu.memory_space<vmem>>) attributes {dimension_semantics = [#tpu.dimension_semantics<arbitrary>], iteration_bounds = array<i64: 5>, scalar_prefetch = 0 : i64, scratch_operands = 0 : i64, tpu.core_type = #tpu.core_type<tc>, window_params = [{transform_indices = @transform_0, window_bounds = array<i64: 1, 2000, 64>}, {transform_indices = @transform_1, window_bounds = array<i64: 1, 2000, 64>}, {transform_indices = @transform_2, window_bounds = array<i64: 1, 2000, 8>}, {transform_indices = @transform_3, window_bounds = array<i64: 1, 2000, 8>}, {transform_indices = @transform_4, window_bounds = array<i64: 2000, 128>}, {pipeline_mode = #tpu.pipeline_mode<synchronous>, transform_indices = @transform_5, window_bounds = array<i64: 128, 256>}, {pipeline_mode = #tpu.pipeline_mode<synchronous>, transform_indices = @transform_6, window_bounds = array<i64: 128, 256>}, {pipeline_mode = #tpu.pipeline_mode<synchronous>, transform_indices = @transform_7, window_bounds = array<i64: 1, 256>}, {pipeline_mode = #tpu.pipeline_mode<synchronous>, transform_indices = @transform_8, window_bounds = array<i64: 256, 128>}, {pipeline_mode = #tpu.pipeline_mode<synchronous>, transform_indices = @transform_9, window_bounds = array<i64: 1, 64>}, {transform_indices = @transform_10, window_bounds = array<i64: 2000, 64>}, {transform_indices = @transform_11, window_bounds = array<i64: 2000, 64>}, {transform_indices = @transform_12, window_bounds = array<i64: 2000, 8>}]} {
    %get3A = arith.constant 0 : index
    %get3A_0 = arith.constant 0 : index
    %get3A_1 = arith.constant 0 : index
    %get3A_2 = vector.load %arg3[%get3A, %get3A_0, %get3A_1] : memref<1x2000x8xf32, #tpu.memory_space<vmem>>, vector<1x2000x1xf32>
    %get3A_3 = vector.shape_cast %get3A_2 : vector<1x2000x1xf32> to vector<2000x1xf32>
    %get3A_4 = arith.constant 0 : index
    %get3A_5 = arith.constant 0 : index
    %get3A_6 = arith.constant 0 : index
    %get3A_7 = vector.load %arg4[%get3A_4, %get3A_5, %get3A_6] : memref<1x2000x8xf32, #tpu.memory_space<vmem>>, vector<1x2000x1xf32>
    %get3A_8 = vector.shape_cast %get3A_7 : vector<1x2000x1xf32> to vector<2000x1xf32>
    %add3A = arith.addf %get3A_3, %get3A_8 : vector<2000x1xf32>
    %mul3A = arith.constant 5.000000e-01 : f32
    %mul3A_9 = vector.broadcast %mul3A : f32 to vector<2000x1xf32>
    %mul3A_10 = arith.mulf %add3A, %mul3A_9 : vector<2000x1xf32>
    %max3A = arith.constant 1.000000e+00 : f32
    %max3A_11 = vector.broadcast %max3A : f32 to vector<2000x1xf32>
    %max3A_12 = arith.maximumf %mul3A_10, %max3A_11 : vector<2000x1xf32>
    %div3A = arith.constant 1.000000e+00 : f32
    %div3A_13 = vector.broadcast %div3A : f32 to vector<2000x1xf32>
    %div3A_14 = arith.divf %div3A_13, %max3A_12 : vector<2000x1xf32>
    %get3A_15 = arith.constant 0 : index
    %get3A_16 = arith.constant 0 : index
    %get3A_17 = arith.constant 0 : index
    %get3A_18 = vector.load %arg1[%get3A_15, %get3A_16, %get3A_17] : memref<1x2000x64xf32, #tpu.memory_space<vmem>>, vector<1x2000x64xf32>
    %get3A_19 = vector.shape_cast %get3A_18 : vector<1x2000x64xf32> to vector<2000x64xf32>
    %get3A_20 = arith.constant 0 : index
    %get3A_21 = arith.constant 0 : index
    %get3A_22 = arith.constant 0 : index
    %get3A_23 = vector.load %arg2[%get3A_20, %get3A_21, %get3A_22] : memref<1x2000x64xf32, #tpu.memory_space<vmem>>, vector<1x2000x64xf32>
    %get3A_24 = vector.shape_cast %get3A_23 : vector<1x2000x64xf32> to vector<2000x64xf32>
    %concatenate3A = tpu.concatenate %get3A_19, %get3A_24 in 1 : vector<2000x64xf32>, vector<2000x64xf32> -> vector<2000x128xf32>
    %mul3A_25 = vector.broadcast %div3A_14 : vector<2000x1xf32> to vector<2000x128xf32>
    %mul3A_26 = arith.mulf %concatenate3A, %mul3A_25 : vector<2000x128xf32>
    %get3A_27 = arith.constant 0 : index
    %get3A_28 = arith.constant 0 : index
    %get3A_29 = vector.load %arg6[%get3A_27, %get3A_28] : memref<128x256xf32, #tpu.memory_space<vmem>>, vector<128x256xf32>
    %dot_general3A = arith.constant dense<0.000000e+00> : vector<2000x256xf32>
    %dot_general3A_30 = tpu.matmul %mul3A_26, %get3A_29, %dot_general3A {dimension_numbers = #tpu.dot_dimension_numbers<[1], [0], [0], [1], [0, 0, 1, 1], [], []>, transpose_lhs_hint = false} : vector<2000x128xf32>, vector<128x256xf32>, vector<2000x256xf32> -> vector<2000x256xf32>
    %get3A_31 = arith.constant 0 : index
    %get3A_32 = arith.constant 0 : index
    %get3A_33 = vector.load %arg5[%get3A_31, %get3A_32] : memref<2000x128xf32, #tpu.memory_space<vmem>>, vector<2000x128xf32>
    %get3A_34 = arith.constant 0 : index
    %get3A_35 = arith.constant 0 : index
    %get3A_36 = vector.load %arg7[%get3A_34, %get3A_35] : memref<128x256xf32, #tpu.memory_space<vmem>>, vector<128x256xf32>
    %dot_general3A_37 = arith.constant dense<0.000000e+00> : vector<2000x256xf32>
    %dot_general3A_38 = tpu.matmul %get3A_33, %get3A_36, %dot_general3A_37 {dimension_numbers = #tpu.dot_dimension_numbers<[1], [0], [0], [1], [0, 0, 1, 1], [], []>, transpose_lhs_hint = false} : vector<2000x128xf32>, vector<128x256xf32>, vector<2000x256xf32> -> vector<2000x256xf32>
    %add3A_39 = arith.addf %dot_general3A_30, %dot_general3A_38 : vector<2000x256xf32>
    %get3A_40 = arith.constant 0 : index
    %get3A_41 = arith.constant 0 : index
    %get3A_42 = vector.load %arg8[%get3A_40, %get3A_41] : memref<1x256xf32, #tpu.memory_space<vmem>>, vector<1x256xf32>
    %add3A_43 = vector.broadcast %get3A_42 : vector<1x256xf32> to vector<2000x256xf32>
    %add3A_44 = arith.addf %add3A_39, %add3A_43 : vector<2000x256xf32>
    %max3A_45 = arith.constant 0.000000e+00 : f32
    %max3A_46 = vector.broadcast %max3A_45 : f32 to vector<2000x256xf32>
    %max3A_47 = arith.maximumf %add3A_44, %max3A_46 : vector<2000x256xf32>
    %get3A_48 = arith.constant 0 : index
    %get3A_49 = arith.constant 0 : index
    %get3A_50 = vector.load %arg9[%get3A_48, %get3A_49] : memref<256x128xf32, #tpu.memory_space<vmem>>, vector<256x128xf32>
    %dot_general3A_51 = arith.constant dense<0.000000e+00> : vector<2000x128xf32>
    %dot_general3A_52 = tpu.matmul %max3A_47, %get3A_50, %dot_general3A_51 {dimension_numbers = #tpu.dot_dimension_numbers<[1], [0], [0], [1], [0, 0, 1, 1], [], []>, transpose_lhs_hint = false} : vector<2000x256xf32>, vector<256x128xf32>, vector<2000x128xf32> -> vector<2000x128xf32>
    %slice3A = vector.extract_strided_slice %dot_general3A_52 {offsets = [0, 0], sizes = [2000, 64], strides = [1, 1]} : vector<2000x128xf32> to vector<2000x64xf32>
    %swap3A = arith.constant 0 : index
    %swap3A_53 = arith.constant 0 : index
    %swap3A_54 = vector.load %arg11[%swap3A, %swap3A_53] : memref<2000x64xf32, #tpu.memory_space<vmem>>, vector<2000x64xf32>
    tpu.vector_store %arg11[%swap3A, %swap3A_53], %slice3A {strides = array<i32>} : memref<2000x64xf32, #tpu.memory_space<vmem>>, vector<2000x64xf32>,
    %slice3A_55 = vector.extract_strided_slice %dot_general3A_52 {offsets = [0, 64], sizes = [2000, 64], strides = [1, 1]} : vector<2000x128xf32> to vector<2000x64xf32>
    %get3A_56 = arith.constant 0 : index
    %get3A_57 = arith.constant 0 : index
    %get3A_58 = vector.load %arg10[%get3A_56, %get3A_57] : memref<1x64xf32, #tpu.memory_space<vmem>>, vector<1x64xf32>
    %add3A_59 = vector.broadcast %get3A_58 : vector<1x64xf32> to vector<2000x64xf32>
    %add3A_60 = arith.addf %slice3A_55, %add3A_59 : vector<2000x64xf32>
    %swap3A_61 = arith.constant 0 : index
    %swap3A_62 = arith.constant 0 : index
    %swap3A_63 = vector.load %arg12[%swap3A_61, %swap3A_62] : memref<2000x64xf32, #tpu.memory_space<vmem>>, vector<2000x64xf32>
    tpu.vector_store %arg12[%swap3A_61, %swap3A_62], %add3A_60 {strides = array<i32>} : memref<2000x64xf32, #tpu.memory_space<vmem>>, vector<2000x64xf32>,
    %broadcast_in_dim3A = vector.shape_cast %div3A_14 : vector<2000x1xf32> to vector<2000x1xf32>
    %broadcast_in_dim3A_64 = vector.broadcast %broadcast_in_dim3A : vector<2000x1xf32> to vector<2000x8xf32>
    %swap3A_65 = arith.constant 0 : index
    %swap3A_66 = arith.constant 0 : index
    %swap3A_67 = vector.load %arg13[%swap3A_65, %swap3A_66] : memref<2000x8xf32, #tpu.memory_space<vmem>>, vector<2000x8xf32>
    tpu.vector_store %arg13[%swap3A_65, %swap3A_66], %broadcast_in_dim3A_64 {strides = array<i32>} : memref<2000x8xf32, #tpu.memory_space<vmem>>, vector<2000x8xf32>,
    return
  }
  func.func @transform_0(%arg0: i32) -> (i32, i32, i32) {
    %c0_i32 = arith.constant 0 : i32
    %c0_i32_0 = arith.constant 0 : i32
    %c0_i32_1 = arith.constant 0 : i32
    return %c0_i32, %arg0, %c0_i32_0 : i32, i32, i32
  }
  func.func @transform_1(%arg0: i32) -> (i32, i32, i32) {
    %c1_i32 = arith.constant 1 : i32
    %c0_i32 = arith.constant 0 : i32
    %c0_i32_0 = arith.constant 0 : i32
    return %c1_i32, %arg0, %c0_i32 : i32, i32, i32
  }
  func.func @transform_2(%arg0: i32) -> (i32, i32, i32) {
    %c0_i32 = arith.constant 0 : i32
    %c0_i32_0 = arith.constant 0 : i32
    %c0_i32_1 = arith.constant 0 : i32
    return %c0_i32, %arg0, %c0_i32_0 : i32, i32, i32
  }
  func.func @transform_3(%arg0: i32) -> (i32, i32, i32) {
    %c1_i32 = arith.constant 1 : i32
    %c0_i32 = arith.constant 0 : i32
    %c0_i32_0 = arith.constant 0 : i32
    return %c1_i32, %arg0, %c0_i32 : i32, i32, i32
  }
  func.func @transform_4(%arg0: i32) -> (i32, i32) {
    %c0_i32 = arith.constant 0 : i32
    %c0_i32_0 = arith.constant 0 : i32
    return %arg0, %c0_i32 : i32, i32
  }
  func.func @transform_5(%arg0: i32) -> (i32, i32) {
    %c0_i32 = arith.constant 0 : i32
    %c0_i32_0 = arith.constant 0 : i32
    %c0_i32_1 = arith.constant 0 : i32
    return %c0_i32, %c0_i32_0 : i32, i32
  }
  func.func @transform_6(%arg0: i32) -> (i32, i32) {
    %c0_i32 = arith.constant 0 : i32
    %c0_i32_0 = arith.constant 0 : i32
    %c0_i32_1 = arith.constant 0 : i32
    return %c0_i32, %c0_i32_0 : i32, i32
  }
  func.func @transform_7(%arg0: i32) -> (i32, i32) {
    %c0_i32 = arith.constant 0 : i32
    %c0_i32_0 = arith.constant 0 : i32
    %c0_i32_1 = arith.constant 0 : i32
    return %c0_i32, %c0_i32_0 : i32, i32
  }
  func.func @transform_8(%arg0: i32) -> (i32, i32) {
    %c0_i32 = arith.constant 0 : i32
    %c0_i32_0 = arith.constant 0 : i32
    %c0_i32_1 = arith.constant 0 : i32
    return %c0_i32, %c0_i32_0 : i32, i32
  }
  func.func @transform_9(%arg0: i32) -> (i32, i32) {
    %c0_i32 = arith.constant 0 : i32
    %c0_i32_0 = arith.constant 0 : i32
    %c0_i32_1 = arith.constant 0 : i32
    return %c0_i32, %c0_i32_0 : i32, i32
  }
  func.func @transform_10(%arg0: i32) -> (i32, i32) {
    %c0_i32 = arith.constant 0 : i32
    %c0_i32_0 = arith.constant 0 : i32
    return %arg0, %c0_i32 : i32, i32
  }
  func.func @transform_11(%arg0: i32) -> (i32, i32) {
    %c0_i32 = arith.constant 0 : i32
    %c0_i32_0 = arith.constant 0 : i32
    return %arg0, %c0_i32 : i32, i32
  }
  func.func @transform_12(%arg0: i32) -> (i32, i32) {
    %c0_i32 = arith.constant 0 : i32
    %c0_i32_0 = arith.constant 0 : i32
    return %arg0, %c0_i32 : i32, i32
  }
}

module attributes {stable_mosaic.version = 14 : i64} {
  func.func @_dense2_body(%arg0: i32, %arg1: memref<1x2000x64xf32, #tpu.memory_space<vmem>>, %arg2: memref<1x2000x64xf32, #tpu.memory_space<vmem>>, %arg3: memref<2000x8xf32, #tpu.memory_space<vmem>>, %arg4: memref<2000x64xf32, #tpu.memory_space<vmem>>, %arg5: memref<2000x64xf32, #tpu.memory_space<vmem>>) attributes {dimension_semantics = [#tpu.dimension_semantics<arbitrary>], iteration_bounds = array<i64: 5>, scalar_prefetch = 0 : i64, scratch_operands = 0 : i64, tpu.core_type = #tpu.core_type<tc>, window_params = [{transform_indices = @transform_0, window_bounds = array<i64: 1, 2000, 64>}, {transform_indices = @transform_1, window_bounds = array<i64: 1, 2000, 64>}, {transform_indices = @transform_2, window_bounds = array<i64: 2000, 8>}, {transform_indices = @transform_3, window_bounds = array<i64: 2000, 64>}, {transform_indices = @transform_4, window_bounds = array<i64: 2000, 64>}]} {
    %get3A = arith.constant 0 : index
    %get3A_0 = arith.constant 0 : index
    %get3A_1 = arith.constant 0 : index
    %get3A_2 = vector.load %arg1[%get3A, %get3A_0, %get3A_1] : memref<1x2000x64xf32, #tpu.memory_space<vmem>>, vector<1x2000x64xf32>
    %get3A_3 = vector.shape_cast %get3A_2 : vector<1x2000x64xf32> to vector<2000x64xf32>
    %get3A_4 = arith.constant 0 : index
    %get3A_5 = arith.constant 0 : index
    %get3A_6 = arith.constant 0 : index
    %get3A_7 = vector.load %arg2[%get3A_4, %get3A_5, %get3A_6] : memref<1x2000x64xf32, #tpu.memory_space<vmem>>, vector<1x2000x64xf32>
    %get3A_8 = vector.shape_cast %get3A_7 : vector<1x2000x64xf32> to vector<2000x64xf32>
    %add3A = arith.addf %get3A_3, %get3A_8 : vector<2000x64xf32>
    %get3A_9 = arith.constant 0 : index
    %get3A_10 = arith.constant 0 : index
    %get3A_11 = vector.load %arg3[%get3A_9, %get3A_10] : memref<2000x8xf32, #tpu.memory_space<vmem>>, vector<2000x1xf32>
    %mul3A = vector.broadcast %get3A_11 : vector<2000x1xf32> to vector<2000x64xf32>
    %mul3A_12 = arith.mulf %add3A, %mul3A : vector<2000x64xf32>
    %get3A_13 = arith.constant 0 : index
    %get3A_14 = arith.constant 0 : index
    %get3A_15 = vector.load %arg4[%get3A_13, %get3A_14] : memref<2000x64xf32, #tpu.memory_space<vmem>>, vector<2000x64xf32>
    %add3A_16 = arith.addf %mul3A_12, %get3A_15 : vector<2000x64xf32>
    %reduce_max3A = arith.constant dense<0xFF800000> : vector<2000xf32>
    %reduce_max3A_17 = vector.multi_reduction <maximumf>, %add3A_16, %reduce_max3A [1] : vector<2000x64xf32> to vector<2000xf32>
    %broadcast_in_dim3A = vector.shape_cast %reduce_max3A_17 : vector<2000xf32> to vector<2000x1xf32>
    %sub3A = vector.broadcast %broadcast_in_dim3A : vector<2000x1xf32> to vector<2000x64xf32>
    %sub3A_18 = arith.subf %add3A_16, %sub3A : vector<2000x64xf32>
    %exp3A = math.exp %sub3A_18 : vector<2000x64xf32>
    %reduce_sum3A = arith.constant dense<0.000000e+00> : vector<2000xf32>
    %reduce_sum3A_19 = vector.multi_reduction <add>, %exp3A, %reduce_sum3A [1] : vector<2000x64xf32> to vector<2000xf32>
    %broadcast_in_dim3A_20 = vector.shape_cast %reduce_sum3A_19 : vector<2000xf32> to vector<2000x1xf32>
    %sub3A_21 = vector.broadcast %broadcast_in_dim3A : vector<2000x1xf32> to vector<2000x64xf32>
    %sub3A_22 = arith.subf %add3A_16, %sub3A_21 : vector<2000x64xf32>
    %log3A = math.log %broadcast_in_dim3A_20 : vector<2000x1xf32>
    %sub3A_23 = vector.broadcast %log3A : vector<2000x1xf32> to vector<2000x64xf32>
    %sub3A_24 = arith.subf %sub3A_22, %sub3A_23 : vector<2000x64xf32>
    %swap3A = arith.constant 0 : index
    %swap3A_25 = arith.constant 0 : index
    %swap3A_26 = vector.load %arg5[%swap3A, %swap3A_25] : memref<2000x64xf32, #tpu.memory_space<vmem>>, vector<2000x64xf32>
    tpu.vector_store %arg5[%swap3A, %swap3A_25], %sub3A_24 {strides = array<i32>} : memref<2000x64xf32, #tpu.memory_space<vmem>>, vector<2000x64xf32>,
    return
  }
  func.func @transform_0(%arg0: i32) -> (i32, i32, i32) {
    %c0_i32 = arith.constant 0 : i32
    %c0_i32_0 = arith.constant 0 : i32
    %c0_i32_1 = arith.constant 0 : i32
    return %c0_i32, %arg0, %c0_i32_0 : i32, i32, i32
  }
  func.func @transform_1(%arg0: i32) -> (i32, i32, i32) {
    %c1_i32 = arith.constant 1 : i32
    %c0_i32 = arith.constant 0 : i32
    %c0_i32_0 = arith.constant 0 : i32
    return %c1_i32, %arg0, %c0_i32 : i32, i32, i32
  }
  func.func @transform_2(%arg0: i32) -> (i32, i32) {
    %c0_i32 = arith.constant 0 : i32
    %c0_i32_0 = arith.constant 0 : i32
    return %arg0, %c0_i32 : i32, i32
  }
  func.func @transform_3(%arg0: i32) -> (i32, i32) {
    %c0_i32 = arith.constant 0 : i32
    %c0_i32_0 = arith.constant 0 : i32
    return %arg0, %c0_i32 : i32, i32
  }
  func.func @transform_4(%arg0: i32) -> (i32, i32) {
    %c0_i32 = arith.constant 0 : i32
    %c0_i32_0 = arith.constant 0 : i32
    return %arg0, %c0_i32 : i32, i32
  }
}

</mosaic_0001>

<sc_bundles>
// kernel: kernel.6.cloned.1.call-start
scs
__scs_entry_jumppad:
0x0: {  	(pc) =	sbr.rel $0x88, $3  }
0x1: {  	(tag) =	ssettag $0x0;
	lr =	simm.s32 $0x1  }
0x2: {  	[smem:$0x3F99] =	sst lr;
	_ =	strace $0xD0000000  }
0x3: {  	_ = 	snop  }
0x4: {  	_ = 	snop  }
0x5: {  	_ = 	snop  }
0x6: {  	_ = 	snop  }
0x7: {  	_ = 	snop  }
__scs_overlays_trampoline_lowered:
0x8: {  	[smem:$0x3FA8] =	sst s0  }
0x9: {  	[smem:$0x3FA9] =	sst s1  }
0xa: {  	[smem:$0x3FAA] =	sst s2  }
0xb: {  	[smem:$0x3FAB] =	sst s3  }
0xc: {  	[smem:$0x3FAC] =	sst s4  }
0xd: {  	[smem:$0x3FAD] =	sst s5  }
0xe: {  	[smem:$0x3FAE] =	sst s6  }
0xf: {  	[smem:$0x3FAF] =	sst s7  }
0x10: {  	[smem:$0x3FB0] =	sst s8  }
0x11: {  	[smem:$0x3FB1] =	sst s9;
	s0 =	simm.s32 @!p0 $0x0  }
0x12: {  	s1 =	sld [smem:$0x3F97];
	s0 =	simm.s32 @p0 $0x1  }
0x13: {  	[smem:$0x3FB2] =	sst s0;
	s0 =	simm.s32 @!p1 $0x0  }
0x14: {  	s2 =	sld [smem:$0x3F96];
	s0 =	simm.s32 @p1 $0x1  }
0x15: {  	[smem:$0x3FB3] =	sst s0;
	s0 =	simm.s32 @!p2 $0x0  }
0x16: {  	s3 =	sld [smem:$0x3FDB];
	s0 =	simm.s32 @p2 $0x1  }
0x17: {  	s4 =	simm.s32 $0x1BF5;
	[smem:$0x3FB5] =	sst s0  }
0x18: {  	s0 =	sld [smem:$0x3F98];
	_ =	swait.ge [sflag:s4], $0x0  }
0x19: {  	s7 =	sld [smem:$0x3F99]  }
0x1a: {  	s8 =	sadd.s32 $0xFFFFE003, lr  }
0x1b: {  	s9 =	sadd.s32 $0xFFFFFEF7, lr;
	s5 =	simm.s32 $0xFFFFFFFF;
	p2 =	slt.u32 s8, $0xFFFFF086  }
0x1c: {  	p1 =	slt.u32 s9, $0xF7A;
	s5 =	simm.s32 @!p2 $0x0  }
0x1d: {  	s5 =	simm.s32 @p1 $0x1;
	p0 =	seq.s32 s7, s2  }
0x1e: {  	s7 =	smul.u32 @!p0 $0xF7A, s2;
	p2 =	seq.s32 @!p0 s5, $0x0  }
0x1f: {  	s9 =	smul.u32 $0xF7A, s1;
	s8 =	simm.s32 @!p0 $0x1BF5;
	p2 =	por !p2, p0  }
0x20: {  	[sflag:s8] =	ssyncset.s32 @!p0 $0xFFFFF086;
	s6 =	sadd.s32 @!p0 s3, s7;
	s7 =	simm.s32 @!p0 $0x108  }
0x21: {  	s3 =	sadd.s32 s3, s9;
	s6 =	sadd.s32 @!p0 $0x88, s6;
	s7 =	simm.s32 @p2 $0x1082  }
0x22: {  	[simem:s7], [sflag:s8] =	dma.local @!p0 [hbm:s6], $0xF7A  }
0x23: {  	s9 =	sor.u32 $0xD0000000, s2;
	s6 =	simm.s32 $0x108;
	_ =	swait.ge @!p0 [sflag:s8], $0x0  }
0x24: {  	s3 =	sadd.s32 $0x88, s3;
	s6 =	simm.s32 @!p1 $0x1082;
	[sflag:s4] =	ssyncset.s32 $0xFFFFF086  }
0x25: {  	[simem:s6], [sflag:s4] =	dma.local [hbm:s3], $0xF7A  }
0x26: {  	[smem:$0x3F99] =	sst s1;
	(tag) =	ssettag s2;
	_ =	strace s9  }
0x27: {  	s1 =	sld [smem:$0x3FA9]  }
0x28: {  	s2 =	sld [smem:$0x3FAA]  }
0x29: {  	s4 =	sld [smem:$0x3FAC]  }
0x2a: {  	p0 =	seq.s32 s5, $0x0;
	s5 =	sld [smem:$0x3FAD]  }
0x2b: {  	s6 =	sld [smem:$0x3FAE]  }
0x2c: {  	s7 =	sld [smem:$0x3FAF]  }
0x2d: {  	s3 =	simm.s32 $0x108;
	s8 =	sld [smem:$0x3FB0]  }
0x2e: {  	s3 =	simm.s32 @!p0 $0x1082;
	s9 =	sld [smem:$0x3FB1]  }
0x2f: {  	lr =	sadd.s32 s0, s3;
	s0 =	sld [smem:$0x3FA8]  }
0x30: {  	s3 =	sld [smem:$0x3FAB]  }
0x31: {  	[smem:$0x3FB4] =	sst s10  }
0x32: {  	s10 =	sld [smem:$0x3FB2];
	_ =	sdelay $0x3  }
0x33: {  	p0 =	seq.s32 s10, $0x1;
	s10 =	sld [smem:$0x3FB4];
	_ =	sdelay $0x3  }
0x34: {  	[smem:$0x3FB4] =	sst s10  }
0x35: {  	s10 =	sld [smem:$0x3FB3];
	_ =	sdelay $0x3  }
0x36: {  	p1 =	seq.s32 s10, $0x1;
	s10 =	sld [smem:$0x3FB4];
	_ =	sdelay $0x3  }
0x37: {  	[smem:$0x3FB4] =	sst s10  }
0x38: {  	s10 =	sld [smem:$0x3FB5]  }
0x39: {  	_ = 	snop;
	(pc) =	sbr.ind lr, $3  }
0x3a: {  	_ = 	snop  }
0x3b: {  	_ = 	snop  }
0x3c: {  	p2 =	seq.s32 s10, $0x1;
	s10 =	sld [smem:$0x3FB4]  }
0x3d: {  	_ =	shalt  }
0x3e: {  	_ =	shalt  }
0x3f: {  	_ =	shalt  }
0x40: {  	_ =	shalt  }
0x41: {  	_ =	shalt  }
0x42: {  	_ =	shalt  }
0x43: {  	_ =	shalt  }
0x44: {  	_ =	shalt  }
0x45: {  	_ =	shalt  }
0x46: {  	_ =	shalt  }
0x47: {  	_ =	shalt  }
0x48: {  	_ =	shalt  }
0x49: {  	_ =	shalt  }
0x4a: {  	_ =	shalt  }
0x4b: {  	_ =	shalt  }
0x4c: {  	_ =	shalt  }
0x4d: {  	_ =	shalt  }
0x4e: {  	_ =	shalt  }
0x4f: {  	_ =	shalt  }
0x50: {  	_ =	shalt  }
0x51: {  	_ =	shalt  }
0x52: {  	_ =	shalt  }
0x53: {  	_ =	shalt  }
0x54: {  	_ =	shalt  }
0x55: {  	_ =	shalt  }
0x56: {  	_ =	shalt  }
0x57: {  	_ =	shalt  }
0x58: {  	_ =	shalt  }
0x59: {  	_ =	shalt  }
0x5a: {  	_ =	shalt  }
0x5b: {  	_ =	shalt  }
0x5c: {  	_ =	shalt  }
0x5d: {  	_ =	shalt  }
0x5e: {  	_ =	shalt  }
0x5f: {  	_ =	shalt  }
0x60: {  	_ =	shalt  }
0x61: {  	_ =	shalt  }
0x62: {  	_ =	shalt  }
0x63: {  	_ =	shalt  }
0x64: {  	_ =	shalt  }
0x65: {  	_ =	shalt  }
0x66: {  	_ =	shalt  }
0x67: {  	_ =	shalt  }
0x68: {  	_ =	shalt  }
0x69: {  	_ =	shalt  }
0x6a: {  	_ =	shalt  }
0x6b: {  	_ =	shalt  }
0x6c: {  	_ =	shalt  }
0x6d: {  	_ =	shalt  }
0x6e: {  	_ =	shalt  }
0x6f: {  	_ =	shalt  }
0x70: {  	_ =	shalt  }
0x71: {  	_ =	shalt  }
0x72: {  	_ =	shalt  }
0x73: {  	_ =	shalt  }
0x74: {  	_ =	shalt  }
0x75: {  	_ =	shalt  }
0x76: {  	_ =	shalt  }
0x77: {  	_ =	shalt  }
0x78: {  	_ =	shalt  }
0x79: {  	_ =	shalt  }
0x7a: {  	_ =	shalt  }
0x7b: {  	_ =	shalt  }
0x7c: {  	_ =	shalt  }
0x7d: {  	_ =	shalt  }
0x7e: {  	_ =	shalt  }
0x7f: {  	_ =	shalt  }
0x80: {  	_ =	shalt  }
0x81: {  	_ =	shalt  }
0x82: {  	_ =	shalt  }
0x83: {  	_ =	shalt  }
0x84: {  	_ =	shalt  }
0x85: {  	_ =	shalt  }
0x86: {  	_ =	shalt  }
0x87: {  	_ =	shalt  }
.Lfunc_end0:
.L_simem_size_0:
called_computation_lowered:
.L_overlay_start_0:
0x88: {  	s2 =	sld [smem:$0x3FD9]  }
0x89: {  	s3 =	sld [smem:$0x3FFE];
	_ =	sdelay $0x1  }
0x8a: {  	s1 =	srdreg.scid  }
0x8b: {  	s0 =	sand.u32 $0x1, s1  }
0x8c: {  	s17 =	sshll.u32 s0, $0xA;
	s2 =	sadd.s32 s3, s2  }
0x8d: {  	s2 =	sadd.s32 s2, s17  }
0x8e: {  	[smem:$0x3FC0] =	sst s2  }
0x8f: {  	_ = 	snop  }
0x90: {  	s2 =	sld [smem:$0x3FD0];
	(tm) =	ssettm $0x1  }
0x91: {  	s18 =	sld [smem:$0x3FFB];
	_ =	sdelay $0x3  }
0x92: {  	_ =	strace s18  }
0x93: {  	s3 =	sld [smem:$0x3FFC];
	_ =	sdelay $0x3  }
0x94: {  	_ =	strace s3  }
0x95: {  	s3 =	sld [smem:$0x3FFD];
	_ =	sdelay $0x3  }
0x96: {  	_ =	strace s3  }
0x97: {  	_ =	strace $0x8FFFFFFF  }
0x98: {  	s19 =	sld [smem:$0x3FDB];
	_ =	sdelay $0x1  }
0x99: {  	s4 =	simm.s32 $_scs_section_size  }
0x9a: {  	s5 =	simm.s32 $_size__tile_overlayer_lowered;
	s6 =	simm.s32 $_tile_overlayer_lowered  }
0x9b: {  	s22 =	simm.s32 $0x1BFF;
	s21 =	sshll.u32 s6, $0x1;
	s3 =	sadd.s32 s4, s19  }
0x9c: {  	s7 =	simm.s32 $0x0;
	s20 =	sshll.u32 s5, $0x1;
	s5 =	sadd.s32 s21, s3  }
0x9d: {  	[timem:s7], [sflag:s22] =	dma.local [hbm:s5], s20  }
0x9e: {  	_ =	swait.ge [sflag:s22], s20  }
0x9f: {  	s4 =	ssub.s32 $0x0, s20;
	[sflag:s22] =	ssyncset.done $0x0  }
0xa0: {  	[sflag:s22] =	ssyncadd.s32 s4;
	_ =	sdelay $0x1  }
0xa1: {  	s23 =	simm.s32 $0x1B8B  }
0xa2: {  	_ =	swait.ge [sflag:s23], $0x1  }
0xa3: {  	[sflag:s23] =	ssyncset.done $0x0  }
0xa4: {  	s25 =	simm.s32 $0x1B8E;
	s24 =	sld [smem:$0x3FFE];
	[sflag:s23] =	ssyncadd.s32 $0xFFFFFFFF  }
0xa5: {  	s26 =	simm.s32 $execute0_lowered;
	[smem:$0x3FD2] =	sst s25  }
0xa6: {  	s5 =	sshll.u32 s26, $0x1;
	_ =	strace $0x80000046;
	[dreg:$0x1] =	wrdreg $0xFFFFFFFF  }
0xa7: {  	s28 =	simm.s32 $_size_execute0_lowered;
	s3 =	sadd.s32 s3, s5;
	[dreg:$0x0] =	wrdreg $0x0  }
0xa8: {  	s5 =	sshll.u32 s28, $0x1;
	[dreg:$0x2] =	wrdreg s3  }
0xa9: {  	[dreg:$0x3] =	wrdreg s5  }
0xaa: {  	[dreg:$0x4] =	wrdreg $0xC0  }
0xab: {  	_ =	task [dreg:s7], $0x5FFFF  }
0xac: {  	[dreg:$0x1] =	wrdreg $0xFFFFFFFF  }
0xad: {  	[dreg:$0x0] =	wrdreg $0x60  }
0xae: {  	[dreg:$0x2] =	wrdreg s2  }
0xaf: {  	[dreg:$0x3] =	wrdreg s24  }
0xb0: {  	[dreg:$0x4] =	wrdreg $0x102200  }
0xb1: {  	[dreg:$0x5] =	wrdreg $0x1B1C00  }
0xb2: {  	[dreg:$0x6] =	wrdreg $0x9  }
0xb3: {  	_ =	task.clear_ibuf [dreg:s7], $0x7FFFF;
	_ =	strace $0x90000046  }
0xb4: {  	s29 =	simm.s32 $0x9;
	_ =	strace $0x80000048  }
0xb5: {  	_ =	swait.ge [sflag:s29], $0x1  }
0xb6: {  	[sflag:s29] =	ssyncadd.s32 $0xFFFFFFFF  }
0xb7: {  	_ =	strace $0x90000048  }
0xb8: {  	_ =	sfence  }
0xb9: {  	s30 =	sld [smem:$0x0];
	_ =	sdelay $0x2  }
0xba: {  	s31 =	sshll.u32 s1, $0xD;
	s1 =	sshrl.u32 s1, $0x2  }
0xbb: {  	s3 =	sand.u32 $0x4000, s31;
	s1 =	sadd.s32 s1, s30  }
0xbc: {  	s0 =	sor.u32 s3, s0;
	s1 =	sshll.u32 s1, $0x11  }
0xbd: {  	s0 =	sor.u32 s1, s0  }
0xbe: {  	s0 =	sadd.s32 $0x8F2B, s0  }
0xbf: {  	[sflag:s0] =	ssyncadd.remote.s32 $0x1  }
0xc0: {  	_ =	sfence.sel $0xFFFF  }
0xc1: {  	[dreg:$0x0] =	wrdreg $0xFFFFFFFF;
	(pc) =	sbr.abs _section_cstart, $3  }
0xc2: {  	[dreg:$0x1] =	wrdreg $0xFFFFFFFF  }
0xc3: {  	_ =	task.clear_ibuf [dreg:s7], $0x2FFFF;
	_ =	strace $0x9FFFFFFF  }
0xc4: {  	(tm) =	ssettm $0x7FFFFFFF  }
0xc5: {  	_ =	shalt  }
tec
execute0_lowered:
.L_overlay_start_1:
0x0: {  	(tag) =	ssettag $0x1  }
0x1: {  	s2 =	rddreg [dreg:$0x0]  }
0x2: {  	s0 =	rddreg [dreg:$0x1]  }
0x3: {  	s3 =	rddreg [dreg:$0x2]  }
0x4: {  	s4 =	rddreg [dreg:$0x3];
	s14 =	stileid.u32;
	s16 =	simm.s32 $0x0  }
0x5: {  	s6 =	srdreg.scid;
	s17 =	simm.s32 $0x6;
	s18 =	simm.s32 $0x1A220  }
0x6: {  	s21 =	simm.s32 $0x64;
	s28 =	simm.s32 $0x820;
	s23 =	simm.s32 $0x2120  }
0x7: {  	s15 =	simm.s32 $0x1;
	s30 =	simm.s32 $0x2;
	s1 =	smul.u32 $0xA28, s14  }
0x8: {  	s20 =	simm.s32 $0x5;
	s5 =	smul.u32 $0xA000, s14;
	[smem:$0x7FF] =	sst s16  }
0x9: {  	s7 =	smul.u32 $0x1400, s14;
	s8 =	sand.u32 $0x1, s6;
	s6 =	sadd.s32 $0x16600, s0  }
0xa: {  	s13 =	sadd.s32 $0x2A000, s0;
	s26 =	sshll.u32 s14, $0x6;
	s9 =	smul.u32 $0xA0000, s8  }
0xb: {  	_ =	strace $0x80000047;
	s12 =	smul.u32 $0x14000, s8;
	[dreg:$0x5] =	wrdreg s13  }
0xc: {  	s24 =	ssub.s32 $0x2, s8;
	p0 =	seq.s32 s8, $0x1;
	s10 =	sshrl.u32 s5, $0x3  }
0xd: {  	s11 =	sshrl.u32 s7, $0x3;
	s1 =	sadd.s32 s1, s0;
	s25 =	sshrl.u32 s24, $0x1  }
0xe: {  	s10 =	sadd.s32 s10, s0;
	s11 =	sadd.s32 s11, s0;
	s9 =	sadd.s32 s5, s9  }
0xf: {  	s12 =	sadd.s32 s7, s12;
	s13 =	ssub.s32 s24, s25;
	s5 =	sadd.s32 s5, s3  }
0x10: {  	s7 =	sadd.s32 s7, s4;
	s25 =	simm.s32 $0x3;
	s10 =	sadd.s32 $0x2DA00, s10  }
0x11: {  	s9 =	sshrl.u32 s9, $0x3;
	s11 =	sadd.s32 $0x2B200, s11;
	[dreg:$0x6] =	wrdreg s10  }
0x12: {  	s12 =	sshrl.u32 s12, $0x3;
	s31 =	smax.u32 s13, $0x1;
	[dreg:$0x8] =	wrdreg s11  }
0x13: {  	s14 =	sshrl.u32 s5, $0x3;
	s7 =	sshrl.u32 s7, $0x3;
	[dreg:$0xb] =	wrdreg s31  }
0x14: {  	s5 =	simm.s32 $0x0;
	s9 =	sadd.s32 s9, s0;
	[dreg:$0xc] =	wrdreg s14  }
0x15: {  	s0 =	sadd.s32 s12, s0;
	s10 =	sor.u32 $0x1C06, s26;
	[dreg:$0xd] =	wrdreg s7  }
0x16: {  	s11 =	sadd.s32 $0xC200, s1;
	s29 =	sadd.s32 $0x41A00, s9;
	[dreg:$0x7] =	wrdreg s10  }
0x17: {  	s12 =	sadd.s32 $0x1E00, s1;
	s0 =	sadd.s32 $0x69A00, s0;
	[dreg:$0x9] =	wrdreg s29  }
0x18: {  	s1 =	simm.s32 $0x618;
	s9 =	simm.s32 $0x410;
	[dreg:$0xa] =	wrdreg s0  }
.LBB2_1:
0x19: {  	[dreg:$0xe] =	wrdreg s5  }
0x1a: {  	s0 =	rddreg [dreg:$0x6]  }
0x1b: {  	[spmem:s14], [sflag:s10] =	dma.local [hbm:s0], $0x1400  }
0x1c: {  	_ =	swait.ge [sflag:s17], $0x1400  }
0x1d: {  	[sflag:s17] =	ssyncset.done $0x0  }
0x1e: {  	s29 =	rddreg [dreg:$0x8];
	[sflag:s17] =	ssyncadd.s32 $0xFFFFEC00  }
0x1f: {  	[spmem:s7], [sflag:s10] =	dma.local [hbm:s29], $0x280  }
0x20: {  	_ =	swait.ge [sflag:s17], $0x280  }
0x21: {  	[sflag:s17] =	ssyncset.done $0x0  }
0x22: {  	s31 =	rddreg [dreg:$0x5];
	[sflag:s17] =	ssyncadd.s32 $0xFFFFFD80  }
0x23: {  	[tilespmem:s18], [sflag:$0x6] =	stream.linear.gather [hbm4b:s31+s16], $0xFA0, $0x38;
	[tilespmem:$0x1C5C0] =	vst v63  }
0x24: {  	_ =	swait.ge [sflag:s17], $0xFA0  }
0x25: {  	[sflag:s17] =	ssyncset.done $0x0  }
0x26: {  	[sflag:s17] =	ssyncadd.s32 $0xFFFFF060  }
0x27: {  	[bflag:$0x0] =	sbarrier.arrive $0xFFFF  }
0x28: {  	[tilespmem:s16], [sflag:$0x6] =	stream.linear.gather [hbm4b:s11+s16], $0x208, $0x38;
	[tilespmem:$0x1C5C0] =	vst v63  }
0x29: {  	_ =	swait.ge [sflag:s17], $0x208  }
0x2a: {  	[sflag:s17] =	ssyncset.done $0x0  }
.Ltmp0:
0x2b: {  	[sflag:s17] =	ssyncadd.s32 $0xFFFFFDF8;
	(pc) =	sbr.rel @!p0 .LBB2_2-.Ltmp0, $4  }
0x2c: {  	[tilespmem:s9], [sflag:$0x6] =	stream.linear.gather [hbm4b:s12+s16], $0x208, $0x38;
	[tilespmem:$0x1C5C0] =	vst v63  }
0x2d: {  	_ =	swait.ge [sflag:s17], $0x208  }
0x2e: {  	[sflag:s17] =	ssyncset.done $0x0  }
0x2f: {  	s0 =	simm.s32 $0x0;
	[sflag:s17] =	ssyncadd.s32 $0xFFFFFDF8  }
0x30: {  	[tilespmem:s28], [sflag:$0x1] =	stream.indirect.gather [hbm4b:s6+s21], $0x40, s0, s21, $0xb8;
	[tilespmem:$0x1C5C0] =	vst v63  }
0x31: {  	s14 =	simm.s32 $0x68  }
0x32: {  	[tilespmem:s23], [sflag:$0x1] =	stream.indirect.gather [hbm4b:s6+s21], $0x40, s14, s21, $0xb8;
	[tilespmem:$0x1C5C0] =	vst v63  }
0x33: {  	s19 =	simm.s32 $0xD0;
	s10 =	simm.s32 $0x3A20;
	p1 =	por $0x1, $0x1  }
0x34: {  	[tilespmem:s10], [sflag:$0x1] =	stream.indirect.gather [hbm4b:s6+s21], $0x40, s19, s21, $0xb8;
	[tilespmem:$0x1C5C0] =	vst v63  }
0x35: {  	s22 =	simm.s32 $0x138;
	s13 =	simm.s32 $0x5320;
	p1 =	por p1, p1  }
0x36: {  	[tilespmem:s13], [sflag:$0x1] =	stream.indirect.gather [hbm4b:s6+s21], $0x40, s22, s21, $0xb8;
	[tilespmem:$0x1C5C0] =	vst v63  }
0x37: {  	s24 =	simm.s32 $0x1A0;
	s14 =	simm.s32 $0x6C20;
	s0 =	simm.s32 @!p1 $0x4  }
0x38: {  	[tilespmem:s14], [sflag:$0x1] =	stream.indirect.gather [hbm4b:s6+s21], $0x40, s24, s21, $0xb8;
	[tilespmem:$0x1C5C0] =	vst v63  }
0x39: {  	_ =	swait.ge @!p1 [sflag:s0], $0x7D00  }
0x3a: {  	s7 =	sadd.s32 $0x0, s11;
	[sflag:s0] =	ssyncset.done @!p1 $0x0  }
0x3b: {  	s5 =	simm.s32 $0x208;
	s26 =	sadd.s32 $0x41, s7;
	[sflag:s0] =	ssyncadd.s32 @!p1 $0xFFFF8300  }
0x3c: {  	[tilespmem:s5], [sflag:$0x6] =	stream.linear.gather [hbm4b:s26+s16], $0x208, $0x38;
	[tilespmem:$0x1C5C0] =	vst v63  }
0x3d: {  	_ =	swait.ge [sflag:s17], $0x208  }
0x3e: {  	s29 =	sadd.s32 $0x0, s12;
	[sflag:s17] =	ssyncset.done $0x0  }
0x3f: {  	s0 =	sadd.s32 $0x41, s29;
	[sflag:s17] =	ssyncadd.s32 $0xFFFFFDF8  }
0x40: {  	[tilespmem:s1], [sflag:$0x6] =	stream.linear.gather [hbm4b:s0+s16], $0x208, $0x38;
	[tilespmem:$0x1C5C0] =	vst v63  }
0x41: {  	_ =	swait.ge [sflag:s17], $0x208  }
0x42: {  	[sflag:s17] =	ssyncset.done $0x0  }
0x43: {  	s8 =	simm.s32 $0x8520;
	[sflag:s17] =	ssyncadd.s32 $0xFFFFFDF8  }
0x44: {  	[tilespmem:s8], [sflag:$0x2] =	stream.indirect.gather [hbm4b:s6+s21], $0x40, s5, s21, $0xb8;
	[tilespmem:$0x1C5C0] =	vst v63  }
0x45: {  	s31 =	simm.s32 $0x270;
	s16 =	simm.s32 $0x9E20  }
0x46: {  	[tilespmem:s16], [sflag:$0x2] =	stream.indirect.gather [hbm4b:s6+s21], $0x40, s31, s21, $0xb8;
	[tilespmem:$0x1C5C0] =	vst v63  }
0x47: {  	s22 =	simm.s32 $0xB720;
	s5 =	simm.s32 $0x2D8  }
0x48: {  	[tilespmem:s22], [sflag:$0x2] =	stream.indirect.gather [hbm4b:s6+s21], $0x40, s5, s21, $0xb8;
	[tilespmem:$0x1C5C0] =	vst v63  }
0x49: {  	s7 =	simm.s32 $0x340;
	s5 =	simm.s32 $0xD020  }
0x4a: {  	[tilespmem:s5], [sflag:$0x2] =	stream.indirect.gather [hbm4b:s6+s21], $0x40, s7, s21, $0xb8;
	[tilespmem:$0x1C5C0] =	vst v63  }
0x4b: {  	s19 =	simm.s32 $0x3A8;
	s29 =	simm.s32 $0xE920  }
0x4c: {  	[tilespmem:s29], [sflag:$0x2] =	stream.indirect.gather [hbm4b:s6+s21], $0x40, s19, s21, $0xb8;
	[tilespmem:$0x1C5C0] =	vst v63  }
0x4d: {  	_ =	swait.ge [sflag:s15], $0x7D00  }
0x4e: {  	[sflag:s15] =	ssyncset.done $0x0  }
0x4f: {  	[sflag:s15] =	ssyncadd.s32 $0xFFFF8300  }
0x50: {  	[spmem:s3] =	stream.indirect.scatter.add.f32 [tilespmem:s28], [sflag:$0x3], $0x40, s9, s21, $0xb8;
	[tilespmem:$0x1C5C0] =	vst v63  }
0x51: {  	s24 =	simm.s32 $0x478  }
0x52: {  	[spmem:s3] =	stream.indirect.scatter.add.f32 [tilespmem:s23], [sflag:$0x3], $0x40, s24, s21, $0xb8;
	[tilespmem:$0x1C5C0] =	vst v63  }
0x53: {  	s26 =	simm.s32 $0x4E0  }
0x54: {  	[spmem:s3] =	stream.indirect.scatter.add.f32 [tilespmem:s10], [sflag:$0x3], $0x40, s26, s21, $0xb8;
	[tilespmem:$0x1C5C0] =	vst v63  }
0x55: {  	s28 =	simm.s32 $0x548  }
0x56: {  	[spmem:s3] =	stream.indirect.scatter.add.f32 [tilespmem:s13], [sflag:$0x3], $0x40, s28, s21, $0xb8;
	[tilespmem:$0x1C5C0] =	vst v63  }
0x57: {  	s31 =	simm.s32 $0x5B0  }
0x58: {  	[spmem:s3] =	stream.indirect.scatter.add.f32 [tilespmem:s14], [sflag:$0x3], $0x40, s31, s21, $0xb8;
	[tilespmem:$0x1C5C0] =	vst v63  }
0x59: {  	_ = 	snop  }
0x5a: {  	[spmem:s4] =	stream.indirect.scatter.add.f32 [tilespmem:s18], [sflag:$0x5], $0x8, s9, s21, $0xb8;
	[tilespmem:$0x1C5C0] =	vst v63  }
0x5b: {  	s9 =	simm.s32 $0x1A540  }
0x5c: {  	[spmem:s4] =	stream.indirect.scatter.add.f32 [tilespmem:s9], [sflag:$0x5], $0x8, s24, s21, $0xb8;
	[tilespmem:$0x1C5C0] =	vst v63  }
0x5d: {  	s13 =	simm.s32 $0x1A860  }
0x5e: {  	[spmem:s4] =	stream.indirect.scatter.add.f32 [tilespmem:s13], [sflag:$0x5], $0x8, s26, s21, $0xb8;
	[tilespmem:$0x1C5C0] =	vst v63  }
0x5f: {  	s19 =	simm.s32 $0x1AB80  }
0x60: {  	[spmem:s4] =	stream.indirect.scatter.add.f32 [tilespmem:s19], [sflag:$0x5], $0x8, s28, s21, $0xb8;
	[tilespmem:$0x1C5C0] =	vst v63  }
0x61: {  	p1 =	por $0x0, $0x0;
	s24 =	simm.s32 $0x1AEA0  }
0x62: {  	[spmem:s4] =	stream.indirect.scatter.add.f32 [tilespmem:s24], [sflag:$0x5], $0x8, s31, s21, $0xb8;
	[tilespmem:$0x1C5C0] =	vst v63  }
0x63: {  	s0 =	sadd.s32 @!p1 $0x0, s11;
	_ =	swait.ge [sflag:s25], $0x7D00  }
0x64: {  	s0 =	sadd.s32 @!p1 $0x82, s0;
	[sflag:s25] =	ssyncset.done $0x0  }
0x65: {  	s7 =	simm.s32 @!p1 $0x6;
	s10 =	simm.s32 @!p1 $0x0;
	[sflag:s25] =	ssyncadd.s32 $0xFFFF8300  }
0x66: {  	[tilespmem:s10], [sflag:$0x6] =	stream.linear.gather @!p1 [hbm4b:s0+s10], $0x208, $0x38;
	[tilespmem:$0x1C5C0] =	vst v63  }
0x67: {  	_ =	swait.ge @!p1 [sflag:s7], $0x208  }
0x68: {  	s0 =	sadd.s32 @!p1 $0x0, s12;
	[sflag:s7] =	ssyncset.done @!p1 $0x0  }
0x69: {  	s14 =	simm.s32 @!p1 $0x410;
	s0 =	sadd.s32 @!p1 $0x82, s0;
	[sflag:s7] =	ssyncadd.s32 @!p1 $0xFFFFFDF8  }
0x6a: {  	[tilespmem:s14], [sflag:$0x6] =	stream.linear.gather @!p1 [hbm4b:s0+s10], $0x208, $0x38;
	[tilespmem:$0x1C5C0] =	vst v63  }
0x6b: {  	_ =	swait.ge @!p1 [sflag:s7], $0x208  }
0x6c: {  	[sflag:s7] =	ssyncset.done @!p1 $0x0  }
0x6d: {  	s0 =	simm.s32 @!p1 $0x64;
	[sflag:s7] =	ssyncadd.s32 @!p1 $0xFFFFFDF8;
	s7 =	simm.s32 @!p1 $0x820  }
0x6e: {  	[tilespmem:s7], [sflag:$0x1] =	stream.indirect.gather @!p1 [hbm4b:s6+s0], $0x40, s10, s0, $0xb8;
	[tilespmem:$0x1C5C0] =	vst v63  }
0x6f: {  	s7 =	simm.s32 @!p1 $0x68;
	s10 =	simm.s32 @!p1 $0x2120  }
0x70: {  	[tilespmem:s10], [sflag:$0x1] =	stream.indirect.gather @!p1 [hbm4b:s6+s0], $0x40, s7, s0, $0xb8;
	[tilespmem:$0x1C5C0] =	vst v63  }
0x71: {  	s7 =	simm.s32 @!p1 $0xD0;
	s10 =	simm.s32 @!p1 $0x3A20  }
0x72: {  	[tilespmem:s10], [sflag:$0x1] =	stream.indirect.gather @!p1 [hbm4b:s6+s0], $0x40, s7, s0, $0xb8;
	[tilespmem:$0x1C5C0] =	vst v63  }
0x73: {  	s7 =	simm.s32 @!p1 $0x138;
	s10 =	simm.s32 @!p1 $0x5320  }
0x74: {  	[tilespmem:s10], [sflag:$0x1] =	stream.indirect.gather @!p1 [hbm4b:s6+s0], $0x40, s7, s0, $0xb8;
	[tilespmem:$0x1C5C0] =	vst v63  }
0x75: {  	s7 =	simm.s32 @!p1 $0x1A0;
	s10 =	simm.s32 @!p1 $0x6C20  }
0x76: {  	[tilespmem:s10], [sflag:$0x1] =	stream.indirect.gather @!p1 [hbm4b:s6+s0], $0x40, s7, s0, $0xb8;
	[tilespmem:$0x1C5C0] =	vst v63  }
0x77: {  	_ =	swait.ge [sflag:s30], $0x7D00  }
0x78: {  	[sflag:s30] =	ssyncset.done $0x0  }
0x79: {  	[sflag:s30] =	ssyncadd.s32 $0xFFFF8300  }
0x7a: {  	[spmem:s3] =	stream.indirect.scatter.add.f32 [tilespmem:s8], [sflag:$0x4], $0x40, s1, s21, $0xb8;
	[tilespmem:$0x1C5C0] =	vst v63  }
0x7b: {  	s26 =	simm.s32 $0x680  }
0x7c: {  	[spmem:s3] =	stream.indirect.scatter.add.f32 [tilespmem:s16], [sflag:$0x4], $0x40, s26, s21, $0xb8;
	[tilespmem:$0x1C5C0] =	vst v63  }
0x7d: {  	s28 =	simm.s32 $0x6E8  }
0x7e: {  	[spmem:s3] =	stream.indirect.scatter.add.f32 [tilespmem:s22], [sflag:$0x4], $0x40, s28, s21, $0xb8;
	[tilespmem:$0x1C5C0] =	vst v63  }
0x7f: {  	s31 =	simm.s32 $0x750  }
0x80: {  	[spmem:s3] =	stream.indirect.scatter.add.f32 [tilespmem:s5], [sflag:$0x4], $0x40, s31, s21, $0xb8;
	[tilespmem:$0x1C5C0] =	vst v63  }
0x81: {  	s7 =	simm.s32 $0x7B8  }
0x82: {  	[spmem:s3] =	stream.indirect.scatter.add.f32 [tilespmem:s29], [sflag:$0x4], $0x40, s7, s21, $0xb8;
	[tilespmem:$0x1C5C0] =	vst v63  }
0x83: {  	_ = 	snop  }
0x84: {  	[spmem:s4] =	stream.indirect.scatter.add.f32 [tilespmem:s18], [sflag:$0x5], $0x8, s1, s21, $0xb8;
	[tilespmem:$0x1C5C0] =	vst v63  }
0x85: {  	_ = 	snop  }
0x86: {  	[spmem:s4] =	stream.indirect.scatter.add.f32 [tilespmem:s9], [sflag:$0x5], $0x8, s26, s21, $0xb8;
	[tilespmem:$0x1C5C0] =	vst v63  }
0x87: {  	p6 =	por $0x0, $0x0;
	s23 =	simm.s32 $0x104;
	s0 =	simm.s32 $0x82  }
0x88: {  	[spmem:s4] =	stream.indirect.scatter.add.f32 [tilespmem:s13], [sflag:$0x5], $0x8, s28, s21, $0xb8;
	[tilespmem:$0x1C5C0] =	vst v63  }
0x89: {  	p1 =	por p6, p6;
	s16 =	simm.s32 $0x0;
	s9 =	simm.s32 $0x410  }
0x8a: {  	[spmem:s4] =	stream.indirect.scatter.add.f32 [tilespmem:s19], [sflag:$0x5], $0x8, s31, s21, $0xb8;
	[tilespmem:$0x1C5C0] =	vst v63  }
.LBB2_6:
0x8b: {  	s14 =	simm.s32 $0x1AEA0;
	s28 =	smov.u32 s23  }
0x8c: {  	[spmem:s4] =	stream.indirect.scatter.add.f32 [tilespmem:s14], [sflag:$0x5], $0x8, s7, s21, $0xb8;
	[tilespmem:$0x1C5C0] =	vst v63  }
0x8d: {  	s23 =	sadd.s32 $0x82, s23;
	p3 =	seq.s32 s28, $0x0;
	s7 =	simm.s32 @!p1 $0x4  }
0x8e: {  	p2 =	sne.s32 s23, $0xA28;
	_ =	swait.ge @!p1 [sflag:s7], $0x7D00  }
0x8f: {  	s10 =	sadd.s32 s0, s11;
	s5 =	simm.s32 $0x208;
	[sflag:s7] =	ssyncset.done @!p1 $0x0  }
0x90: {  	[sflag:s7] =	ssyncadd.s32 @!p1 $0xFFFF8300;
	s7 =	sadd.s32 $0x41, s10;
	p1 =	por p3, p3  }
0x91: {  	[tilespmem:s5], [sflag:$0x6] =	stream.linear.gather [hbm4b:s7+s16], $0x208, $0x38;
	[tilespmem:$0x1C5C0] =	vst v63  }
0x92: {  	_ =	swait.ge [sflag:s17], $0x208  }
0x93: {  	s7 =	sadd.s32 s0, s12;
	[sflag:s17] =	ssyncset.done $0x0  }
0x94: {  	s7 =	sadd.s32 $0x41, s7;
	[sflag:s17] =	ssyncadd.s32 $0xFFFFFDF8  }
0x95: {  	[tilespmem:s1], [sflag:$0x6] =	stream.linear.gather [hbm4b:s7+s16], $0x208, $0x38;
	[tilespmem:$0x1C5C0] =	vst v63  }
0x96: {  	_ =	swait.ge [sflag:s17], $0x208  }
0x97: {  	[sflag:s17] =	ssyncset.done $0x0  }
0x98: {  	s29 =	simm.s32 $0x8520;
	[sflag:s17] =	ssyncadd.s32 $0xFFFFFDF8  }
0x99: {  	[tilespmem:s29], [sflag:$0x2] =	stream.indirect.gather [hbm4b:s6+s21], $0x40, s5, s21, $0xb8;
	[tilespmem:$0x1C5C0] =	vst v63  }
0x9a: {  	s31 =	simm.s32 $0x9E20;
	s5 =	simm.s32 $0x270  }
0x9b: {  	[tilespmem:s31], [sflag:$0x2] =	stream.indirect.gather [hbm4b:s6+s21], $0x40, s5, s21, $0xb8;
	[tilespmem:$0x1C5C0] =	vst v63  }
0x9c: {  	s22 =	simm.s32 $0xB720;
	s5 =	simm.s32 $0x2D8  }
0x9d: {  	[tilespmem:s22], [sflag:$0x2] =	stream.indirect.gather [hbm4b:s6+s21], $0x40, s5, s21, $0xb8;
	[tilespmem:$0x1C5C0] =	vst v63  }
0x9e: {  	s7 =	simm.s32 $0x340;
	s5 =	simm.s32 $0xD020  }
0x9f: {  	[tilespmem:s5], [sflag:$0x2] =	stream.indirect.gather [hbm4b:s6+s21], $0x40, s7, s21, $0xb8;
	[tilespmem:$0x1C5C0] =	vst v63  }
0xa0: {  	s8 =	simm.s32 $0xE920;
	s7 =	simm.s32 $0x3A8  }
0xa1: {  	[tilespmem:s8], [sflag:$0x2] =	stream.indirect.gather [hbm4b:s6+s21], $0x40, s7, s21, $0xb8;
	[tilespmem:$0x1C5C0] =	vst v63  }
0xa2: {  	_ =	swait.ge [sflag:s15], $0x7D00  }
0xa3: {  	[sflag:s15] =	ssyncset.done $0x0  }
0xa4: {  	s7 =	simm.s32 $0x820;
	[sflag:s15] =	ssyncadd.s32 $0xFFFF8300  }
0xa5: {  	[spmem:s3] =	stream.indirect.scatter.add.f32 [tilespmem:s7], [sflag:$0x3], $0x40, s9, s21, $0xb8;
	[tilespmem:$0x1C5C0] =	vst v63  }
0xa6: {  	s10 =	simm.s32 $0x478;
	s7 =	simm.s32 $0x2120  }
0xa7: {  	[spmem:s3] =	stream.indirect.scatter.add.f32 [tilespmem:s7], [sflag:$0x3], $0x40, s10, s21, $0xb8;
	[tilespmem:$0x1C5C0] =	vst v63  }
0xa8: {  	s24 =	simm.s32 $0x4E0;
	s7 =	simm.s32 $0x3A20  }
0xa9: {  	[spmem:s3] =	stream.indirect.scatter.add.f32 [tilespmem:s7], [sflag:$0x3], $0x40, s24, s21, $0xb8;
	[tilespmem:$0x1C5C0] =	vst v63  }
0xaa: {  	s26 =	simm.s32 $0x548;
	s7 =	simm.s32 $0x5320  }
0xab: {  	[spmem:s3] =	stream.indirect.scatter.add.f32 [tilespmem:s7], [sflag:$0x3], $0x40, s26, s21, $0xb8;
	[tilespmem:$0x1C5C0] =	vst v63  }
0xac: {  	s18 =	simm.s32 $0x5B0;
	s7 =	simm.s32 $0x6C20  }
0xad: {  	[spmem:s3] =	stream.indirect.scatter.add.f32 [tilespmem:s7], [sflag:$0x3], $0x40, s18, s21, $0xb8;
	[tilespmem:$0x1C5C0] =	vst v63  }
0xae: {  	s15 =	simm.s32 $0x1A220  }
0xaf: {  	[spmem:s4] =	stream.indirect.scatter.add.f32 [tilespmem:s15], [sflag:$0x5], $0x8, s9, s21, $0xb8;
	[tilespmem:$0x1C5C0] =	vst v63  }
0xb0: {  	s13 =	simm.s32 $0x1A540  }
0xb1: {  	[spmem:s4] =	stream.indirect.scatter.add.f32 [tilespmem:s13], [sflag:$0x5], $0x8, s10, s21, $0xb8;
	[tilespmem:$0x1C5C0] =	vst v63  }
0xb2: {  	s19 =	simm.s32 $0x1A860  }
0xb3: {  	[spmem:s4] =	stream.indirect.scatter.add.f32 [tilespmem:s19], [sflag:$0x5], $0x8, s24, s21, $0xb8;
	[tilespmem:$0x1C5C0] =	vst v63  }
0xb4: {  	s24 =	simm.s32 $0x1AB80  }
0xb5: {  	[spmem:s4] =	stream.indirect.scatter.add.f32 [tilespmem:s24], [sflag:$0x5], $0x8, s26, s21, $0xb8;
	[tilespmem:$0x1C5C0] =	vst v63  }
0xb6: {  	_ = 	snop  }
0xb7: {  	[spmem:s4] =	stream.indirect.scatter.add.f32 [tilespmem:s14], [sflag:$0x5], $0x8, s18, s21, $0xb8;
	[tilespmem:$0x1C5C0] =	vst v63  }
0xb8: {  	p3 =	seq.s32 s0, $0x9A6;
	_ =	swait.ge [sflag:s25], $0x7D00  }
0xb9: {  	s7 =	sadd.s32 @!p3 s0, s11;
	s10 =	simm.s32 @!p3 $0x6;
	[sflag:s25] =	ssyncset.done $0x0  }
0xba: {  	s7 =	sadd.s32 @!p3 $0x82, s7;
	s14 =	simm.s32 @!p3 $0x0;
	[sflag:s25] =	ssyncadd.s32 $0xFFFF8300  }
0xbb: {  	[tilespmem:s14], [sflag:$0x6] =	stream.linear.gather @!p3 [hbm4b:s7+s14], $0x208, $0x38;
	[tilespmem:$0x1C5C0] =	vst v63  }
0xbc: {  	s7 =	sadd.s32 @!p3 s0, s12;
	s0 =	smov.u32 s28;
	_ =	swait.ge @!p3 [sflag:s10], $0x208  }
0xbd: {  	s7 =	sadd.s32 @!p3 $0x82, s7;
	[sflag:s10] =	ssyncset.done @!p3 $0x0  }
0xbe: {  	s28 =	simm.s32 @!p3 $0x410;
	[sflag:s10] =	ssyncadd.s32 @!p3 $0xFFFFFDF8  }
0xbf: {  	[tilespmem:s28], [sflag:$0x6] =	stream.linear.gather @!p3 [hbm4b:s7+s14], $0x208, $0x38;
	[tilespmem:$0x1C5C0] =	vst v63  }
0xc0: {  	s28 =	simm.s32 $0x680  }
0xc1: {  	_ =	swait.ge @!p3 [sflag:s10], $0x208  }
0xc2: {  	[sflag:s10] =	ssyncset.done @!p3 $0x0  }
0xc3: {  	s7 =	simm.s32 @!p3 $0x64;
	[sflag:s10] =	ssyncadd.s32 @!p3 $0xFFFFFDF8;
	s10 =	simm.s32 @!p3 $0x820  }
0xc4: {  	[tilespmem:s10], [sflag:$0x1] =	stream.indirect.gather @!p3 [hbm4b:s6+s7], $0x40, s14, s7, $0xb8;
	[tilespmem:$0x1C5C0] =	vst v63  }
0xc5: {  	s10 =	simm.s32 @!p3 $0x68;
	s14 =	simm.s32 @!p3 $0x2120  }
0xc6: {  	[tilespmem:s14], [sflag:$0x1] =	stream.indirect.gather @!p3 [hbm4b:s6+s7], $0x40, s10, s7, $0xb8;
	[tilespmem:$0x1C5C0] =	vst v63  }
0xc7: {  	s10 =	simm.s32 @!p3 $0xD0;
	s14 =	simm.s32 @!p3 $0x3A20  }
0xc8: {  	[tilespmem:s14], [sflag:$0x1] =	stream.indirect.gather @!p3 [hbm4b:s6+s7], $0x40, s10, s7, $0xb8;
	[tilespmem:$0x1C5C0] =	vst v63  }
0xc9: {  	s10 =	simm.s32 @!p3 $0x138;
	s14 =	simm.s32 @!p3 $0x5320  }
0xca: {  	[tilespmem:s14], [sflag:$0x1] =	stream.indirect.gather @!p3 [hbm4b:s6+s7], $0x40, s10, s7, $0xb8;
	[tilespmem:$0x1C5C0] =	vst v63  }
0xcb: {  	s10 =	simm.s32 @!p3 $0x1A0;
	s14 =	simm.s32 @!p3 $0x6C20  }
0xcc: {  	[tilespmem:s14], [sflag:$0x1] =	stream.indirect.gather @!p3 [hbm4b:s6+s7], $0x40, s10, s7, $0xb8;
	[tilespmem:$0x1C5C0] =	vst v63  }
0xcd: {  	s7 =	simm.s32 $0x7B8  }
0xce: {  	_ =	swait.ge [sflag:s30], $0x7D00  }
0xcf: {  	[sflag:s30] =	ssyncset.done $0x0  }
0xd0: {  	[sflag:s30] =	ssyncadd.s32 $0xFFFF8300  }
0xd1: {  	[spmem:s3] =	stream.indirect.scatter.add.f32 [tilespmem:s29], [sflag:$0x4], $0x40, s1, s21, $0xb8;
	[tilespmem:$0x1C5C0] =	vst v63  }
0xd2: {  	_ = 	snop  }
0xd3: {  	[spmem:s3] =	stream.indirect.scatter.add.f32 [tilespmem:s31], [sflag:$0x4], $0x40, s28, s21, $0xb8;
	[tilespmem:$0x1C5C0] =	vst v63  }
0xd4: {  	s10 =	simm.s32 $0x6E8  }
0xd5: {  	[spmem:s3] =	stream.indirect.scatter.add.f32 [tilespmem:s22], [sflag:$0x4], $0x40, s10, s21, $0xb8;
	[tilespmem:$0x1C5C0] =	vst v63  }
0xd6: {  	s14 =	simm.s32 $0x750  }
0xd7: {  	[spmem:s3] =	stream.indirect.scatter.add.f32 [tilespmem:s5], [sflag:$0x4], $0x40, s14, s21, $0xb8;
	[tilespmem:$0x1C5C0] =	vst v63  }
0xd8: {  	_ = 	snop  }
0xd9: {  	[spmem:s3] =	stream.indirect.scatter.add.f32 [tilespmem:s8], [sflag:$0x4], $0x40, s7, s21, $0xb8;
	[tilespmem:$0x1C5C0] =	vst v63  }
0xda: {  	_ = 	snop  }
0xdb: {  	[spmem:s4] =	stream.indirect.scatter.add.f32 [tilespmem:s15], [sflag:$0x5], $0x8, s1, s21, $0xb8;
	[tilespmem:$0x1C5C0] =	vst v63  }
0xdc: {  	s15 =	simm.s32 $0x1;
	_ =	sdelay $0x1  }
0xdd: {  	[spmem:s4] =	stream.indirect.scatter.add.f32 [tilespmem:s13], [sflag:$0x5], $0x8, s28, s21, $0xb8;
	[tilespmem:$0x1C5C0] =	vst v63  }
.Ltmp1:
0xde: {  	_ = 	snop;
	(pc) =	sbr.rel @p2 .LBB2_6-.Ltmp1, $4  }
0xdf: {  	_ = 	snop  }
0xe0: {  	[spmem:s4] =	stream.indirect.scatter.add.f32 [tilespmem:s19], [sflag:$0x5], $0x8, s10, s21, $0xb8;
	[tilespmem:$0x1C5C0] =	vst v63  }
0xe1: {  	_ = 	snop  }
0xe2: {  	[spmem:s4] =	stream.indirect.scatter.add.f32 [tilespmem:s24], [sflag:$0x5], $0x8, s14, s21, $0xb8;
	[tilespmem:$0x1C5C0] =	vst v63  }
0xe3: {  	s24 =	simm.s32 $0x1AEA0  }
0xe4: {  	[spmem:s4] =	stream.indirect.scatter.add.f32 [tilespmem:s24], [sflag:$0x5], $0x8, s7, s21, $0xb8;
	[tilespmem:$0x1C5C0] =	vst v63  }
0xe5: {  	s7 =	simm.s32 @!p1 $0x4  }
0xe6: {  	_ =	swait.ge @!p1 [sflag:s7], $0x7D00  }
0xe7: {  	s10 =	sadd.s32 s0, s11;
	[sflag:s7] =	ssyncset.done @!p1 $0x0  }
0xe8: {  	s5 =	simm.s32 $0x208;
	s13 =	sadd.s32 $0x41, s10;
	[sflag:s7] =	ssyncadd.s32 @!p1 $0xFFFF8300  }
0xe9: {  	[tilespmem:s5], [sflag:$0x6] =	stream.linear.gather [hbm4b:s13+s16], $0x208, $0x38;
	[tilespmem:$0x1C5C0] =	vst v63  }
0xea: {  	_ =	swait.ge [sflag:s17], $0x208  }
0xeb: {  	s14 =	sadd.s32 s0, s12;
	[sflag:s17] =	ssyncset.done $0x0  }
0xec: {  	s7 =	sadd.s32 $0x41, s14;
	[sflag:s17] =	ssyncadd.s32 $0xFFFFFDF8  }
0xed: {  	[tilespmem:s1], [sflag:$0x6] =	stream.linear.gather [hbm4b:s7+s16], $0x208, $0x38;
	[tilespmem:$0x1C5C0] =	vst v63  }
0xee: {  	_ =	swait.ge [sflag:s17], $0x208  }
0xef: {  	[sflag:s17] =	ssyncset.done $0x0  }
0xf0: {  	s16 =	simm.s32 $0x8520;
	[sflag:s17] =	ssyncadd.s32 $0xFFFFFDF8  }
0xf1: {  	[tilespmem:s16], [sflag:$0x2] =	stream.indirect.gather [hbm4b:s6+s21], $0x40, s5, s21, $0xb8;
	[tilespmem:$0x1C5C0] =	vst v63  }
0xf2: {  	s22 =	simm.s32 $0x9E20;
	s18 =	simm.s32 $0x270  }
0xf3: {  	[tilespmem:s22], [sflag:$0x2] =	stream.indirect.gather [hbm4b:s6+s21], $0x40, s18, s21, $0xb8;
	[tilespmem:$0x1C5C0] =	vst v63  }
0xf4: {  	s29 =	simm.s32 $0xB720;
	s19 =	simm.s32 $0x2D8  }
0xf5: {  	[tilespmem:s29], [sflag:$0x2] =	stream.indirect.gather [hbm4b:s6+s21], $0x40, s19, s21, $0xb8;
	[tilespmem:$0x1C5C0] =	vst v63  }
0xf6: {  	s26 =	simm.s32 $0x340;
	s5 =	simm.s32 $0xD020  }
0xf7: {  	[tilespmem:s5], [sflag:$0x2] =	stream.indirect.gather [hbm4b:s6+s21], $0x40, s26, s21, $0xb8;
	[tilespmem:$0x1C5C0] =	vst v63  }
0xf8: {  	s8 =	simm.s32 $0xE920;
	s31 =	simm.s32 $0x3A8  }
0xf9: {  	[tilespmem:s8], [sflag:$0x2] =	stream.indirect.gather [hbm4b:s6+s21], $0x40, s31, s21, $0xb8;
	[tilespmem:$0x1C5C0] =	vst v63  }
0xfa: {  	_ =	swait.ge [sflag:s15], $0x7D00  }
0xfb: {  	[sflag:s15] =	ssyncset.done $0x0  }
0xfc: {  	s10 =	simm.s32 $0x820;
	[sflag:s15] =	ssyncadd.s32 $0xFFFF8300  }
0xfd: {  	[spmem:s3] =	stream.indirect.scatter.add.f32 [tilespmem:s10], [sflag:$0x3], $0x40, s9, s21, $0xb8;
	[tilespmem:$0x1C5C0] =	vst v63  }
0xfe: {  	s14 =	simm.s32 $0x2120;
	s13 =	simm.s32 $0x478  }
0xff: {  	[spmem:s3] =	stream.indirect.scatter.add.f32 [tilespmem:s14], [sflag:$0x3], $0x40, s13, s21, $0xb8;
	[tilespmem:$0x1C5C0] =	vst v63  }
0x100: {  	s15 =	simm.s32 $0x3A20;
	s14 =	simm.s32 $0x4E0  }
0x101: {  	[spmem:s3] =	stream.indirect.scatter.add.f32 [tilespmem:s15], [sflag:$0x3], $0x40, s14, s21, $0xb8;
	[tilespmem:$0x1C5C0] =	vst v63  }
0x102: {  	s18 =	simm.s32 $0x5320;
	s26 =	simm.s32 $0x548  }
0x103: {  	[spmem:s3] =	stream.indirect.scatter.add.f32 [tilespmem:s18], [sflag:$0x3], $0x40, s26, s21, $0xb8;
	[tilespmem:$0x1C5C0] =	vst v63  }
0x104: {  	s19 =	simm.s32 $0x6C20;
	s18 =	simm.s32 $0x5B0  }
0x105: {  	[spmem:s3] =	stream.indirect.scatter.add.f32 [tilespmem:s19], [sflag:$0x3], $0x40, s18, s21, $0xb8;
	[tilespmem:$0x1C5C0] =	vst v63  }
0x106: {  	s15 =	simm.s32 $0x1A220  }
0x107: {  	[spmem:s4] =	stream.indirect.scatter.add.f32 [tilespmem:s15], [sflag:$0x5], $0x8, s9, s21, $0xb8;
	[tilespmem:$0x1C5C0] =	vst v63  }
0x108: {  	s9 =	simm.s32 $0x1A540  }
0x109: {  	[spmem:s4] =	stream.indirect.scatter.add.f32 [tilespmem:s9], [sflag:$0x5], $0x8, s13, s21, $0xb8;
	[tilespmem:$0x1C5C0] =	vst v63  }
0x10a: {  	s13 =	simm.s32 $0x1A860  }
0x10b: {  	[spmem:s4] =	stream.indirect.scatter.add.f32 [tilespmem:s13], [sflag:$0x5], $0x8, s14, s21, $0xb8;
	[tilespmem:$0x1C5C0] =	vst v63  }
0x10c: {  	s19 =	simm.s32 $0x1AB80  }
0x10d: {  	[spmem:s4] =	stream.indirect.scatter.add.f32 [tilespmem:s19], [sflag:$0x5], $0x8, s26, s21, $0xb8;
	[tilespmem:$0x1C5C0] =	vst v63  }
0x10e: {  	p1 =	seq.s32 s0, $0x9A6  }
0x10f: {  	[spmem:s4] =	stream.indirect.scatter.add.f32 [tilespmem:s24], [sflag:$0x5], $0x8, s18, s21, $0xb8;
	[tilespmem:$0x1C5C0] =	vst v63  }
0x110: {  	s7 =	sadd.s32 @!p1 s0, s11;
	_ =	swait.ge [sflag:s25], $0x7D00  }
0x111: {  	s7 =	sadd.s32 @!p1 $0x82, s7;
	[sflag:s25] =	ssyncset.done $0x0  }
0x112: {  	s10 =	simm.s32 @!p1 $0x6;
	s14 =	simm.s32 @!p1 $0x0;
	[sflag:s25] =	ssyncadd.s32 $0xFFFF8300  }
0x113: {  	[tilespmem:s14], [sflag:$0x6] =	stream.linear.gather @!p1 [hbm4b:s7+s14], $0x208, $0x38;
	[tilespmem:$0x1C5C0] =	vst v63  }
0x114: {  	_ =	swait.ge @!p1 [sflag:s10], $0x208  }
0x115: {  	s0 =	sadd.s32 @!p1 s0, s12;
	[sflag:s10] =	ssyncset.done @!p1 $0x0  }
0x116: {  	s0 =	sadd.s32 @!p1 $0x82, s0;
	s7 =	simm.s32 @!p1 $0x410;
	[sflag:s10] =	ssyncadd.s32 @!p1 $0xFFFFFDF8  }
0x117: {  	[tilespmem:s7], [sflag:$0x6] =	stream.linear.gather @!p1 [hbm4b:s0+s14], $0x208, $0x38;
	[tilespmem:$0x1C5C0] =	vst v63  }
0x118: {  	_ =	swait.ge @!p1 [sflag:s10], $0x208  }
0x119: {  	[sflag:s10] =	ssyncset.done @!p1 $0x0  }
0x11a: {  	s0 =	simm.s32 @!p1 $0x64;
	s7 =	simm.s32 @!p1 $0x820;
	[sflag:s10] =	ssyncadd.s32 @!p1 $0xFFFFFDF8  }
0x11b: {  	[tilespmem:s7], [sflag:$0x1] =	stream.indirect.gather @!p1 [hbm4b:s6+s0], $0x40, s14, s0, $0xb8;
	[tilespmem:$0x1C5C0] =	vst v63  }
0x11c: {  	s10 =	simm.s32 @!p1 $0x2120;
	s7 =	simm.s32 @!p1 $0x68  }
0x11d: {  	[tilespmem:s10], [sflag:$0x1] =	stream.indirect.gather @!p1 [hbm4b:s6+s0], $0x40, s7, s0, $0xb8;
	[tilespmem:$0x1C5C0] =	vst v63  }
0x11e: {  	s7 =	simm.s32 @!p1 $0xD0;
	s10 =	simm.s32 @!p1 $0x3A20  }
0x11f: {  	[tilespmem:s10], [sflag:$0x1] =	stream.indirect.gather @!p1 [hbm4b:s6+s0], $0x40, s7, s0, $0xb8;
	[tilespmem:$0x1C5C0] =	vst v63  }
0x120: {  	s7 =	simm.s32 @!p1 $0x138;
	s10 =	simm.s32 @!p1 $0x5320  }
0x121: {  	[tilespmem:s10], [sflag:$0x1] =	stream.indirect.gather @!p1 [hbm4b:s6+s0], $0x40, s7, s0, $0xb8;
	[tilespmem:$0x1C5C0] =	vst v63  }
0x122: {  	s7 =	simm.s32 @!p1 $0x1A0;
	s10 =	simm.s32 @!p1 $0x6C20  }
0x123: {  	[tilespmem:s10], [sflag:$0x1] =	stream.indirect.gather @!p1 [hbm4b:s6+s0], $0x40, s7, s0, $0xb8;
	[tilespmem:$0x1C5C0] =	vst v63  }
0x124: {  	_ =	swait.ge [sflag:s30], $0x7D00  }
0x125: {  	[sflag:s30] =	ssyncset.done $0x0  }
0x126: {  	[sflag:s30] =	ssyncadd.s32 $0xFFFF8300  }
0x127: {  	[spmem:s3] =	stream.indirect.scatter.add.f32 [tilespmem:s16], [sflag:$0x4], $0x40, s1, s21, $0xb8;
	[tilespmem:$0x1C5C0] =	vst v63  }
0x128: {  	_ = 	snop  }
0x129: {  	[spmem:s3] =	stream.indirect.scatter.add.f32 [tilespmem:s22], [sflag:$0x4], $0x40, s28, s21, $0xb8;
	[tilespmem:$0x1C5C0] =	vst v63  }
0x12a: {  	s26 =	simm.s32 $0x6E8  }
0x12b: {  	[spmem:s3] =	stream.indirect.scatter.add.f32 [tilespmem:s29], [sflag:$0x4], $0x40, s26, s21, $0xb8;
	[tilespmem:$0x1C5C0] =	vst v63  }
0x12c: {  	s31 =	simm.s32 $0x750  }
0x12d: {  	[spmem:s3] =	stream.indirect.scatter.add.f32 [tilespmem:s5], [sflag:$0x4], $0x40, s31, s21, $0xb8;
	[tilespmem:$0x1C5C0] =	vst v63  }
0x12e: {  	s23 =	simm.s32 $0x7B8  }
0x12f: {  	[spmem:s3] =	stream.indirect.scatter.add.f32 [tilespmem:s8], [sflag:$0x4], $0x40, s23, s21, $0xb8;
	[tilespmem:$0x1C5C0] =	vst v63  }
0x130: {  	_ = 	snop  }
0x131: {  	[spmem:s4] =	stream.indirect.scatter.add.f32 [tilespmem:s15], [sflag:$0x5], $0x8, s1, s21, $0xb8;
	[tilespmem:$0x1C5C0] =	vst v63  }
0x132: {  	_ = 	snop  }
0x133: {  	[spmem:s4] =	stream.indirect.scatter.add.f32 [tilespmem:s9], [sflag:$0x5], $0x8, s28, s21, $0xb8;
	[tilespmem:$0x1C5C0] =	vst v63  }
0x134: {  	_ = 	snop  }
0x135: {  	[spmem:s4] =	stream.indirect.scatter.add.f32 [tilespmem:s13], [sflag:$0x5], $0x8, s26, s21, $0xb8;
	[tilespmem:$0x1C5C0] =	vst v63  }
.Ltmp2:
0x136: {  	_ = 	snop;
	(pc) =	sbr.rel .LBB2_8-.Ltmp2, $4  }
0x137: {  	[spmem:s4] =	stream.indirect.scatter.add.f32 [tilespmem:s19], [sflag:$0x5], $0x8, s31, s21, $0xb8;
	[tilespmem:$0x1C5C0] =	vst v63  }
0x138: {  	s18 =	simm.s32 $0x1A220;
	s16 =	simm.s32 $0x0;
	s15 =	simm.s32 $0x1  }
0x139: {  	[spmem:s4] =	stream.indirect.scatter.add.f32 [tilespmem:s24], [sflag:$0x5], $0x8, s23, s21, $0xb8;
	[tilespmem:$0x1C5C0] =	vst v63  }
0x13a: {  	s9 =	simm.s32 $0x410;
	s28 =	simm.s32 $0x820;
	s23 =	simm.s32 $0x2120  }
.LBB2_2:
0x13b: {  	[tilespmem:s28], [sflag:$0x1] =	stream.indirect.gather [hbm4b:s2+s21], $0x40, s0, s21, $0xb8;
	[tilespmem:$0x1C5C0] =	vst v63  }
0x13c: {  	s24 =	simm.s32 $0x68  }
0x13d: {  	[tilespmem:s23], [sflag:$0x1] =	stream.indirect.gather [hbm4b:s2+s21], $0x40, s24, s21, $0xb8;
	[tilespmem:$0x1C5C0] =	vst v63  }
0x13e: {  	s26 =	simm.s32 $0xD0;
	s14 =	simm.s32 $0x3A20;
	p1 =	por $0x1, $0x1  }
0x13f: {  	[tilespmem:s14], [sflag:$0x1] =	stream.indirect.gather [hbm4b:s2+s21], $0x40, s26, s21, $0xb8;
	[tilespmem:$0x1C5C0] =	vst v63  }
0x140: {  	s29 =	simm.s32 $0x138;
	s13 =	simm.s32 $0x5320;
	p1 =	por p1, p1  }
0x141: {  	[tilespmem:s13], [sflag:$0x1] =	stream.indirect.gather [hbm4b:s2+s21], $0x40, s29, s21, $0xb8;
	[tilespmem:$0x1C5C0] =	vst v63  }
0x142: {  	s31 =	simm.s32 $0x1A0;
	s18 =	simm.s32 $0x6C20;
	s0 =	simm.s32 @!p1 $0x4  }
0x143: {  	[tilespmem:s18], [sflag:$0x1] =	stream.indirect.gather [hbm4b:s2+s21], $0x40, s31, s21, $0xb8;
	[tilespmem:$0x1C5C0] =	vst v63  }
0x144: {  	_ =	swait.ge @!p1 [sflag:s0], $0x7D00  }
0x145: {  	s5 =	sadd.s32 $0x0, s11;
	[sflag:s0] =	ssyncset.done @!p1 $0x0  }
0x146: {  	s7 =	sadd.s32 $0x41, s5;
	s5 =	simm.s32 $0x208;
	[sflag:s0] =	ssyncadd.s32 @!p1 $0xFFFF8300  }
0x147: {  	[tilespmem:s5], [sflag:$0x6] =	stream.linear.gather [hbm4b:s7+s16], $0x208, $0x38;
	[tilespmem:$0x1C5C0] =	vst v63  }
0x148: {  	_ =	swait.ge [sflag:s17], $0x208  }
0x149: {  	s8 =	sadd.s32 $0x0, s12;
	[sflag:s17] =	ssyncset.done $0x0  }
0x14a: {  	s0 =	sadd.s32 $0x41, s8;
	[sflag:s17] =	ssyncadd.s32 $0xFFFFFDF8  }
0x14b: {  	[tilespmem:s1], [sflag:$0x6] =	stream.linear.gather [hbm4b:s0+s16], $0x208, $0x38;
	[tilespmem:$0x1C5C0] =	vst v63  }
0x14c: {  	_ =	swait.ge [sflag:s17], $0x208  }
0x14d: {  	[sflag:s17] =	ssyncset.done $0x0  }
0x14e: {  	s7 =	simm.s32 $0x8520;
	[sflag:s17] =	ssyncadd.s32 $0xFFFFFDF8  }
0x14f: {  	[tilespmem:s7], [sflag:$0x2] =	stream.indirect.gather [hbm4b:s2+s21], $0x40, s5, s21, $0xb8;
	[tilespmem:$0x1C5C0] =	vst v63  }
0x150: {  	s22 =	simm.s32 $0x270;
	s8 =	simm.s32 $0x9E20  }
0x151: {  	[tilespmem:s8], [sflag:$0x2] =	stream.indirect.gather [hbm4b:s2+s21], $0x40, s22, s21, $0xb8;
	[tilespmem:$0x1C5C0] =	vst v63  }
0x152: {  	s23 =	simm.s32 $0x2D8;
	s22 =	simm.s32 $0xB720  }
0x153: {  	[tilespmem:s22], [sflag:$0x2] =	stream.indirect.gather [hbm4b:s2+s21], $0x40, s23, s21, $0xb8;
	[tilespmem:$0x1C5C0] =	vst v63  }
0x154: {  	s24 =	simm.s32 $0x340;
	s5 =	simm.s32 $0xD020  }
0x155: {  	[tilespmem:s5], [sflag:$0x2] =	stream.indirect.gather [hbm4b:s2+s21], $0x40, s24, s21, $0xb8;
	[tilespmem:$0x1C5C0] =	vst v63  }
0x156: {  	s26 =	simm.s32 $0x3A8;
	s24 =	simm.s32 $0xE920  }
0x157: {  	[tilespmem:s24], [sflag:$0x2] =	stream.indirect.gather [hbm4b:s2+s21], $0x40, s26, s21, $0xb8;
	[tilespmem:$0x1C5C0] =	vst v63  }
0x158: {  	_ =	swait.ge [sflag:s15], $0x7D00  }
0x159: {  	[sflag:s15] =	ssyncset.done $0x0  }
0x15a: {  	[sflag:s15] =	ssyncadd.s32 $0xFFFF8300  }
0x15b: {  	[spmem:s3] =	stream.indirect.scatter.add.f32 [tilespmem:s28], [sflag:$0x3], $0x40, s9, s21, $0xb8;
	[tilespmem:$0x1C5C0] =	vst v63  }
0x15c: {  	s19 =	simm.s32 $0x2120;
	s28 =	simm.s32 $0x478  }
0x15d: {  	[spmem:s3] =	stream.indirect.scatter.add.f32 [tilespmem:s19], [sflag:$0x3], $0x40, s28, s21, $0xb8;
	[tilespmem:$0x1C5C0] =	vst v63  }
0x15e: {  	s29 =	simm.s32 $0x4E0  }
0x15f: {  	[spmem:s3] =	stream.indirect.scatter.add.f32 [tilespmem:s14], [sflag:$0x3], $0x40, s29, s21, $0xb8;
	[tilespmem:$0x1C5C0] =	vst v63  }
0x160: {  	s31 =	simm.s32 $0x548  }
0x161: {  	[spmem:s3] =	stream.indirect.scatter.add.f32 [tilespmem:s13], [sflag:$0x3], $0x40, s31, s21, $0xb8;
	[tilespmem:$0x1C5C0] =	vst v63  }
0x162: {  	s26 =	simm.s32 $0x5B0  }
0x163: {  	[spmem:s3] =	stream.indirect.scatter.add.f32 [tilespmem:s18], [sflag:$0x3], $0x40, s26, s21, $0xb8;
	[tilespmem:$0x1C5C0] =	vst v63  }
0x164: {  	s10 =	simm.s32 $0x1A220  }
0x165: {  	[spmem:s4] =	stream.indirect.scatter.add.f32 [tilespmem:s10], [sflag:$0x5], $0x8, s9, s21, $0xb8;
	[tilespmem:$0x1C5C0] =	vst v63  }
0x166: {  	s13 =	simm.s32 $0x1A540  }
0x167: {  	[spmem:s4] =	stream.indirect.scatter.add.f32 [tilespmem:s13], [sflag:$0x5], $0x8, s28, s21, $0xb8;
	[tilespmem:$0x1C5C0] =	vst v63  }
0x168: {  	s18 =	simm.s32 $0x1A860  }
0x169: {  	[spmem:s4] =	stream.indirect.scatter.add.f32 [tilespmem:s18], [sflag:$0x5], $0x8, s29, s21, $0xb8;
	[tilespmem:$0x1C5C0] =	vst v63  }
0x16a: {  	s19 =	simm.s32 $0x1AB80  }
0x16b: {  	[spmem:s4] =	stream.indirect.scatter.add.f32 [tilespmem:s19], [sflag:$0x5], $0x8, s31, s21, $0xb8;
	[tilespmem:$0x1C5C0] =	vst v63  }
0x16c: {  	p1 =	por $0x0, $0x0;
	s23 =	simm.s32 $0x1AEA0  }
0x16d: {  	[spmem:s4] =	stream.indirect.scatter.add.f32 [tilespmem:s23], [sflag:$0x5], $0x8, s26, s21, $0xb8;
	[tilespmem:$0x1C5C0] =	vst v63  }
0x16e: {  	s0 =	sadd.s32 @!p1 $0x0, s11;
	_ =	swait.ge [sflag:s25], $0x7D00  }
0x16f: {  	s0 =	sadd.s32 @!p1 $0x82, s0;
	[sflag:s25] =	ssyncset.done $0x0  }
0x170: {  	s23 =	simm.s32 @!p1 $0x6;
	s26 =	simm.s32 @!p1 $0x0;
	[sflag:s25] =	ssyncadd.s32 $0xFFFF8300  }
0x171: {  	[tilespmem:s26], [sflag:$0x6] =	stream.linear.gather @!p1 [hbm4b:s0+s26], $0x208, $0x38;
	[tilespmem:$0x1C5C0] =	vst v63  }
0x172: {  	_ =	swait.ge @!p1 [sflag:s23], $0x208  }
0x173: {  	s0 =	sadd.s32 @!p1 $0x0, s12;
	[sflag:s23] =	ssyncset.done @!p1 $0x0  }
0x174: {  	s28 =	simm.s32 @!p1 $0x410;
	s0 =	sadd.s32 @!p1 $0x82, s0;
	[sflag:s23] =	ssyncadd.s32 @!p1 $0xFFFFFDF8  }
0x175: {  	[tilespmem:s28], [sflag:$0x6] =	stream.linear.gather @!p1 [hbm4b:s0+s26], $0x208, $0x38;
	[tilespmem:$0x1C5C0] =	vst v63  }
0x176: {  	_ =	swait.ge @!p1 [sflag:s23], $0x208  }
0x177: {  	[sflag:s23] =	ssyncset.done @!p1 $0x0  }
0x178: {  	s0 =	simm.s32 @!p1 $0x64;
	[sflag:s23] =	ssyncadd.s32 @!p1 $0xFFFFFDF8;
	s23 =	simm.s32 @!p1 $0x820  }
0x179: {  	[tilespmem:s23], [sflag:$0x1] =	stream.indirect.gather @!p1 [hbm4b:s2+s0], $0x40, s26, s0, $0xb8;
	[tilespmem:$0x1C5C0] =	vst v63  }
0x17a: {  	s28 =	simm.s32 @!p1 $0x2120;
	s23 =	simm.s32 @!p1 $0x68  }
0x17b: {  	[tilespmem:s28], [sflag:$0x1] =	stream.indirect.gather @!p1 [hbm4b:s2+s0], $0x40, s23, s0, $0xb8;
	[tilespmem:$0x1C5C0] =	vst v63  }
0x17c: {  	s23 =	simm.s32 @!p1 $0xD0;
	s28 =	simm.s32 @!p1 $0x3A20  }
0x17d: {  	[tilespmem:s28], [sflag:$0x1] =	stream.indirect.gather @!p1 [hbm4b:s2+s0], $0x40, s23, s0, $0xb8;
	[tilespmem:$0x1C5C0] =	vst v63  }
0x17e: {  	s23 =	simm.s32 @!p1 $0x138;
	s28 =	simm.s32 @!p1 $0x5320  }
0x17f: {  	[tilespmem:s28], [sflag:$0x1] =	stream.indirect.gather @!p1 [hbm4b:s2+s0], $0x40, s23, s0, $0xb8;
	[tilespmem:$0x1C5C0] =	vst v63  }
0x180: {  	s23 =	simm.s32 @!p1 $0x1A0;
	s28 =	simm.s32 @!p1 $0x6C20  }
0x181: {  	[tilespmem:s28], [sflag:$0x1] =	stream.indirect.gather @!p1 [hbm4b:s2+s0], $0x40, s23, s0, $0xb8;
	[tilespmem:$0x1C5C0] =	vst v63  }
0x182: {  	_ =	swait.ge [sflag:s30], $0x7D00  }
0x183: {  	[sflag:s30] =	ssyncset.done $0x0  }
0x184: {  	[sflag:s30] =	ssyncadd.s32 $0xFFFF8300  }
0x185: {  	[spmem:s3] =	stream.indirect.scatter.add.f32 [tilespmem:s7], [sflag:$0x4], $0x40, s1, s21, $0xb8;
	[tilespmem:$0x1C5C0] =	vst v63  }
0x186: {  	s28 =	simm.s32 $0x680  }
0x187: {  	[spmem:s3] =	stream.indirect.scatter.add.f32 [tilespmem:s8], [sflag:$0x4], $0x40, s28, s21, $0xb8;
	[tilespmem:$0x1C5C0] =	vst v63  }
0x188: {  	s29 =	simm.s32 $0x6E8  }
0x189: {  	[spmem:s3] =	stream.indirect.scatter.add.f32 [tilespmem:s22], [sflag:$0x4], $0x40, s29, s21, $0xb8;
	[tilespmem:$0x1C5C0] =	vst v63  }
0x18a: {  	s31 =	simm.s32 $0x750  }
0x18b: {  	[spmem:s3] =	stream.indirect.scatter.add.f32 [tilespmem:s5], [sflag:$0x4], $0x40, s31, s21, $0xb8;
	[tilespmem:$0x1C5C0] =	vst v63  }
0x18c: {  	s7 =	simm.s32 $0x7B8  }
0x18d: {  	[spmem:s3] =	stream.indirect.scatter.add.f32 [tilespmem:s24], [sflag:$0x4], $0x40, s7, s21, $0xb8;
	[tilespmem:$0x1C5C0] =	vst v63  }
0x18e: {  	_ = 	snop  }
0x18f: {  	[spmem:s4] =	stream.indirect.scatter.add.f32 [tilespmem:s10], [sflag:$0x5], $0x8, s1, s21, $0xb8;
	[tilespmem:$0x1C5C0] =	vst v63  }
0x190: {  	_ = 	snop  }
0x191: {  	[spmem:s4] =	stream.indirect.scatter.add.f32 [tilespmem:s13], [sflag:$0x5], $0x8, s28, s21, $0xb8;
	[tilespmem:$0x1C5C0] =	vst v63  }
0x192: {  	p6 =	por $0x0, $0x0;
	s16 =	simm.s32 $0x0;
	s9 =	simm.s32 $0x410  }
0x193: {  	[spmem:s4] =	stream.indirect.scatter.add.f32 [tilespmem:s18], [sflag:$0x5], $0x8, s29, s21, $0xb8;
	[tilespmem:$0x1C5C0] =	vst v63  }
0x194: {  	s0 =	simm.s32 $0x82;
	s23 =	simm.s32 $0x104;
	p1 =	por p6, p6  }
0x195: {  	[spmem:s4] =	stream.indirect.scatter.add.f32 [tilespmem:s19], [sflag:$0x5], $0x8, s31, s21, $0xb8;
	[tilespmem:$0x1C5C0] =	vst v63  }
.LBB2_3:
0x196: {  	s31 =	simm.s32 $0x1AEA0;
	s28 =	smov.u32 s23  }
0x197: {  	[spmem:s4] =	stream.indirect.scatter.add.f32 [tilespmem:s31], [sflag:$0x5], $0x8, s7, s21, $0xb8;
	[tilespmem:$0x1C5C0] =	vst v63  }
0x198: {  	s23 =	sadd.s32 $0x82, s23;
	p3 =	seq.s32 s28, $0x0;
	s7 =	simm.s32 @!p1 $0x4  }
0x199: {  	p2 =	seq.s32 s23, $0xA28;
	_ =	swait.ge @!p1 [sflag:s7], $0x7D00  }
0x19a: {  	s10 =	sadd.s32 s0, s11;
	s5 =	simm.s32 $0x208;
	[sflag:s7] =	ssyncset.done @!p1 $0x0  }
0x19b: {  	[sflag:s7] =	ssyncadd.s32 @!p1 $0xFFFF8300;
	s7 =	sadd.s32 $0x41, s10;
	p1 =	por p3, p3  }
0x19c: {  	[tilespmem:s5], [sflag:$0x6] =	stream.linear.gather [hbm4b:s7+s16], $0x208, $0x38;
	[tilespmem:$0x1C5C0] =	vst v63  }
0x19d: {  	_ =	swait.ge [sflag:s17], $0x208  }
0x19e: {  	s7 =	sadd.s32 s0, s12;
	[sflag:s17] =	ssyncset.done $0x0  }
0x19f: {  	s7 =	sadd.s32 $0x41, s7;
	[sflag:s17] =	ssyncadd.s32 $0xFFFFFDF8  }
0x1a0: {  	[tilespmem:s1], [sflag:$0x6] =	stream.linear.gather [hbm4b:s7+s16], $0x208, $0x38;
	[tilespmem:$0x1C5C0] =	vst v63  }
0x1a1: {  	_ =	swait.ge [sflag:s17], $0x208  }
0x1a2: {  	[sflag:s17] =	ssyncset.done $0x0  }
0x1a3: {  	s26 =	simm.s32 $0x8520;
	[sflag:s17] =	ssyncadd.s32 $0xFFFFFDF8  }
0x1a4: {  	[tilespmem:s26], [sflag:$0x2] =	stream.indirect.gather [hbm4b:s2+s21], $0x40, s5, s21, $0xb8;
	[tilespmem:$0x1C5C0] =	vst v63  }
0x1a5: {  	s29 =	simm.s32 $0x9E20;
	s1 =	simm.s32 $0x270  }
0x1a6: {  	[tilespmem:s29], [sflag:$0x2] =	stream.indirect.gather [hbm4b:s2+s21], $0x40, s1, s21, $0xb8;
	[tilespmem:$0x1C5C0] =	vst v63  }
0x1a7: {  	s22 =	simm.s32 $0xB720;
	s1 =	simm.s32 $0x2D8  }
0x1a8: {  	[tilespmem:s22], [sflag:$0x2] =	stream.indirect.gather [hbm4b:s2+s21], $0x40, s1, s21, $0xb8;
	[tilespmem:$0x1C5C0] =	vst v63  }
0x1a9: {  	s5 =	simm.s32 $0xD020;
	s1 =	simm.s32 $0x340  }
0x1aa: {  	[tilespmem:s5], [sflag:$0x2] =	stream.indirect.gather [hbm4b:s2+s21], $0x40, s1, s21, $0xb8;
	[tilespmem:$0x1C5C0] =	vst v63  }
0x1ab: {  	s8 =	simm.s32 $0xE920;
	s1 =	simm.s32 $0x3A8  }
0x1ac: {  	[tilespmem:s8], [sflag:$0x2] =	stream.indirect.gather [hbm4b:s2+s21], $0x40, s1, s21, $0xb8;
	[tilespmem:$0x1C5C0] =	vst v63  }
0x1ad: {  	_ =	swait.ge [sflag:s15], $0x7D00  }
0x1ae: {  	[sflag:s15] =	ssyncset.done $0x0  }
0x1af: {  	s1 =	simm.s32 $0x820;
	[sflag:s15] =	ssyncadd.s32 $0xFFFF8300  }
0x1b0: {  	[spmem:s3] =	stream.indirect.scatter.add.f32 [tilespmem:s1], [sflag:$0x3], $0x40, s9, s21, $0xb8;
	[tilespmem:$0x1C5C0] =	vst v63  }
0x1b1: {  	s10 =	simm.s32 $0x478;
	s7 =	simm.s32 $0x2120  }
0x1b2: {  	[spmem:s3] =	stream.indirect.scatter.add.f32 [tilespmem:s7], [sflag:$0x3], $0x40, s10, s21, $0xb8;
	[tilespmem:$0x1C5C0] =	vst v63  }
0x1b3: {  	s19 =	simm.s32 $0x4E0  }
0x1b4: {  	[spmem:s3] =	stream.indirect.scatter.add.f32 [tilespmem:s14], [sflag:$0x3], $0x40, s19, s21, $0xb8;
	[tilespmem:$0x1C5C0] =	vst v63  }
0x1b5: {  	s7 =	simm.s32 $0x5320;
	s14 =	simm.s32 $0x548  }
0x1b6: {  	[spmem:s3] =	stream.indirect.scatter.add.f32 [tilespmem:s7], [sflag:$0x3], $0x40, s14, s21, $0xb8;
	[tilespmem:$0x1C5C0] =	vst v63  }
0x1b7: {  	s1 =	simm.s32 $0x5B0;
	s7 =	simm.s32 $0x6C20  }
0x1b8: {  	[spmem:s3] =	stream.indirect.scatter.add.f32 [tilespmem:s7], [sflag:$0x3], $0x40, s1, s21, $0xb8;
	[tilespmem:$0x1C5C0] =	vst v63  }
0x1b9: {  	s24 =	simm.s32 $0x1A220  }
0x1ba: {  	[spmem:s4] =	stream.indirect.scatter.add.f32 [tilespmem:s24], [sflag:$0x5], $0x8, s9, s21, $0xb8;
	[tilespmem:$0x1C5C0] =	vst v63  }
0x1bb: {  	s13 =	simm.s32 $0x1A540  }
0x1bc: {  	[spmem:s4] =	stream.indirect.scatter.add.f32 [tilespmem:s13], [sflag:$0x5], $0x8, s10, s21, $0xb8;
	[tilespmem:$0x1C5C0] =	vst v63  }
0x1bd: {  	s18 =	simm.s32 $0x1A860  }
0x1be: {  	[spmem:s4] =	stream.indirect.scatter.add.f32 [tilespmem:s18], [sflag:$0x5], $0x8, s19, s21, $0xb8;
	[tilespmem:$0x1C5C0] =	vst v63  }
0x1bf: {  	s19 =	simm.s32 $0x1AB80  }
0x1c0: {  	[spmem:s4] =	stream.indirect.scatter.add.f32 [tilespmem:s19], [sflag:$0x5], $0x8, s14, s21, $0xb8;
	[tilespmem:$0x1C5C0] =	vst v63  }
0x1c1: {  	_ = 	snop  }
0x1c2: {  	[spmem:s4] =	stream.indirect.scatter.add.f32 [tilespmem:s31], [sflag:$0x5], $0x8, s1, s21, $0xb8;
	[tilespmem:$0x1C5C0] =	vst v63  }
0x1c3: {  	s1 =	simm.s32 $0x618  }
0x1c4: {  	p3 =	seq.s32 s0, $0x9A6;
	_ =	swait.ge [sflag:s25], $0x7D00  }
0x1c5: {  	s7 =	sadd.s32 @!p3 s0, s11;
	s10 =	simm.s32 @!p3 $0x6;
	[sflag:s25] =	ssyncset.done $0x0  }
0x1c6: {  	s7 =	sadd.s32 @!p3 $0x82, s7;
	s14 =	simm.s32 @!p3 $0x0;
	[sflag:s25] =	ssyncadd.s32 $0xFFFF8300  }
0x1c7: {  	[tilespmem:s14], [sflag:$0x6] =	stream.linear.gather @!p3 [hbm4b:s7+s14], $0x208, $0x38;
	[tilespmem:$0x1C5C0] =	vst v63  }
0x1c8: {  	s7 =	sadd.s32 @!p3 s0, s12;
	s0 =	smov.u32 s28;
	_ =	swait.ge @!p3 [sflag:s10], $0x208  }
0x1c9: {  	s7 =	sadd.s32 @!p3 $0x82, s7;
	[sflag:s10] =	ssyncset.done @!p3 $0x0  }
0x1ca: {  	s28 =	simm.s32 @!p3 $0x410;
	[sflag:s10] =	ssyncadd.s32 @!p3 $0xFFFFFDF8  }
0x1cb: {  	[tilespmem:s28], [sflag:$0x6] =	stream.linear.gather @!p3 [hbm4b:s7+s14], $0x208, $0x38;
	[tilespmem:$0x1C5C0] =	vst v63  }
0x1cc: {  	s28 =	simm.s32 $0x680  }
0x1cd: {  	_ =	swait.ge @!p3 [sflag:s10], $0x208  }
0x1ce: {  	[sflag:s10] =	ssyncset.done @!p3 $0x0  }
0x1cf: {  	s7 =	simm.s32 @!p3 $0x64;
	[sflag:s10] =	ssyncadd.s32 @!p3 $0xFFFFFDF8;
	s10 =	simm.s32 @!p3 $0x820  }
0x1d0: {  	[tilespmem:s10], [sflag:$0x1] =	stream.indirect.gather @!p3 [hbm4b:s2+s7], $0x40, s14, s7, $0xb8;
	[tilespmem:$0x1C5C0] =	vst v63  }
0x1d1: {  	s10 =	simm.s32 @!p3 $0x68;
	s14 =	simm.s32 @!p3 $0x2120  }
0x1d2: {  	[tilespmem:s14], [sflag:$0x1] =	stream.indirect.gather @!p3 [hbm4b:s2+s7], $0x40, s10, s7, $0xb8;
	[tilespmem:$0x1C5C0] =	vst v63  }
0x1d3: {  	s10 =	simm.s32 @!p3 $0xD0;
	s14 =	simm.s32 @!p3 $0x3A20  }
0x1d4: {  	[tilespmem:s14], [sflag:$0x1] =	stream.indirect.gather @!p3 [hbm4b:s2+s7], $0x40, s10, s7, $0xb8;
	[tilespmem:$0x1C5C0] =	vst v63  }
0x1d5: {  	s10 =	simm.s32 @!p3 $0x138;
	s14 =	simm.s32 @!p3 $0x5320  }
0x1d6: {  	[tilespmem:s14], [sflag:$0x1] =	stream.indirect.gather @!p3 [hbm4b:s2+s7], $0x40, s10, s7, $0xb8;
	[tilespmem:$0x1C5C0] =	vst v63  }
0x1d7: {  	s10 =	simm.s32 @!p3 $0x1A0;
	s14 =	simm.s32 @!p3 $0x6C20  }
0x1d8: {  	[tilespmem:s14], [sflag:$0x1] =	stream.indirect.gather @!p3 [hbm4b:s2+s7], $0x40, s10, s7, $0xb8;
	[tilespmem:$0x1C5C0] =	vst v63  }
0x1d9: {  	s7 =	simm.s32 $0x7B8;
	s14 =	simm.s32 $0x3A20  }
0x1da: {  	_ =	swait.ge [sflag:s30], $0x7D00  }
0x1db: {  	[sflag:s30] =	ssyncset.done $0x0  }
0x1dc: {  	[sflag:s30] =	ssyncadd.s32 $0xFFFF8300  }
0x1dd: {  	[spmem:s3] =	stream.indirect.scatter.add.f32 [tilespmem:s26], [sflag:$0x4], $0x40, s1, s21, $0xb8;
	[tilespmem:$0x1C5C0] =	vst v63  }
0x1de: {  	_ = 	snop  }
0x1df: {  	[spmem:s3] =	stream.indirect.scatter.add.f32 [tilespmem:s29], [sflag:$0x4], $0x40, s28, s21, $0xb8;
	[tilespmem:$0x1C5C0] =	vst v63  }
0x1e0: {  	s10 =	simm.s32 $0x6E8  }
0x1e1: {  	[spmem:s3] =	stream.indirect.scatter.add.f32 [tilespmem:s22], [sflag:$0x4], $0x40, s10, s21, $0xb8;
	[tilespmem:$0x1C5C0] =	vst v63  }
0x1e2: {  	s22 =	simm.s32 $0x750  }
0x1e3: {  	[spmem:s3] =	stream.indirect.scatter.add.f32 [tilespmem:s5], [sflag:$0x4], $0x40, s22, s21, $0xb8;
	[tilespmem:$0x1C5C0] =	vst v63  }
0x1e4: {  	_ = 	snop  }
0x1e5: {  	[spmem:s3] =	stream.indirect.scatter.add.f32 [tilespmem:s8], [sflag:$0x4], $0x40, s7, s21, $0xb8;
	[tilespmem:$0x1C5C0] =	vst v63  }
0x1e6: {  	_ = 	snop  }
0x1e7: {  	[spmem:s4] =	stream.indirect.scatter.add.f32 [tilespmem:s24], [sflag:$0x5], $0x8, s1, s21, $0xb8;
	[tilespmem:$0x1C5C0] =	vst v63  }
0x1e8: {  	_ = 	snop  }
0x1e9: {  	[spmem:s4] =	stream.indirect.scatter.add.f32 [tilespmem:s13], [sflag:$0x5], $0x8, s28, s21, $0xb8;
	[tilespmem:$0x1C5C0] =	vst v63  }
.Ltmp3:
0x1ea: {  	_ = 	snop;
	(pc) =	sbr.rel @!p2 .LBB2_3-.Ltmp3, $4  }
0x1eb: {  	_ = 	snop  }
0x1ec: {  	[spmem:s4] =	stream.indirect.scatter.add.f32 [tilespmem:s18], [sflag:$0x5], $0x8, s10, s21, $0xb8;
	[tilespmem:$0x1C5C0] =	vst v63  }
0x1ed: {  	_ = 	snop  }
0x1ee: {  	[spmem:s4] =	stream.indirect.scatter.add.f32 [tilespmem:s19], [sflag:$0x5], $0x8, s22, s21, $0xb8;
	[tilespmem:$0x1C5C0] =	vst v63  }
0x1ef: {  	s19 =	simm.s32 $0x1AEA0  }
0x1f0: {  	[spmem:s4] =	stream.indirect.scatter.add.f32 [tilespmem:s19], [sflag:$0x5], $0x8, s7, s21, $0xb8;
	[tilespmem:$0x1C5C0] =	vst v63  }
0x1f1: {  	s7 =	simm.s32 @!p1 $0x4  }
0x1f2: {  	_ =	swait.ge @!p1 [sflag:s7], $0x7D00  }
0x1f3: {  	s10 =	sadd.s32 s0, s11;
	[sflag:s7] =	ssyncset.done @!p1 $0x0  }
0x1f4: {  	s5 =	simm.s32 $0x208;
	s10 =	sadd.s32 $0x41, s10;
	[sflag:s7] =	ssyncadd.s32 @!p1 $0xFFFF8300  }
0x1f5: {  	[tilespmem:s5], [sflag:$0x6] =	stream.linear.gather [hbm4b:s10+s16], $0x208, $0x38;
	[tilespmem:$0x1C5C0] =	vst v63  }
0x1f6: {  	_ =	swait.ge [sflag:s17], $0x208  }
0x1f7: {  	s13 =	sadd.s32 s0, s12;
	[sflag:s17] =	ssyncset.done $0x0  }
0x1f8: {  	s7 =	sadd.s32 $0x41, s13;
	[sflag:s17] =	ssyncadd.s32 $0xFFFFFDF8  }
0x1f9: {  	[tilespmem:s1], [sflag:$0x6] =	stream.linear.gather [hbm4b:s7+s16], $0x208, $0x38;
	[tilespmem:$0x1C5C0] =	vst v63  }
0x1fa: {  	_ =	swait.ge [sflag:s17], $0x208  }
0x1fb: {  	[sflag:s17] =	ssyncset.done $0x0  }
0x1fc: {  	s24 =	simm.s32 $0x8520;
	[sflag:s17] =	ssyncadd.s32 $0xFFFFFDF8  }
0x1fd: {  	[tilespmem:s24], [sflag:$0x2] =	stream.indirect.gather [hbm4b:s2+s21], $0x40, s5, s21, $0xb8;
	[tilespmem:$0x1C5C0] =	vst v63  }
0x1fe: {  	s22 =	simm.s32 $0x9E20;
	s16 =	simm.s32 $0x270  }
0x1ff: {  	[tilespmem:s22], [sflag:$0x2] =	stream.indirect.gather [hbm4b:s2+s21], $0x40, s16, s21, $0xb8;
	[tilespmem:$0x1C5C0] =	vst v63  }
0x200: {  	s26 =	simm.s32 $0xB720;
	s18 =	simm.s32 $0x2D8  }
0x201: {  	[tilespmem:s26], [sflag:$0x2] =	stream.indirect.gather [hbm4b:s2+s21], $0x40, s18, s21, $0xb8;
	[tilespmem:$0x1C5C0] =	vst v63  }
0x202: {  	s29 =	simm.s32 $0x340;
	s5 =	simm.s32 $0xD020  }
0x203: {  	[tilespmem:s5], [sflag:$0x2] =	stream.indirect.gather [hbm4b:s2+s21], $0x40, s29, s21, $0xb8;
	[tilespmem:$0x1C5C0] =	vst v63  }
0x204: {  	s8 =	simm.s32 $0xE920;
	s31 =	simm.s32 $0x3A8  }
0x205: {  	[tilespmem:s8], [sflag:$0x2] =	stream.indirect.gather [hbm4b:s2+s21], $0x40, s31, s21, $0xb8;
	[tilespmem:$0x1C5C0] =	vst v63  }
0x206: {  	_ =	swait.ge [sflag:s15], $0x7D00  }
0x207: {  	[sflag:s15] =	ssyncset.done $0x0  }
0x208: {  	s7 =	simm.s32 $0x820;
	[sflag:s15] =	ssyncadd.s32 $0xFFFF8300  }
0x209: {  	[spmem:s3] =	stream.indirect.scatter.add.f32 [tilespmem:s7], [sflag:$0x3], $0x40, s9, s21, $0xb8;
	[tilespmem:$0x1C5C0] =	vst v63  }
0x20a: {  	s13 =	simm.s32 $0x478;
	s10 =	simm.s32 $0x2120  }
0x20b: {  	[spmem:s3] =	stream.indirect.scatter.add.f32 [tilespmem:s10], [sflag:$0x3], $0x40, s13, s21, $0xb8;
	[tilespmem:$0x1C5C0] =	vst v63  }
0x20c: {  	s18 =	simm.s32 $0x4E0  }
0x20d: {  	[spmem:s3] =	stream.indirect.scatter.add.f32 [tilespmem:s14], [sflag:$0x3], $0x40, s18, s21, $0xb8;
	[tilespmem:$0x1C5C0] =	vst v63  }
0x20e: {  	s1 =	simm.s32 $0x548;
	s31 =	simm.s32 $0x5320  }
0x20f: {  	[spmem:s3] =	stream.indirect.scatter.add.f32 [tilespmem:s31], [sflag:$0x3], $0x40, s1, s21, $0xb8;
	[tilespmem:$0x1C5C0] =	vst v63  }
0x210: {  	s29 =	simm.s32 $0x6C20;
	s31 =	simm.s32 $0x5B0  }
0x211: {  	[spmem:s3] =	stream.indirect.scatter.add.f32 [tilespmem:s29], [sflag:$0x3], $0x40, s31, s21, $0xb8;
	[tilespmem:$0x1C5C0] =	vst v63  }
0x212: {  	s16 =	simm.s32 $0x1A220  }
0x213: {  	[spmem:s4] =	stream.indirect.scatter.add.f32 [tilespmem:s16], [sflag:$0x5], $0x8, s9, s21, $0xb8;
	[tilespmem:$0x1C5C0] =	vst v63  }
0x214: {  	s9 =	simm.s32 $0x1A540  }
0x215: {  	[spmem:s4] =	stream.indirect.scatter.add.f32 [tilespmem:s9], [sflag:$0x5], $0x8, s13, s21, $0xb8;
	[tilespmem:$0x1C5C0] =	vst v63  }
0x216: {  	s13 =	simm.s32 $0x1A860  }
0x217: {  	[spmem:s4] =	stream.indirect.scatter.add.f32 [tilespmem:s13], [sflag:$0x5], $0x8, s18, s21, $0xb8;
	[tilespmem:$0x1C5C0] =	vst v63  }
0x218: {  	s18 =	simm.s32 $0x1AB80  }
0x219: {  	[spmem:s4] =	stream.indirect.scatter.add.f32 [tilespmem:s18], [sflag:$0x5], $0x8, s1, s21, $0xb8;
	[tilespmem:$0x1C5C0] =	vst v63  }
0x21a: {  	p1 =	seq.s32 s0, $0x9A6  }
0x21b: {  	[spmem:s4] =	stream.indirect.scatter.add.f32 [tilespmem:s19], [sflag:$0x5], $0x8, s31, s21, $0xb8;
	[tilespmem:$0x1C5C0] =	vst v63  }
0x21c: {  	s7 =	sadd.s32 @!p1 s0, s11;
	_ =	swait.ge [sflag:s25], $0x7D00  }
0x21d: {  	s7 =	sadd.s32 @!p1 $0x82, s7;
	[sflag:s25] =	ssyncset.done $0x0  }
0x21e: {  	s10 =	simm.s32 @!p1 $0x6;
	s14 =	simm.s32 @!p1 $0x0;
	[sflag:s25] =	ssyncadd.s32 $0xFFFF8300  }
0x21f: {  	[tilespmem:s14], [sflag:$0x6] =	stream.linear.gather @!p1 [hbm4b:s7+s14], $0x208, $0x38;
	[tilespmem:$0x1C5C0] =	vst v63  }
0x220: {  	_ =	swait.ge @!p1 [sflag:s10], $0x208  }
0x221: {  	s0 =	sadd.s32 @!p1 s0, s12;
	[sflag:s10] =	ssyncset.done @!p1 $0x0  }
0x222: {  	s0 =	sadd.s32 @!p1 $0x82, s0;
	s7 =	simm.s32 @!p1 $0x410;
	[sflag:s10] =	ssyncadd.s32 @!p1 $0xFFFFFDF8  }
0x223: {  	[tilespmem:s7], [sflag:$0x6] =	stream.linear.gather @!p1 [hbm4b:s0+s14], $0x208, $0x38;
	[tilespmem:$0x1C5C0] =	vst v63  }
0x224: {  	_ =	swait.ge @!p1 [sflag:s10], $0x208  }
0x225: {  	[sflag:s10] =	ssyncset.done @!p1 $0x0  }
0x226: {  	s0 =	simm.s32 @!p1 $0x64;
	s7 =	simm.s32 @!p1 $0x820;
	[sflag:s10] =	ssyncadd.s32 @!p1 $0xFFFFFDF8  }
0x227: {  	[tilespmem:s7], [sflag:$0x1] =	stream.indirect.gather @!p1 [hbm4b:s2+s0], $0x40, s14, s0, $0xb8;
	[tilespmem:$0x1C5C0] =	vst v63  }
0x228: {  	s10 =	simm.s32 @!p1 $0x2120;
	s7 =	simm.s32 @!p1 $0x68  }
0x229: {  	[tilespmem:s10], [sflag:$0x1] =	stream.indirect.gather @!p1 [hbm4b:s2+s0], $0x40, s7, s0, $0xb8;
	[tilespmem:$0x1C5C0] =	vst v63  }
0x22a: {  	s7 =	simm.s32 @!p1 $0xD0;
	s10 =	simm.s32 @!p1 $0x3A20  }
0x22b: {  	[tilespmem:s10], [sflag:$0x1] =	stream.indirect.gather @!p1 [hbm4b:s2+s0], $0x40, s7, s0, $0xb8;
	[tilespmem:$0x1C5C0] =	vst v63  }
0x22c: {  	s7 =	simm.s32 @!p1 $0x138;
	s10 =	simm.s32 @!p1 $0x5320  }
0x22d: {  	[tilespmem:s10], [sflag:$0x1] =	stream.indirect.gather @!p1 [hbm4b:s2+s0], $0x40, s7, s0, $0xb8;
	[tilespmem:$0x1C5C0] =	vst v63  }
0x22e: {  	s7 =	simm.s32 @!p1 $0x1A0;
	s10 =	simm.s32 @!p1 $0x6C20  }
0x22f: {  	[tilespmem:s10], [sflag:$0x1] =	stream.indirect.gather @!p1 [hbm4b:s2+s0], $0x40, s7, s0, $0xb8;
	[tilespmem:$0x1C5C0] =	vst v63  }
0x230: {  	_ =	swait.ge [sflag:s30], $0x7D00  }
0x231: {  	[sflag:s30] =	ssyncset.done $0x0  }
0x232: {  	s1 =	simm.s32 $0x618;
	[sflag:s30] =	ssyncadd.s32 $0xFFFF8300  }
0x233: {  	[spmem:s3] =	stream.indirect.scatter.add.f32 [tilespmem:s24], [sflag:$0x4], $0x40, s1, s21, $0xb8;
	[tilespmem:$0x1C5C0] =	vst v63  }
0x234: {  	_ = 	snop  }
0x235: {  	[spmem:s3] =	stream.indirect.scatter.add.f32 [tilespmem:s22], [sflag:$0x4], $0x40, s28, s21, $0xb8;
	[tilespmem:$0x1C5C0] =	vst v63  }
0x236: {  	s29 =	simm.s32 $0x6E8  }
0x237: {  	[spmem:s3] =	stream.indirect.scatter.add.f32 [tilespmem:s26], [sflag:$0x4], $0x40, s29, s21, $0xb8;
	[tilespmem:$0x1C5C0] =	vst v63  }
0x238: {  	s31 =	simm.s32 $0x750  }
0x239: {  	[spmem:s3] =	stream.indirect.scatter.add.f32 [tilespmem:s5], [sflag:$0x4], $0x40, s31, s21, $0xb8;
	[tilespmem:$0x1C5C0] =	vst v63  }
0x23a: {  	s23 =	simm.s32 $0x7B8  }
0x23b: {  	[spmem:s3] =	stream.indirect.scatter.add.f32 [tilespmem:s8], [sflag:$0x4], $0x40, s23, s21, $0xb8;
	[tilespmem:$0x1C5C0] =	vst v63  }
0x23c: {  	_ = 	snop  }
0x23d: {  	[spmem:s4] =	stream.indirect.scatter.add.f32 [tilespmem:s16], [sflag:$0x5], $0x8, s1, s21, $0xb8;
	[tilespmem:$0x1C5C0] =	vst v63  }
0x23e: {  	_ = 	snop  }
0x23f: {  	[spmem:s4] =	stream.indirect.scatter.add.f32 [tilespmem:s9], [sflag:$0x5], $0x8, s28, s21, $0xb8;
	[tilespmem:$0x1C5C0] =	vst v63  }
0x240: {  	_ = 	snop  }
0x241: {  	[spmem:s4] =	stream.indirect.scatter.add.f32 [tilespmem:s13], [sflag:$0x5], $0x8, s29, s21, $0xb8;
	[tilespmem:$0x1C5C0] =	vst v63  }
0x242: {  	_ = 	snop  }
0x243: {  	[spmem:s4] =	stream.indirect.scatter.add.f32 [tilespmem:s18], [sflag:$0x5], $0x8, s31, s21, $0xb8;
	[tilespmem:$0x1C5C0] =	vst v63  }
0x244: {  	s16 =	simm.s32 $0x0;
	s9 =	simm.s32 $0x410  }
0x245: {  	[spmem:s4] =	stream.indirect.scatter.add.f32 [tilespmem:s19], [sflag:$0x5], $0x8, s23, s21, $0xb8;
	[tilespmem:$0x1C5C0] =	vst v63  }
0x246: {  	s28 =	simm.s32 $0x820;
	s18 =	simm.s32 $0x1A220;
	s23 =	simm.s32 $0x2120  }
.LBB2_8:
0x247: {  	s0 =	simm.s32 $0x4  }
0x248: {  	_ =	swait.ge [sflag:s0], $0x7D00  }
0x249: {  	[sflag:s0] =	ssyncset.done $0x0  }
0x24a: {  	[sflag:s0] =	ssyncadd.s32 $0xFFFF8300  }
0x24b: {  	_ =	swait.ge [sflag:s20], $0xFA0  }
0x24c: {  	s10 =	rddreg [dreg:$0x7]  }
0x24d: {  	s14 =	rddreg [dreg:$0xc]  }
0x24e: {  	s7 =	rddreg [dreg:$0xd]  }
0x24f: {  	s0 =	simm.s32 $0x27;
	[sflag:s20] =	ssyncset.done $0x0;
	s5 =	rddreg [dreg:$0xe]  }
.LBB2_9:
0x250: {  	p1 =	sne.s32 s0, $0x1;
	s0 =	sadd.s32 $0xFFFFFFFF, s0;
	[sflag:s20] =	ssyncadd.s32 $0xFFFFF060  }
.Ltmp4:
0x251: {  	(pc) =	sbr.rel @p1 .LBB2_9-.Ltmp4, $3  }
0x252: {  	_ =	sdelay $0x1  }
0x253: {  	_ =	swait.ge [sflag:s20], $0xFA0  }
0x254: {  	[sflag:s20] =	ssyncset.done $0x0  }
0x255: {  	[sflag:s20] =	ssyncadd.s32 $0xFFFFF060  }
0x256: {  	[bflag:$0x0] =	sbarrier.arrive $0xFFFF  }
0x257: {  	s0 =	rddreg [dreg:$0x9]  }
0x258: {  	[hbm:s0], [sflag:s10] =	dma.local [spmem:s14], $0x1400  }
0x259: {  	_ =	swait.ge [sflag:s17], $0x1400  }
0x25a: {  	[sflag:s17] =	ssyncset.done $0x0  }
0x25b: {  	s29 =	rddreg [dreg:$0xa];
	[sflag:s17] =	ssyncadd.s32 $0xFFFFEC00  }
0x25c: {  	[hbm:s29], [sflag:s10] =	dma.local [spmem:s7], $0x280  }
0x25d: {  	_ =	swait.ge [sflag:s17], $0x280  }
0x25e: {  	s5 =	sadd.s32 $0x1, s5;
	s31 =	rddreg [dreg:$0xb]  }
0x25f: {  	p1 =	sne.s32 s5, s31  }
.Ltmp5:
0x260: {  	_ = 	snop;
	(pc) =	sbr.rel @p1 .LBB2_1-.Ltmp5, $3  }
0x261: {  	_ =	sdelay $0x1  }
0x262: {  	[sflag:s17] =	ssyncset.done $0x0  }
0x263: {  	[sflag:s17] =	ssyncadd.s32 $0xFFFFFD80  }
0x264: {  	_ =	sfence.sel $0x180000  }
0x265: {  	[bflag:$0x0] =	sbarrier.arrive $0xFFFF  }
0x266: {  	_ =	strace $0x90000047  }
0x267: {  	s0 =	stileid.u32;
	[bflag:$0x2] =	sbarrier.arrive $0xFFFF  }
0x268: {  	p0 =	sne.s32 s0, $0x0;
	s0 =	rddreg [dreg:$0x4]  }
0x269: {  	s0 =	sadd.s32 @!p0 $0x100000, s0  }
0x26a: {  	[sflag:s0] =	ssyncadd.tile.s32 @!p0 $0x1;
	_ =	shalt  }
.Lfunc_end2:
_tile_overlayer_lowered:
.L_overlay_start_2:
0x26b: {  	(tag) =	ssettag $0x2  }
0x26c: {  	s0 =	rddreg [dreg:$0x0];
	s2 =	stileid.u32  }
0x26d: {  	s1 =	rddreg [dreg:$0x1];
	p0 =	sne.s32 s2, $0x0  }
0x26e: {  	s3 =	rddreg [dreg:$0x2];
	[bflag:$0x3] =	sbarrier.arrive $0xFFFF;
	s2 =	simm.s32 @!p0 $0x1C06  }
0x26f: {  	[timem:s3], [sflag:s2] =	dma.local @!p0 [hbm:s0], s1  }
0x270: {  	s0 =	simm.s32 @!p0 $0x6  }
0x271: {  	_ =	swait.ge @!p0 [sflag:s0], s1  }
0x272: {  	s1 =	ssub.s32 @!p0 $0x0, s1;
	[sflag:s0] =	ssyncset.done @!p0 $0x0  }
0x273: {  	[sflag:s0] =	ssyncadd.s32 @!p0 s1  }
0x274: {  	[bflag:$0x3] =	sbarrier.arrive $0xFFFF  }
0x275: {  	_ =	shalt  }

// kernel: kernel.9.cloned.1.call-start
scs
__scs_entry_jumppad:
0x0: {  	(pc) =	sbr.rel $0x88, $3  }
0x1: {  	(tag) =	ssettag $0x0;
	lr =	simm.s32 $0x1  }
0x2: {  	[smem:$0x3F99] =	sst lr;
	_ =	strace $0xD0000000  }
0x3: {  	_ = 	snop  }
0x4: {  	_ = 	snop  }
0x5: {  	_ = 	snop  }
0x6: {  	_ = 	snop  }
0x7: {  	_ = 	snop  }
__scs_overlays_trampoline_lowered:
0x8: {  	[smem:$0x3FA8] =	sst s0  }
0x9: {  	[smem:$0x3FA9] =	sst s1  }
0xa: {  	[smem:$0x3FAA] =	sst s2  }
0xb: {  	[smem:$0x3FAB] =	sst s3  }
0xc: {  	[smem:$0x3FAC] =	sst s4  }
0xd: {  	[smem:$0x3FAD] =	sst s5  }
0xe: {  	[smem:$0x3FAE] =	sst s6  }
0xf: {  	[smem:$0x3FAF] =	sst s7  }
0x10: {  	[smem:$0x3FB0] =	sst s8  }
0x11: {  	[smem:$0x3FB1] =	sst s9;
	s0 =	simm.s32 @!p0 $0x0  }
0x12: {  	s1 =	sld [smem:$0x3F97];
	s0 =	simm.s32 @p0 $0x1  }
0x13: {  	[smem:$0x3FB2] =	sst s0;
	s0 =	simm.s32 @!p1 $0x0  }
0x14: {  	s2 =	sld [smem:$0x3F96];
	s0 =	simm.s32 @p1 $0x1  }
0x15: {  	[smem:$0x3FB3] =	sst s0;
	s0 =	simm.s32 @!p2 $0x0  }
0x16: {  	s3 =	sld [smem:$0x3FDB];
	s0 =	simm.s32 @p2 $0x1  }
0x17: {  	s4 =	simm.s32 $0x1BF5;
	[smem:$0x3FB5] =	sst s0  }
0x18: {  	s0 =	sld [smem:$0x3F98];
	_ =	swait.ge [sflag:s4], $0x0  }
0x19: {  	s7 =	sld [smem:$0x3F99]  }
0x1a: {  	s8 =	sadd.s32 $0xFFFFE003, lr  }
0x1b: {  	s9 =	sadd.s32 $0xFFFFFEF7, lr;
	s5 =	simm.s32 $0xFFFFFFFF;
	p2 =	slt.u32 s8, $0xFFFFF086  }
0x1c: {  	p1 =	slt.u32 s9, $0xF7A;
	s5 =	simm.s32 @!p2 $0x0  }
0x1d: {  	s5 =	simm.s32 @p1 $0x1;
	p0 =	seq.s32 s7, s2  }
0x1e: {  	s7 =	smul.u32 @!p0 $0xF7A, s2;
	p2 =	seq.s32 @!p0 s5, $0x0  }
0x1f: {  	s9 =	smul.u32 $0xF7A, s1;
	s8 =	simm.s32 @!p0 $0x1BF5;
	p2 =	por !p2, p0  }
0x20: {  	[sflag:s8] =	ssyncset.s32 @!p0 $0xFFFFF086;
	s6 =	sadd.s32 @!p0 s3, s7;
	s7 =	simm.s32 @!p0 $0x108  }
0x21: {  	s3 =	sadd.s32 s3, s9;
	s6 =	sadd.s32 @!p0 $0x88, s6;
	s7 =	simm.s32 @p2 $0x1082  }
0x22: {  	[simem:s7], [sflag:s8] =	dma.local @!p0 [hbm:s6], $0xF7A  }
0x23: {  	s9 =	sor.u32 $0xD0000000, s2;
	s6 =	simm.s32 $0x108;
	_ =	swait.ge @!p0 [sflag:s8], $0x0  }
0x24: {  	s3 =	sadd.s32 $0x88, s3;
	s6 =	simm.s32 @!p1 $0x1082;
	[sflag:s4] =	ssyncset.s32 $0xFFFFF086  }
0x25: {  	[simem:s6], [sflag:s4] =	dma.local [hbm:s3], $0xF7A  }
0x26: {  	[smem:$0x3F99] =	sst s1;
	(tag) =	ssettag s2;
	_ =	strace s9  }
0x27: {  	s1 =	sld [smem:$0x3FA9]  }
0x28: {  	s2 =	sld [smem:$0x3FAA]  }
0x29: {  	s4 =	sld [smem:$0x3FAC]  }
0x2a: {  	p0 =	seq.s32 s5, $0x0;
	s5 =	sld [smem:$0x3FAD]  }
0x2b: {  	s6 =	sld [smem:$0x3FAE]  }
0x2c: {  	s7 =	sld [smem:$0x3FAF]  }
0x2d: {  	s3 =	simm.s32 $0x108;
	s8 =	sld [smem:$0x3FB0]  }
0x2e: {  	s3 =	simm.s32 @!p0 $0x1082;
	s9 =	sld [smem:$0x3FB1]  }
0x2f: {  	lr =	sadd.s32 s0, s3;
	s0 =	sld [smem:$0x3FA8]  }
0x30: {  	s3 =	sld [smem:$0x3FAB]  }
0x31: {  	[smem:$0x3FB4] =	sst s10  }
0x32: {  	s10 =	sld [smem:$0x3FB2];
	_ =	sdelay $0x3  }
0x33: {  	p0 =	seq.s32 s10, $0x1;
	s10 =	sld [smem:$0x3FB4];
	_ =	sdelay $0x3  }
0x34: {  	[smem:$0x3FB4] =	sst s10  }
0x35: {  	s10 =	sld [smem:$0x3FB3];
	_ =	sdelay $0x3  }
0x36: {  	p1 =	seq.s32 s10, $0x1;
	s10 =	sld [smem:$0x3FB4];
	_ =	sdelay $0x3  }
0x37: {  	[smem:$0x3FB4] =	sst s10  }
0x38: {  	s10 =	sld [smem:$0x3FB5]  }
0x39: {  	_ = 	snop;
	(pc) =	sbr.ind lr, $3  }
0x3a: {  	_ = 	snop  }
0x3b: {  	_ = 	snop  }
0x3c: {  	p2 =	seq.s32 s10, $0x1;
	s10 =	sld [smem:$0x3FB4]  }
0x3d: {  	_ =	shalt  }
0x3e: {  	_ =	shalt  }
0x3f: {  	_ =	shalt  }
0x40: {  	_ =	shalt  }
0x41: {  	_ =	shalt  }
0x42: {  	_ =	shalt  }
0x43: {  	_ =	shalt  }
0x44: {  	_ =	shalt  }
0x45: {  	_ =	shalt  }
0x46: {  	_ =	shalt  }
0x47: {  	_ =	shalt  }
0x48: {  	_ =	shalt  }
0x49: {  	_ =	shalt  }
0x4a: {  	_ =	shalt  }
0x4b: {  	_ =	shalt  }
0x4c: {  	_ =	shalt  }
0x4d: {  	_ =	shalt  }
0x4e: {  	_ =	shalt  }
0x4f: {  	_ =	shalt  }
0x50: {  	_ =	shalt  }
0x51: {  	_ =	shalt  }
0x52: {  	_ =	shalt  }
0x53: {  	_ =	shalt  }
0x54: {  	_ =	shalt  }
0x55: {  	_ =	shalt  }
0x56: {  	_ =	shalt  }
0x57: {  	_ =	shalt  }
0x58: {  	_ =	shalt  }
0x59: {  	_ =	shalt  }
0x5a: {  	_ =	shalt  }
0x5b: {  	_ =	shalt  }
0x5c: {  	_ =	shalt  }
0x5d: {  	_ =	shalt  }
0x5e: {  	_ =	shalt  }
0x5f: {  	_ =	shalt  }
0x60: {  	_ =	shalt  }
0x61: {  	_ =	shalt  }
0x62: {  	_ =	shalt  }
0x63: {  	_ =	shalt  }
0x64: {  	_ =	shalt  }
0x65: {  	_ =	shalt  }
0x66: {  	_ =	shalt  }
0x67: {  	_ =	shalt  }
0x68: {  	_ =	shalt  }
0x69: {  	_ =	shalt  }
0x6a: {  	_ =	shalt  }
0x6b: {  	_ =	shalt  }
0x6c: {  	_ =	shalt  }
0x6d: {  	_ =	shalt  }
0x6e: {  	_ =	shalt  }
0x6f: {  	_ =	shalt  }
0x70: {  	_ =	shalt  }
0x71: {  	_ =	shalt  }
0x72: {  	_ =	shalt  }
0x73: {  	_ =	shalt  }
0x74: {  	_ =	shalt  }
0x75: {  	_ =	shalt  }
0x76: {  	_ =	shalt  }
0x77: {  	_ =	shalt  }
0x78: {  	_ =	shalt  }
0x79: {  	_ =	shalt  }
0x7a: {  	_ =	shalt  }
0x7b: {  	_ =	shalt  }
0x7c: {  	_ =	shalt  }
0x7d: {  	_ =	shalt  }
0x7e: {  	_ =	shalt  }
0x7f: {  	_ =	shalt  }
0x80: {  	_ =	shalt  }
0x81: {  	_ =	shalt  }
0x82: {  	_ =	shalt  }
0x83: {  	_ =	shalt  }
0x84: {  	_ =	shalt  }
0x85: {  	_ =	shalt  }
0x86: {  	_ =	shalt  }
0x87: {  	_ =	shalt  }
.Lfunc_end0:
.L_simem_size_0:
called_computation.1_lowered:
.L_overlay_start_0:
0x88: {  	s2 =	sld [smem:$0x3FD9]  }
0x89: {  	s3 =	sld [smem:$0x3FFE];
	_ =	sdelay $0x1  }
0x8a: {  	s1 =	srdreg.scid  }
0x8b: {  	s0 =	sand.u32 $0x1, s1  }
0x8c: {  	s17 =	sshll.u32 s0, $0xA;
	s2 =	sadd.s32 s3, s2  }
0x8d: {  	s2 =	sadd.s32 s2, s17  }
0x8e: {  	[smem:$0x3FC0] =	sst s2  }
0x8f: {  	_ = 	snop  }
0x90: {  	s2 =	sld [smem:$0x3FD0];
	(tm) =	ssettm $0x1  }
0x91: {  	s18 =	sld [smem:$0x3FFB];
	_ =	sdelay $0x3  }
0x92: {  	_ =	strace s18  }
0x93: {  	s3 =	sld [smem:$0x3FFC];
	_ =	sdelay $0x3  }
0x94: {  	_ =	strace s3  }
0x95: {  	s3 =	sld [smem:$0x3FFD];
	_ =	sdelay $0x3  }
0x96: {  	_ =	strace s3  }
0x97: {  	_ =	strace $0x8FFFFFFF  }
0x98: {  	s19 =	sld [smem:$0x3FDB];
	_ =	sdelay $0x1  }
0x99: {  	s4 =	simm.s32 $_scs_section_size  }
0x9a: {  	s5 =	simm.s32 $_size__tile_overlayer_lowered;
	s6 =	simm.s32 $_tile_overlayer_lowered  }
0x9b: {  	s22 =	simm.s32 $0x1BFF;
	s21 =	sshll.u32 s6, $0x1;
	s3 =	sadd.s32 s4, s19  }
0x9c: {  	s7 =	simm.s32 $0x0;
	s20 =	sshll.u32 s5, $0x1;
	s5 =	sadd.s32 s21, s3  }
0x9d: {  	[timem:s7], [sflag:s22] =	dma.local [hbm:s5], s20  }
0x9e: {  	_ =	swait.ge [sflag:s22], s20  }
0x9f: {  	s4 =	ssub.s32 $0x0, s20;
	[sflag:s22] =	ssyncset.done $0x0  }
0xa0: {  	[sflag:s22] =	ssyncadd.s32 s4;
	_ =	sdelay $0x1  }
0xa1: {  	s23 =	simm.s32 $0x1B8B  }
0xa2: {  	_ =	swait.ge [sflag:s23], $0x1  }
0xa3: {  	[sflag:s23] =	ssyncset.done $0x0  }
0xa4: {  	s25 =	simm.s32 $0x1B8E;
	s24 =	sld [smem:$0x3FFE];
	[sflag:s23] =	ssyncadd.s32 $0xFFFFFFFF  }
0xa5: {  	s26 =	simm.s32 $execute0_lowered;
	[smem:$0x3FD2] =	sst s25  }
0xa6: {  	s5 =	sshll.u32 s26, $0x1;
	_ =	strace $0x80000049;
	[dreg:$0x1] =	wrdreg $0xFFFFFFFF  }
0xa7: {  	s28 =	simm.s32 $_size_execute0_lowered;
	s3 =	sadd.s32 s3, s5;
	[dreg:$0x0] =	wrdreg $0x0  }
0xa8: {  	s5 =	sshll.u32 s28, $0x1;
	[dreg:$0x2] =	wrdreg s3  }
0xa9: {  	[dreg:$0x3] =	wrdreg s5  }
0xaa: {  	[dreg:$0x4] =	wrdreg $0xC0  }
0xab: {  	_ =	task [dreg:s7], $0x5FFFF  }
0xac: {  	[dreg:$0x1] =	wrdreg $0xFFFFFFFF  }
0xad: {  	[dreg:$0x0] =	wrdreg $0x60  }
0xae: {  	[dreg:$0x2] =	wrdreg s2  }
0xaf: {  	[dreg:$0x3] =	wrdreg s24  }
0xb0: {  	[dreg:$0x4] =	wrdreg $0x102200  }
0xb1: {  	[dreg:$0x5] =	wrdreg $0x9  }
0xb2: {  	_ =	task.clear_ibuf [dreg:s7], $0x6FFFF;
	_ =	strace $0x90000049  }
0xb3: {  	s29 =	simm.s32 $0x9;
	_ =	strace $0x8000004B  }
0xb4: {  	_ =	swait.ge [sflag:s29], $0x1  }
0xb5: {  	[sflag:s29] =	ssyncadd.s32 $0xFFFFFFFF  }
0xb6: {  	_ =	strace $0x9000004B  }
0xb7: {  	_ =	sfence  }
0xb8: {  	s30 =	sld [smem:$0x0];
	_ =	sdelay $0x2  }
0xb9: {  	s31 =	sshll.u32 s1, $0xD;
	s1 =	sshrl.u32 s1, $0x2  }
0xba: {  	s3 =	sand.u32 $0x4000, s31;
	s1 =	sadd.s32 s1, s30  }
0xbb: {  	s0 =	sor.u32 s3, s0;
	s1 =	sshll.u32 s1, $0x11  }
0xbc: {  	s0 =	sor.u32 s1, s0  }
0xbd: {  	s0 =	sadd.s32 $0x8F2B, s0  }
0xbe: {  	[sflag:s0] =	ssyncadd.remote.s32 $0x1  }
0xbf: {  	_ =	sfence.sel $0xFFFF  }
0xc0: {  	[dreg:$0x0] =	wrdreg $0xFFFFFFFF;
	(pc) =	sbr.abs _section_cstart, $3  }
0xc1: {  	[dreg:$0x1] =	wrdreg $0xFFFFFFFF  }
0xc2: {  	_ =	task.clear_ibuf [dreg:s7], $0x2FFFF;
	_ =	strace $0x9FFFFFFF  }
0xc3: {  	(tm) =	ssettm $0x7FFFFFFF  }
tec
execute0_lowered:
.L_overlay_start_1:
0x0: {  	(tag) =	ssettag $0x1  }
0x1: {  	s2 =	rddreg [dreg:$0x0]  }
0x2: {  	s0 =	rddreg [dreg:$0x1]  }
0x3: {  	s3 =	rddreg [dreg:$0x2];
	s14 =	stileid.u32  }
0x4: {  	s1 =	srdreg.scid;
	s4 =	simm.s32 $0x0;
	s15 =	simm.s32 $0x270  }
0x5: {  	s16 =	simm.s32 $0x2D8;
	s17 =	simm.s32 $0x340;
	s18 =	simm.s32 $0x3A8  }
0x6: {  	s19 =	simm.s32 $0x478;
	s20 =	simm.s32 $0x4E0;
	s21 =	simm.s32 $0x548  }
0x7: {  	s28 =	simm.s32 $0x208;
	s29 =	simm.s32 $0x618;
	s30 =	simm.s32 $0x8520  }
0x8: {  	s31 =	simm.s32 $0x9E20;
	s7 =	smul.u32 $0xA000, s14;
	s1 =	sand.u32 $0x1, s1  }
0x9: {  	[smem:$0x7FF] =	sst s4;
	s5 =	sadd.s32 $0xC200, s0;
	s6 =	sadd.s32 $0x1E00, s0  }
0xa: {  	s13 =	smul.u32 $0x28A0, s14;
	_ =	strace $0x8000004A;
	[dreg:$0x6] =	wrdreg s15  }
0xb: {  	s23 =	sshll.u32 s14, $0x6;
	s8 =	smul.u32 $0xA0000, s1;
	[dreg:$0x7] =	wrdreg s16  }
0xc: {  	s10 =	ssub.s32 $0x2, s1;
	s11 =	smul.u32 $0x28A00, s1;
	[dreg:$0x8] =	wrdreg s17  }
0xd: {  	s1 =	sshll.u32 s1, $0x4;
	s15 =	simm.s32 $0x5;
	[dreg:$0x9] =	wrdreg s18  }
0xe: {  	s16 =	simm.s32 $0x410;
	s17 =	simm.s32 $0x64;
	[dreg:$0xa] =	wrdreg s19  }
0xf: {  	s18 =	simm.s32 $0x820;
	[dreg:$0xb] =	wrdreg s20;
	s20 =	simm.s32 $0x2120  }
0x10: {  	[dreg:$0xc] =	wrdreg s21;
	s9 =	sshrl.u32 s7, $0x3;
	s12 =	sshrl.u32 s10, $0x1  }
0x11: {  	s1 =	sor.u32 s14, s1;
	s9 =	sadd.s32 s9, s0;
	s8 =	sadd.s32 s7, s8  }
0x12: {  	s10 =	ssub.s32 s10, s12;
	s7 =	sadd.s32 s7, s3;
	s22 =	sadd.s32 $0x2DA00, s9  }
0x13: {  	s11 =	sadd.s32 s13, s11;
	s12 =	smax.u32 s10, $0x1;
	[dreg:$0x12] =	wrdreg s22  }
0x14: {  	s1 =	smul.u32 $0x514, s1;
	s14 =	sadd.s32 $0x410, s11;
	[dreg:$0x17] =	wrdreg s12  }
0x15: {  	s19 =	simm.s32 $0xE920;
	s10 =	sshrl.u32 s7, $0x3;
	[dreg:$0x18] =	wrdreg s14  }
0x16: {  	s8 =	sshrl.u32 s8, $0x3;
	s25 =	sadd.s32 s5, s1;
	[dreg:$0x19] =	wrdreg s10  }
0x17: {  	s24 =	sadd.s32 $0x208, s11;
	s1 =	sadd.s32 s6, s1;
	[dreg:$0x14] =	wrdreg s25  }
0x18: {  	s0 =	sadd.s32 s8, s0;
	s22 =	simm.s32 $0x5B0;
	[dreg:$0x15] =	wrdreg s1  }
0x19: {  	s8 =	sor.u32 $0x1C05, s23;
	s23 =	simm.s32 $0x680;
	[dreg:$0xd] =	wrdreg s22  }
0x1a: {  	s9 =	sshrl.u32 s24, $0x3;
	s24 =	simm.s32 $0x6E8;
	[dreg:$0xe] =	wrdreg s23  }
0x1b: {  	s21 =	simm.s32 $0x1;
	s0 =	sadd.s32 $0x41A00, s0;
	[dreg:$0xf] =	wrdreg s24  }
0x1c: {  	s26 =	sadd.s32 s9, s6;
	s13 =	sadd.s32 s9, s5;
	[dreg:$0x13] =	wrdreg s8  }
0x1d: {  	s22 =	simm.s32 $0x3A20;
	s25 =	simm.s32 $0x750;
	[dreg:$0x16] =	wrdreg s0  }
0x1e: {  	s24 =	simm.s32 $0x5320;
	s1 =	simm.s32 $0xD020;
	[dreg:$0x4] =	wrdreg s26  }
0x1f: {  	s23 =	simm.s32 $0x3;
	s9 =	simm.s32 $0x0;
	[dreg:$0x5] =	wrdreg s13  }
0x20: {  	[dreg:$0x10] =	wrdreg s25;
	s26 =	simm.s32 $0x7B8;
	s0 =	simm.s32 $0xB720  }
0x21: {  	s25 =	simm.s32 $0x2;
	[dreg:$0x11] =	wrdreg s26;
	s26 =	simm.s32 $0x6C20  }
.LBB2_1:
0x22: {  	s7 =	rddreg [dreg:$0x12]  }
0x23: {  	[spmem:s10], [sflag:s8] =	dma.local [hbm:s7], $0x1400  }
0x24: {  	_ =	swait.ge [sflag:s15], $0x1400  }
0x25: {  	[sflag:s15] =	ssyncset.done $0x0  }
0x26: {  	[sflag:s15] =	ssyncadd.s32 $0xFFFFEC00  }
0x27: {  	[bflag:$0x0] =	sbarrier.arrive $0xFFFF  }
0x28: {  	s11 =	rddreg [dreg:$0x14]  }
0x29: {  	[tilespmem:s4], [sflag:$0x5] =	stream.linear.gather [hbm4b:s11+s4], $0x208, $0x38;
	[tilespmem:$0x1A220] =	vst v63  }
0x2a: {  	_ =	swait.ge [sflag:s15], $0x208  }
0x2b: {  	[sflag:s15] =	ssyncset.done $0x0  }
0x2c: {  	s12 =	rddreg [dreg:$0x15];
	[sflag:s15] =	ssyncadd.s32 $0xFFFFFDF8  }
0x2d: {  	[tilespmem:s16], [sflag:$0x5] =	stream.linear.gather [hbm4b:s12+s4], $0x208, $0x38;
	[tilespmem:$0x1A220] =	vst v63  }
0x2e: {  	_ =	swait.ge [sflag:s15], $0x208  }
0x2f: {  	[sflag:s15] =	ssyncset.done $0x0  }
0x30: {  	[sflag:s15] =	ssyncadd.s32 $0xFFFFFDF8  }
0x31: {  	[tilespmem:s18], [sflag:$0x1] =	stream.indirect.gather [hbm4b:s2+s17], $0x40, s4, s17, $0xb8;
	[tilespmem:$0x1A220] =	vst v63  }
0x32: {  	s13 =	simm.s32 $0x68  }
0x33: {  	[tilespmem:s20], [sflag:$0x1] =	stream.indirect.gather [hbm4b:s2+s17], $0x40, s13, s17, $0xb8;
	[tilespmem:$0x1A220] =	vst v63  }
0x34: {  	s14 =	simm.s32 $0xD0;
	p0 =	por $0x1, $0x1  }
0x35: {  	[tilespmem:s22], [sflag:$0x1] =	stream.indirect.gather [hbm4b:s2+s17], $0x40, s14, s17, $0xb8;
	[tilespmem:$0x1A220] =	vst v63  }
0x36: {  	s8 =	simm.s32 $0x138;
	p0 =	por p0, p0  }
0x37: {  	[tilespmem:s24], [sflag:$0x1] =	stream.indirect.gather [hbm4b:s2+s17], $0x40, s8, s17, $0xb8;
	[tilespmem:$0x1A220] =	vst v63  }
0x38: {  	s10 =	simm.s32 $0x1A0;
	s7 =	simm.s32 @!p0 $0x4  }
0x39: {  	[tilespmem:s26], [sflag:$0x1] =	stream.indirect.gather [hbm4b:s2+s17], $0x40, s10, s17, $0xb8;
	[tilespmem:$0x1A220] =	vst v63  }
0x3a: {  	_ =	swait.ge @!p0 [sflag:s7], $0x7D00  }
0x3b: {  	s11 =	rddreg [dreg:$0x5];
	[sflag:s7] =	ssyncset.done @!p0 $0x0  }
0x3c: {  	[sflag:s7] =	ssyncadd.s32 @!p0 $0xFFFF8300;
	s12 =	sadd.s32 $0x0, s11  }
0x3d: {  	[tilespmem:s28], [sflag:$0x5] =	stream.linear.gather [hbm4b:s12+s4], $0x208, $0x38;
	[tilespmem:$0x1A220] =	vst v63  }
0x3e: {  	_ =	swait.ge [sflag:s15], $0x208  }
0x3f: {  	s13 =	rddreg [dreg:$0x4];
	[sflag:s15] =	ssyncset.done $0x0  }
0x40: {  	[sflag:s15] =	ssyncadd.s32 $0xFFFFFDF8;
	s7 =	sadd.s32 $0x0, s13  }
0x41: {  	[tilespmem:s29], [sflag:$0x5] =	stream.linear.gather [hbm4b:s7+s4], $0x208, $0x38;
	[tilespmem:$0x1A220] =	vst v63  }
0x42: {  	_ =	swait.ge [sflag:s15], $0x208  }
0x43: {  	[sflag:s15] =	ssyncset.done $0x0  }
0x44: {  	[sflag:s15] =	ssyncadd.s32 $0xFFFFFDF8  }
0x45: {  	[tilespmem:s30], [sflag:$0x2] =	stream.indirect.gather [hbm4b:s2+s17], $0x40, s28, s17, $0xb8;
	[tilespmem:$0x1A220] =	vst v63  }
0x46: {  	s14 =	rddreg [dreg:$0x6]  }
0x47: {  	[tilespmem:s31], [sflag:$0x2] =	stream.indirect.gather [hbm4b:s2+s17], $0x40, s14, s17, $0xb8;
	[tilespmem:$0x1A220] =	vst v63  }
0x48: {  	s8 =	rddreg [dreg:$0x7]  }
0x49: {  	[tilespmem:s0], [sflag:$0x2] =	stream.indirect.gather [hbm4b:s2+s17], $0x40, s8, s17, $0xb8;
	[tilespmem:$0x1A220] =	vst v63  }
0x4a: {  	s11 =	rddreg [dreg:$0x8]  }
0x4b: {  	[tilespmem:s1], [sflag:$0x2] =	stream.indirect.gather [hbm4b:s2+s17], $0x40, s11, s17, $0xb8;
	[tilespmem:$0x1A220] =	vst v63  }
0x4c: {  	s12 =	rddreg [dreg:$0x9]  }
0x4d: {  	[tilespmem:s19], [sflag:$0x2] =	stream.indirect.gather [hbm4b:s2+s17], $0x40, s12, s17, $0xb8;
	[tilespmem:$0x1A220] =	vst v63  }
0x4e: {  	_ =	swait.ge [sflag:s21], $0x7D00  }
0x4f: {  	[sflag:s21] =	ssyncset.done $0x0  }
0x50: {  	[sflag:s21] =	ssyncadd.s32 $0xFFFF8300  }
0x51: {  	[spmem:s3] =	stream.indirect.scatter.add.f32 [tilespmem:s18], [sflag:$0x3], $0x40, s16, s17, $0xb8;
	[tilespmem:$0x1A220] =	vst v63  }
0x52: {  	s13 =	rddreg [dreg:$0xa]  }
0x53: {  	[spmem:s3] =	stream.indirect.scatter.add.f32 [tilespmem:s20], [sflag:$0x3], $0x40, s13, s17, $0xb8;
	[tilespmem:$0x1A220] =	vst v63  }
0x54: {  	s14 =	rddreg [dreg:$0xb]  }
0x55: {  	[spmem:s3] =	stream.indirect.scatter.add.f32 [tilespmem:s22], [sflag:$0x3], $0x40, s14, s17, $0xb8;
	[tilespmem:$0x1A220] =	vst v63  }
0x56: {  	s8 =	rddreg [dreg:$0xc]  }
0x57: {  	[spmem:s3] =	stream.indirect.scatter.add.f32 [tilespmem:s24], [sflag:$0x3], $0x40, s8, s17, $0xb8;
	[tilespmem:$0x1A220] =	vst v63  }
0x58: {  	s11 =	rddreg [dreg:$0xd]  }
0x59: {  	[spmem:s3] =	stream.indirect.scatter.add.f32 [tilespmem:s26], [sflag:$0x3], $0x40, s11, s17, $0xb8;
	[tilespmem:$0x1A220] =	vst v63  }
0x5a: {  	_ =	swait.ge [sflag:s23], $0x7D00  }
0x5b: {  	p0 =	por $0x0, $0x0;
	s8 =	rddreg [dreg:$0x18]  }
0x5c: {  	s10 =	simm.s32 @!p0 $0x0;
	[sflag:s23] =	ssyncset.done $0x0;
	s7 =	sshrl.u32 @!p0 s8, $0x3  }
0x5d: {  	s12 =	simm.s32 @!p0 $0x5;
	[sflag:s23] =	ssyncadd.s32 $0xFFFF8300;
	s11 =	sadd.s32 @!p0 s5, s7  }
0x5e: {  	[tilespmem:s10], [sflag:$0x5] =	stream.linear.gather @!p0 [hbm4b:s11+s10], $0x208, $0x38;
	[tilespmem:$0x1A220] =	vst v63  }
0x5f: {  	_ =	swait.ge @!p0 [sflag:s12], $0x208  }
0x60: {  	[sflag:s12] =	ssyncset.done @!p0 $0x0  }
0x61: {  	s7 =	sadd.s32 @!p0 s6, s7;
	s11 =	simm.s32 @!p0 $0x410;
	[sflag:s12] =	ssyncadd.s32 @!p0 $0xFFFFFDF8  }
0x62: {  	[tilespmem:s11], [sflag:$0x5] =	stream.linear.gather @!p0 [hbm4b:s7+s10], $0x208, $0x38;
	[tilespmem:$0x1A220] =	vst v63  }
0x63: {  	_ =	swait.ge @!p0 [sflag:s12], $0x208  }
0x64: {  	[sflag:s12] =	ssyncset.done @!p0 $0x0  }
0x65: {  	s7 =	simm.s32 @!p0 $0x64;
	s11 =	simm.s32 @!p0 $0x820;
	[sflag:s12] =	ssyncadd.s32 @!p0 $0xFFFFFDF8  }
0x66: {  	[tilespmem:s11], [sflag:$0x1] =	stream.indirect.gather @!p0 [hbm4b:s2+s7], $0x40, s10, s7, $0xb8;
	[tilespmem:$0x1A220] =	vst v63  }
0x67: {  	s10 =	simm.s32 @!p0 $0x68;
	s11 =	simm.s32 @!p0 $0x2120  }
0x68: {  	[tilespmem:s11], [sflag:$0x1] =	stream.indirect.gather @!p0 [hbm4b:s2+s7], $0x40, s10, s7, $0xb8;
	[tilespmem:$0x1A220] =	vst v63  }
0x69: {  	s10 =	simm.s32 @!p0 $0xD0;
	s11 =	simm.s32 @!p0 $0x3A20  }
0x6a: {  	[tilespmem:s11], [sflag:$0x1] =	stream.indirect.gather @!p0 [hbm4b:s2+s7], $0x40, s10, s7, $0xb8;
	[tilespmem:$0x1A220] =	vst v63  }
0x6b: {  	s10 =	simm.s32 @!p0 $0x138;
	s11 =	simm.s32 @!p0 $0x5320  }
0x6c: {  	[tilespmem:s11], [sflag:$0x1] =	stream.indirect.gather @!p0 [hbm4b:s2+s7], $0x40, s10, s7, $0xb8;
	[tilespmem:$0x1A220] =	vst v63  }
0x6d: {  	s10 =	simm.s32 @!p0 $0x1A0;
	s11 =	simm.s32 @!p0 $0x6C20  }
0x6e: {  	[tilespmem:s11], [sflag:$0x1] =	stream.indirect.gather @!p0 [hbm4b:s2+s7], $0x40, s10, s7, $0xb8;
	[tilespmem:$0x1A220] =	vst v63  }
0x6f: {  	_ =	swait.ge [sflag:s25], $0x7D00  }
0x70: {  	[sflag:s25] =	ssyncset.done $0x0  }
0x71: {  	s12 =	rddreg [dreg:$0xe];
	[sflag:s25] =	ssyncadd.s32 $0xFFFF8300  }
0x72: {  	[spmem:s3] =	stream.indirect.scatter.add.f32 [tilespmem:s30], [sflag:$0x4], $0x40, s29, s17, $0xb8;
	[tilespmem:$0x1A220] =	vst v63  }
0x73: {  	p6 =	por $0x0, $0x0;
	s13 =	rddreg [dreg:$0xf]  }
0x74: {  	[spmem:s3] =	stream.indirect.scatter.add.f32 [tilespmem:s31], [sflag:$0x4], $0x40, s12, s17, $0xb8;
	[tilespmem:$0x1A220] =	vst v63  }
0x75: {  	s10 =	simm.s32 $0x82;
	p0 =	por p6, p6;
	s14 =	rddreg [dreg:$0x10]  }
0x76: {  	[spmem:s3] =	stream.indirect.scatter.add.f32 [tilespmem:s0], [sflag:$0x4], $0x40, s13, s17, $0xb8;
	[tilespmem:$0x1A220] =	vst v63  }
0x77: {  	s11 =	sadd.s32 $0x410, s8;
	s7 =	rddreg [dreg:$0x11];
	s12 =	simm.s32 $0x104  }
0x78: {  	[spmem:s3] =	stream.indirect.scatter.add.f32 [tilespmem:s1], [sflag:$0x4], $0x40, s14, s17, $0xb8;
	[tilespmem:$0x1A220] =	vst v63  }
.LBB2_2:
0x79: {  	[spmem:s3] =	stream.indirect.scatter.add.f32 [tilespmem:s19], [sflag:$0x4], $0x40, s7, s17, $0xb8;
	[tilespmem:$0x1A220] =	vst v63  }
0x7a: {  	s8 =	simm.s32 @!p0 $0x4  }
0x7b: {  	_ =	swait.ge @!p0 [sflag:s8], $0x7D00  }
0x7c: {  	[sflag:s8] =	ssyncset.done @!p0 $0x0;
	s13 =	rddreg [dreg:$0x5]  }
0x7d: {  	[sflag:s8] =	ssyncadd.s32 @!p0 $0xFFFF8300;
	s13 =	sadd.s32 s10, s13  }
0x7e: {  	[tilespmem:s28], [sflag:$0x5] =	stream.linear.gather [hbm4b:s13+s4], $0x208, $0x38;
	[tilespmem:$0x1A220] =	vst v63  }
0x7f: {  	_ =	swait.ge [sflag:s15], $0x208  }
0x80: {  	s14 =	rddreg [dreg:$0x4];
	[sflag:s15] =	ssyncset.done $0x0  }
0x81: {  	[sflag:s15] =	ssyncadd.s32 $0xFFFFFDF8;
	s8 =	sadd.s32 s10, s14  }
0x82: {  	[tilespmem:s29], [sflag:$0x5] =	stream.linear.gather [hbm4b:s8+s4], $0x208, $0x38;
	[tilespmem:$0x1A220] =	vst v63  }
0x83: {  	_ =	swait.ge [sflag:s15], $0x208  }
0x84: {  	[sflag:s15] =	ssyncset.done $0x0  }
0x85: {  	[sflag:s15] =	ssyncadd.s32 $0xFFFFFDF8  }
0x86: {  	[tilespmem:s30], [sflag:$0x2] =	stream.indirect.gather [hbm4b:s2+s17], $0x40, s28, s17, $0xb8;
	[tilespmem:$0x1A220] =	vst v63  }
0x87: {  	s13 =	rddreg [dreg:$0x6]  }
0x88: {  	[tilespmem:s31], [sflag:$0x2] =	stream.indirect.gather [hbm4b:s2+s17], $0x40, s13, s17, $0xb8;
	[tilespmem:$0x1A220] =	vst v63  }
0x89: {  	s14 =	rddreg [dreg:$0x7]  }
0x8a: {  	[tilespmem:s0], [sflag:$0x2] =	stream.indirect.gather [hbm4b:s2+s17], $0x40, s14, s17, $0xb8;
	[tilespmem:$0x1A220] =	vst v63  }
0x8b: {  	s8 =	rddreg [dreg:$0x8]  }
0x8c: {  	[tilespmem:s1], [sflag:$0x2] =	stream.indirect.gather [hbm4b:s2+s17], $0x40, s8, s17, $0xb8;
	[tilespmem:$0x1A220] =	vst v63  }
0x8d: {  	s14 =	rddreg [dreg:$0x9]  }
0x8e: {  	[tilespmem:s19], [sflag:$0x2] =	stream.indirect.gather [hbm4b:s2+s17], $0x40, s14, s17, $0xb8;
	[tilespmem:$0x1A220] =	vst v63  }
0x8f: {  	_ =	swait.ge [sflag:s21], $0x7D00  }
0x90: {  	[sflag:s21] =	ssyncset.done $0x0  }
0x91: {  	[sflag:s21] =	ssyncadd.s32 $0xFFFF8300  }
0x92: {  	[spmem:s3] =	stream.indirect.scatter.add.f32 [tilespmem:s18], [sflag:$0x3], $0x40, s16, s17, $0xb8;
	[tilespmem:$0x1A220] =	vst v63  }
0x93: {  	s13 =	rddreg [dreg:$0xa]  }
0x94: {  	[spmem:s3] =	stream.indirect.scatter.add.f32 [tilespmem:s20], [sflag:$0x3], $0x40, s13, s17, $0xb8;
	[tilespmem:$0x1A220] =	vst v63  }
0x95: {  	s7 =	smov.u32 s12;
	s14 =	rddreg [dreg:$0xb]  }
0x96: {  	[spmem:s3] =	stream.indirect.scatter.add.f32 [tilespmem:s22], [sflag:$0x3], $0x40, s14, s17, $0xb8;
	[tilespmem:$0x1A220] =	vst v63  }
0x97: {  	p2 =	seq.s32 s7, $0x0;
	s8 =	rddreg [dreg:$0xc]  }
0x98: {  	[spmem:s3] =	stream.indirect.scatter.add.f32 [tilespmem:s24], [sflag:$0x3], $0x40, s8, s17, $0xb8;
	[tilespmem:$0x1A220] =	vst v63  }
0x99: {  	p0 =	por p2, p2;
	p2 =	seq.s32 s10, $0x492;
	s14 =	rddreg [dreg:$0xd]  }
0x9a: {  	[spmem:s3] =	stream.indirect.scatter.add.f32 [tilespmem:s26], [sflag:$0x3], $0x40, s14, s17, $0xb8;
	[tilespmem:$0x1A220] =	vst v63  }
0x9b: {  	s10 =	smov.u32 s7;
	s7 =	sshrl.u32 @!p2 s11, $0x3;
	_ =	swait.ge [sflag:s23], $0x7D00  }
0x9c: {  	s13 =	sadd.s32 @!p2 s5, s7;
	[sflag:s23] =	ssyncset.done $0x0  }
0x9d: {  	s8 =	simm.s32 @!p2 $0x0;
	s14 =	simm.s32 @!p2 $0x5;
	[sflag:s23] =	ssyncadd.s32 $0xFFFF8300  }
0x9e: {  	[tilespmem:s8], [sflag:$0x5] =	stream.linear.gather @!p2 [hbm4b:s13+s8], $0x208, $0x38;
	[tilespmem:$0x1A220] =	vst v63  }
0x9f: {  	_ =	swait.ge @!p2 [sflag:s14], $0x208  }
0xa0: {  	[sflag:s14] =	ssyncset.done @!p2 $0x0  }
0xa1: {  	s7 =	sadd.s32 @!p2 s6, s7;
	s13 =	simm.s32 @!p2 $0x410;
	[sflag:s14] =	ssyncadd.s32 @!p2 $0xFFFFFDF8  }
0xa2: {  	[tilespmem:s13], [sflag:$0x5] =	stream.linear.gather @!p2 [hbm4b:s7+s8], $0x208, $0x38;
	[tilespmem:$0x1A220] =	vst v63  }
0xa3: {  	_ =	swait.ge @!p2 [sflag:s14], $0x208  }
0xa4: {  	[sflag:s14] =	ssyncset.done @!p2 $0x0  }
0xa5: {  	s7 =	simm.s32 @!p2 $0x64;
	s13 =	simm.s32 @!p2 $0x820;
	[sflag:s14] =	ssyncadd.s32 @!p2 $0xFFFFFDF8  }
0xa6: {  	[tilespmem:s13], [sflag:$0x1] =	stream.indirect.gather @!p2 [hbm4b:s2+s7], $0x40, s8, s7, $0xb8;
	[tilespmem:$0x1A220] =	vst v63  }
0xa7: {  	s8 =	simm.s32 @!p2 $0x68;
	s13 =	simm.s32 @!p2 $0x2120  }
0xa8: {  	[tilespmem:s13], [sflag:$0x1] =	stream.indirect.gather @!p2 [hbm4b:s2+s7], $0x40, s8, s7, $0xb8;
	[tilespmem:$0x1A220] =	vst v63  }
0xa9: {  	s8 =	simm.s32 @!p2 $0xD0;
	s13 =	simm.s32 @!p2 $0x3A20  }
0xaa: {  	[tilespmem:s13], [sflag:$0x1] =	stream.indirect.gather @!p2 [hbm4b:s2+s7], $0x40, s8, s7, $0xb8;
	[tilespmem:$0x1A220] =	vst v63  }
0xab: {  	s8 =	simm.s32 @!p2 $0x138;
	s13 =	simm.s32 @!p2 $0x5320  }
0xac: {  	[tilespmem:s13], [sflag:$0x1] =	stream.indirect.gather @!p2 [hbm4b:s2+s7], $0x40, s8, s7, $0xb8;
	[tilespmem:$0x1A220] =	vst v63  }
0xad: {  	s8 =	simm.s32 @!p2 $0x1A0;
	s13 =	simm.s32 @!p2 $0x6C20  }
0xae: {  	[tilespmem:s13], [sflag:$0x1] =	stream.indirect.gather @!p2 [hbm4b:s2+s7], $0x40, s8, s7, $0xb8;
	[tilespmem:$0x1A220] =	vst v63  }
0xaf: {  	_ =	swait.ge [sflag:s25], $0x7D00  }
0xb0: {  	[sflag:s25] =	ssyncset.done $0x0  }
0xb1: {  	s12 =	sadd.s32 $0x82, s12;
	[sflag:s25] =	ssyncadd.s32 $0xFFFF8300  }
0xb2: {  	[spmem:s3] =	stream.indirect.scatter.add.f32 [tilespmem:s30], [sflag:$0x4], $0x40, s29, s17, $0xb8;
	[tilespmem:$0x1A220] =	vst v63  }
0xb3: {  	p1 =	sne.s32 s12, $0x514;
	s8 =	rddreg [dreg:$0xe]  }
0xb4: {  	[spmem:s3] =	stream.indirect.scatter.add.f32 [tilespmem:s31], [sflag:$0x4], $0x40, s8, s17, $0xb8;
	[tilespmem:$0x1A220] =	vst v63  }
.Ltmp0:
0xb5: {  	s13 =	rddreg [dreg:$0xf];
	(pc) =	sbr.rel @p1 .LBB2_2-.Ltmp0, $4  }
0xb6: {  	s14 =	rddreg [dreg:$0x10]  }
0xb7: {  	[spmem:s3] =	stream.indirect.scatter.add.f32 [tilespmem:s0], [sflag:$0x4], $0x40, s13, s17, $0xb8;
	[tilespmem:$0x1A220] =	vst v63  }
0xb8: {  	s11 =	sadd.s32 $0x410, s11;
	s7 =	rddreg [dreg:$0x11]  }
0xb9: {  	[spmem:s3] =	stream.indirect.scatter.add.f32 [tilespmem:s1], [sflag:$0x4], $0x40, s14, s17, $0xb8;
	[tilespmem:$0x1A220] =	vst v63  }
0xba: {  	[spmem:s3] =	stream.indirect.scatter.add.f32 [tilespmem:s19], [sflag:$0x4], $0x40, s7, s17, $0xb8;
	[tilespmem:$0x1A220] =	vst v63  }
0xbb: {  	s7 =	simm.s32 @!p0 $0x4  }
0xbc: {  	_ =	swait.ge @!p0 [sflag:s7], $0x7D00  }
0xbd: {  	s8 =	rddreg [dreg:$0x5];
	[sflag:s7] =	ssyncset.done @!p0 $0x0  }
0xbe: {  	[sflag:s7] =	ssyncadd.s32 @!p0 $0xFFFF8300;
	s13 =	sadd.s32 s10, s8  }
0xbf: {  	[tilespmem:s28], [sflag:$0x5] =	stream.linear.gather [hbm4b:s13+s4], $0x208, $0x38;
	[tilespmem:$0x1A220] =	vst v63  }
0xc0: {  	_ =	swait.ge [sflag:s15], $0x208  }
0xc1: {  	s14 =	rddreg [dreg:$0x4];
	[sflag:s15] =	ssyncset.done $0x0  }
0xc2: {  	[sflag:s15] =	ssyncadd.s32 $0xFFFFFDF8;
	s7 =	sadd.s32 s10, s14  }
0xc3: {  	[tilespmem:s29], [sflag:$0x5] =	stream.linear.gather [hbm4b:s7+s4], $0x208, $0x38;
	[tilespmem:$0x1A220] =	vst v63  }
0xc4: {  	_ =	swait.ge [sflag:s15], $0x208  }
0xc5: {  	[sflag:s15] =	ssyncset.done $0x0  }
0xc6: {  	[sflag:s15] =	ssyncadd.s32 $0xFFFFFDF8  }
0xc7: {  	[tilespmem:s30], [sflag:$0x2] =	stream.indirect.gather [hbm4b:s2+s17], $0x40, s28, s17, $0xb8;
	[tilespmem:$0x1A220] =	vst v63  }
0xc8: {  	s8 =	rddreg [dreg:$0x6]  }
0xc9: {  	[tilespmem:s31], [sflag:$0x2] =	stream.indirect.gather [hbm4b:s2+s17], $0x40, s8, s17, $0xb8;
	[tilespmem:$0x1A220] =	vst v63  }
0xca: {  	s12 =	rddreg [dreg:$0x7]  }
0xcb: {  	[tilespmem:s0], [sflag:$0x2] =	stream.indirect.gather [hbm4b:s2+s17], $0x40, s12, s17, $0xb8;
	[tilespmem:$0x1A220] =	vst v63  }
0xcc: {  	s13 =	rddreg [dreg:$0x8]  }
0xcd: {  	[tilespmem:s1], [sflag:$0x2] =	stream.indirect.gather [hbm4b:s2+s17], $0x40, s13, s17, $0xb8;
	[tilespmem:$0x1A220] =	vst v63  }
0xce: {  	s14 =	rddreg [dreg:$0x9]  }
0xcf: {  	[tilespmem:s19], [sflag:$0x2] =	stream.indirect.gather [hbm4b:s2+s17], $0x40, s14, s17, $0xb8;
	[tilespmem:$0x1A220] =	vst v63  }
0xd0: {  	_ =	swait.ge [sflag:s21], $0x7D00  }
0xd1: {  	[sflag:s21] =	ssyncset.done $0x0  }
0xd2: {  	[sflag:s21] =	ssyncadd.s32 $0xFFFF8300  }
0xd3: {  	[spmem:s3] =	stream.indirect.scatter.add.f32 [tilespmem:s18], [sflag:$0x3], $0x40, s16, s17, $0xb8;
	[tilespmem:$0x1A220] =	vst v63  }
0xd4: {  	s12 =	rddreg [dreg:$0xa]  }
0xd5: {  	[spmem:s3] =	stream.indirect.scatter.add.f32 [tilespmem:s20], [sflag:$0x3], $0x40, s12, s17, $0xb8;
	[tilespmem:$0x1A220] =	vst v63  }
0xd6: {  	s13 =	rddreg [dreg:$0xb]  }
0xd7: {  	[spmem:s3] =	stream.indirect.scatter.add.f32 [tilespmem:s22], [sflag:$0x3], $0x40, s13, s17, $0xb8;
	[tilespmem:$0x1A220] =	vst v63  }
0xd8: {  	s14 =	rddreg [dreg:$0xc]  }
0xd9: {  	[spmem:s3] =	stream.indirect.scatter.add.f32 [tilespmem:s24], [sflag:$0x3], $0x40, s14, s17, $0xb8;
	[tilespmem:$0x1A220] =	vst v63  }
0xda: {  	s12 =	rddreg [dreg:$0xd]  }
0xdb: {  	[spmem:s3] =	stream.indirect.scatter.add.f32 [tilespmem:s26], [sflag:$0x3], $0x40, s12, s17, $0xb8;
	[tilespmem:$0x1A220] =	vst v63  }
0xdc: {  	p0 =	seq.s32 s10, $0x492;
	_ =	swait.ge [sflag:s23], $0x7D00  }
0xdd: {  	s7 =	sshrl.u32 @!p0 s11, $0x3;
	s11 =	simm.s32 @!p0 $0x5;
	[sflag:s23] =	ssyncset.done $0x0  }
0xde: {  	s10 =	sadd.s32 @!p0 s5, s7;
	s8 =	simm.s32 @!p0 $0x0;
	[sflag:s23] =	ssyncadd.s32 $0xFFFF8300  }
0xdf: {  	[tilespmem:s8], [sflag:$0x5] =	stream.linear.gather @!p0 [hbm4b:s10+s8], $0x208, $0x38;
	[tilespmem:$0x1A220] =	vst v63  }
0xe0: {  	_ =	swait.ge @!p0 [sflag:s11], $0x208  }
0xe1: {  	[sflag:s11] =	ssyncset.done @!p0 $0x0  }
0xe2: {  	s7 =	sadd.s32 @!p0 s6, s7;
	s10 =	simm.s32 @!p0 $0x410;
	[sflag:s11] =	ssyncadd.s32 @!p0 $0xFFFFFDF8  }
0xe3: {  	[tilespmem:s10], [sflag:$0x5] =	stream.linear.gather @!p0 [hbm4b:s7+s8], $0x208, $0x38;
	[tilespmem:$0x1A220] =	vst v63  }
0xe4: {  	_ =	swait.ge @!p0 [sflag:s11], $0x208  }
0xe5: {  	[sflag:s11] =	ssyncset.done @!p0 $0x0  }
0xe6: {  	s7 =	simm.s32 @!p0 $0x64;
	s10 =	simm.s32 @!p0 $0x820;
	[sflag:s11] =	ssyncadd.s32 @!p0 $0xFFFFFDF8  }
0xe7: {  	[tilespmem:s10], [sflag:$0x1] =	stream.indirect.gather @!p0 [hbm4b:s2+s7], $0x40, s8, s7, $0xb8;
	[tilespmem:$0x1A220] =	vst v63  }
0xe8: {  	s8 =	simm.s32 @!p0 $0x68;
	s10 =	simm.s32 @!p0 $0x2120  }
0xe9: {  	[tilespmem:s10], [sflag:$0x1] =	stream.indirect.gather @!p0 [hbm4b:s2+s7], $0x40, s8, s7, $0xb8;
	[tilespmem:$0x1A220] =	vst v63  }
0xea: {  	s8 =	simm.s32 @!p0 $0xD0;
	s10 =	simm.s32 @!p0 $0x3A20  }
0xeb: {  	[tilespmem:s10], [sflag:$0x1] =	stream.indirect.gather @!p0 [hbm4b:s2+s7], $0x40, s8, s7, $0xb8;
	[tilespmem:$0x1A220] =	vst v63  }
0xec: {  	s8 =	simm.s32 @!p0 $0x138;
	s10 =	simm.s32 @!p0 $0x5320  }
0xed: {  	[tilespmem:s10], [sflag:$0x1] =	stream.indirect.gather @!p0 [hbm4b:s2+s7], $0x40, s8, s7, $0xb8;
	[tilespmem:$0x1A220] =	vst v63  }
0xee: {  	s8 =	simm.s32 @!p0 $0x1A0;
	s10 =	simm.s32 @!p0 $0x6C20  }
0xef: {  	[tilespmem:s10], [sflag:$0x1] =	stream.indirect.gather @!p0 [hbm4b:s2+s7], $0x40, s8, s7, $0xb8;
	[tilespmem:$0x1A220] =	vst v63  }
0xf0: {  	_ =	swait.ge [sflag:s25], $0x7D00  }
0xf1: {  	[sflag:s25] =	ssyncset.done $0x0  }
0xf2: {  	[sflag:s25] =	ssyncadd.s32 $0xFFFF8300  }
0xf3: {  	[spmem:s3] =	stream.indirect.scatter.add.f32 [tilespmem:s30], [sflag:$0x4], $0x40, s29, s17, $0xb8;
	[tilespmem:$0x1A220] =	vst v63  }
0xf4: {  	s13 =	rddreg [dreg:$0xe]  }
0xf5: {  	[spmem:s3] =	stream.indirect.scatter.add.f32 [tilespmem:s31], [sflag:$0x4], $0x40, s13, s17, $0xb8;
	[tilespmem:$0x1A220] =	vst v63  }
0xf6: {  	s14 =	rddreg [dreg:$0xf]  }
0xf7: {  	[spmem:s3] =	stream.indirect.scatter.add.f32 [tilespmem:s0], [sflag:$0x4], $0x40, s14, s17, $0xb8;
	[tilespmem:$0x1A220] =	vst v63  }
0xf8: {  	s10 =	rddreg [dreg:$0x10]  }
0xf9: {  	[spmem:s3] =	stream.indirect.scatter.add.f32 [tilespmem:s1], [sflag:$0x4], $0x40, s10, s17, $0xb8;
	[tilespmem:$0x1A220] =	vst v63  }
0xfa: {  	s12 =	simm.s32 $0x4;
	s11 =	rddreg [dreg:$0x11]  }
0xfb: {  	[spmem:s3] =	stream.indirect.scatter.add.f32 [tilespmem:s19], [sflag:$0x4], $0x40, s11, s17, $0xb8;
	[tilespmem:$0x1A220] =	vst v63  }
0xfc: {  	_ =	swait.ge [sflag:s12], $0x7D00  }
0xfd: {  	[sflag:s12] =	ssyncset.done $0x0  }
0xfe: {  	[sflag:s12] =	ssyncadd.s32 $0xFFFF8300  }
0xff: {  	[bflag:$0x0] =	sbarrier.arrive $0xFFFF  }
0x100: {  	s8 =	rddreg [dreg:$0x13]  }
0x101: {  	s13 =	rddreg [dreg:$0x16]  }
0x102: {  	s10 =	rddreg [dreg:$0x19]  }
0x103: {  	[hbm:s13], [sflag:s8] =	dma.local [spmem:s10], $0x1400  }
0x104: {  	_ =	swait.ge [sflag:s15], $0x1400  }
0x105: {  	s9 =	sadd.s32 $0x1, s9;
	s14 =	rddreg [dreg:$0x17]  }
0x106: {  	p0 =	sne.s32 s9, s14  }
.Ltmp1:
0x107: {  	_ = 	snop;
	(pc) =	sbr.rel @p0 .LBB2_1-.Ltmp1, $3  }
0x108: {  	_ =	sdelay $0x1  }
0x109: {  	[sflag:s15] =	ssyncset.done $0x0  }
0x10a: {  	[sflag:s15] =	ssyncadd.s32 $0xFFFFEC00  }
0x10b: {  	_ =	sfence.sel $0x180000  }
0x10c: {  	[bflag:$0x0] =	sbarrier.arrive $0xFFFF  }
0x10d: {  	_ =	strace $0x9000004A  }
0x10e: {  	s0 =	stileid.u32;
	[bflag:$0x2] =	sbarrier.arrive $0xFFFF  }
0x10f: {  	p0 =	sne.s32 s0, $0x0;
	s0 =	rddreg [dreg:$0x3]  }
0x110: {  	s0 =	sadd.s32 @!p0 $0x100000, s0  }
0x111: {  	[sflag:s0] =	ssyncadd.tile.s32 @!p0 $0x1;
	_ =	shalt  }
.Lfunc_end2:
_tile_overlayer_lowered:
.L_overlay_start_2:
0x112: {  	(tag) =	ssettag $0x2  }
0x113: {  	s0 =	rddreg [dreg:$0x0];
	s2 =	stileid.u32  }
0x114: {  	s1 =	rddreg [dreg:$0x1];
	p0 =	sne.s32 s2, $0x0  }
0x115: {  	s3 =	rddreg [dreg:$0x2];
	[bflag:$0x3] =	sbarrier.arrive $0xFFFF;
	s2 =	simm.s32 @!p0 $0x1C05  }
0x116: {  	[timem:s3], [sflag:s2] =	dma.local @!p0 [hbm:s0], s1  }
0x117: {  	s0 =	simm.s32 @!p0 $0x5  }
0x118: {  	_ =	swait.ge @!p0 [sflag:s0], s1  }
0x119: {  	s1 =	ssub.s32 @!p0 $0x0, s1;
	[sflag:s0] =	ssyncset.done @!p0 $0x0  }
0x11a: {  	[sflag:s0] =	ssyncadd.s32 @!p0 s1  }
0x11b: {  	[bflag:$0x3] =	sbarrier.arrive $0xFFFF  }
0x11c: {  	_ =	shalt  }

</sc_bundles>
